<compile_context>
chip_gen: v7x
topology: tpu7x:2x2x1
jax: 0.10.2.dev20260603
libtpu: 0.0.44.dev20260713+nightly
codegen_flags: <defaults>
</compile_context>

<pallas_src>
import functools

import jax
import jax.numpy as jnp
from jax import lax
from jax.experimental import pallas as pl
from jax.experimental.pallas import tpu as pltpu
from jax.experimental.pallas import tpu_sc as plsc

N = 10000
E = 320000
D = 128

NW = 32
NPW = 320
NPAD = NW * NPW
CAP = 20480
CHUNK = 2000
NCHUNK = E // CHUNK
GRP = CHUNK // 16
BATCH = 128
NEG = -3.0e38
EMPTY_THRESH = -1.0e30


def _sc_segment_max(bm, dst, src, w, r):
  mesh = plsc.VectorSubcoreMesh(core_axis_name="c", subcore_axis_name="s")

  @functools.partial(
      pl.kernel,
      out_type=jax.ShapeDtypeStruct((NPAD * D,), jnp.float32),
      mesh=mesh,
      compiler_params=pltpu.CompilerParams(needs_layout_passes=False),
      scratch_types=[
          pltpu.VMEM((CAP,), jnp.int32),
          pltpu.VMEM((CAP,), jnp.int32),
          pltpu.VMEM((CAP,), jnp.float32),
          pltpu.VMEM((CHUNK,), jnp.int32),
          pltpu.VMEM((CHUNK,), jnp.int32),
          pltpu.VMEM((CHUNK,), jnp.float32),
          pltpu.VMEM((BATCH,), jnp.int32),
          pltpu.VMEM((D,), jnp.float32),
          pltpu.VMEM(((NPW + 1) * D,), jnp.float32),
          pltpu.VMEM((BATCH, D), jnp.float32),
          pltpu.SemaphoreType.DMA,
      ],
  )
  def k(bm_hbm, dst_hbm, src_hbm, w_hbm, r_hbm, out_hbm,
        seld, sels, selw, dchunk, schunk, wchunk, idxbuf, r_v, acc, rows,
        sem):
    wid = lax.axis_index("c") * 16 + lax.axis_index("s")
    base = wid * NPW

    pltpu.sync_copy(r_hbm, r_v)

    negv = jnp.full((16,), NEG, jnp.float32)
    zi = jnp.zeros((16,), jnp.int32)
    zf = jnp.zeros((16,), jnp.float32)
    padd = jnp.full((16,), NPW, jnp.int32)

    def init_acc(i, carry):
      acc[pl.ds(i * 16, 16)] = negv
      return carry

    lax.fori_loop(0, (NPW + 1) * D // 16, init_acc, 0)

    def init_sel(i, carry):
      s16 = pl.ds(i * 16, 16)
      seld[s16] = padd
      sels[s16] = zi
      selw[s16] = zf
      return carry

    lax.fori_loop(0, CAP // 16, init_sel, 0)

    def chunk_body(g, cnt):
      off = g * CHUNK
      pltpu.sync_copy(dst_hbm.at[pl.ds(off, CHUNK)], dchunk)
      pltpu.sync_copy(src_hbm.at[pl.ds(off, CHUNK)], schunk)
      pltpu.sync_copy(w_hbm.at[pl.ds(off, CHUNK)], wchunk)

      def grp_body(i, cnt):
        s16 = pl.ds(i * 16, 16)
        dl = dchunk[s16] - base
        m = dl.astype(jnp.uint32) < jnp.uint32(NPW)
        pc = plsc.all_reduce_population_count(m)[0]
        dst_slot = pl.ds(cnt, 16)
        plsc.store_compressed(seld.at[dst_slot], dl, mask=m)
        plsc.store_compressed(sels.at[dst_slot], schunk[s16], mask=m)
        plsc.store_compressed(selw.at[dst_slot], wchunk[s16], mask=m)
        return cnt + pc

      return lax.fori_loop(0, GRP, grp_body, cnt)

    cnt = lax.fori_loop(0, NCHUNK, chunk_body, jnp.int32(0))

    nb = (cnt + BATCH - 1) // BATCH

    def batch_body(b, carry):
      bo = b * BATCH
      for q in range(BATCH // 16):
        idxbuf[pl.ds(q * 16, 16)] = sels[pl.ds(bo + q * 16, 16)]
      pltpu.async_copy(bm_hbm.at[idxbuf], rows, sem).wait()

      def grp16_body(g, carry):
        dvec = seld[pl.ds(bo + g * 16, 16)]
        wvec = selw[pl.ds(bo + g * 16, 16)]
        for l in range(16):
          rowoff = dvec[l] * D
          wv = wvec[l]
          j = g * 16 + l
          for cc in range(D // 16):
            a = acc[pl.ds(rowoff + cc * 16, 16)]
            bv = rows[j, pl.ds(cc * 16, 16)]
            val = bv + wv * r_v[pl.ds(cc * 16, 16)]
            acc[pl.ds(rowoff + cc * 16, 16)] = jnp.maximum(a, val)
        return carry

      lax.fori_loop(0, BATCH // 16, grp16_body, 0)
      return carry

    lax.fori_loop(0, nb, batch_body, 0)

    pltpu.sync_copy(acc.at[pl.ds(0, NPW * D)],
                    out_hbm.at[pl.ds(base * D, NPW * D)])

  return k(bm, dst, src, w, r)


def _tc_pre_body(z_ref, w1_ref, w2_ref, bmsg_ref, a_ref, b_ref):
  zb = z_ref[...]
  a_ref[...] = (jnp.dot(zb, w1_ref[...], preferred_element_type=jnp.float32)
                + bmsg_ref[...])
  b_ref[...] = jnp.dot(zb, w2_ref[...], preferred_element_type=jnp.float32)


def _tc_post_body(z_ref, a_ref, mx_ref, w1a_ref, w1b_ref, b1_ref, w2_ref,
                  b2_ref, o_ref):
  mx = mx_ref[...]
  agg = jnp.where(mx > EMPTY_THRESH, a_ref[...] + mx, 0.0)
  zb = z_ref[...]
  hid = jnp.maximum(
      jnp.dot(zb, w1a_ref[...], preferred_element_type=jnp.float32)
      + jnp.dot(agg, w1b_ref[...], preferred_element_type=jnp.float32)
      + b1_ref[...], 0.0)
  o_ref[...] = (jnp.dot(hid, w2_ref[...], preferred_element_type=jnp.float32)
                + b2_ref[...])


_ROWS_BLK = 1000
_W_SPEC = pl.BlockSpec((D, D), lambda i: (0, 0))
_B_SPEC = pl.BlockSpec((1, D), lambda i: (0, 0))
_Z_SPEC = pl.BlockSpec((_ROWS_BLK, D), lambda i: (i, 0))


def kernel(z, edge_index, edge_weight, W_msg, b_msg, W_u1, b_u1, W_u2, b_u2):
  dst = edge_index[0]
  src = edge_index[1]
  w1 = W_msg[:D]
  w2 = W_msg[D:2 * D]
  r = W_msg[2 * D]

  a_mat, b_mat = pl.pallas_call(
      _tc_pre_body,
      grid=(N // _ROWS_BLK,),
      in_specs=[_Z_SPEC, _W_SPEC, _W_SPEC, _B_SPEC],
      out_specs=[_Z_SPEC, _Z_SPEC],
      out_shape=[jax.ShapeDtypeStruct((N, D), jnp.float32)] * 2,
  )(z, w1, w2, b_msg.reshape(1, D))

  mx = _sc_segment_max(b_mat, dst, src, edge_weight, r).reshape(NPAD, D)[:N]

  h = pl.pallas_call(
      _tc_post_body,
      grid=(N // _ROWS_BLK,),
      in_specs=[_Z_SPEC, _Z_SPEC, _Z_SPEC, _W_SPEC, _W_SPEC, _B_SPEC,
                _W_SPEC, _B_SPEC],
      out_specs=_Z_SPEC,
      out_shape=jax.ShapeDtypeStruct((N, D), jnp.float32),
  )(z, a_mat, mx, W_u1[:D], W_u1[D:], b_u1.reshape(1, D), W_u2,
    b_u2.reshape(1, D))
  return h

# --- scband reference (transcript-rebuilt; emitter-appended) ---
"""Pipeline reference for scband-processor-11845519802432 (READ-ONLY COPY).

The authoritative reference and input builder live on the scoring server;
editing this copy changes nothing except your own understanding.
"""

import jax, jax.numpy as jnp
import numpy as np

N = 10000
E = 320000
D = 128

def setup_inputs(seed: int = 0) -> dict:
    key = jax.random.key(seed)
    ks = jax.random.split(key, 10)
    z = jax.random.normal(ks[0], (N, D), dtype=jnp.float32)
    edge_index = jax.random.randint(ks[1], (2, E), 0, N, dtype=jnp.int32)
    edge_weight = jax.random.normal(ks[2], (E,), dtype=jnp.float32)
    # message MLP: Linear(2*D+1 -> D)
    W_msg = jax.random.normal(ks[3], (2 * D + 1, D), dtype=jnp.float32) * 0.05
    b_msg = jnp.zeros((D,), dtype=jnp.float32)
    # update MLP: Linear(2*D -> D), ReLU, Linear(D -> D)
    W_u1 = jax.random.normal(ks[4], (2 * D, D), dtype=jnp.float32) * 0.05
    b_u1 = jnp.zeros((D,), dtype=jnp.float32)
    W_u2 = jax.random.normal(ks[5], (D, D), dtype=jnp.float32) * 0.05
    b_u2 = jnp.zeros((D,), dtype=jnp.float32)
    return {"z": z, "edge_index": edge_index, "edge_weight": edge_weight,
            "W_msg": W_msg, "b_msg": b_msg, "W_u1": W_u1, "b_u1": b_u1,
            "W_u2": W_u2, "b_u2": b_u2}

def reference(z, edge_index, edge_weight, W_msg, b_msg, W_u1, b_u1, W_u2, b_u2):
    dst = edge_index[0]  # node u receiving the message
    src = edge_index[1]  # neighbor v
    # per-edge message input: cat([z[u], z[v], weight])
    msg_in = jnp.concatenate([jnp.take(z, dst, axis=0),
                              jnp.take(z, src, axis=0),
                              edge_weight[:, None]], axis=1)
    msg = msg_in @ W_msg + b_msg
    # max aggregation over incoming messages per destination node
    agg = jax.ops.segment_max(msg, dst, num_segments=N)
    counts = jax.ops.segment_sum(jnp.ones((msg.shape[0],), dtype=jnp.float32), dst, num_segments=N)
    agg = jnp.where(counts[:, None] > 0, agg, 0.0)  # nodes with no messages get zeros
    upd_in = jnp.concatenate([z, agg], axis=1)
    hid = jax.nn.relu(upd_in @ W_u1 + b_u1)
    h = hid @ W_u2 + b_u2
    return h

if __name__ == "__main__":
    import jax
    _d = setup_inputs()
    print(jax.jit(kernel)(*tuple(_d.values())))

</pallas_src>

<mosaic_0001>
#map = affine_map<(d0, d1) -> (0, 0)>
#map1 = affine_map<(d0, d1) -> (0)>
module attributes {stable_mosaic.version = 14 : i64} {
  func.func @k(%arg0: i32, %arg1: i32, %arg2: memref<10000x128xf32, #tpu.memory_space<hbm>>, %arg3: memref<320000xi32, #tpu.memory_space<hbm>>, %arg4: memref<320000xi32, #tpu.memory_space<hbm>>, %arg5: memref<320000xf32, #tpu.memory_space<hbm>>, %arg6: memref<128xf32, #tpu.memory_space<hbm>>, %arg7: memref<1310720xf32, #tpu.memory_space<hbm>>, %arg8: memref<20480xi32, #tpu.memory_space<vmem>>, %arg9: memref<20480xi32, #tpu.memory_space<vmem>>, %arg10: memref<20480xf32, #tpu.memory_space<vmem>>, %arg11: memref<2000xi32, #tpu.memory_space<vmem>>, %arg12: memref<2000xi32, #tpu.memory_space<vmem>>, %arg13: memref<2000xf32, #tpu.memory_space<vmem>>, %arg14: memref<128xi32, #tpu.memory_space<vmem>>, %arg15: memref<128xf32, #tpu.memory_space<vmem>>, %arg16: memref<41088xf32, #tpu.memory_space<vmem>>, %arg17: memref<128x128xf32, #tpu.memory_space<vmem>>, %arg18: memref<!tpu.dma_semaphore, #tpu.memory_space<semaphore_mem>>) attributes {dimension_semantics = [#tpu.dimension_semantics<core_parallel>, #tpu.dimension_semantics<subcore_parallel>], iteration_bounds = array<i64: 2, 16>, scalar_prefetch = 0 : i64, scratch_operands = 11 : i64, tpu.core_type = #tpu.core_type<sc_vector_subcore>, window_params = [{transform_indices = #map}, {transform_indices = #map1}, {transform_indices = #map1}, {transform_indices = #map1}, {transform_indices = #map1}, {transform_indices = #map1}]} {
    %mul3A = arith.constant 16 : i32
    %mul3A_0 = arith.muli %arg0, %mul3A : i32
    %add3A = arith.addi %mul3A_0, %arg1 : i32
    %mul3A_1 = arith.constant 320 : i32
    %mul3A_2 = arith.muli %add3A, %mul3A_1 : i32
    "tpu.region"() ({
      %run_scoped3A = tpu.sem_alloc : memref<!tpu.dma_semaphore, #tpu.memory_space<semaphore_mem>>
      tpu.enqueue_dma source(%arg6 : memref<128xf32, #tpu.memory_space<hbm>>) target(%arg15 : memref<128xf32, #tpu.memory_space<vmem>>) target_semaphore(%run_scoped3A : memref<!tpu.dma_semaphore, #tpu.memory_space<semaphore_mem>>)
      tpu.wait_dma2 semaphore(%run_scoped3A : memref<!tpu.dma_semaphore, #tpu.memory_space<semaphore_mem>>) src(%arg6 : memref<128xf32, #tpu.memory_space<hbm>>) dst(%arg15 : memref<128xf32, #tpu.memory_space<vmem>>)
      tpu.yield
    }) : () -> ()
    %broadcast_in_dim3A = arith.constant -3.000000e+38 : f32
    %broadcast_in_dim3A_3 = vector.broadcast %broadcast_in_dim3A : f32 to vector<16xf32>
    %broadcast_in_dim3A_4 = arith.constant 0 : i32
    %broadcast_in_dim3A_5 = vector.broadcast %broadcast_in_dim3A_4 : i32 to vector<16xi32>
    %broadcast_in_dim3A_6 = arith.constant 0.000000e+00 : f32
    %broadcast_in_dim3A_7 = vector.broadcast %broadcast_in_dim3A_6 : f32 to vector<16xf32>
    %broadcast_in_dim3A_8 = arith.constant 320 : i32
    %broadcast_in_dim3A_9 = vector.broadcast %broadcast_in_dim3A_8 : i32 to vector<16xi32>
    %scan3A = arith.constant 0 : i32
    %scan3A_10 = arith.constant 0 : i32
    %scan3A_11 = arith.constant 2568 : i32
    %scan3A_12 = arith.addi %scan3A_10, %scan3A_11 : i32
    %scan3A_13 = arith.constant 1 : i32
    scf.for %scan3A_59 = %scan3A_10 to %scan3A_12 step %scan3A_13  : i32 {
      %mul3A_60 = arith.constant 16 : i32
      %mul3A_61 = arith.muli %scan3A_59, %mul3A_60 : i32
      %swap3A = arith.index_cast %mul3A_61 : i32 to index
      %swap3A_62 = tpu.vector_load %arg16[%swap3A] {strides = array<i32>} : memref<41088xf32, #tpu.memory_space<vmem>>, vector<16xf32>,
      tpu.vector_store %arg16[%swap3A], %broadcast_in_dim3A_3 {strides = array<i32>} : memref<41088xf32, #tpu.memory_space<vmem>>, vector<16xf32>,
    }
    %scan3A_14 = arith.constant 2568 : i32
    %scan3A_15 = arith.constant 0 : i32
    %scan3A_16 = arith.constant 0 : i32
    %scan3A_17 = arith.constant 1280 : i32
    %scan3A_18 = arith.addi %scan3A_16, %scan3A_17 : i32
    %scan3A_19 = arith.constant 1 : i32
    scf.for %scan3A_59 = %scan3A_16 to %scan3A_18 step %scan3A_19  : i32 {
      %mul3A_60 = arith.constant 16 : i32
      %mul3A_61 = arith.muli %scan3A_59, %mul3A_60 : i32
      %swap3A = arith.index_cast %mul3A_61 : i32 to index
      %swap3A_62 = tpu.vector_load %arg8[%swap3A] {strides = array<i32>} : memref<20480xi32, #tpu.memory_space<vmem>>, vector<16xi32>,
      tpu.vector_store %arg8[%swap3A], %broadcast_in_dim3A_9 {strides = array<i32>} : memref<20480xi32, #tpu.memory_space<vmem>>, vector<16xi32>,
      %swap3A_63 = arith.index_cast %mul3A_61 : i32 to index
      %swap3A_64 = tpu.vector_load %arg9[%swap3A_63] {strides = array<i32>} : memref<20480xi32, #tpu.memory_space<vmem>>, vector<16xi32>,
      tpu.vector_store %arg9[%swap3A_63], %broadcast_in_dim3A_5 {strides = array<i32>} : memref<20480xi32, #tpu.memory_space<vmem>>, vector<16xi32>,
      %swap3A_65 = arith.index_cast %mul3A_61 : i32 to index
      %swap3A_66 = tpu.vector_load %arg10[%swap3A_65] {strides = array<i32>} : memref<20480xf32, #tpu.memory_space<vmem>>, vector<16xf32>,
      tpu.vector_store %arg10[%swap3A_65], %broadcast_in_dim3A_7 {strides = array<i32>} : memref<20480xf32, #tpu.memory_space<vmem>>, vector<16xf32>,
    }
    %scan3A_20 = arith.constant 1280 : i32
    %scan3A_21 = arith.constant 0 : i32
    %scan3A_22 = arith.constant 0 : i32
    %scan3A_23 = arith.constant 160 : i32
    %scan3A_24 = arith.addi %scan3A_22, %scan3A_23 : i32
    %scan3A_25 = arith.constant 1 : i32
    %scan3A_26 = scf.for %scan3A_59 = %scan3A_22 to %scan3A_24 step %scan3A_25 iter_args(%scan3A_60 = %scan3A_21) -> (i32)  : i32 {
      %mul3A_61 = arith.constant 2000 : i32
      %mul3A_62 = arith.muli %scan3A_59, %mul3A_61 : i32
      "tpu.region"() ({
        %run_scoped3A = tpu.sem_alloc : memref<!tpu.dma_semaphore, #tpu.memory_space<semaphore_mem>>
        %dma_start3A = tpu.memref_slice %arg3[%mul3A_62] : memref<320000xi32, #tpu.memory_space<hbm>> -> memref<2000xi32, #tpu.memory_space<hbm>>
        %dma_start3A_69 = tpu.memref_slice %arg3[%mul3A_62] : memref<320000xi32, #tpu.memory_space<hbm>> -> memref<2000xi32, #tpu.memory_space<hbm>>
        tpu.enqueue_dma source(%dma_start3A_69 : memref<2000xi32, #tpu.memory_space<hbm>>) target(%arg11 : memref<2000xi32, #tpu.memory_space<vmem>>) target_semaphore(%run_scoped3A : memref<!tpu.dma_semaphore, #tpu.memory_space<semaphore_mem>>)
        %dma_wait3A = tpu.memref_slice %arg3[%mul3A_62] : memref<320000xi32, #tpu.memory_space<hbm>> -> memref<2000xi32, #tpu.memory_space<hbm>>
        %dma_wait3A_70 = tpu.memref_slice %arg3[%mul3A_62] : memref<320000xi32, #tpu.memory_space<hbm>> -> memref<2000xi32, #tpu.memory_space<hbm>>
        tpu.wait_dma2 semaphore(%run_scoped3A : memref<!tpu.dma_semaphore, #tpu.memory_space<semaphore_mem>>) src(%dma_wait3A_70 : memref<2000xi32, #tpu.memory_space<hbm>>) dst(%arg11 : memref<2000xi32, #tpu.memory_space<vmem>>)
        tpu.yield
      }) : () -> ()
      "tpu.region"() ({
        %run_scoped3A = tpu.sem_alloc : memref<!tpu.dma_semaphore, #tpu.memory_space<semaphore_mem>>
        %dma_start3A = tpu.memref_slice %arg4[%mul3A_62] : memref<320000xi32, #tpu.memory_space<hbm>> -> memref<2000xi32, #tpu.memory_space<hbm>>
        %dma_start3A_69 = tpu.memref_slice %arg4[%mul3A_62] : memref<320000xi32, #tpu.memory_space<hbm>> -> memref<2000xi32, #tpu.memory_space<hbm>>
        tpu.enqueue_dma source(%dma_start3A_69 : memref<2000xi32, #tpu.memory_space<hbm>>) target(%arg12 : memref<2000xi32, #tpu.memory_space<vmem>>) target_semaphore(%run_scoped3A : memref<!tpu.dma_semaphore, #tpu.memory_space<semaphore_mem>>)
        %dma_wait3A = tpu.memref_slice %arg4[%mul3A_62] : memref<320000xi32, #tpu.memory_space<hbm>> -> memref<2000xi32, #tpu.memory_space<hbm>>
        %dma_wait3A_70 = tpu.memref_slice %arg4[%mul3A_62] : memref<320000xi32, #tpu.memory_space<hbm>> -> memref<2000xi32, #tpu.memory_space<hbm>>
        tpu.wait_dma2 semaphore(%run_scoped3A : memref<!tpu.dma_semaphore, #tpu.memory_space<semaphore_mem>>) src(%dma_wait3A_70 : memref<2000xi32, #tpu.memory_space<hbm>>) dst(%arg12 : memref<2000xi32, #tpu.memory_space<vmem>>)
        tpu.yield
      }) : () -> ()
      "tpu.region"() ({
        %run_scoped3A = tpu.sem_alloc : memref<!tpu.dma_semaphore, #tpu.memory_space<semaphore_mem>>
        %dma_start3A = tpu.memref_slice %arg5[%mul3A_62] : memref<320000xf32, #tpu.memory_space<hbm>> -> memref<2000xf32, #tpu.memory_space<hbm>>
        %dma_start3A_69 = tpu.memref_slice %arg5[%mul3A_62] : memref<320000xf32, #tpu.memory_space<hbm>> -> memref<2000xf32, #tpu.memory_space<hbm>>
        tpu.enqueue_dma source(%dma_start3A_69 : memref<2000xf32, #tpu.memory_space<hbm>>) target(%arg13 : memref<2000xf32, #tpu.memory_space<vmem>>) target_semaphore(%run_scoped3A : memref<!tpu.dma_semaphore, #tpu.memory_space<semaphore_mem>>)
        %dma_wait3A = tpu.memref_slice %arg5[%mul3A_62] : memref<320000xf32, #tpu.memory_space<hbm>> -> memref<2000xf32, #tpu.memory_space<hbm>>
        %dma_wait3A_70 = tpu.memref_slice %arg5[%mul3A_62] : memref<320000xf32, #tpu.memory_space<hbm>> -> memref<2000xf32, #tpu.memory_space<hbm>>
        tpu.wait_dma2 semaphore(%run_scoped3A : memref<!tpu.dma_semaphore, #tpu.memory_space<semaphore_mem>>) src(%dma_wait3A_70 : memref<2000xf32, #tpu.memory_space<hbm>>) dst(%arg13 : memref<2000xf32, #tpu.memory_space<vmem>>)
        tpu.yield
      }) : () -> ()
      %scan3A_63 = arith.constant 0 : i32
      %scan3A_64 = arith.constant 125 : i32
      %scan3A_65 = arith.addi %scan3A_63, %scan3A_64 : i32
      %scan3A_66 = arith.constant 1 : i32
      %scan3A_67 = scf.for %scan3A_69 = %scan3A_63 to %scan3A_65 step %scan3A_66 iter_args(%scan3A_70 = %scan3A_60) -> (i32)  : i32 {
        %mul3A_71 = arith.constant 16 : i32
        %mul3A_72 = arith.muli %scan3A_69, %mul3A_71 : i32
        %get3A = arith.index_cast %mul3A_72 : i32 to index
        %get3A_73 = tpu.vector_load %arg11[%get3A] {strides = array<i32>} : memref<2000xi32, #tpu.memory_space<vmem>>, vector<16xi32>,
        %sub3A_74 = vector.broadcast %mul3A_2 : i32 to vector<16xi32>
        %sub3A_75 = arith.subi %get3A_73, %sub3A_74 : vector<16xi32>
        %lt3A = arith.constant 320 : i32
        %lt3A_76 = vector.broadcast %lt3A : i32 to vector<16xi32>
        %lt3A_77 = arith.cmpi ult, %sub3A_75, %lt3A_76 : vector<16xi32>
        %all_reduce_population_count3A = tpu.all_reduce %lt3A_77 {dim = 0 : i64, kind = #tpu.reduction_kind<sum>} : vector<16xi1> -> vector<16xi32>
        %slice3A = vector.extract_strided_slice %all_reduce_population_count3A {offsets = [0], sizes = [1], strides = [1]} : vector<16xi32> to vector<1xi32>
        %squeeze3A = vector.extract %slice3A[0] : i32 from vector<1xi32>
        %swap3A = arith.index_cast %scan3A_70 : i32 to index
        %swap3A_78 = tpu.vector_load %arg8[%swap3A] masked %lt3A_77 {strides = array<i32>} : memref<20480xi32, #tpu.memory_space<vmem>>, vector<16xi32>, vector<16xi1>
        tpu.vector_store %arg8[%swap3A], %sub3A_75 masked %lt3A_77 {strides = array<i32>} : memref<20480xi32, #tpu.memory_space<vmem>>, vector<16xi32>, vector<16xi1>
        %get3A_79 = arith.index_cast %mul3A_72 : i32 to index
        %get3A_80 = tpu.vector_load %arg12[%get3A_79] {strides = array<i32>} : memref<2000xi32, #tpu.memory_space<vmem>>, vector<16xi32>,
        %swap3A_81 = arith.index_cast %scan3A_70 : i32 to index
        %swap3A_82 = tpu.vector_load %arg9[%swap3A_81] masked %lt3A_77 {strides = array<i32>} : memref<20480xi32, #tpu.memory_space<vmem>>, vector<16xi32>, vector<16xi1>
        tpu.vector_store %arg9[%swap3A_81], %get3A_80 masked %lt3A_77 {strides = array<i32>} : memref<20480xi32, #tpu.memory_space<vmem>>, vector<16xi32>, vector<16xi1>
        %get3A_83 = arith.index_cast %mul3A_72 : i32 to index
        %get3A_84 = tpu.vector_load %arg13[%get3A_83] {strides = array<i32>} : memref<2000xf32, #tpu.memory_space<vmem>>, vector<16xf32>,
        %swap3A_85 = arith.index_cast %scan3A_70 : i32 to index
        %swap3A_86 = tpu.vector_load %arg10[%swap3A_85] masked %lt3A_77 {strides = array<i32>} : memref<20480xf32, #tpu.memory_space<vmem>>, vector<16xf32>, vector<16xi1>
        tpu.vector_store %arg10[%swap3A_85], %get3A_84 masked %lt3A_77 {strides = array<i32>} : memref<20480xf32, #tpu.memory_space<vmem>>, vector<16xf32>, vector<16xi1>
        %add3A_87 = arith.addi %scan3A_70, %squeeze3A : i32
        scf.yield %add3A_87 : i32
      }
      %scan3A_68 = arith.constant 125 : i32
      scf.yield %scan3A_67 : i32
    }
    %scan3A_27 = arith.constant 160 : i32
    %add3A_28 = arith.constant 128 : i32
    %add3A_29 = arith.addi %scan3A_26, %add3A_28 : i32
    %sub3A = arith.constant 1 : i32
    %sub3A_30 = arith.subi %add3A_29, %sub3A : i32
    %jit3A = arith.constant 128 : i32
    %div3A = arith.divsi %sub3A_30, %jit3A : i32
    %sign3A = arith.constant 0 : i32
    %sign3A_31 = arith.cmpi sgt, %sub3A_30, %sign3A : i32
    %sign3A_32 = arith.extui %sign3A_31 : i1 to i32
    %sign3A_33 = arith.constant 0 : i32
    %sign3A_34 = arith.cmpi slt, %sub3A_30, %sign3A_33 : i32
    %sign3A_35 = arith.extui %sign3A_34 : i1 to i32
    %sign3A_36 = arith.subi %sign3A_32, %sign3A_35 : i32
    %sign3A_37 = arith.constant 0 : i32
    %sign3A_38 = arith.cmpi sgt, %jit3A, %sign3A_37 : i32
    %sign3A_39 = arith.extui %sign3A_38 : i1 to i32
    %sign3A_40 = arith.constant 0 : i32
    %sign3A_41 = arith.cmpi slt, %jit3A, %sign3A_40 : i32
    %sign3A_42 = arith.extui %sign3A_41 : i1 to i32
    %sign3A_43 = arith.subi %sign3A_39, %sign3A_42 : i32
    %ne3A = arith.cmpi ne, %sign3A_36, %sign3A_43 : i32
    %rem3A = arith.remsi %sub3A_30, %jit3A : i32
    %ne3A_44 = arith.constant 0 : i32
    %ne3A_45 = arith.cmpi ne, %rem3A, %ne3A_44 : i32
    %and3A = arith.andi %ne3A, %ne3A_45 : i1
    %sub3A_46 = arith.constant 1 : i32
    %sub3A_47 = arith.subi %div3A, %sub3A_46 : i32
    %select_n3A = arith.select %and3A, %sub3A_47, %div3A : i32
    %while3A = arith.constant 0 : i32
    %while3A_48 = arith.constant 0 : i32
    %while3A_49 = arith.subi %select_n3A, %while3A_48 : i32
    %while3A_50 = arith.addi %while3A_48, %while3A_49 : i32
    %while3A_51 = arith.constant 1 : i32
    %while3A_52 = arith.divsi %while3A_49, %while3A_51 : i32
    %while3A_53 = arith.muli %while3A_52, %while3A_51 : i32
    %while3A_54 = arith.addi %while3A_48, %while3A_53 : i32
    %while3A_55 = arith.constant 1 : i32
    scf.for %while3A_59 = %while3A_48 to %while3A_54 step %while3A_55  : i32 {
      %mul3A_60 = arith.constant 128 : i32
      %mul3A_61 = arith.muli %while3A_59, %mul3A_60 : i32
      %add3A_62 = arith.constant 0 : i32
      %add3A_63 = arith.addi %mul3A_61, %add3A_62 : i32
      %get3A = arith.index_cast %add3A_63 : i32 to index
      %get3A_64 = tpu.vector_load %arg9[%get3A] {strides = array<i32>} : memref<20480xi32, #tpu.memory_space<vmem>>, vector<16xi32>,
      %swap3A = arith.constant 0 : index
      %swap3A_65 = tpu.vector_load %arg14[%swap3A] {strides = array<i32>} : memref<128xi32, #tpu.memory_space<vmem>>, vector<16xi32>,
      tpu.vector_store %arg14[%swap3A], %get3A_64 {strides = array<i32>} : memref<128xi32, #tpu.memory_space<vmem>>, vector<16xi32>,
      %add3A_66 = arith.constant 16 : i32
      %add3A_67 = arith.addi %mul3A_61, %add3A_66 : i32
      %get3A_68 = arith.index_cast %add3A_67 : i32 to index
      %get3A_69 = tpu.vector_load %arg9[%get3A_68] {strides = array<i32>} : memref<20480xi32, #tpu.memory_space<vmem>>, vector<16xi32>,
      %swap3A_70 = arith.constant 16 : index
      %swap3A_71 = tpu.vector_load %arg14[%swap3A_70] {strides = array<i32>} : memref<128xi32, #tpu.memory_space<vmem>>, vector<16xi32>,
      tpu.vector_store %arg14[%swap3A_70], %get3A_69 {strides = array<i32>} : memref<128xi32, #tpu.memory_space<vmem>>, vector<16xi32>,
      %add3A_72 = arith.constant 32 : i32
      %add3A_73 = arith.addi %mul3A_61, %add3A_72 : i32
      %get3A_74 = arith.index_cast %add3A_73 : i32 to index
      %get3A_75 = tpu.vector_load %arg9[%get3A_74] {strides = array<i32>} : memref<20480xi32, #tpu.memory_space<vmem>>, vector<16xi32>,
      %swap3A_76 = arith.constant 32 : index
      %swap3A_77 = tpu.vector_load %arg14[%swap3A_76] {strides = array<i32>} : memref<128xi32, #tpu.memory_space<vmem>>, vector<16xi32>,
      tpu.vector_store %arg14[%swap3A_76], %get3A_75 {strides = array<i32>} : memref<128xi32, #tpu.memory_space<vmem>>, vector<16xi32>,
      %add3A_78 = arith.constant 48 : i32
      %add3A_79 = arith.addi %mul3A_61, %add3A_78 : i32
      %get3A_80 = arith.index_cast %add3A_79 : i32 to index
      %get3A_81 = tpu.vector_load %arg9[%get3A_80] {strides = array<i32>} : memref<20480xi32, #tpu.memory_space<vmem>>, vector<16xi32>,
      %swap3A_82 = arith.constant 48 : index
      %swap3A_83 = tpu.vector_load %arg14[%swap3A_82] {strides = array<i32>} : memref<128xi32, #tpu.memory_space<vmem>>, vector<16xi32>,
      tpu.vector_store %arg14[%swap3A_82], %get3A_81 {strides = array<i32>} : memref<128xi32, #tpu.memory_space<vmem>>, vector<16xi32>,
      %add3A_84 = arith.constant 64 : i32
      %add3A_85 = arith.addi %mul3A_61, %add3A_84 : i32
      %get3A_86 = arith.index_cast %add3A_85 : i32 to index
      %get3A_87 = tpu.vector_load %arg9[%get3A_86] {strides = array<i32>} : memref<20480xi32, #tpu.memory_space<vmem>>, vector<16xi32>,
      %swap3A_88 = arith.constant 64 : index
      %swap3A_89 = tpu.vector_load %arg14[%swap3A_88] {strides = array<i32>} : memref<128xi32, #tpu.memory_space<vmem>>, vector<16xi32>,
      tpu.vector_store %arg14[%swap3A_88], %get3A_87 {strides = array<i32>} : memref<128xi32, #tpu.memory_space<vmem>>, vector<16xi32>,
      %add3A_90 = arith.constant 80 : i32
      %add3A_91 = arith.addi %mul3A_61, %add3A_90 : i32
      %get3A_92 = arith.index_cast %add3A_91 : i32 to index
      %get3A_93 = tpu.vector_load %arg9[%get3A_92] {strides = array<i32>} : memref<20480xi32, #tpu.memory_space<vmem>>, vector<16xi32>,
      %swap3A_94 = arith.constant 80 : index
      %swap3A_95 = tpu.vector_load %arg14[%swap3A_94] {strides = array<i32>} : memref<128xi32, #tpu.memory_space<vmem>>, vector<16xi32>,
      tpu.vector_store %arg14[%swap3A_94], %get3A_93 {strides = array<i32>} : memref<128xi32, #tpu.memory_space<vmem>>, vector<16xi32>,
      %add3A_96 = arith.constant 96 : i32
      %add3A_97 = arith.addi %mul3A_61, %add3A_96 : i32
      %get3A_98 = arith.index_cast %add3A_97 : i32 to index
      %get3A_99 = tpu.vector_load %arg9[%get3A_98] {strides = array<i32>} : memref<20480xi32, #tpu.memory_space<vmem>>, vector<16xi32>,
      %swap3A_100 = arith.constant 96 : index
      %swap3A_101 = tpu.vector_load %arg14[%swap3A_100] {strides = array<i32>} : memref<128xi32, #tpu.memory_space<vmem>>, vector<16xi32>,
      tpu.vector_store %arg14[%swap3A_100], %get3A_99 {strides = array<i32>} : memref<128xi32, #tpu.memory_space<vmem>>, vector<16xi32>,
      %add3A_102 = arith.constant 112 : i32
      %add3A_103 = arith.addi %mul3A_61, %add3A_102 : i32
      %get3A_104 = arith.index_cast %add3A_103 : i32 to index
      %get3A_105 = tpu.vector_load %arg9[%get3A_104] {strides = array<i32>} : memref<20480xi32, #tpu.memory_space<vmem>>, vector<16xi32>,
      %swap3A_106 = arith.constant 112 : index
      %swap3A_107 = tpu.vector_load %arg14[%swap3A_106] {strides = array<i32>} : memref<128xi32, #tpu.memory_space<vmem>>, vector<16xi32>,
      tpu.vector_store %arg14[%swap3A_106], %get3A_105 {strides = array<i32>} : memref<128xi32, #tpu.memory_space<vmem>>, vector<16xi32>,
      %dma_start3A = arith.constant 0 : i32
      %dma_start3A_108 = arith.constant 0 : i32
      %dma_start3A_109 = tpu.memref_slice %arg2[%dma_start3A, %dma_start3A_108] : memref<10000x128xf32, #tpu.memory_space<hbm>> -> memref<10000x128xf32, #tpu.memory_space<hbm>>
      tpu.enqueue_indirect_dma source(%dma_start3A_109 : memref<10000x128xf32, #tpu.memory_space<hbm>>) target(%arg17 : memref<128x128xf32, #tpu.memory_space<vmem>>) offsets(%arg14 : memref<128xi32, #tpu.memory_space<vmem>>) semaphore(%arg18 : memref<!tpu.dma_semaphore, #tpu.memory_space<semaphore_mem>>)
      %dma_wait3A = arith.constant 0 : i32
      %dma_wait3A_110 = arith.constant 0 : i32
      %dma_wait3A_111 = tpu.memref_slice %arg2[%dma_wait3A, %dma_wait3A_110] : memref<10000x128xf32, #tpu.memory_space<hbm>> -> memref<10000x128xf32, #tpu.memory_space<hbm>>
      tpu.wait_indirect_dma semaphore(%arg18 : memref<!tpu.dma_semaphore, #tpu.memory_space<semaphore_mem>>) src(%dma_wait3A_111 : memref<10000x128xf32, #tpu.memory_space<hbm>>) dst(%arg17 : memref<128x128xf32, #tpu.memory_space<vmem>>)
      %scan3A_112 = arith.constant 0 : i32
      %scan3A_113 = arith.constant 0 : i32
      %scan3A_114 = arith.constant 8 : i32
      %scan3A_115 = arith.addi %scan3A_113, %scan3A_114 : i32
      %scan3A_116 = arith.constant 1 : i32
      scf.for %scan3A_118 = %scan3A_113 to %scan3A_115 step %scan3A_116  : i32 {
        %mul3A_119 = arith.constant 16 : i32
        %mul3A_120 = arith.muli %scan3A_118, %mul3A_119 : i32
        %add3A_121 = arith.addi %mul3A_61, %mul3A_120 : i32
        %get3A_122 = arith.index_cast %add3A_121 : i32 to index
        %get3A_123 = tpu.vector_load %arg8[%get3A_122] {strides = array<i32>} : memref<20480xi32, #tpu.memory_space<vmem>>, vector<16xi32>,
        %mul3A_124 = arith.constant 16 : i32
        %mul3A_125 = arith.muli %scan3A_118, %mul3A_124 : i32
        %add3A_126 = arith.addi %mul3A_61, %mul3A_125 : i32
        %get3A_127 = arith.index_cast %add3A_126 : i32 to index
        %get3A_128 = tpu.vector_load %arg10[%get3A_127] {strides = array<i32>} : memref<20480xf32, #tpu.memory_space<vmem>>, vector<16xf32>,
        %slice3A = vector.extract_strided_slice %get3A_123 {offsets = [0], sizes = [1], strides = [1]} : vector<16xi32> to vector<1xi32>
        %squeeze3A = vector.extract %slice3A[0] : i32 from vector<1xi32>
        %mul3A_129 = arith.constant 128 : i32
        %mul3A_130 = arith.muli %squeeze3A, %mul3A_129 : i32
        %slice3A_131 = vector.extract_strided_slice %get3A_128 {offsets = [0], sizes = [1], strides = [1]} : vector<16xf32> to vector<1xf32>
        %squeeze3A_132 = vector.extract %slice3A_131[0] : f32 from vector<1xf32>
        %mul3A_133 = arith.constant 16 : i32
        %mul3A_134 = arith.muli %scan3A_118, %mul3A_133 : i32
        %add3A_135 = arith.constant 0 : i32
        %add3A_136 = arith.addi %mul3A_134, %add3A_135 : i32
        %add3A_137 = arith.constant 0 : i32
        %add3A_138 = arith.addi %mul3A_130, %add3A_137 : i32
        %get3A_139 = arith.index_cast %add3A_138 : i32 to index
        %get3A_140 = tpu.vector_load %arg16[%get3A_139] {strides = array<i32>} : memref<41088xf32, #tpu.memory_space<vmem>>, vector<16xf32>,
        %get3A_141 = arith.index_cast %add3A_136 : i32 to index
        %get3A_142 = arith.constant 0 : index
        %get3A_143 = tpu.vector_load %arg17[%get3A_141, %get3A_142] {strides = array<i32>} : memref<128x128xf32, #tpu.memory_space<vmem>>, vector<16xf32>,
        %get3A_144 = arith.constant 0 : index
        %get3A_145 = tpu.vector_load %arg15[%get3A_144] {strides = array<i32>} : memref<128xf32, #tpu.memory_space<vmem>>, vector<16xf32>,
        %mul3A_146 = vector.broadcast %squeeze3A_132 : f32 to vector<16xf32>
        %mul3A_147 = arith.mulf %mul3A_146, %get3A_145 : vector<16xf32>
        %add3A_148 = arith.addf %get3A_143, %mul3A_147 : vector<16xf32>
        %max3A = arith.maximumf %get3A_140, %add3A_148 : vector<16xf32>
        %add3A_149 = arith.constant 0 : i32
        %add3A_150 = arith.addi %mul3A_130, %add3A_149 : i32
        %swap3A_151 = arith.index_cast %add3A_150 : i32 to index
        %swap3A_152 = tpu.vector_load %arg16[%swap3A_151] {strides = array<i32>} : memref<41088xf32, #tpu.memory_space<vmem>>, vector<16xf32>,
        tpu.vector_store %arg16[%swap3A_151], %max3A {strides = array<i32>} : memref<41088xf32, #tpu.memory_space<vmem>>, vector<16xf32>,
        %add3A_153 = arith.constant 16 : i32
        %add3A_154 = arith.addi %mul3A_130, %add3A_153 : i32
        %get3A_155 = arith.index_cast %add3A_154 : i32 to index
        %get3A_156 = tpu.vector_load %arg16[%get3A_155] {strides = array<i32>} : memref<41088xf32, #tpu.memory_space<vmem>>, vector<16xf32>,
        %get3A_157 = arith.index_cast %add3A_136 : i32 to index
        %get3A_158 = arith.constant 16 : index
        %get3A_159 = tpu.vector_load %arg17[%get3A_157, %get3A_158] {strides = array<i32>} : memref<128x128xf32, #tpu.memory_space<vmem>>, vector<16xf32>,
        %get3A_160 = arith.constant 16 : index
        %get3A_161 = tpu.vector_load %arg15[%get3A_160] {strides = array<i32>} : memref<128xf32, #tpu.memory_space<vmem>>, vector<16xf32>,
        %mul3A_162 = vector.broadcast %squeeze3A_132 : f32 to vector<16xf32>
        %mul3A_163 = arith.mulf %mul3A_162, %get3A_161 : vector<16xf32>
        %add3A_164 = arith.addf %get3A_159, %mul3A_163 : vector<16xf32>
        %max3A_165 = arith.maximumf %get3A_156, %add3A_164 : vector<16xf32>
        %add3A_166 = arith.constant 16 : i32
        %add3A_167 = arith.addi %mul3A_130, %add3A_166 : i32
        %swap3A_168 = arith.index_cast %add3A_167 : i32 to index
        %swap3A_169 = tpu.vector_load %arg16[%swap3A_168] {strides = array<i32>} : memref<41088xf32, #tpu.memory_space<vmem>>, vector<16xf32>,
        tpu.vector_store %arg16[%swap3A_168], %max3A_165 {strides = array<i32>} : memref<41088xf32, #tpu.memory_space<vmem>>, vector<16xf32>,
        %add3A_170 = arith.constant 32 : i32
        %add3A_171 = arith.addi %mul3A_130, %add3A_170 : i32
        %get3A_172 = arith.index_cast %add3A_171 : i32 to index
        %get3A_173 = tpu.vector_load %arg16[%get3A_172] {strides = array<i32>} : memref<41088xf32, #tpu.memory_space<vmem>>, vector<16xf32>,
        %get3A_174 = arith.index_cast %add3A_136 : i32 to index
        %get3A_175 = arith.constant 32 : index
        %get3A_176 = tpu.vector_load %arg17[%get3A_174, %get3A_175] {strides = array<i32>} : memref<128x128xf32, #tpu.memory_space<vmem>>, vector<16xf32>,
        %get3A_177 = arith.constant 32 : index
        %get3A_178 = tpu.vector_load %arg15[%get3A_177] {strides = array<i32>} : memref<128xf32, #tpu.memory_space<vmem>>, vector<16xf32>,
        %mul3A_179 = vector.broadcast %squeeze3A_132 : f32 to vector<16xf32>
        %mul3A_180 = arith.mulf %mul3A_179, %get3A_178 : vector<16xf32>
        %add3A_181 = arith.addf %get3A_176, %mul3A_180 : vector<16xf32>
        %max3A_182 = arith.maximumf %get3A_173, %add3A_181 : vector<16xf32>
        %add3A_183 = arith.constant 32 : i32
        %add3A_184 = arith.addi %mul3A_130, %add3A_183 : i32
        %swap3A_185 = arith.index_cast %add3A_184 : i32 to index
        %swap3A_186 = tpu.vector_load %arg16[%swap3A_185] {strides = array<i32>} : memref<41088xf32, #tpu.memory_space<vmem>>, vector<16xf32>,
        tpu.vector_store %arg16[%swap3A_185], %max3A_182 {strides = array<i32>} : memref<41088xf32, #tpu.memory_space<vmem>>, vector<16xf32>,
        %add3A_187 = arith.constant 48 : i32
        %add3A_188 = arith.addi %mul3A_130, %add3A_187 : i32
        %get3A_189 = arith.index_cast %add3A_188 : i32 to index
        %get3A_190 = tpu.vector_load %arg16[%get3A_189] {strides = array<i32>} : memref<41088xf32, #tpu.memory_space<vmem>>, vector<16xf32>,
        %get3A_191 = arith.index_cast %add3A_136 : i32 to index
        %get3A_192 = arith.constant 48 : index
        %get3A_193 = tpu.vector_load %arg17[%get3A_191, %get3A_192] {strides = array<i32>} : memref<128x128xf32, #tpu.memory_space<vmem>>, vector<16xf32>,
        %get3A_194 = arith.constant 48 : index
        %get3A_195 = tpu.vector_load %arg15[%get3A_194] {strides = array<i32>} : memref<128xf32, #tpu.memory_space<vmem>>, vector<16xf32>,
        %mul3A_196 = vector.broadcast %squeeze3A_132 : f32 to vector<16xf32>
        %mul3A_197 = arith.mulf %mul3A_196, %get3A_195 : vector<16xf32>
        %add3A_198 = arith.addf %get3A_193, %mul3A_197 : vector<16xf32>
        %max3A_199 = arith.maximumf %get3A_190, %add3A_198 : vector<16xf32>
        %add3A_200 = arith.constant 48 : i32
        %add3A_201 = arith.addi %mul3A_130, %add3A_200 : i32
        %swap3A_202 = arith.index_cast %add3A_201 : i32 to index
        %swap3A_203 = tpu.vector_load %arg16[%swap3A_202] {strides = array<i32>} : memref<41088xf32, #tpu.memory_space<vmem>>, vector<16xf32>,
        tpu.vector_store %arg16[%swap3A_202], %max3A_199 {strides = array<i32>} : memref<41088xf32, #tpu.memory_space<vmem>>, vector<16xf32>,
        %add3A_204 = arith.constant 64 : i32
        %add3A_205 = arith.addi %mul3A_130, %add3A_204 : i32
        %get3A_206 = arith.index_cast %add3A_205 : i32 to index
        %get3A_207 = tpu.vector_load %arg16[%get3A_206] {strides = array<i32>} : memref<41088xf32, #tpu.memory_space<vmem>>, vector<16xf32>,
        %get3A_208 = arith.index_cast %add3A_136 : i32 to index
        %get3A_209 = arith.constant 64 : index
        %get3A_210 = tpu.vector_load %arg17[%get3A_208, %get3A_209] {strides = array<i32>} : memref<128x128xf32, #tpu.memory_space<vmem>>, vector<16xf32>,
        %get3A_211 = arith.constant 64 : index
        %get3A_212 = tpu.vector_load %arg15[%get3A_211] {strides = array<i32>} : memref<128xf32, #tpu.memory_space<vmem>>, vector<16xf32>,
        %mul3A_213 = vector.broadcast %squeeze3A_132 : f32 to vector<16xf32>
        %mul3A_214 = arith.mulf %mul3A_213, %get3A_212 : vector<16xf32>
        %add3A_215 = arith.addf %get3A_210, %mul3A_214 : vector<16xf32>
        %max3A_216 = arith.maximumf %get3A_207, %add3A_215 : vector<16xf32>
        %add3A_217 = arith.constant 64 : i32
        %add3A_218 = arith.addi %mul3A_130, %add3A_217 : i32
        %swap3A_219 = arith.index_cast %add3A_218 : i32 to index
        %swap3A_220 = tpu.vector_load %arg16[%swap3A_219] {strides = array<i32>} : memref<41088xf32, #tpu.memory_space<vmem>>, vector<16xf32>,
        tpu.vector_store %arg16[%swap3A_219], %max3A_216 {strides = array<i32>} : memref<41088xf32, #tpu.memory_space<vmem>>, vector<16xf32>,
        %add3A_221 = arith.constant 80 : i32
        %add3A_222 = arith.addi %mul3A_130, %add3A_221 : i32
        %get3A_223 = arith.index_cast %add3A_222 : i32 to index
        %get3A_224 = tpu.vector_load %arg16[%get3A_223] {strides = array<i32>} : memref<41088xf32, #tpu.memory_space<vmem>>, vector<16xf32>,
        %get3A_225 = arith.index_cast %add3A_136 : i32 to index
        %get3A_226 = arith.constant 80 : index
        %get3A_227 = tpu.vector_load %arg17[%get3A_225, %get3A_226] {strides = array<i32>} : memref<128x128xf32, #tpu.memory_space<vmem>>, vector<16xf32>,
        %get3A_228 = arith.constant 80 : index
        %get3A_229 = tpu.vector_load %arg15[%get3A_228] {strides = array<i32>} : memref<128xf32, #tpu.memory_space<vmem>>, vector<16xf32>,
        %mul3A_230 = vector.broadcast %squeeze3A_132 : f32 to vector<16xf32>
        %mul3A_231 = arith.mulf %mul3A_230, %get3A_229 : vector<16xf32>
        %add3A_232 = arith.addf %get3A_227, %mul3A_231 : vector<16xf32>
        %max3A_233 = arith.maximumf %get3A_224, %add3A_232 : vector<16xf32>
        %add3A_234 = arith.constant 80 : i32
        %add3A_235 = arith.addi %mul3A_130, %add3A_234 : i32
        %swap3A_236 = arith.index_cast %add3A_235 : i32 to index
        %swap3A_237 = tpu.vector_load %arg16[%swap3A_236] {strides = array<i32>} : memref<41088xf32, #tpu.memory_space<vmem>>, vector<16xf32>,
        tpu.vector_store %arg16[%swap3A_236], %max3A_233 {strides = array<i32>} : memref<41088xf32, #tpu.memory_space<vmem>>, vector<16xf32>,
        %add3A_238 = arith.constant 96 : i32
        %add3A_239 = arith.addi %mul3A_130, %add3A_238 : i32
        %get3A_240 = arith.index_cast %add3A_239 : i32 to index
        %get3A_241 = tpu.vector_load %arg16[%get3A_240] {strides = array<i32>} : memref<41088xf32, #tpu.memory_space<vmem>>, vector<16xf32>,
        %get3A_242 = arith.index_cast %add3A_136 : i32 to index
        %get3A_243 = arith.constant 96 : index
        %get3A_244 = tpu.vector_load %arg17[%get3A_242, %get3A_243] {strides = array<i32>} : memref<128x128xf32, #tpu.memory_space<vmem>>, vector<16xf32>,
        %get3A_245 = arith.constant 96 : index
        %get3A_246 = tpu.vector_load %arg15[%get3A_245] {strides = array<i32>} : memref<128xf32, #tpu.memory_space<vmem>>, vector<16xf32>,
        %mul3A_247 = vector.broadcast %squeeze3A_132 : f32 to vector<16xf32>
        %mul3A_248 = arith.mulf %mul3A_247, %get3A_246 : vector<16xf32>
        %add3A_249 = arith.addf %get3A_244, %mul3A_248 : vector<16xf32>
        %max3A_250 = arith.maximumf %get3A_241, %add3A_249 : vector<16xf32>
        %add3A_251 = arith.constant 96 : i32
        %add3A_252 = arith.addi %mul3A_130, %add3A_251 : i32
        %swap3A_253 = arith.index_cast %add3A_252 : i32 to index
        %swap3A_254 = tpu.vector_load %arg16[%swap3A_253] {strides = array<i32>} : memref<41088xf32, #tpu.memory_space<vmem>>, vector<16xf32>,
        tpu.vector_store %arg16[%swap3A_253], %max3A_250 {strides = array<i32>} : memref<41088xf32, #tpu.memory_space<vmem>>, vector<16xf32>,
        %add3A_255 = arith.constant 112 : i32
        %add3A_256 = arith.addi %mul3A_130, %add3A_255 : i32
        %get3A_257 = arith.index_cast %add3A_256 : i32 to index
        %get3A_258 = tpu.vector_load %arg16[%get3A_257] {strides = array<i32>} : memref<41088xf32, #tpu.memory_space<vmem>>, vector<16xf32>,
        %get3A_259 = arith.index_cast %add3A_136 : i32 to index
        %get3A_260 = arith.constant 112 : index
        %get3A_261 = tpu.vector_load %arg17[%get3A_259, %get3A_260] {strides = array<i32>} : memref<128x128xf32, #tpu.memory_space<vmem>>, vector<16xf32>,
        %get3A_262 = arith.constant 112 : index
        %get3A_263 = tpu.vector_load %arg15[%get3A_262] {strides = array<i32>} : memref<128xf32, #tpu.memory_space<vmem>>, vector<16xf32>,
        %mul3A_264 = vector.broadcast %squeeze3A_132 : f32 to vector<16xf32>
        %mul3A_265 = arith.mulf %mul3A_264, %get3A_263 : vector<16xf32>
        %add3A_266 = arith.addf %get3A_261, %mul3A_265 : vector<16xf32>
        %max3A_267 = arith.maximumf %get3A_258, %add3A_266 : vector<16xf32>
        %add3A_268 = arith.constant 112 : i32
        %add3A_269 = arith.addi %mul3A_130, %add3A_268 : i32
        %swap3A_270 = arith.index_cast %add3A_269 : i32 to index
        %swap3A_271 = tpu.vector_load %arg16[%swap3A_270] {strides = array<i32>} : memref<41088xf32, #tpu.memory_space<vmem>>, vector<16xf32>,
        tpu.vector_store %arg16[%swap3A_270], %max3A_267 {strides = array<i32>} : memref<41088xf32, #tpu.memory_space<vmem>>, vector<16xf32>,
        %slice3A_272 = vector.extract_strided_slice %get3A_123 {offsets = [1], sizes = [1], strides = [1]} : vector<16xi32> to vector<1xi32>
        %squeeze3A_273 = vector.extract %slice3A_272[0] : i32 from vector<1xi32>
        %mul3A_274 = arith.constant 128 : i32
        %mul3A_275 = arith.muli %squeeze3A_273, %mul3A_274 : i32
        %slice3A_276 = vector.extract_strided_slice %get3A_128 {offsets = [1], sizes = [1], strides = [1]} : vector<16xf32> to vector<1xf32>
        %squeeze3A_277 = vector.extract %slice3A_276[0] : f32 from vector<1xf32>
        %mul3A_278 = arith.constant 16 : i32
        %mul3A_279 = arith.muli %scan3A_118, %mul3A_278 : i32
        %add3A_280 = arith.constant 1 : i32
        %add3A_281 = arith.addi %mul3A_279, %add3A_280 : i32
        %add3A_282 = arith.constant 0 : i32
        %add3A_283 = arith.addi %mul3A_275, %add3A_282 : i32
        %get3A_284 = arith.index_cast %add3A_283 : i32 to index
        %get3A_285 = tpu.vector_load %arg16[%get3A_284] {strides = array<i32>} : memref<41088xf32, #tpu.memory_space<vmem>>, vector<16xf32>,
        %get3A_286 = arith.index_cast %add3A_281 : i32 to index
        %get3A_287 = arith.constant 0 : index
        %get3A_288 = tpu.vector_load %arg17[%get3A_286, %get3A_287] {strides = array<i32>} : memref<128x128xf32, #tpu.memory_space<vmem>>, vector<16xf32>,
        %get3A_289 = arith.constant 0 : index
        %get3A_290 = tpu.vector_load %arg15[%get3A_289] {strides = array<i32>} : memref<128xf32, #tpu.memory_space<vmem>>, vector<16xf32>,
        %mul3A_291 = vector.broadcast %squeeze3A_277 : f32 to vector<16xf32>
        %mul3A_292 = arith.mulf %mul3A_291, %get3A_290 : vector<16xf32>
        %add3A_293 = arith.addf %get3A_288, %mul3A_292 : vector<16xf32>
        %max3A_294 = arith.maximumf %get3A_285, %add3A_293 : vector<16xf32>
        %add3A_295 = arith.constant 0 : i32
        %add3A_296 = arith.addi %mul3A_275, %add3A_295 : i32
        %swap3A_297 = arith.index_cast %add3A_296 : i32 to index
        %swap3A_298 = tpu.vector_load %arg16[%swap3A_297] {strides = array<i32>} : memref<41088xf32, #tpu.memory_space<vmem>>, vector<16xf32>,
        tpu.vector_store %arg16[%swap3A_297], %max3A_294 {strides = array<i32>} : memref<41088xf32, #tpu.memory_space<vmem>>, vector<16xf32>,
        %add3A_299 = arith.constant 16 : i32
        %add3A_300 = arith.addi %mul3A_275, %add3A_299 : i32
        %get3A_301 = arith.index_cast %add3A_300 : i32 to index
        %get3A_302 = tpu.vector_load %arg16[%get3A_301] {strides = array<i32>} : memref<41088xf32, #tpu.memory_space<vmem>>, vector<16xf32>,
        %get3A_303 = arith.index_cast %add3A_281 : i32 to index
        %get3A_304 = arith.constant 16 : index
        %get3A_305 = tpu.vector_load %arg17[%get3A_303, %get3A_304] {strides = array<i32>} : memref<128x128xf32, #tpu.memory_space<vmem>>, vector<16xf32>,
        %get3A_306 = arith.constant 16 : index
        %get3A_307 = tpu.vector_load %arg15[%get3A_306] {strides = array<i32>} : memref<128xf32, #tpu.memory_space<vmem>>, vector<16xf32>,
        %mul3A_308 = vector.broadcast %squeeze3A_277 : f32 to vector<16xf32>
        %mul3A_309 = arith.mulf %mul3A_308, %get3A_307 : vector<16xf32>
        %add3A_310 = arith.addf %get3A_305, %mul3A_309 : vector<16xf32>
        %max3A_311 = arith.maximumf %get3A_302, %add3A_310 : vector<16xf32>
        %add3A_312 = arith.constant 16 : i32
        %add3A_313 = arith.addi %mul3A_275, %add3A_312 : i32
        %swap3A_314 = arith.index_cast %add3A_313 : i32 to index
        %swap3A_315 = tpu.vector_load %arg16[%swap3A_314] {strides = array<i32>} : memref<41088xf32, #tpu.memory_space<vmem>>, vector<16xf32>,
        tpu.vector_store %arg16[%swap3A_314], %max3A_311 {strides = array<i32>} : memref<41088xf32, #tpu.memory_space<vmem>>, vector<16xf32>,
        %add3A_316 = arith.constant 32 : i32
        %add3A_317 = arith.addi %mul3A_275, %add3A_316 : i32
        %get3A_318 = arith.index_cast %add3A_317 : i32 to index
        %get3A_319 = tpu.vector_load %arg16[%get3A_318] {strides = array<i32>} : memref<41088xf32, #tpu.memory_space<vmem>>, vector<16xf32>,
        %get3A_320 = arith.index_cast %add3A_281 : i32 to index
        %get3A_321 = arith.constant 32 : index
        %get3A_322 = tpu.vector_load %arg17[%get3A_320, %get3A_321] {strides = array<i32>} : memref<128x128xf32, #tpu.memory_space<vmem>>, vector<16xf32>,
        %get3A_323 = arith.constant 32 : index
        %get3A_324 = tpu.vector_load %arg15[%get3A_323] {strides = array<i32>} : memref<128xf32, #tpu.memory_space<vmem>>, vector<16xf32>,
        %mul3A_325 = vector.broadcast %squeeze3A_277 : f32 to vector<16xf32>
        %mul3A_326 = arith.mulf %mul3A_325, %get3A_324 : vector<16xf32>
        %add3A_327 = arith.addf %get3A_322, %mul3A_326 : vector<16xf32>
        %max3A_328 = arith.maximumf %get3A_319, %add3A_327 : vector<16xf32>
        %add3A_329 = arith.constant 32 : i32
        %add3A_330 = arith.addi %mul3A_275, %add3A_329 : i32
        %swap3A_331 = arith.index_cast %add3A_330 : i32 to index
        %swap3A_332 = tpu.vector_load %arg16[%swap3A_331] {strides = array<i32>} : memref<41088xf32, #tpu.memory_space<vmem>>, vector<16xf32>,
        tpu.vector_store %arg16[%swap3A_331], %max3A_328 {strides = array<i32>} : memref<41088xf32, #tpu.memory_space<vmem>>, vector<16xf32>,
        %add3A_333 = arith.constant 48 : i32
        %add3A_334 = arith.addi %mul3A_275, %add3A_333 : i32
        %get3A_335 = arith.index_cast %add3A_334 : i32 to index
        %get3A_336 = tpu.vector_load %arg16[%get3A_335] {strides = array<i32>} : memref<41088xf32, #tpu.memory_space<vmem>>, vector<16xf32>,
        %get3A_337 = arith.index_cast %add3A_281 : i32 to index
        %get3A_338 = arith.constant 48 : index
        %get3A_339 = tpu.vector_load %arg17[%get3A_337, %get3A_338] {strides = array<i32>} : memref<128x128xf32, #tpu.memory_space<vmem>>, vector<16xf32>,
        %get3A_340 = arith.constant 48 : index
        %get3A_341 = tpu.vector_load %arg15[%get3A_340] {strides = array<i32>} : memref<128xf32, #tpu.memory_space<vmem>>, vector<16xf32>,
        %mul3A_342 = vector.broadcast %squeeze3A_277 : f32 to vector<16xf32>
        %mul3A_343 = arith.mulf %mul3A_342, %get3A_341 : vector<16xf32>
        %add3A_344 = arith.addf %get3A_339, %mul3A_343 : vector<16xf32>
        %max3A_345 = arith.maximumf %get3A_336, %add3A_344 : vector<16xf32>
        %add3A_346 = arith.constant 48 : i32
        %add3A_347 = arith.addi %mul3A_275, %add3A_346 : i32
        %swap3A_348 = arith.index_cast %add3A_347 : i32 to index
        %swap3A_349 = tpu.vector_load %arg16[%swap3A_348] {strides = array<i32>} : memref<41088xf32, #tpu.memory_space<vmem>>, vector<16xf32>,
        tpu.vector_store %arg16[%swap3A_348], %max3A_345 {strides = array<i32>} : memref<41088xf32, #tpu.memory_space<vmem>>, vector<16xf32>,
        %add3A_350 = arith.constant 64 : i32
        %add3A_351 = arith.addi %mul3A_275, %add3A_350 : i32
        %get3A_352 = arith.index_cast %add3A_351 : i32 to index
        %get3A_353 = tpu.vector_load %arg16[%get3A_352] {strides = array<i32>} : memref<41088xf32, #tpu.memory_space<vmem>>, vector<16xf32>,
        %get3A_354 = arith.index_cast %add3A_281 : i32 to index
        %get3A_355 = arith.constant 64 : index
        %get3A_356 = tpu.vector_load %arg17[%get3A_354, %get3A_355] {strides = array<i32>} : memref<128x128xf32, #tpu.memory_space<vmem>>, vector<16xf32>,
        %get3A_357 = arith.constant 64 : index
        %get3A_358 = tpu.vector_load %arg15[%get3A_357] {strides = array<i32>} : memref<128xf32, #tpu.memory_space<vmem>>, vector<16xf32>,
        %mul3A_359 = vector.broadcast %squeeze3A_277 : f32 to vector<16xf32>
        %mul3A_360 = arith.mulf %mul3A_359, %get3A_358 : vector<16xf32>
        %add3A_361 = arith.addf %get3A_356, %mul3A_360 : vector<16xf32>
        %max3A_362 = arith.maximumf %get3A_353, %add3A_361 : vector<16xf32>
        %add3A_363 = arith.constant 64 : i32
        %add3A_364 = arith.addi %mul3A_275, %add3A_363 : i32
        %swap3A_365 = arith.index_cast %add3A_364 : i32 to index
        %swap3A_366 = tpu.vector_load %arg16[%swap3A_365] {strides = array<i32>} : memref<41088xf32, #tpu.memory_space<vmem>>, vector<16xf32>,
        tpu.vector_store %arg16[%swap3A_365], %max3A_362 {strides = array<i32>} : memref<41088xf32, #tpu.memory_space<vmem>>, vector<16xf32>,
        %add3A_367 = arith.constant 80 : i32
        %add3A_368 = arith.addi %mul3A_275, %add3A_367 : i32
        %get3A_369 = arith.index_cast %add3A_368 : i32 to index
        %get3A_370 = tpu.vector_load %arg16[%get3A_369] {strides = array<i32>} : memref<41088xf32, #tpu.memory_space<vmem>>, vector<16xf32>,
        %get3A_371 = arith.index_cast %add3A_281 : i32 to index
        %get3A_372 = arith.constant 80 : index
        %get3A_373 = tpu.vector_load %arg17[%get3A_371, %get3A_372] {strides = array<i32>} : memref<128x128xf32, #tpu.memory_space<vmem>>, vector<16xf32>,
        %get3A_374 = arith.constant 80 : index
        %get3A_375 = tpu.vector_load %arg15[%get3A_374] {strides = array<i32>} : memref<128xf32, #tpu.memory_space<vmem>>, vector<16xf32>,
        %mul3A_376 = vector.broadcast %squeeze3A_277 : f32 to vector<16xf32>
        %mul3A_377 = arith.mulf %mul3A_376, %get3A_375 : vector<16xf32>
        %add3A_378 = arith.addf %get3A_373, %mul3A_377 : vector<16xf32>
        %max3A_379 = arith.maximumf %get3A_370, %add3A_378 : vector<16xf32>
        %add3A_380 = arith.constant 80 : i32
        %add3A_381 = arith.addi %mul3A_275, %add3A_380 : i32
        %swap3A_382 = arith.index_cast %add3A_381 : i32 to index
        %swap3A_383 = tpu.vector_load %arg16[%swap3A_382] {strides = array<i32>} : memref<41088xf32, #tpu.memory_space<vmem>>, vector<16xf32>,
        tpu.vector_store %arg16[%swap3A_382], %max3A_379 {strides = array<i32>} : memref<41088xf32, #tpu.memory_space<vmem>>, vector<16xf32>,
        %add3A_384 = arith.constant 96 : i32
        %add3A_385 = arith.addi %mul3A_275, %add3A_384 : i32
        %get3A_386 = arith.index_cast %add3A_385 : i32 to index
        %get3A_387 = tpu.vector_load %arg16[%get3A_386] {strides = array<i32>} : memref<41088xf32, #tpu.memory_space<vmem>>, vector<16xf32>,
        %get3A_388 = arith.index_cast %add3A_281 : i32 to index
        %get3A_389 = arith.constant 96 : index
        %get3A_390 = tpu.vector_load %arg17[%get3A_388, %get3A_389] {strides = array<i32>} : memref<128x128xf32, #tpu.memory_space<vmem>>, vector<16xf32>,
        %get3A_391 = arith.constant 96 : index
        %get3A_392 = tpu.vector_load %arg15[%get3A_391] {strides = array<i32>} : memref<128xf32, #tpu.memory_space<vmem>>, vector<16xf32>,
        %mul3A_393 = vector.broadcast %squeeze3A_277 : f32 to vector<16xf32>
        %mul3A_394 = arith.mulf %mul3A_393, %get3A_392 : vector<16xf32>
        %add3A_395 = arith.addf %get3A_390, %mul3A_394 : vector<16xf32>
        %max3A_396 = arith.maximumf %get3A_387, %add3A_395 : vector<16xf32>
        %add3A_397 = arith.constant 96 : i32
        %add3A_398 = arith.addi %mul3A_275, %add3A_397 : i32
        %swap3A_399 = arith.index_cast %add3A_398 : i32 to index
        %swap3A_400 = tpu.vector_load %arg16[%swap3A_399] {strides = array<i32>} : memref<41088xf32, #tpu.memory_space<vmem>>, vector<16xf32>,
        tpu.vector_store %arg16[%swap3A_399], %max3A_396 {strides = array<i32>} : memref<41088xf32, #tpu.memory_space<vmem>>, vector<16xf32>,
        %add3A_401 = arith.constant 112 : i32
        %add3A_402 = arith.addi %mul3A_275, %add3A_401 : i32
        %get3A_403 = arith.index_cast %add3A_402 : i32 to index
        %get3A_404 = tpu.vector_load %arg16[%get3A_403] {strides = array<i32>} : memref<41088xf32, #tpu.memory_space<vmem>>, vector<16xf32>,
        %get3A_405 = arith.index_cast %add3A_281 : i32 to index
        %get3A_406 = arith.constant 112 : index
        %get3A_407 = tpu.vector_load %arg17[%get3A_405, %get3A_406] {strides = array<i32>} : memref<128x128xf32, #tpu.memory_space<vmem>>, vector<16xf32>,
        %get3A_408 = arith.constant 112 : index
        %get3A_409 = tpu.vector_load %arg15[%get3A_408] {strides = array<i32>} : memref<128xf32, #tpu.memory_space<vmem>>, vector<16xf32>,
        %mul3A_410 = vector.broadcast %squeeze3A_277 : f32 to vector<16xf32>
        %mul3A_411 = arith.mulf %mul3A_410, %get3A_409 : vector<16xf32>
        %add3A_412 = arith.addf %get3A_407, %mul3A_411 : vector<16xf32>
        %max3A_413 = arith.maximumf %get3A_404, %add3A_412 : vector<16xf32>
        %add3A_414 = arith.constant 112 : i32
        %add3A_415 = arith.addi %mul3A_275, %add3A_414 : i32
        %swap3A_416 = arith.index_cast %add3A_415 : i32 to index
        %swap3A_417 = tpu.vector_load %arg16[%swap3A_416] {strides = array<i32>} : memref<41088xf32, #tpu.memory_space<vmem>>, vector<16xf32>,
        tpu.vector_store %arg16[%swap3A_416], %max3A_413 {strides = array<i32>} : memref<41088xf32, #tpu.memory_space<vmem>>, vector<16xf32>,
        %slice3A_418 = vector.extract_strided_slice %get3A_123 {offsets = [2], sizes = [1], strides = [1]} : vector<16xi32> to vector<1xi32>
        %squeeze3A_419 = vector.extract %slice3A_418[0] : i32 from vector<1xi32>
        %mul3A_420 = arith.constant 128 : i32
        %mul3A_421 = arith.muli %squeeze3A_419, %mul3A_420 : i32
        %slice3A_422 = vector.extract_strided_slice %get3A_128 {offsets = [2], sizes = [1], strides = [1]} : vector<16xf32> to vector<1xf32>
        %squeeze3A_423 = vector.extract %slice3A_422[0] : f32 from vector<1xf32>
        %mul3A_424 = arith.constant 16 : i32
        %mul3A_425 = arith.muli %scan3A_118, %mul3A_424 : i32
        %add3A_426 = arith.constant 2 : i32
        %add3A_427 = arith.addi %mul3A_425, %add3A_426 : i32
        %add3A_428 = arith.constant 0 : i32
        %add3A_429 = arith.addi %mul3A_421, %add3A_428 : i32
        %get3A_430 = arith.index_cast %add3A_429 : i32 to index
        %get3A_431 = tpu.vector_load %arg16[%get3A_430] {strides = array<i32>} : memref<41088xf32, #tpu.memory_space<vmem>>, vector<16xf32>,
        %get3A_432 = arith.index_cast %add3A_427 : i32 to index
        %get3A_433 = arith.constant 0 : index
        %get3A_434 = tpu.vector_load %arg17[%get3A_432, %get3A_433] {strides = array<i32>} : memref<128x128xf32, #tpu.memory_space<vmem>>, vector<16xf32>,
        %get3A_435 = arith.constant 0 : index
        %get3A_436 = tpu.vector_load %arg15[%get3A_435] {strides = array<i32>} : memref<128xf32, #tpu.memory_space<vmem>>, vector<16xf32>,
        %mul3A_437 = vector.broadcast %squeeze3A_423 : f32 to vector<16xf32>
        %mul3A_438 = arith.mulf %mul3A_437, %get3A_436 : vector<16xf32>
        %add3A_439 = arith.addf %get3A_434, %mul3A_438 : vector<16xf32>
        %max3A_440 = arith.maximumf %get3A_431, %add3A_439 : vector<16xf32>
        %add3A_441 = arith.constant 0 : i32
        %add3A_442 = arith.addi %mul3A_421, %add3A_441 : i32
        %swap3A_443 = arith.index_cast %add3A_442 : i32 to index
        %swap3A_444 = tpu.vector_load %arg16[%swap3A_443] {strides = array<i32>} : memref<41088xf32, #tpu.memory_space<vmem>>, vector<16xf32>,
        tpu.vector_store %arg16[%swap3A_443], %max3A_440 {strides = array<i32>} : memref<41088xf32, #tpu.memory_space<vmem>>, vector<16xf32>,
        %add3A_445 = arith.constant 16 : i32
        %add3A_446 = arith.addi %mul3A_421, %add3A_445 : i32
        %get3A_447 = arith.index_cast %add3A_446 : i32 to index
        %get3A_448 = tpu.vector_load %arg16[%get3A_447] {strides = array<i32>} : memref<41088xf32, #tpu.memory_space<vmem>>, vector<16xf32>,
        %get3A_449 = arith.index_cast %add3A_427 : i32 to index
        %get3A_450 = arith.constant 16 : index
        %get3A_451 = tpu.vector_load %arg17[%get3A_449, %get3A_450] {strides = array<i32>} : memref<128x128xf32, #tpu.memory_space<vmem>>, vector<16xf32>,
        %get3A_452 = arith.constant 16 : index
        %get3A_453 = tpu.vector_load %arg15[%get3A_452] {strides = array<i32>} : memref<128xf32, #tpu.memory_space<vmem>>, vector<16xf32>,
        %mul3A_454 = vector.broadcast %squeeze3A_423 : f32 to vector<16xf32>
        %mul3A_455 = arith.mulf %mul3A_454, %get3A_453 : vector<16xf32>
        %add3A_456 = arith.addf %get3A_451, %mul3A_455 : vector<16xf32>
        %max3A_457 = arith.maximumf %get3A_448, %add3A_456 : vector<16xf32>
        %add3A_458 = arith.constant 16 : i32
        %add3A_459 = arith.addi %mul3A_421, %add3A_458 : i32
        %swap3A_460 = arith.index_cast %add3A_459 : i32 to index
        %swap3A_461 = tpu.vector_load %arg16[%swap3A_460] {strides = array<i32>} : memref<41088xf32, #tpu.memory_space<vmem>>, vector<16xf32>,
        tpu.vector_store %arg16[%swap3A_460], %max3A_457 {strides = array<i32>} : memref<41088xf32, #tpu.memory_space<vmem>>, vector<16xf32>,
        %add3A_462 = arith.constant 32 : i32
        %add3A_463 = arith.addi %mul3A_421, %add3A_462 : i32
        %get3A_464 = arith.index_cast %add3A_463 : i32 to index
        %get3A_465 = tpu.vector_load %arg16[%get3A_464] {strides = array<i32>} : memref<41088xf32, #tpu.memory_space<vmem>>, vector<16xf32>,
        %get3A_466 = arith.index_cast %add3A_427 : i32 to index
        %get3A_467 = arith.constant 32 : index
        %get3A_468 = tpu.vector_load %arg17[%get3A_466, %get3A_467] {strides = array<i32>} : memref<128x128xf32, #tpu.memory_space<vmem>>, vector<16xf32>,
        %get3A_469 = arith.constant 32 : index
        %get3A_470 = tpu.vector_load %arg15[%get3A_469] {strides = array<i32>} : memref<128xf32, #tpu.memory_space<vmem>>, vector<16xf32>,
        %mul3A_471 = vector.broadcast %squeeze3A_423 : f32 to vector<16xf32>
        %mul3A_472 = arith.mulf %mul3A_471, %get3A_470 : vector<16xf32>
        %add3A_473 = arith.addf %get3A_468, %mul3A_472 : vector<16xf32>
        %max3A_474 = arith.maximumf %get3A_465, %add3A_473 : vector<16xf32>
        %add3A_475 = arith.constant 32 : i32
        %add3A_476 = arith.addi %mul3A_421, %add3A_475 : i32
        %swap3A_477 = arith.index_cast %add3A_476 : i32 to index
        %swap3A_478 = tpu.vector_load %arg16[%swap3A_477] {strides = array<i32>} : memref<41088xf32, #tpu.memory_space<vmem>>, vector<16xf32>,
        tpu.vector_store %arg16[%swap3A_477], %max3A_474 {strides = array<i32>} : memref<41088xf32, #tpu.memory_space<vmem>>, vector<16xf32>,
        %add3A_479 = arith.constant 48 : i32
        %add3A_480 = arith.addi %mul3A_421, %add3A_479 : i32
        %get3A_481 = arith.index_cast %add3A_480 : i32 to index
        %get3A_482 = tpu.vector_load %arg16[%get3A_481] {strides = array<i32>} : memref<41088xf32, #tpu.memory_space<vmem>>, vector<16xf32>,
        %get3A_483 = arith.index_cast %add3A_427 : i32 to index
        %get3A_484 = arith.constant 48 : index
        %get3A_485 = tpu.vector_load %arg17[%get3A_483, %get3A_484] {strides = array<i32>} : memref<128x128xf32, #tpu.memory_space<vmem>>, vector<16xf32>,
        %get3A_486 = arith.constant 48 : index
        %get3A_487 = tpu.vector_load %arg15[%get3A_486] {strides = array<i32>} : memref<128xf32, #tpu.memory_space<vmem>>, vector<16xf32>,
        %mul3A_488 = vector.broadcast %squeeze3A_423 : f32 to vector<16xf32>
        %mul3A_489 = arith.mulf %mul3A_488, %get3A_487 : vector<16xf32>
        %add3A_490 = arith.addf %get3A_485, %mul3A_489 : vector<16xf32>
        %max3A_491 = arith.maximumf %get3A_482, %add3A_490 : vector<16xf32>
        %add3A_492 = arith.constant 48 : i32
        %add3A_493 = arith.addi %mul3A_421, %add3A_492 : i32
        %swap3A_494 = arith.index_cast %add3A_493 : i32 to index
        %swap3A_495 = tpu.vector_load %arg16[%swap3A_494] {strides = array<i32>} : memref<41088xf32, #tpu.memory_space<vmem>>, vector<16xf32>,
        tpu.vector_store %arg16[%swap3A_494], %max3A_491 {strides = array<i32>} : memref<41088xf32, #tpu.memory_space<vmem>>, vector<16xf32>,
        %add3A_496 = arith.constant 64 : i32
        %add3A_497 = arith.addi %mul3A_421, %add3A_496 : i32
        %get3A_498 = arith.index_cast %add3A_497 : i32 to index
        %get3A_499 = tpu.vector_load %arg16[%get3A_498] {strides = array<i32>} : memref<41088xf32, #tpu.memory_space<vmem>>, vector<16xf32>,
        %get3A_500 = arith.index_cast %add3A_427 : i32 to index
        %get3A_501 = arith.constant 64 : index
        %get3A_502 = tpu.vector_load %arg17[%get3A_500, %get3A_501] {strides = array<i32>} : memref<128x128xf32, #tpu.memory_space<vmem>>, vector<16xf32>,
        %get3A_503 = arith.constant 64 : index
        %get3A_504 = tpu.vector_load %arg15[%get3A_503] {strides = array<i32>} : memref<128xf32, #tpu.memory_space<vmem>>, vector<16xf32>,
        %mul3A_505 = vector.broadcast %squeeze3A_423 : f32 to vector<16xf32>
        %mul3A_506 = arith.mulf %mul3A_505, %get3A_504 : vector<16xf32>
        %add3A_507 = arith.addf %get3A_502, %mul3A_506 : vector<16xf32>
        %max3A_508 = arith.maximumf %get3A_499, %add3A_507 : vector<16xf32>
        %add3A_509 = arith.constant 64 : i32
        %add3A_510 = arith.addi %mul3A_421, %add3A_509 : i32
        %swap3A_511 = arith.index_cast %add3A_510 : i32 to index
        %swap3A_512 = tpu.vector_load %arg16[%swap3A_511] {strides = array<i32>} : memref<41088xf32, #tpu.memory_space<vmem>>, vector<16xf32>,
        tpu.vector_store %arg16[%swap3A_511], %max3A_508 {strides = array<i32>} : memref<41088xf32, #tpu.memory_space<vmem>>, vector<16xf32>,
        %add3A_513 = arith.constant 80 : i32
        %add3A_514 = arith.addi %mul3A_421, %add3A_513 : i32
        %get3A_515 = arith.index_cast %add3A_514 : i32 to index
        %get3A_516 = tpu.vector_load %arg16[%get3A_515] {strides = array<i32>} : memref<41088xf32, #tpu.memory_space<vmem>>, vector<16xf32>,
        %get3A_517 = arith.index_cast %add3A_427 : i32 to index
        %get3A_518 = arith.constant 80 : index
        %get3A_519 = tpu.vector_load %arg17[%get3A_517, %get3A_518] {strides = array<i32>} : memref<128x128xf32, #tpu.memory_space<vmem>>, vector<16xf32>,
        %get3A_520 = arith.constant 80 : index
        %get3A_521 = tpu.vector_load %arg15[%get3A_520] {strides = array<i32>} : memref<128xf32, #tpu.memory_space<vmem>>, vector<16xf32>,
        %mul3A_522 = vector.broadcast %squeeze3A_423 : f32 to vector<16xf32>
        %mul3A_523 = arith.mulf %mul3A_522, %get3A_521 : vector<16xf32>
        %add3A_524 = arith.addf %get3A_519, %mul3A_523 : vector<16xf32>
        %max3A_525 = arith.maximumf %get3A_516, %add3A_524 : vector<16xf32>
        %add3A_526 = arith.constant 80 : i32
        %add3A_527 = arith.addi %mul3A_421, %add3A_526 : i32
        %swap3A_528 = arith.index_cast %add3A_527 : i32 to index
        %swap3A_529 = tpu.vector_load %arg16[%swap3A_528] {strides = array<i32>} : memref<41088xf32, #tpu.memory_space<vmem>>, vector<16xf32>,
        tpu.vector_store %arg16[%swap3A_528], %max3A_525 {strides = array<i32>} : memref<41088xf32, #tpu.memory_space<vmem>>, vector<16xf32>,
        %add3A_530 = arith.constant 96 : i32
        %add3A_531 = arith.addi %mul3A_421, %add3A_530 : i32
        %get3A_532 = arith.index_cast %add3A_531 : i32 to index
        %get3A_533 = tpu.vector_load %arg16[%get3A_532] {strides = array<i32>} : memref<41088xf32, #tpu.memory_space<vmem>>, vector<16xf32>,
        %get3A_534 = arith.index_cast %add3A_427 : i32 to index
        %get3A_535 = arith.constant 96 : index
        %get3A_536 = tpu.vector_load %arg17[%get3A_534, %get3A_535] {strides = array<i32>} : memref<128x128xf32, #tpu.memory_space<vmem>>, vector<16xf32>,
        %get3A_537 = arith.constant 96 : index
        %get3A_538 = tpu.vector_load %arg15[%get3A_537] {strides = array<i32>} : memref<128xf32, #tpu.memory_space<vmem>>, vector<16xf32>,
        %mul3A_539 = vector.broadcast %squeeze3A_423 : f32 to vector<16xf32>
        %mul3A_540 = arith.mulf %mul3A_539, %get3A_538 : vector<16xf32>
        %add3A_541 = arith.addf %get3A_536, %mul3A_540 : vector<16xf32>
        %max3A_542 = arith.maximumf %get3A_533, %add3A_541 : vector<16xf32>
        %add3A_543 = arith.constant 96 : i32
        %add3A_544 = arith.addi %mul3A_421, %add3A_543 : i32
        %swap3A_545 = arith.index_cast %add3A_544 : i32 to index
        %swap3A_546 = tpu.vector_load %arg16[%swap3A_545] {strides = array<i32>} : memref<41088xf32, #tpu.memory_space<vmem>>, vector<16xf32>,
        tpu.vector_store %arg16[%swap3A_545], %max3A_542 {strides = array<i32>} : memref<41088xf32, #tpu.memory_space<vmem>>, vector<16xf32>,
        %add3A_547 = arith.constant 112 : i32
        %add3A_548 = arith.addi %mul3A_421, %add3A_547 : i32
        %get3A_549 = arith.index_cast %add3A_548 : i32 to index
        %get3A_550 = tpu.vector_load %arg16[%get3A_549] {strides = array<i32>} : memref<41088xf32, #tpu.memory_space<vmem>>, vector<16xf32>,
        %get3A_551 = arith.index_cast %add3A_427 : i32 to index
        %get3A_552 = arith.constant 112 : index
        %get3A_553 = tpu.vector_load %arg17[%get3A_551, %get3A_552] {strides = array<i32>} : memref<128x128xf32, #tpu.memory_space<vmem>>, vector<16xf32>,
        %get3A_554 = arith.constant 112 : index
        %get3A_555 = tpu.vector_load %arg15[%get3A_554] {strides = array<i32>} : memref<128xf32, #tpu.memory_space<vmem>>, vector<16xf32>,
        %mul3A_556 = vector.broadcast %squeeze3A_423 : f32 to vector<16xf32>
        %mul3A_557 = arith.mulf %mul3A_556, %get3A_555 : vector<16xf32>
        %add3A_558 = arith.addf %get3A_553, %mul3A_557 : vector<16xf32>
        %max3A_559 = arith.maximumf %get3A_550, %add3A_558 : vector<16xf32>
        %add3A_560 = arith.constant 112 : i32
        %add3A_561 = arith.addi %mul3A_421, %add3A_560 : i32
        %swap3A_562 = arith.index_cast %add3A_561 : i32 to index
        %swap3A_563 = tpu.vector_load %arg16[%swap3A_562] {strides = array<i32>} : memref<41088xf32, #tpu.memory_space<vmem>>, vector<16xf32>,
        tpu.vector_store %arg16[%swap3A_562], %max3A_559 {strides = array<i32>} : memref<41088xf32, #tpu.memory_space<vmem>>, vector<16xf32>,
        %slice3A_564 = vector.extract_strided_slice %get3A_123 {offsets = [3], sizes = [1], strides = [1]} : vector<16xi32> to vector<1xi32>
        %squeeze3A_565 = vector.extract %slice3A_564[0] : i32 from vector<1xi32>
        %mul3A_566 = arith.constant 128 : i32
        %mul3A_567 = arith.muli %squeeze3A_565, %mul3A_566 : i32
        %slice3A_568 = vector.extract_strided_slice %get3A_128 {offsets = [3], sizes = [1], strides = [1]} : vector<16xf32> to vector<1xf32>
        %squeeze3A_569 = vector.extract %slice3A_568[0] : f32 from vector<1xf32>
        %mul3A_570 = arith.constant 16 : i32
        %mul3A_571 = arith.muli %scan3A_118, %mul3A_570 : i32
        %add3A_572 = arith.constant 3 : i32
        %add3A_573 = arith.addi %mul3A_571, %add3A_572 : i32
        %add3A_574 = arith.constant 0 : i32
        %add3A_575 = arith.addi %mul3A_567, %add3A_574 : i32
        %get3A_576 = arith.index_cast %add3A_575 : i32 to index
        %get3A_577 = tpu.vector_load %arg16[%get3A_576] {strides = array<i32>} : memref<41088xf32, #tpu.memory_space<vmem>>, vector<16xf32>,
        %get3A_578 = arith.index_cast %add3A_573 : i32 to index
        %get3A_579 = arith.constant 0 : index
        %get3A_580 = tpu.vector_load %arg17[%get3A_578, %get3A_579] {strides = array<i32>} : memref<128x128xf32, #tpu.memory_space<vmem>>, vector<16xf32>,
        %get3A_581 = arith.constant 0 : index
        %get3A_582 = tpu.vector_load %arg15[%get3A_581] {strides = array<i32>} : memref<128xf32, #tpu.memory_space<vmem>>, vector<16xf32>,
        %mul3A_583 = vector.broadcast %squeeze3A_569 : f32 to vector<16xf32>
        %mul3A_584 = arith.mulf %mul3A_583, %get3A_582 : vector<16xf32>
        %add3A_585 = arith.addf %get3A_580, %mul3A_584 : vector<16xf32>
        %max3A_586 = arith.maximumf %get3A_577, %add3A_585 : vector<16xf32>
        %add3A_587 = arith.constant 0 : i32
        %add3A_588 = arith.addi %mul3A_567, %add3A_587 : i32
        %swap3A_589 = arith.index_cast %add3A_588 : i32 to index
        %swap3A_590 = tpu.vector_load %arg16[%swap3A_589] {strides = array<i32>} : memref<41088xf32, #tpu.memory_space<vmem>>, vector<16xf32>,
        tpu.vector_store %arg16[%swap3A_589], %max3A_586 {strides = array<i32>} : memref<41088xf32, #tpu.memory_space<vmem>>, vector<16xf32>,
        %add3A_591 = arith.constant 16 : i32
        %add3A_592 = arith.addi %mul3A_567, %add3A_591 : i32
        %get3A_593 = arith.index_cast %add3A_592 : i32 to index
        %get3A_594 = tpu.vector_load %arg16[%get3A_593] {strides = array<i32>} : memref<41088xf32, #tpu.memory_space<vmem>>, vector<16xf32>,
        %get3A_595 = arith.index_cast %add3A_573 : i32 to index
        %get3A_596 = arith.constant 16 : index
        %get3A_597 = tpu.vector_load %arg17[%get3A_595, %get3A_596] {strides = array<i32>} : memref<128x128xf32, #tpu.memory_space<vmem>>, vector<16xf32>,
        %get3A_598 = arith.constant 16 : index
        %get3A_599 = tpu.vector_load %arg15[%get3A_598] {strides = array<i32>} : memref<128xf32, #tpu.memory_space<vmem>>, vector<16xf32>,
        %mul3A_600 = vector.broadcast %squeeze3A_569 : f32 to vector<16xf32>
        %mul3A_601 = arith.mulf %mul3A_600, %get3A_599 : vector<16xf32>
        %add3A_602 = arith.addf %get3A_597, %mul3A_601 : vector<16xf32>
        %max3A_603 = arith.maximumf %get3A_594, %add3A_602 : vector<16xf32>
        %add3A_604 = arith.constant 16 : i32
        %add3A_605 = arith.addi %mul3A_567, %add3A_604 : i32
        %swap3A_606 = arith.index_cast %add3A_605 : i32 to index
        %swap3A_607 = tpu.vector_load %arg16[%swap3A_606] {strides = array<i32>} : memref<41088xf32, #tpu.memory_space<vmem>>, vector<16xf32>,
        tpu.vector_store %arg16[%swap3A_606], %max3A_603 {strides = array<i32>} : memref<41088xf32, #tpu.memory_space<vmem>>, vector<16xf32>,
        %add3A_608 = arith.constant 32 : i32
        %add3A_609 = arith.addi %mul3A_567, %add3A_608 : i32
        %get3A_610 = arith.index_cast %add3A_609 : i32 to index
        %get3A_611 = tpu.vector_load %arg16[%get3A_610] {strides = array<i32>} : memref<41088xf32, #tpu.memory_space<vmem>>, vector<16xf32>,
        %get3A_612 = arith.index_cast %add3A_573 : i32 to index
        %get3A_613 = arith.constant 32 : index
        %get3A_614 = tpu.vector_load %arg17[%get3A_612, %get3A_613] {strides = array<i32>} : memref<128x128xf32, #tpu.memory_space<vmem>>, vector<16xf32>,
        %get3A_615 = arith.constant 32 : index
        %get3A_616 = tpu.vector_load %arg15[%get3A_615] {strides = array<i32>} : memref<128xf32, #tpu.memory_space<vmem>>, vector<16xf32>,
        %mul3A_617 = vector.broadcast %squeeze3A_569 : f32 to vector<16xf32>
        %mul3A_618 = arith.mulf %mul3A_617, %get3A_616 : vector<16xf32>
        %add3A_619 = arith.addf %get3A_614, %mul3A_618 : vector<16xf32>
        %max3A_620 = arith.maximumf %get3A_611, %add3A_619 : vector<16xf32>
        %add3A_621 = arith.constant 32 : i32
        %add3A_622 = arith.addi %mul3A_567, %add3A_621 : i32
        %swap3A_623 = arith.index_cast %add3A_622 : i32 to index
        %swap3A_624 = tpu.vector_load %arg16[%swap3A_623] {strides = array<i32>} : memref<41088xf32, #tpu.memory_space<vmem>>, vector<16xf32>,
        tpu.vector_store %arg16[%swap3A_623], %max3A_620 {strides = array<i32>} : memref<41088xf32, #tpu.memory_space<vmem>>, vector<16xf32>,
        %add3A_625 = arith.constant 48 : i32
        %add3A_626 = arith.addi %mul3A_567, %add3A_625 : i32
        %get3A_627 = arith.index_cast %add3A_626 : i32 to index
        %get3A_628 = tpu.vector_load %arg16[%get3A_627] {strides = array<i32>} : memref<41088xf32, #tpu.memory_space<vmem>>, vector<16xf32>,
        %get3A_629 = arith.index_cast %add3A_573 : i32 to index
        %get3A_630 = arith.constant 48 : index
        %get3A_631 = tpu.vector_load %arg17[%get3A_629, %get3A_630] {strides = array<i32>} : memref<128x128xf32, #tpu.memory_space<vmem>>, vector<16xf32>,
        %get3A_632 = arith.constant 48 : index
        %get3A_633 = tpu.vector_load %arg15[%get3A_632] {strides = array<i32>} : memref<128xf32, #tpu.memory_space<vmem>>, vector<16xf32>,
        %mul3A_634 = vector.broadcast %squeeze3A_569 : f32 to vector<16xf32>
        %mul3A_635 = arith.mulf %mul3A_634, %get3A_633 : vector<16xf32>
        %add3A_636 = arith.addf %get3A_631, %mul3A_635 : vector<16xf32>
        %max3A_637 = arith.maximumf %get3A_628, %add3A_636 : vector<16xf32>
        %add3A_638 = arith.constant 48 : i32
        %add3A_639 = arith.addi %mul3A_567, %add3A_638 : i32
        %swap3A_640 = arith.index_cast %add3A_639 : i32 to index
        %swap3A_641 = tpu.vector_load %arg16[%swap3A_640] {strides = array<i32>} : memref<41088xf32, #tpu.memory_space<vmem>>, vector<16xf32>,
        tpu.vector_store %arg16[%swap3A_640], %max3A_637 {strides = array<i32>} : memref<41088xf32, #tpu.memory_space<vmem>>, vector<16xf32>,
        %add3A_642 = arith.constant 64 : i32
        %add3A_643 = arith.addi %mul3A_567, %add3A_642 : i32
        %get3A_644 = arith.index_cast %add3A_643 : i32 to index
        %get3A_645 = tpu.vector_load %arg16[%get3A_644] {strides = array<i32>} : memref<41088xf32, #tpu.memory_space<vmem>>, vector<16xf32>,
        %get3A_646 = arith.index_cast %add3A_573 : i32 to index
        %get3A_647 = arith.constant 64 : index
        %get3A_648 = tpu.vector_load %arg17[%get3A_646, %get3A_647] {strides = array<i32>} : memref<128x128xf32, #tpu.memory_space<vmem>>, vector<16xf32>,
        %get3A_649 = arith.constant 64 : index
        %get3A_650 = tpu.vector_load %arg15[%get3A_649] {strides = array<i32>} : memref<128xf32, #tpu.memory_space<vmem>>, vector<16xf32>,
        %mul3A_651 = vector.broadcast %squeeze3A_569 : f32 to vector<16xf32>
        %mul3A_652 = arith.mulf %mul3A_651, %get3A_650 : vector<16xf32>
        %add3A_653 = arith.addf %get3A_648, %mul3A_652 : vector<16xf32>
        %max3A_654 = arith.maximumf %get3A_645, %add3A_653 : vector<16xf32>
        %add3A_655 = arith.constant 64 : i32
        %add3A_656 = arith.addi %mul3A_567, %add3A_655 : i32
        %swap3A_657 = arith.index_cast %add3A_656 : i32 to index
        %swap3A_658 = tpu.vector_load %arg16[%swap3A_657] {strides = array<i32>} : memref<41088xf32, #tpu.memory_space<vmem>>, vector<16xf32>,
        tpu.vector_store %arg16[%swap3A_657], %max3A_654 {strides = array<i32>} : memref<41088xf32, #tpu.memory_space<vmem>>, vector<16xf32>,
        %add3A_659 = arith.constant 80 : i32
        %add3A_660 = arith.addi %mul3A_567, %add3A_659 : i32
        %get3A_661 = arith.index_cast %add3A_660 : i32 to index
        %get3A_662 = tpu.vector_load %arg16[%get3A_661] {strides = array<i32>} : memref<41088xf32, #tpu.memory_space<vmem>>, vector<16xf32>,
        %get3A_663 = arith.index_cast %add3A_573 : i32 to index
        %get3A_664 = arith.constant 80 : index
        %get3A_665 = tpu.vector_load %arg17[%get3A_663, %get3A_664] {strides = array<i32>} : memref<128x128xf32, #tpu.memory_space<vmem>>, vector<16xf32>,
        %get3A_666 = arith.constant 80 : index
        %get3A_667 = tpu.vector_load %arg15[%get3A_666] {strides = array<i32>} : memref<128xf32, #tpu.memory_space<vmem>>, vector<16xf32>,
        %mul3A_668 = vector.broadcast %squeeze3A_569 : f32 to vector<16xf32>
        %mul3A_669 = arith.mulf %mul3A_668, %get3A_667 : vector<16xf32>
        %add3A_670 = arith.addf %get3A_665, %mul3A_669 : vector<16xf32>
        %max3A_671 = arith.maximumf %get3A_662, %add3A_670 : vector<16xf32>
        %add3A_672 = arith.constant 80 : i32
        %add3A_673 = arith.addi %mul3A_567, %add3A_672 : i32
        %swap3A_674 = arith.index_cast %add3A_673 : i32 to index
        %swap3A_675 = tpu.vector_load %arg16[%swap3A_674] {strides = array<i32>} : memref<41088xf32, #tpu.memory_space<vmem>>, vector<16xf32>,
        tpu.vector_store %arg16[%swap3A_674], %max3A_671 {strides = array<i32>} : memref<41088xf32, #tpu.memory_space<vmem>>, vector<16xf32>,
        %add3A_676 = arith.constant 96 : i32
        %add3A_677 = arith.addi %mul3A_567, %add3A_676 : i32
        %get3A_678 = arith.index_cast %add3A_677 : i32 to index
        %get3A_679 = tpu.vector_load %arg16[%get3A_678] {strides = array<i32>} : memref<41088xf32, #tpu.memory_space<vmem>>, vector<16xf32>,
        %get3A_680 = arith.index_cast %add3A_573 : i32 to index
        %get3A_681 = arith.constant 96 : index
        %get3A_682 = tpu.vector_load %arg17[%get3A_680, %get3A_681] {strides = array<i32>} : memref<128x128xf32, #tpu.memory_space<vmem>>, vector<16xf32>,
        %get3A_683 = arith.constant 96 : index
        %get3A_684 = tpu.vector_load %arg15[%get3A_683] {strides = array<i32>} : memref<128xf32, #tpu.memory_space<vmem>>, vector<16xf32>,
        %mul3A_685 = vector.broadcast %squeeze3A_569 : f32 to vector<16xf32>
        %mul3A_686 = arith.mulf %mul3A_685, %get3A_684 : vector<16xf32>
        %add3A_687 = arith.addf %get3A_682, %mul3A_686 : vector<16xf32>
        %max3A_688 = arith.maximumf %get3A_679, %add3A_687 : vector<16xf32>
        %add3A_689 = arith.constant 96 : i32
        %add3A_690 = arith.addi %mul3A_567, %add3A_689 : i32
        %swap3A_691 = arith.index_cast %add3A_690 : i32 to index
        %swap3A_692 = tpu.vector_load %arg16[%swap3A_691] {strides = array<i32>} : memref<41088xf32, #tpu.memory_space<vmem>>, vector<16xf32>,
        tpu.vector_store %arg16[%swap3A_691], %max3A_688 {strides = array<i32>} : memref<41088xf32, #tpu.memory_space<vmem>>, vector<16xf32>,
        %add3A_693 = arith.constant 112 : i32
        %add3A_694 = arith.addi %mul3A_567, %add3A_693 : i32
        %get3A_695 = arith.index_cast %add3A_694 : i32 to index
        %get3A_696 = tpu.vector_load %arg16[%get3A_695] {strides = array<i32>} : memref<41088xf32, #tpu.memory_space<vmem>>, vector<16xf32>,
        %get3A_697 = arith.index_cast %add3A_573 : i32 to index
        %get3A_698 = arith.constant 112 : index
        %get3A_699 = tpu.vector_load %arg17[%get3A_697, %get3A_698] {strides = array<i32>} : memref<128x128xf32, #tpu.memory_space<vmem>>, vector<16xf32>,
        %get3A_700 = arith.constant 112 : index
        %get3A_701 = tpu.vector_load %arg15[%get3A_700] {strides = array<i32>} : memref<128xf32, #tpu.memory_space<vmem>>, vector<16xf32>,
        %mul3A_702 = vector.broadcast %squeeze3A_569 : f32 to vector<16xf32>
        %mul3A_703 = arith.mulf %mul3A_702, %get3A_701 : vector<16xf32>
        %add3A_704 = arith.addf %get3A_699, %mul3A_703 : vector<16xf32>
        %max3A_705 = arith.maximumf %get3A_696, %add3A_704 : vector<16xf32>
        %add3A_706 = arith.constant 112 : i32
        %add3A_707 = arith.addi %mul3A_567, %add3A_706 : i32
        %swap3A_708 = arith.index_cast %add3A_707 : i32 to index
        %swap3A_709 = tpu.vector_load %arg16[%swap3A_708] {strides = array<i32>} : memref<41088xf32, #tpu.memory_space<vmem>>, vector<16xf32>,
        tpu.vector_store %arg16[%swap3A_708], %max3A_705 {strides = array<i32>} : memref<41088xf32, #tpu.memory_space<vmem>>, vector<16xf32>,
        %slice3A_710 = vector.extract_strided_slice %get3A_123 {offsets = [4], sizes = [1], strides = [1]} : vector<16xi32> to vector<1xi32>
        %squeeze3A_711 = vector.extract %slice3A_710[0] : i32 from vector<1xi32>
        %mul3A_712 = arith.constant 128 : i32
        %mul3A_713 = arith.muli %squeeze3A_711, %mul3A_712 : i32
        %slice3A_714 = vector.extract_strided_slice %get3A_128 {offsets = [4], sizes = [1], strides = [1]} : vector<16xf32> to vector<1xf32>
        %squeeze3A_715 = vector.extract %slice3A_714[0] : f32 from vector<1xf32>
        %mul3A_716 = arith.constant 16 : i32
        %mul3A_717 = arith.muli %scan3A_118, %mul3A_716 : i32
        %add3A_718 = arith.constant 4 : i32
        %add3A_719 = arith.addi %mul3A_717, %add3A_718 : i32
        %add3A_720 = arith.constant 0 : i32
        %add3A_721 = arith.addi %mul3A_713, %add3A_720 : i32
        %get3A_722 = arith.index_cast %add3A_721 : i32 to index
        %get3A_723 = tpu.vector_load %arg16[%get3A_722] {strides = array<i32>} : memref<41088xf32, #tpu.memory_space<vmem>>, vector<16xf32>,
        %get3A_724 = arith.index_cast %add3A_719 : i32 to index
        %get3A_725 = arith.constant 0 : index
        %get3A_726 = tpu.vector_load %arg17[%get3A_724, %get3A_725] {strides = array<i32>} : memref<128x128xf32, #tpu.memory_space<vmem>>, vector<16xf32>,
        %get3A_727 = arith.constant 0 : index
        %get3A_728 = tpu.vector_load %arg15[%get3A_727] {strides = array<i32>} : memref<128xf32, #tpu.memory_space<vmem>>, vector<16xf32>,
        %mul3A_729 = vector.broadcast %squeeze3A_715 : f32 to vector<16xf32>
        %mul3A_730 = arith.mulf %mul3A_729, %get3A_728 : vector<16xf32>
        %add3A_731 = arith.addf %get3A_726, %mul3A_730 : vector<16xf32>
        %max3A_732 = arith.maximumf %get3A_723, %add3A_731 : vector<16xf32>
        %add3A_733 = arith.constant 0 : i32
        %add3A_734 = arith.addi %mul3A_713, %add3A_733 : i32
        %swap3A_735 = arith.index_cast %add3A_734 : i32 to index
        %swap3A_736 = tpu.vector_load %arg16[%swap3A_735] {strides = array<i32>} : memref<41088xf32, #tpu.memory_space<vmem>>, vector<16xf32>,
        tpu.vector_store %arg16[%swap3A_735], %max3A_732 {strides = array<i32>} : memref<41088xf32, #tpu.memory_space<vmem>>, vector<16xf32>,
        %add3A_737 = arith.constant 16 : i32
        %add3A_738 = arith.addi %mul3A_713, %add3A_737 : i32
        %get3A_739 = arith.index_cast %add3A_738 : i32 to index
        %get3A_740 = tpu.vector_load %arg16[%get3A_739] {strides = array<i32>} : memref<41088xf32, #tpu.memory_space<vmem>>, vector<16xf32>,
        %get3A_741 = arith.index_cast %add3A_719 : i32 to index
        %get3A_742 = arith.constant 16 : index
        %get3A_743 = tpu.vector_load %arg17[%get3A_741, %get3A_742] {strides = array<i32>} : memref<128x128xf32, #tpu.memory_space<vmem>>, vector<16xf32>,
        %get3A_744 = arith.constant 16 : index
        %get3A_745 = tpu.vector_load %arg15[%get3A_744] {strides = array<i32>} : memref<128xf32, #tpu.memory_space<vmem>>, vector<16xf32>,
        %mul3A_746 = vector.broadcast %squeeze3A_715 : f32 to vector<16xf32>
        %mul3A_747 = arith.mulf %mul3A_746, %get3A_745 : vector<16xf32>
        %add3A_748 = arith.addf %get3A_743, %mul3A_747 : vector<16xf32>
        %max3A_749 = arith.maximumf %get3A_740, %add3A_748 : vector<16xf32>
        %add3A_750 = arith.constant 16 : i32
        %add3A_751 = arith.addi %mul3A_713, %add3A_750 : i32
        %swap3A_752 = arith.index_cast %add3A_751 : i32 to index
        %swap3A_753 = tpu.vector_load %arg16[%swap3A_752] {strides = array<i32>} : memref<41088xf32, #tpu.memory_space<vmem>>, vector<16xf32>,
        tpu.vector_store %arg16[%swap3A_752], %max3A_749 {strides = array<i32>} : memref<41088xf32, #tpu.memory_space<vmem>>, vector<16xf32>,
        %add3A_754 = arith.constant 32 : i32
        %add3A_755 = arith.addi %mul3A_713, %add3A_754 : i32
        %get3A_756 = arith.index_cast %add3A_755 : i32 to index
        %get3A_757 = tpu.vector_load %arg16[%get3A_756] {strides = array<i32>} : memref<41088xf32, #tpu.memory_space<vmem>>, vector<16xf32>,
        %get3A_758 = arith.index_cast %add3A_719 : i32 to index
        %get3A_759 = arith.constant 32 : index
        %get3A_760 = tpu.vector_load %arg17[%get3A_758, %get3A_759] {strides = array<i32>} : memref<128x128xf32, #tpu.memory_space<vmem>>, vector<16xf32>,
        %get3A_761 = arith.constant 32 : index
        %get3A_762 = tpu.vector_load %arg15[%get3A_761] {strides = array<i32>} : memref<128xf32, #tpu.memory_space<vmem>>, vector<16xf32>,
        %mul3A_763 = vector.broadcast %squeeze3A_715 : f32 to vector<16xf32>
        %mul3A_764 = arith.mulf %mul3A_763, %get3A_762 : vector<16xf32>
        %add3A_765 = arith.addf %get3A_760, %mul3A_764 : vector<16xf32>
        %max3A_766 = arith.maximumf %get3A_757, %add3A_765 : vector<16xf32>
        %add3A_767 = arith.constant 32 : i32
        %add3A_768 = arith.addi %mul3A_713, %add3A_767 : i32
        %swap3A_769 = arith.index_cast %add3A_768 : i32 to index
        %swap3A_770 = tpu.vector_load %arg16[%swap3A_769] {strides = array<i32>} : memref<41088xf32, #tpu.memory_space<vmem>>, vector<16xf32>,
        tpu.vector_store %arg16[%swap3A_769], %max3A_766 {strides = array<i32>} : memref<41088xf32, #tpu.memory_space<vmem>>, vector<16xf32>,
        %add3A_771 = arith.constant 48 : i32
        %add3A_772 = arith.addi %mul3A_713, %add3A_771 : i32
        %get3A_773 = arith.index_cast %add3A_772 : i32 to index
        %get3A_774 = tpu.vector_load %arg16[%get3A_773] {strides = array<i32>} : memref<41088xf32, #tpu.memory_space<vmem>>, vector<16xf32>,
        %get3A_775 = arith.index_cast %add3A_719 : i32 to index
        %get3A_776 = arith.constant 48 : index
        %get3A_777 = tpu.vector_load %arg17[%get3A_775, %get3A_776] {strides = array<i32>} : memref<128x128xf32, #tpu.memory_space<vmem>>, vector<16xf32>,
        %get3A_778 = arith.constant 48 : index
        %get3A_779 = tpu.vector_load %arg15[%get3A_778] {strides = array<i32>} : memref<128xf32, #tpu.memory_space<vmem>>, vector<16xf32>,
        %mul3A_780 = vector.broadcast %squeeze3A_715 : f32 to vector<16xf32>
        %mul3A_781 = arith.mulf %mul3A_780, %get3A_779 : vector<16xf32>
        %add3A_782 = arith.addf %get3A_777, %mul3A_781 : vector<16xf32>
        %max3A_783 = arith.maximumf %get3A_774, %add3A_782 : vector<16xf32>
        %add3A_784 = arith.constant 48 : i32
        %add3A_785 = arith.addi %mul3A_713, %add3A_784 : i32
        %swap3A_786 = arith.index_cast %add3A_785 : i32 to index
        %swap3A_787 = tpu.vector_load %arg16[%swap3A_786] {strides = array<i32>} : memref<41088xf32, #tpu.memory_space<vmem>>, vector<16xf32>,
        tpu.vector_store %arg16[%swap3A_786], %max3A_783 {strides = array<i32>} : memref<41088xf32, #tpu.memory_space<vmem>>, vector<16xf32>,
        %add3A_788 = arith.constant 64 : i32
        %add3A_789 = arith.addi %mul3A_713, %add3A_788 : i32
        %get3A_790 = arith.index_cast %add3A_789 : i32 to index
        %get3A_791 = tpu.vector_load %arg16[%get3A_790] {strides = array<i32>} : memref<41088xf32, #tpu.memory_space<vmem>>, vector<16xf32>,
        %get3A_792 = arith.index_cast %add3A_719 : i32 to index
        %get3A_793 = arith.constant 64 : index
        %get3A_794 = tpu.vector_load %arg17[%get3A_792, %get3A_793] {strides = array<i32>} : memref<128x128xf32, #tpu.memory_space<vmem>>, vector<16xf32>,
        %get3A_795 = arith.constant 64 : index
        %get3A_796 = tpu.vector_load %arg15[%get3A_795] {strides = array<i32>} : memref<128xf32, #tpu.memory_space<vmem>>, vector<16xf32>,
        %mul3A_797 = vector.broadcast %squeeze3A_715 : f32 to vector<16xf32>
        %mul3A_798 = arith.mulf %mul3A_797, %get3A_796 : vector<16xf32>
        %add3A_799 = arith.addf %get3A_794, %mul3A_798 : vector<16xf32>
        %max3A_800 = arith.maximumf %get3A_791, %add3A_799 : vector<16xf32>
        %add3A_801 = arith.constant 64 : i32
        %add3A_802 = arith.addi %mul3A_713, %add3A_801 : i32
        %swap3A_803 = arith.index_cast %add3A_802 : i32 to index
        %swap3A_804 = tpu.vector_load %arg16[%swap3A_803] {strides = array<i32>} : memref<41088xf32, #tpu.memory_space<vmem>>, vector<16xf32>,
        tpu.vector_store %arg16[%swap3A_803], %max3A_800 {strides = array<i32>} : memref<41088xf32, #tpu.memory_space<vmem>>, vector<16xf32>,
        %add3A_805 = arith.constant 80 : i32
        %add3A_806 = arith.addi %mul3A_713, %add3A_805 : i32
        %get3A_807 = arith.index_cast %add3A_806 : i32 to index
        %get3A_808 = tpu.vector_load %arg16[%get3A_807] {strides = array<i32>} : memref<41088xf32, #tpu.memory_space<vmem>>, vector<16xf32>,
        %get3A_809 = arith.index_cast %add3A_719 : i32 to index
        %get3A_810 = arith.constant 80 : index
        %get3A_811 = tpu.vector_load %arg17[%get3A_809, %get3A_810] {strides = array<i32>} : memref<128x128xf32, #tpu.memory_space<vmem>>, vector<16xf32>,
        %get3A_812 = arith.constant 80 : index
        %get3A_813 = tpu.vector_load %arg15[%get3A_812] {strides = array<i32>} : memref<128xf32, #tpu.memory_space<vmem>>, vector<16xf32>,
        %mul3A_814 = vector.broadcast %squeeze3A_715 : f32 to vector<16xf32>
        %mul3A_815 = arith.mulf %mul3A_814, %get3A_813 : vector<16xf32>
        %add3A_816 = arith.addf %get3A_811, %mul3A_815 : vector<16xf32>
        %max3A_817 = arith.maximumf %get3A_808, %add3A_816 : vector<16xf32>
        %add3A_818 = arith.constant 80 : i32
        %add3A_819 = arith.addi %mul3A_713, %add3A_818 : i32
        %swap3A_820 = arith.index_cast %add3A_819 : i32 to index
        %swap3A_821 = tpu.vector_load %arg16[%swap3A_820] {strides = array<i32>} : memref<41088xf32, #tpu.memory_space<vmem>>, vector<16xf32>,
        tpu.vector_store %arg16[%swap3A_820], %max3A_817 {strides = array<i32>} : memref<41088xf32, #tpu.memory_space<vmem>>, vector<16xf32>,
        %add3A_822 = arith.constant 96 : i32
        %add3A_823 = arith.addi %mul3A_713, %add3A_822 : i32
        %get3A_824 = arith.index_cast %add3A_823 : i32 to index
        %get3A_825 = tpu.vector_load %arg16[%get3A_824] {strides = array<i32>} : memref<41088xf32, #tpu.memory_space<vmem>>, vector<16xf32>,
        %get3A_826 = arith.index_cast %add3A_719 : i32 to index
        %get3A_827 = arith.constant 96 : index
        %get3A_828 = tpu.vector_load %arg17[%get3A_826, %get3A_827] {strides = array<i32>} : memref<128x128xf32, #tpu.memory_space<vmem>>, vector<16xf32>,
        %get3A_829 = arith.constant 96 : index
        %get3A_830 = tpu.vector_load %arg15[%get3A_829] {strides = array<i32>} : memref<128xf32, #tpu.memory_space<vmem>>, vector<16xf32>,
        %mul3A_831 = vector.broadcast %squeeze3A_715 : f32 to vector<16xf32>
        %mul3A_832 = arith.mulf %mul3A_831, %get3A_830 : vector<16xf32>
        %add3A_833 = arith.addf %get3A_828, %mul3A_832 : vector<16xf32>
        %max3A_834 = arith.maximumf %get3A_825, %add3A_833 : vector<16xf32>
        %add3A_835 = arith.constant 96 : i32
        %add3A_836 = arith.addi %mul3A_713, %add3A_835 : i32
        %swap3A_837 = arith.index_cast %add3A_836 : i32 to index
        %swap3A_838 = tpu.vector_load %arg16[%swap3A_837] {strides = array<i32>} : memref<41088xf32, #tpu.memory_space<vmem>>, vector<16xf32>,
        tpu.vector_store %arg16[%swap3A_837], %max3A_834 {strides = array<i32>} : memref<41088xf32, #tpu.memory_space<vmem>>, vector<16xf32>,
        %add3A_839 = arith.constant 112 : i32
        %add3A_840 = arith.addi %mul3A_713, %add3A_839 : i32
        %get3A_841 = arith.index_cast %add3A_840 : i32 to index
        %get3A_842 = tpu.vector_load %arg16[%get3A_841] {strides = array<i32>} : memref<41088xf32, #tpu.memory_space<vmem>>, vector<16xf32>,
        %get3A_843 = arith.index_cast %add3A_719 : i32 to index
        %get3A_844 = arith.constant 112 : index
        %get3A_845 = tpu.vector_load %arg17[%get3A_843, %get3A_844] {strides = array<i32>} : memref<128x128xf32, #tpu.memory_space<vmem>>, vector<16xf32>,
        %get3A_846 = arith.constant 112 : index
        %get3A_847 = tpu.vector_load %arg15[%get3A_846] {strides = array<i32>} : memref<128xf32, #tpu.memory_space<vmem>>, vector<16xf32>,
        %mul3A_848 = vector.broadcast %squeeze3A_715 : f32 to vector<16xf32>
        %mul3A_849 = arith.mulf %mul3A_848, %get3A_847 : vector<16xf32>
        %add3A_850 = arith.addf %get3A_845, %mul3A_849 : vector<16xf32>
        %max3A_851 = arith.maximumf %get3A_842, %add3A_850 : vector<16xf32>
        %add3A_852 = arith.constant 112 : i32
        %add3A_853 = arith.addi %mul3A_713, %add3A_852 : i32
        %swap3A_854 = arith.index_cast %add3A_853 : i32 to index
        %swap3A_855 = tpu.vector_load %arg16[%swap3A_854] {strides = array<i32>} : memref<41088xf32, #tpu.memory_space<vmem>>, vector<16xf32>,
        tpu.vector_store %arg16[%swap3A_854], %max3A_851 {strides = array<i32>} : memref<41088xf32, #tpu.memory_space<vmem>>, vector<16xf32>,
        %slice3A_856 = vector.extract_strided_slice %get3A_123 {offsets = [5], sizes = [1], strides = [1]} : vector<16xi32> to vector<1xi32>
        %squeeze3A_857 = vector.extract %slice3A_856[0] : i32 from vector<1xi32>
        %mul3A_858 = arith.constant 128 : i32
        %mul3A_859 = arith.muli %squeeze3A_857, %mul3A_858 : i32
        %slice3A_860 = vector.extract_strided_slice %get3A_128 {offsets = [5], sizes = [1], strides = [1]} : vector<16xf32> to vector<1xf32>
        %squeeze3A_861 = vector.extract %slice3A_860[0] : f32 from vector<1xf32>
        %mul3A_862 = arith.constant 16 : i32
        %mul3A_863 = arith.muli %scan3A_118, %mul3A_862 : i32
        %add3A_864 = arith.constant 5 : i32
        %add3A_865 = arith.addi %mul3A_863, %add3A_864 : i32
        %add3A_866 = arith.constant 0 : i32
        %add3A_867 = arith.addi %mul3A_859, %add3A_866 : i32
        %get3A_868 = arith.index_cast %add3A_867 : i32 to index
        %get3A_869 = tpu.vector_load %arg16[%get3A_868] {strides = array<i32>} : memref<41088xf32, #tpu.memory_space<vmem>>, vector<16xf32>,
        %get3A_870 = arith.index_cast %add3A_865 : i32 to index
        %get3A_871 = arith.constant 0 : index
        %get3A_872 = tpu.vector_load %arg17[%get3A_870, %get3A_871] {strides = array<i32>} : memref<128x128xf32, #tpu.memory_space<vmem>>, vector<16xf32>,
        %get3A_873 = arith.constant 0 : index
        %get3A_874 = tpu.vector_load %arg15[%get3A_873] {strides = array<i32>} : memref<128xf32, #tpu.memory_space<vmem>>, vector<16xf32>,
        %mul3A_875 = vector.broadcast %squeeze3A_861 : f32 to vector<16xf32>
        %mul3A_876 = arith.mulf %mul3A_875, %get3A_874 : vector<16xf32>
        %add3A_877 = arith.addf %get3A_872, %mul3A_876 : vector<16xf32>
        %max3A_878 = arith.maximumf %get3A_869, %add3A_877 : vector<16xf32>
        %add3A_879 = arith.constant 0 : i32
        %add3A_880 = arith.addi %mul3A_859, %add3A_879 : i32
        %swap3A_881 = arith.index_cast %add3A_880 : i32 to index
        %swap3A_882 = tpu.vector_load %arg16[%swap3A_881] {strides = array<i32>} : memref<41088xf32, #tpu.memory_space<vmem>>, vector<16xf32>,
        tpu.vector_store %arg16[%swap3A_881], %max3A_878 {strides = array<i32>} : memref<41088xf32, #tpu.memory_space<vmem>>, vector<16xf32>,
        %add3A_883 = arith.constant 16 : i32
        %add3A_884 = arith.addi %mul3A_859, %add3A_883 : i32
        %get3A_885 = arith.index_cast %add3A_884 : i32 to index
        %get3A_886 = tpu.vector_load %arg16[%get3A_885] {strides = array<i32>} : memref<41088xf32, #tpu.memory_space<vmem>>, vector<16xf32>,
        %get3A_887 = arith.index_cast %add3A_865 : i32 to index
        %get3A_888 = arith.constant 16 : index
        %get3A_889 = tpu.vector_load %arg17[%get3A_887, %get3A_888] {strides = array<i32>} : memref<128x128xf32, #tpu.memory_space<vmem>>, vector<16xf32>,
        %get3A_890 = arith.constant 16 : index
        %get3A_891 = tpu.vector_load %arg15[%get3A_890] {strides = array<i32>} : memref<128xf32, #tpu.memory_space<vmem>>, vector<16xf32>,
        %mul3A_892 = vector.broadcast %squeeze3A_861 : f32 to vector<16xf32>
        %mul3A_893 = arith.mulf %mul3A_892, %get3A_891 : vector<16xf32>
        %add3A_894 = arith.addf %get3A_889, %mul3A_893 : vector<16xf32>
        %max3A_895 = arith.maximumf %get3A_886, %add3A_894 : vector<16xf32>
        %add3A_896 = arith.constant 16 : i32
        %add3A_897 = arith.addi %mul3A_859, %add3A_896 : i32
        %swap3A_898 = arith.index_cast %add3A_897 : i32 to index
        %swap3A_899 = tpu.vector_load %arg16[%swap3A_898] {strides = array<i32>} : memref<41088xf32, #tpu.memory_space<vmem>>, vector<16xf32>,
        tpu.vector_store %arg16[%swap3A_898], %max3A_895 {strides = array<i32>} : memref<41088xf32, #tpu.memory_space<vmem>>, vector<16xf32>,
        %add3A_900 = arith.constant 32 : i32
        %add3A_901 = arith.addi %mul3A_859, %add3A_900 : i32
        %get3A_902 = arith.index_cast %add3A_901 : i32 to index
        %get3A_903 = tpu.vector_load %arg16[%get3A_902] {strides = array<i32>} : memref<41088xf32, #tpu.memory_space<vmem>>, vector<16xf32>,
        %get3A_904 = arith.index_cast %add3A_865 : i32 to index
        %get3A_905 = arith.constant 32 : index
        %get3A_906 = tpu.vector_load %arg17[%get3A_904, %get3A_905] {strides = array<i32>} : memref<128x128xf32, #tpu.memory_space<vmem>>, vector<16xf32>,
        %get3A_907 = arith.constant 32 : index
        %get3A_908 = tpu.vector_load %arg15[%get3A_907] {strides = array<i32>} : memref<128xf32, #tpu.memory_space<vmem>>, vector<16xf32>,
        %mul3A_909 = vector.broadcast %squeeze3A_861 : f32 to vector<16xf32>
        %mul3A_910 = arith.mulf %mul3A_909, %get3A_908 : vector<16xf32>
        %add3A_911 = arith.addf %get3A_906, %mul3A_910 : vector<16xf32>
        %max3A_912 = arith.maximumf %get3A_903, %add3A_911 : vector<16xf32>
        %add3A_913 = arith.constant 32 : i32
        %add3A_914 = arith.addi %mul3A_859, %add3A_913 : i32
        %swap3A_915 = arith.index_cast %add3A_914 : i32 to index
        %swap3A_916 = tpu.vector_load %arg16[%swap3A_915] {strides = array<i32>} : memref<41088xf32, #tpu.memory_space<vmem>>, vector<16xf32>,
        tpu.vector_store %arg16[%swap3A_915], %max3A_912 {strides = array<i32>} : memref<41088xf32, #tpu.memory_space<vmem>>, vector<16xf32>,
        %add3A_917 = arith.constant 48 : i32
        %add3A_918 = arith.addi %mul3A_859, %add3A_917 : i32
        %get3A_919 = arith.index_cast %add3A_918 : i32 to index
        %get3A_920 = tpu.vector_load %arg16[%get3A_919] {strides = array<i32>} : memref<41088xf32, #tpu.memory_space<vmem>>, vector<16xf32>,
        %get3A_921 = arith.index_cast %add3A_865 : i32 to index
        %get3A_922 = arith.constant 48 : index
        %get3A_923 = tpu.vector_load %arg17[%get3A_921, %get3A_922] {strides = array<i32>} : memref<128x128xf32, #tpu.memory_space<vmem>>, vector<16xf32>,
        %get3A_924 = arith.constant 48 : index
        %get3A_925 = tpu.vector_load %arg15[%get3A_924] {strides = array<i32>} : memref<128xf32, #tpu.memory_space<vmem>>, vector<16xf32>,
        %mul3A_926 = vector.broadcast %squeeze3A_861 : f32 to vector<16xf32>
        %mul3A_927 = arith.mulf %mul3A_926, %get3A_925 : vector<16xf32>
        %add3A_928 = arith.addf %get3A_923, %mul3A_927 : vector<16xf32>
        %max3A_929 = arith.maximumf %get3A_920, %add3A_928 : vector<16xf32>
        %add3A_930 = arith.constant 48 : i32
        %add3A_931 = arith.addi %mul3A_859, %add3A_930 : i32
        %swap3A_932 = arith.index_cast %add3A_931 : i32 to index
        %swap3A_933 = tpu.vector_load %arg16[%swap3A_932] {strides = array<i32>} : memref<41088xf32, #tpu.memory_space<vmem>>, vector<16xf32>,
        tpu.vector_store %arg16[%swap3A_932], %max3A_929 {strides = array<i32>} : memref<41088xf32, #tpu.memory_space<vmem>>, vector<16xf32>,
        %add3A_934 = arith.constant 64 : i32
        %add3A_935 = arith.addi %mul3A_859, %add3A_934 : i32
        %get3A_936 = arith.index_cast %add3A_935 : i32 to index
        %get3A_937 = tpu.vector_load %arg16[%get3A_936] {strides = array<i32>} : memref<41088xf32, #tpu.memory_space<vmem>>, vector<16xf32>,
        %get3A_938 = arith.index_cast %add3A_865 : i32 to index
        %get3A_939 = arith.constant 64 : index
        %get3A_940 = tpu.vector_load %arg17[%get3A_938, %get3A_939] {strides = array<i32>} : memref<128x128xf32, #tpu.memory_space<vmem>>, vector<16xf32>,
        %get3A_941 = arith.constant 64 : index
        %get3A_942 = tpu.vector_load %arg15[%get3A_941] {strides = array<i32>} : memref<128xf32, #tpu.memory_space<vmem>>, vector<16xf32>,
        %mul3A_943 = vector.broadcast %squeeze3A_861 : f32 to vector<16xf32>
        %mul3A_944 = arith.mulf %mul3A_943, %get3A_942 : vector<16xf32>
        %add3A_945 = arith.addf %get3A_940, %mul3A_944 : vector<16xf32>
        %max3A_946 = arith.maximumf %get3A_937, %add3A_945 : vector<16xf32>
        %add3A_947 = arith.constant 64 : i32
        %add3A_948 = arith.addi %mul3A_859, %add3A_947 : i32
        %swap3A_949 = arith.index_cast %add3A_948 : i32 to index
        %swap3A_950 = tpu.vector_load %arg16[%swap3A_949] {strides = array<i32>} : memref<41088xf32, #tpu.memory_space<vmem>>, vector<16xf32>,
        tpu.vector_store %arg16[%swap3A_949], %max3A_946 {strides = array<i32>} : memref<41088xf32, #tpu.memory_space<vmem>>, vector<16xf32>,
        %add3A_951 = arith.constant 80 : i32
        %add3A_952 = arith.addi %mul3A_859, %add3A_951 : i32
        %get3A_953 = arith.index_cast %add3A_952 : i32 to index
        %get3A_954 = tpu.vector_load %arg16[%get3A_953] {strides = array<i32>} : memref<41088xf32, #tpu.memory_space<vmem>>, vector<16xf32>,
        %get3A_955 = arith.index_cast %add3A_865 : i32 to index
        %get3A_956 = arith.constant 80 : index
        %get3A_957 = tpu.vector_load %arg17[%get3A_955, %get3A_956] {strides = array<i32>} : memref<128x128xf32, #tpu.memory_space<vmem>>, vector<16xf32>,
        %get3A_958 = arith.constant 80 : index
        %get3A_959 = tpu.vector_load %arg15[%get3A_958] {strides = array<i32>} : memref<128xf32, #tpu.memory_space<vmem>>, vector<16xf32>,
        %mul3A_960 = vector.broadcast %squeeze3A_861 : f32 to vector<16xf32>
        %mul3A_961 = arith.mulf %mul3A_960, %get3A_959 : vector<16xf32>
        %add3A_962 = arith.addf %get3A_957, %mul3A_961 : vector<16xf32>
        %max3A_963 = arith.maximumf %get3A_954, %add3A_962 : vector<16xf32>
        %add3A_964 = arith.constant 80 : i32
        %add3A_965 = arith.addi %mul3A_859, %add3A_964 : i32
        %swap3A_966 = arith.index_cast %add3A_965 : i32 to index
        %swap3A_967 = tpu.vector_load %arg16[%swap3A_966] {strides = array<i32>} : memref<41088xf32, #tpu.memory_space<vmem>>, vector<16xf32>,
        tpu.vector_store %arg16[%swap3A_966], %max3A_963 {strides = array<i32>} : memref<41088xf32, #tpu.memory_space<vmem>>, vector<16xf32>,
        %add3A_968 = arith.constant 96 : i32
        %add3A_969 = arith.addi %mul3A_859, %add3A_968 : i32
        %get3A_970 = arith.index_cast %add3A_969 : i32 to index
        %get3A_971 = tpu.vector_load %arg16[%get3A_970] {strides = array<i32>} : memref<41088xf32, #tpu.memory_space<vmem>>, vector<16xf32>,
        %get3A_972 = arith.index_cast %add3A_865 : i32 to index
        %get3A_973 = arith.constant 96 : index
        %get3A_974 = tpu.vector_load %arg17[%get3A_972, %get3A_973] {strides = array<i32>} : memref<128x128xf32, #tpu.memory_space<vmem>>, vector<16xf32>,
        %get3A_975 = arith.constant 96 : index
        %get3A_976 = tpu.vector_load %arg15[%get3A_975] {strides = array<i32>} : memref<128xf32, #tpu.memory_space<vmem>>, vector<16xf32>,
        %mul3A_977 = vector.broadcast %squeeze3A_861 : f32 to vector<16xf32>
        %mul3A_978 = arith.mulf %mul3A_977, %get3A_976 : vector<16xf32>
        %add3A_979 = arith.addf %get3A_974, %mul3A_978 : vector<16xf32>
        %max3A_980 = arith.maximumf %get3A_971, %add3A_979 : vector<16xf32>
        %add3A_981 = arith.constant 96 : i32
        %add3A_982 = arith.addi %mul3A_859, %add3A_981 : i32
        %swap3A_983 = arith.index_cast %add3A_982 : i32 to index
        %swap3A_984 = tpu.vector_load %arg16[%swap3A_983] {strides = array<i32>} : memref<41088xf32, #tpu.memory_space<vmem>>, vector<16xf32>,
        tpu.vector_store %arg16[%swap3A_983], %max3A_980 {strides = array<i32>} : memref<41088xf32, #tpu.memory_space<vmem>>, vector<16xf32>,
        %add3A_985 = arith.constant 112 : i32
        %add3A_986 = arith.addi %mul3A_859, %add3A_985 : i32
        %get3A_987 = arith.index_cast %add3A_986 : i32 to index
        %get3A_988 = tpu.vector_load %arg16[%get3A_987] {strides = array<i32>} : memref<41088xf32, #tpu.memory_space<vmem>>, vector<16xf32>,
        %get3A_989 = arith.index_cast %add3A_865 : i32 to index
        %get3A_990 = arith.constant 112 : index
        %get3A_991 = tpu.vector_load %arg17[%get3A_989, %get3A_990] {strides = array<i32>} : memref<128x128xf32, #tpu.memory_space<vmem>>, vector<16xf32>,
        %get3A_992 = arith.constant 112 : index
        %get3A_993 = tpu.vector_load %arg15[%get3A_992] {strides = array<i32>} : memref<128xf32, #tpu.memory_space<vmem>>, vector<16xf32>,
        %mul3A_994 = vector.broadcast %squeeze3A_861 : f32 to vector<16xf32>
        %mul3A_995 = arith.mulf %mul3A_994, %get3A_993 : vector<16xf32>
        %add3A_996 = arith.addf %get3A_991, %mul3A_995 : vector<16xf32>
        %max3A_997 = arith.maximumf %get3A_988, %add3A_996 : vector<16xf32>
        %add3A_998 = arith.constant 112 : i32
        %add3A_999 = arith.addi %mul3A_859, %add3A_998 : i32
        %swap3A_1000 = arith.index_cast %add3A_999 : i32 to index
        %swap3A_1001 = tpu.vector_load %arg16[%swap3A_1000] {strides = array<i32>} : memref<41088xf32, #tpu.memory_space<vmem>>, vector<16xf32>,
        tpu.vector_store %arg16[%swap3A_1000], %max3A_997 {strides = array<i32>} : memref<41088xf32, #tpu.memory_space<vmem>>, vector<16xf32>,
        %slice3A_1002 = vector.extract_strided_slice %get3A_123 {offsets = [6], sizes = [1], strides = [1]} : vector<16xi32> to vector<1xi32>
        %squeeze3A_1003 = vector.extract %slice3A_1002[0] : i32 from vector<1xi32>
        %mul3A_1004 = arith.constant 128 : i32
        %mul3A_1005 = arith.muli %squeeze3A_1003, %mul3A_1004 : i32
        %slice3A_1006 = vector.extract_strided_slice %get3A_128 {offsets = [6], sizes = [1], strides = [1]} : vector<16xf32> to vector<1xf32>
        %squeeze3A_1007 = vector.extract %slice3A_1006[0] : f32 from vector<1xf32>
        %mul3A_1008 = arith.constant 16 : i32
        %mul3A_1009 = arith.muli %scan3A_118, %mul3A_1008 : i32
        %add3A_1010 = arith.constant 6 : i32
        %add3A_1011 = arith.addi %mul3A_1009, %add3A_1010 : i32
        %add3A_1012 = arith.constant 0 : i32
        %add3A_1013 = arith.addi %mul3A_1005, %add3A_1012 : i32
        %get3A_1014 = arith.index_cast %add3A_1013 : i32 to index
        %get3A_1015 = tpu.vector_load %arg16[%get3A_1014] {strides = array<i32>} : memref<41088xf32, #tpu.memory_space<vmem>>, vector<16xf32>,
        %get3A_1016 = arith.index_cast %add3A_1011 : i32 to index
        %get3A_1017 = arith.constant 0 : index
        %get3A_1018 = tpu.vector_load %arg17[%get3A_1016, %get3A_1017] {strides = array<i32>} : memref<128x128xf32, #tpu.memory_space<vmem>>, vector<16xf32>,
        %get3A_1019 = arith.constant 0 : index
        %get3A_1020 = tpu.vector_load %arg15[%get3A_1019] {strides = array<i32>} : memref<128xf32, #tpu.memory_space<vmem>>, vector<16xf32>,
        %mul3A_1021 = vector.broadcast %squeeze3A_1007 : f32 to vector<16xf32>
        %mul3A_1022 = arith.mulf %mul3A_1021, %get3A_1020 : vector<16xf32>
        %add3A_1023 = arith.addf %get3A_1018, %mul3A_1022 : vector<16xf32>
        %max3A_1024 = arith.maximumf %get3A_1015, %add3A_1023 : vector<16xf32>
        %add3A_1025 = arith.constant 0 : i32
        %add3A_1026 = arith.addi %mul3A_1005, %add3A_1025 : i32
        %swap3A_1027 = arith.index_cast %add3A_1026 : i32 to index
        %swap3A_1028 = tpu.vector_load %arg16[%swap3A_1027] {strides = array<i32>} : memref<41088xf32, #tpu.memory_space<vmem>>, vector<16xf32>,
        tpu.vector_store %arg16[%swap3A_1027], %max3A_1024 {strides = array<i32>} : memref<41088xf32, #tpu.memory_space<vmem>>, vector<16xf32>,
        %add3A_1029 = arith.constant 16 : i32
        %add3A_1030 = arith.addi %mul3A_1005, %add3A_1029 : i32
        %get3A_1031 = arith.index_cast %add3A_1030 : i32 to index
        %get3A_1032 = tpu.vector_load %arg16[%get3A_1031] {strides = array<i32>} : memref<41088xf32, #tpu.memory_space<vmem>>, vector<16xf32>,
        %get3A_1033 = arith.index_cast %add3A_1011 : i32 to index
        %get3A_1034 = arith.constant 16 : index
        %get3A_1035 = tpu.vector_load %arg17[%get3A_1033, %get3A_1034] {strides = array<i32>} : memref<128x128xf32, #tpu.memory_space<vmem>>, vector<16xf32>,
        %get3A_1036 = arith.constant 16 : index
        %get3A_1037 = tpu.vector_load %arg15[%get3A_1036] {strides = array<i32>} : memref<128xf32, #tpu.memory_space<vmem>>, vector<16xf32>,
        %mul3A_1038 = vector.broadcast %squeeze3A_1007 : f32 to vector<16xf32>
        %mul3A_1039 = arith.mulf %mul3A_1038, %get3A_1037 : vector<16xf32>
        %add3A_1040 = arith.addf %get3A_1035, %mul3A_1039 : vector<16xf32>
        %max3A_1041 = arith.maximumf %get3A_1032, %add3A_1040 : vector<16xf32>
        %add3A_1042 = arith.constant 16 : i32
        %add3A_1043 = arith.addi %mul3A_1005, %add3A_1042 : i32
        %swap3A_1044 = arith.index_cast %add3A_1043 : i32 to index
        %swap3A_1045 = tpu.vector_load %arg16[%swap3A_1044] {strides = array<i32>} : memref<41088xf32, #tpu.memory_space<vmem>>, vector<16xf32>,
        tpu.vector_store %arg16[%swap3A_1044], %max3A_1041 {strides = array<i32>} : memref<41088xf32, #tpu.memory_space<vmem>>, vector<16xf32>,
        %add3A_1046 = arith.constant 32 : i32
        %add3A_1047 = arith.addi %mul3A_1005, %add3A_1046 : i32
        %get3A_1048 = arith.index_cast %add3A_1047 : i32 to index
        %get3A_1049 = tpu.vector_load %arg16[%get3A_1048] {strides = array<i32>} : memref<41088xf32, #tpu.memory_space<vmem>>, vector<16xf32>,
        %get3A_1050 = arith.index_cast %add3A_1011 : i32 to index
        %get3A_1051 = arith.constant 32 : index
        %get3A_1052 = tpu.vector_load %arg17[%get3A_1050, %get3A_1051] {strides = array<i32>} : memref<128x128xf32, #tpu.memory_space<vmem>>, vector<16xf32>,
        %get3A_1053 = arith.constant 32 : index
        %get3A_1054 = tpu.vector_load %arg15[%get3A_1053] {strides = array<i32>} : memref<128xf32, #tpu.memory_space<vmem>>, vector<16xf32>,
        %mul3A_1055 = vector.broadcast %squeeze3A_1007 : f32 to vector<16xf32>
        %mul3A_1056 = arith.mulf %mul3A_1055, %get3A_1054 : vector<16xf32>
        %add3A_1057 = arith.addf %get3A_1052, %mul3A_1056 : vector<16xf32>
        %max3A_1058 = arith.maximumf %get3A_1049, %add3A_1057 : vector<16xf32>
        %add3A_1059 = arith.constant 32 : i32
        %add3A_1060 = arith.addi %mul3A_1005, %add3A_1059 : i32
        %swap3A_1061 = arith.index_cast %add3A_1060 : i32 to index
        %swap3A_1062 = tpu.vector_load %arg16[%swap3A_1061] {strides = array<i32>} : memref<41088xf32, #tpu.memory_space<vmem>>, vector<16xf32>,
        tpu.vector_store %arg16[%swap3A_1061], %max3A_1058 {strides = array<i32>} : memref<41088xf32, #tpu.memory_space<vmem>>, vector<16xf32>,
        %add3A_1063 = arith.constant 48 : i32
        %add3A_1064 = arith.addi %mul3A_1005, %add3A_1063 : i32
        %get3A_1065 = arith.index_cast %add3A_1064 : i32 to index
        %get3A_1066 = tpu.vector_load %arg16[%get3A_1065] {strides = array<i32>} : memref<41088xf32, #tpu.memory_space<vmem>>, vector<16xf32>,
        %get3A_1067 = arith.index_cast %add3A_1011 : i32 to index
        %get3A_1068 = arith.constant 48 : index
        %get3A_1069 = tpu.vector_load %arg17[%get3A_1067, %get3A_1068] {strides = array<i32>} : memref<128x128xf32, #tpu.memory_space<vmem>>, vector<16xf32>,
        %get3A_1070 = arith.constant 48 : index
        %get3A_1071 = tpu.vector_load %arg15[%get3A_1070] {strides = array<i32>} : memref<128xf32, #tpu.memory_space<vmem>>, vector<16xf32>,
        %mul3A_1072 = vector.broadcast %squeeze3A_1007 : f32 to vector<16xf32>
        %mul3A_1073 = arith.mulf %mul3A_1072, %get3A_1071 : vector<16xf32>
        %add3A_1074 = arith.addf %get3A_1069, %mul3A_1073 : vector<16xf32>
        %max3A_1075 = arith.maximumf %get3A_1066, %add3A_1074 : vector<16xf32>
        %add3A_1076 = arith.constant 48 : i32
        %add3A_1077 = arith.addi %mul3A_1005, %add3A_1076 : i32
        %swap3A_1078 = arith.index_cast %add3A_1077 : i32 to index
        %swap3A_1079 = tpu.vector_load %arg16[%swap3A_1078] {strides = array<i32>} : memref<41088xf32, #tpu.memory_space<vmem>>, vector<16xf32>,
        tpu.vector_store %arg16[%swap3A_1078], %max3A_1075 {strides = array<i32>} : memref<41088xf32, #tpu.memory_space<vmem>>, vector<16xf32>,
        %add3A_1080 = arith.constant 64 : i32
        %add3A_1081 = arith.addi %mul3A_1005, %add3A_1080 : i32
        %get3A_1082 = arith.index_cast %add3A_1081 : i32 to index
        %get3A_1083 = tpu.vector_load %arg16[%get3A_1082] {strides = array<i32>} : memref<41088xf32, #tpu.memory_space<vmem>>, vector<16xf32>,
        %get3A_1084 = arith.index_cast %add3A_1011 : i32 to index
        %get3A_1085 = arith.constant 64 : index
        %get3A_1086 = tpu.vector_load %arg17[%get3A_1084, %get3A_1085] {strides = array<i32>} : memref<128x128xf32, #tpu.memory_space<vmem>>, vector<16xf32>,
        %get3A_1087 = arith.constant 64 : index
        %get3A_1088 = tpu.vector_load %arg15[%get3A_1087] {strides = array<i32>} : memref<128xf32, #tpu.memory_space<vmem>>, vector<16xf32>,
        %mul3A_1089 = vector.broadcast %squeeze3A_1007 : f32 to vector<16xf32>
        %mul3A_1090 = arith.mulf %mul3A_1089, %get3A_1088 : vector<16xf32>
        %add3A_1091 = arith.addf %get3A_1086, %mul3A_1090 : vector<16xf32>
        %max3A_1092 = arith.maximumf %get3A_1083, %add3A_1091 : vector<16xf32>
        %add3A_1093 = arith.constant 64 : i32
        %add3A_1094 = arith.addi %mul3A_1005, %add3A_1093 : i32
        %swap3A_1095 = arith.index_cast %add3A_1094 : i32 to index
        %swap3A_1096 = tpu.vector_load %arg16[%swap3A_1095] {strides = array<i32>} : memref<41088xf32, #tpu.memory_space<vmem>>, vector<16xf32>,
        tpu.vector_store %arg16[%swap3A_1095], %max3A_1092 {strides = array<i32>} : memref<41088xf32, #tpu.memory_space<vmem>>, vector<16xf32>,
        %add3A_1097 = arith.constant 80 : i32
        %add3A_1098 = arith.addi %mul3A_1005, %add3A_1097 : i32
        %get3A_1099 = arith.index_cast %add3A_1098 : i32 to index
        %get3A_1100 = tpu.vector_load %arg16[%get3A_1099] {strides = array<i32>} : memref<41088xf32, #tpu.memory_space<vmem>>, vector<16xf32>,
        %get3A_1101 = arith.index_cast %add3A_1011 : i32 to index
        %get3A_1102 = arith.constant 80 : index
        %get3A_1103 = tpu.vector_load %arg17[%get3A_1101, %get3A_1102] {strides = array<i32>} : memref<128x128xf32, #tpu.memory_space<vmem>>, vector<16xf32>,
        %get3A_1104 = arith.constant 80 : index
        %get3A_1105 = tpu.vector_load %arg15[%get3A_1104] {strides = array<i32>} : memref<128xf32, #tpu.memory_space<vmem>>, vector<16xf32>,
        %mul3A_1106 = vector.broadcast %squeeze3A_1007 : f32 to vector<16xf32>
        %mul3A_1107 = arith.mulf %mul3A_1106, %get3A_1105 : vector<16xf32>
        %add3A_1108 = arith.addf %get3A_1103, %mul3A_1107 : vector<16xf32>
        %max3A_1109 = arith.maximumf %get3A_1100, %add3A_1108 : vector<16xf32>
        %add3A_1110 = arith.constant 80 : i32
        %add3A_1111 = arith.addi %mul3A_1005, %add3A_1110 : i32
        %swap3A_1112 = arith.index_cast %add3A_1111 : i32 to index
        %swap3A_1113 = tpu.vector_load %arg16[%swap3A_1112] {strides = array<i32>} : memref<41088xf32, #tpu.memory_space<vmem>>, vector<16xf32>,
        tpu.vector_store %arg16[%swap3A_1112], %max3A_1109 {strides = array<i32>} : memref<41088xf32, #tpu.memory_space<vmem>>, vector<16xf32>,
        %add3A_1114 = arith.constant 96 : i32
        %add3A_1115 = arith.addi %mul3A_1005, %add3A_1114 : i32
        %get3A_1116 = arith.index_cast %add3A_1115 : i32 to index
        %get3A_1117 = tpu.vector_load %arg16[%get3A_1116] {strides = array<i32>} : memref<41088xf32, #tpu.memory_space<vmem>>, vector<16xf32>,
        %get3A_1118 = arith.index_cast %add3A_1011 : i32 to index
        %get3A_1119 = arith.constant 96 : index
        %get3A_1120 = tpu.vector_load %arg17[%get3A_1118, %get3A_1119] {strides = array<i32>} : memref<128x128xf32, #tpu.memory_space<vmem>>, vector<16xf32>,
        %get3A_1121 = arith.constant 96 : index
        %get3A_1122 = tpu.vector_load %arg15[%get3A_1121] {strides = array<i32>} : memref<128xf32, #tpu.memory_space<vmem>>, vector<16xf32>,
        %mul3A_1123 = vector.broadcast %squeeze3A_1007 : f32 to vector<16xf32>
        %mul3A_1124 = arith.mulf %mul3A_1123, %get3A_1122 : vector<16xf32>
        %add3A_1125 = arith.addf %get3A_1120, %mul3A_1124 : vector<16xf32>
        %max3A_1126 = arith.maximumf %get3A_1117, %add3A_1125 : vector<16xf32>
        %add3A_1127 = arith.constant 96 : i32
        %add3A_1128 = arith.addi %mul3A_1005, %add3A_1127 : i32
        %swap3A_1129 = arith.index_cast %add3A_1128 : i32 to index
        %swap3A_1130 = tpu.vector_load %arg16[%swap3A_1129] {strides = array<i32>} : memref<41088xf32, #tpu.memory_space<vmem>>, vector<16xf32>,
        tpu.vector_store %arg16[%swap3A_1129], %max3A_1126 {strides = array<i32>} : memref<41088xf32, #tpu.memory_space<vmem>>, vector<16xf32>,
        %add3A_1131 = arith.constant 112 : i32
        %add3A_1132 = arith.addi %mul3A_1005, %add3A_1131 : i32
        %get3A_1133 = arith.index_cast %add3A_1132 : i32 to index
        %get3A_1134 = tpu.vector_load %arg16[%get3A_1133] {strides = array<i32>} : memref<41088xf32, #tpu.memory_space<vmem>>, vector<16xf32>,
        %get3A_1135 = arith.index_cast %add3A_1011 : i32 to index
        %get3A_1136 = arith.constant 112 : index
        %get3A_1137 = tpu.vector_load %arg17[%get3A_1135, %get3A_1136] {strides = array<i32>} : memref<128x128xf32, #tpu.memory_space<vmem>>, vector<16xf32>,
        %get3A_1138 = arith.constant 112 : index
        %get3A_1139 = tpu.vector_load %arg15[%get3A_1138] {strides = array<i32>} : memref<128xf32, #tpu.memory_space<vmem>>, vector<16xf32>,
        %mul3A_1140 = vector.broadcast %squeeze3A_1007 : f32 to vector<16xf32>
        %mul3A_1141 = arith.mulf %mul3A_1140, %get3A_1139 : vector<16xf32>
        %add3A_1142 = arith.addf %get3A_1137, %mul3A_1141 : vector<16xf32>
        %max3A_1143 = arith.maximumf %get3A_1134, %add3A_1142 : vector<16xf32>
        %add3A_1144 = arith.constant 112 : i32
        %add3A_1145 = arith.addi %mul3A_1005, %add3A_1144 : i32
        %swap3A_1146 = arith.index_cast %add3A_1145 : i32 to index
        %swap3A_1147 = tpu.vector_load %arg16[%swap3A_1146] {strides = array<i32>} : memref<41088xf32, #tpu.memory_space<vmem>>, vector<16xf32>,
        tpu.vector_store %arg16[%swap3A_1146], %max3A_1143 {strides = array<i32>} : memref<41088xf32, #tpu.memory_space<vmem>>, vector<16xf32>,
        %slice3A_1148 = vector.extract_strided_slice %get3A_123 {offsets = [7], sizes = [1], strides = [1]} : vector<16xi32> to vector<1xi32>
        %squeeze3A_1149 = vector.extract %slice3A_1148[0] : i32 from vector<1xi32>
        %mul3A_1150 = arith.constant 128 : i32
        %mul3A_1151 = arith.muli %squeeze3A_1149, %mul3A_1150 : i32
        %slice3A_1152 = vector.extract_strided_slice %get3A_128 {offsets = [7], sizes = [1], strides = [1]} : vector<16xf32> to vector<1xf32>
        %squeeze3A_1153 = vector.extract %slice3A_1152[0] : f32 from vector<1xf32>
        %mul3A_1154 = arith.constant 16 : i32
        %mul3A_1155 = arith.muli %scan3A_118, %mul3A_1154 : i32
        %add3A_1156 = arith.constant 7 : i32
        %add3A_1157 = arith.addi %mul3A_1155, %add3A_1156 : i32
        %add3A_1158 = arith.constant 0 : i32
        %add3A_1159 = arith.addi %mul3A_1151, %add3A_1158 : i32
        %get3A_1160 = arith.index_cast %add3A_1159 : i32 to index
        %get3A_1161 = tpu.vector_load %arg16[%get3A_1160] {strides = array<i32>} : memref<41088xf32, #tpu.memory_space<vmem>>, vector<16xf32>,
        %get3A_1162 = arith.index_cast %add3A_1157 : i32 to index
        %get3A_1163 = arith.constant 0 : index
        %get3A_1164 = tpu.vector_load %arg17[%get3A_1162, %get3A_1163] {strides = array<i32>} : memref<128x128xf32, #tpu.memory_space<vmem>>, vector<16xf32>,
        %get3A_1165 = arith.constant 0 : index
        %get3A_1166 = tpu.vector_load %arg15[%get3A_1165] {strides = array<i32>} : memref<128xf32, #tpu.memory_space<vmem>>, vector<16xf32>,
        %mul3A_1167 = vector.broadcast %squeeze3A_1153 : f32 to vector<16xf32>
        %mul3A_1168 = arith.mulf %mul3A_1167, %get3A_1166 : vector<16xf32>
        %add3A_1169 = arith.addf %get3A_1164, %mul3A_1168 : vector<16xf32>
        %max3A_1170 = arith.maximumf %get3A_1161, %add3A_1169 : vector<16xf32>
        %add3A_1171 = arith.constant 0 : i32
        %add3A_1172 = arith.addi %mul3A_1151, %add3A_1171 : i32
        %swap3A_1173 = arith.index_cast %add3A_1172 : i32 to index
        %swap3A_1174 = tpu.vector_load %arg16[%swap3A_1173] {strides = array<i32>} : memref<41088xf32, #tpu.memory_space<vmem>>, vector<16xf32>,
        tpu.vector_store %arg16[%swap3A_1173], %max3A_1170 {strides = array<i32>} : memref<41088xf32, #tpu.memory_space<vmem>>, vector<16xf32>,
        %add3A_1175 = arith.constant 16 : i32
        %add3A_1176 = arith.addi %mul3A_1151, %add3A_1175 : i32
        %get3A_1177 = arith.index_cast %add3A_1176 : i32 to index
        %get3A_1178 = tpu.vector_load %arg16[%get3A_1177] {strides = array<i32>} : memref<41088xf32, #tpu.memory_space<vmem>>, vector<16xf32>,
        %get3A_1179 = arith.index_cast %add3A_1157 : i32 to index
        %get3A_1180 = arith.constant 16 : index
        %get3A_1181 = tpu.vector_load %arg17[%get3A_1179, %get3A_1180] {strides = array<i32>} : memref<128x128xf32, #tpu.memory_space<vmem>>, vector<16xf32>,
        %get3A_1182 = arith.constant 16 : index
        %get3A_1183 = tpu.vector_load %arg15[%get3A_1182] {strides = array<i32>} : memref<128xf32, #tpu.memory_space<vmem>>, vector<16xf32>,
        %mul3A_1184 = vector.broadcast %squeeze3A_1153 : f32 to vector<16xf32>
        %mul3A_1185 = arith.mulf %mul3A_1184, %get3A_1183 : vector<16xf32>
        %add3A_1186 = arith.addf %get3A_1181, %mul3A_1185 : vector<16xf32>
        %max3A_1187 = arith.maximumf %get3A_1178, %add3A_1186 : vector<16xf32>
        %add3A_1188 = arith.constant 16 : i32
        %add3A_1189 = arith.addi %mul3A_1151, %add3A_1188 : i32
        %swap3A_1190 = arith.index_cast %add3A_1189 : i32 to index
        %swap3A_1191 = tpu.vector_load %arg16[%swap3A_1190] {strides = array<i32>} : memref<41088xf32, #tpu.memory_space<vmem>>, vector<16xf32>,
        tpu.vector_store %arg16[%swap3A_1190], %max3A_1187 {strides = array<i32>} : memref<41088xf32, #tpu.memory_space<vmem>>, vector<16xf32>,
        %add3A_1192 = arith.constant 32 : i32
        %add3A_1193 = arith.addi %mul3A_1151, %add3A_1192 : i32
        %get3A_1194 = arith.index_cast %add3A_1193 : i32 to index
        %get3A_1195 = tpu.vector_load %arg16[%get3A_1194] {strides = array<i32>} : memref<41088xf32, #tpu.memory_space<vmem>>, vector<16xf32>,
        %get3A_1196 = arith.index_cast %add3A_1157 : i32 to index
        %get3A_1197 = arith.constant 32 : index
        %get3A_1198 = tpu.vector_load %arg17[%get3A_1196, %get3A_1197] {strides = array<i32>} : memref<128x128xf32, #tpu.memory_space<vmem>>, vector<16xf32>,
        %get3A_1199 = arith.constant 32 : index
        %get3A_1200 = tpu.vector_load %arg15[%get3A_1199] {strides = array<i32>} : memref<128xf32, #tpu.memory_space<vmem>>, vector<16xf32>,
        %mul3A_1201 = vector.broadcast %squeeze3A_1153 : f32 to vector<16xf32>
        %mul3A_1202 = arith.mulf %mul3A_1201, %get3A_1200 : vector<16xf32>
        %add3A_1203 = arith.addf %get3A_1198, %mul3A_1202 : vector<16xf32>
        %max3A_1204 = arith.maximumf %get3A_1195, %add3A_1203 : vector<16xf32>
        %add3A_1205 = arith.constant 32 : i32
        %add3A_1206 = arith.addi %mul3A_1151, %add3A_1205 : i32
        %swap3A_1207 = arith.index_cast %add3A_1206 : i32 to index
        %swap3A_1208 = tpu.vector_load %arg16[%swap3A_1207] {strides = array<i32>} : memref<41088xf32, #tpu.memory_space<vmem>>, vector<16xf32>,
        tpu.vector_store %arg16[%swap3A_1207], %max3A_1204 {strides = array<i32>} : memref<41088xf32, #tpu.memory_space<vmem>>, vector<16xf32>,
        %add3A_1209 = arith.constant 48 : i32
        %add3A_1210 = arith.addi %mul3A_1151, %add3A_1209 : i32
        %get3A_1211 = arith.index_cast %add3A_1210 : i32 to index
        %get3A_1212 = tpu.vector_load %arg16[%get3A_1211] {strides = array<i32>} : memref<41088xf32, #tpu.memory_space<vmem>>, vector<16xf32>,
        %get3A_1213 = arith.index_cast %add3A_1157 : i32 to index
        %get3A_1214 = arith.constant 48 : index
        %get3A_1215 = tpu.vector_load %arg17[%get3A_1213, %get3A_1214] {strides = array<i32>} : memref<128x128xf32, #tpu.memory_space<vmem>>, vector<16xf32>,
        %get3A_1216 = arith.constant 48 : index
        %get3A_1217 = tpu.vector_load %arg15[%get3A_1216] {strides = array<i32>} : memref<128xf32, #tpu.memory_space<vmem>>, vector<16xf32>,
        %mul3A_1218 = vector.broadcast %squeeze3A_1153 : f32 to vector<16xf32>
        %mul3A_1219 = arith.mulf %mul3A_1218, %get3A_1217 : vector<16xf32>
        %add3A_1220 = arith.addf %get3A_1215, %mul3A_1219 : vector<16xf32>
        %max3A_1221 = arith.maximumf %get3A_1212, %add3A_1220 : vector<16xf32>
        %add3A_1222 = arith.constant 48 : i32
        %add3A_1223 = arith.addi %mul3A_1151, %add3A_1222 : i32
        %swap3A_1224 = arith.index_cast %add3A_1223 : i32 to index
        %swap3A_1225 = tpu.vector_load %arg16[%swap3A_1224] {strides = array<i32>} : memref<41088xf32, #tpu.memory_space<vmem>>, vector<16xf32>,
        tpu.vector_store %arg16[%swap3A_1224], %max3A_1221 {strides = array<i32>} : memref<41088xf32, #tpu.memory_space<vmem>>, vector<16xf32>,
        %add3A_1226 = arith.constant 64 : i32
        %add3A_1227 = arith.addi %mul3A_1151, %add3A_1226 : i32
        %get3A_1228 = arith.index_cast %add3A_1227 : i32 to index
        %get3A_1229 = tpu.vector_load %arg16[%get3A_1228] {strides = array<i32>} : memref<41088xf32, #tpu.memory_space<vmem>>, vector<16xf32>,
        %get3A_1230 = arith.index_cast %add3A_1157 : i32 to index
        %get3A_1231 = arith.constant 64 : index
        %get3A_1232 = tpu.vector_load %arg17[%get3A_1230, %get3A_1231] {strides = array<i32>} : memref<128x128xf32, #tpu.memory_space<vmem>>, vector<16xf32>,
        %get3A_1233 = arith.constant 64 : index
        %get3A_1234 = tpu.vector_load %arg15[%get3A_1233] {strides = array<i32>} : memref<128xf32, #tpu.memory_space<vmem>>, vector<16xf32>,
        %mul3A_1235 = vector.broadcast %squeeze3A_1153 : f32 to vector<16xf32>
        %mul3A_1236 = arith.mulf %mul3A_1235, %get3A_1234 : vector<16xf32>
        %add3A_1237 = arith.addf %get3A_1232, %mul3A_1236 : vector<16xf32>
        %max3A_1238 = arith.maximumf %get3A_1229, %add3A_1237 : vector<16xf32>
        %add3A_1239 = arith.constant 64 : i32
        %add3A_1240 = arith.addi %mul3A_1151, %add3A_1239 : i32
        %swap3A_1241 = arith.index_cast %add3A_1240 : i32 to index
        %swap3A_1242 = tpu.vector_load %arg16[%swap3A_1241] {strides = array<i32>} : memref<41088xf32, #tpu.memory_space<vmem>>, vector<16xf32>,
        tpu.vector_store %arg16[%swap3A_1241], %max3A_1238 {strides = array<i32>} : memref<41088xf32, #tpu.memory_space<vmem>>, vector<16xf32>,
        %add3A_1243 = arith.constant 80 : i32
        %add3A_1244 = arith.addi %mul3A_1151, %add3A_1243 : i32
        %get3A_1245 = arith.index_cast %add3A_1244 : i32 to index
        %get3A_1246 = tpu.vector_load %arg16[%get3A_1245] {strides = array<i32>} : memref<41088xf32, #tpu.memory_space<vmem>>, vector<16xf32>,
        %get3A_1247 = arith.index_cast %add3A_1157 : i32 to index
        %get3A_1248 = arith.constant 80 : index
        %get3A_1249 = tpu.vector_load %arg17[%get3A_1247, %get3A_1248] {strides = array<i32>} : memref<128x128xf32, #tpu.memory_space<vmem>>, vector<16xf32>,
        %get3A_1250 = arith.constant 80 : index
        %get3A_1251 = tpu.vector_load %arg15[%get3A_1250] {strides = array<i32>} : memref<128xf32, #tpu.memory_space<vmem>>, vector<16xf32>,
        %mul3A_1252 = vector.broadcast %squeeze3A_1153 : f32 to vector<16xf32>
        %mul3A_1253 = arith.mulf %mul3A_1252, %get3A_1251 : vector<16xf32>
        %add3A_1254 = arith.addf %get3A_1249, %mul3A_1253 : vector<16xf32>
        %max3A_1255 = arith.maximumf %get3A_1246, %add3A_1254 : vector<16xf32>
        %add3A_1256 = arith.constant 80 : i32
        %add3A_1257 = arith.addi %mul3A_1151, %add3A_1256 : i32
        %swap3A_1258 = arith.index_cast %add3A_1257 : i32 to index
        %swap3A_1259 = tpu.vector_load %arg16[%swap3A_1258] {strides = array<i32>} : memref<41088xf32, #tpu.memory_space<vmem>>, vector<16xf32>,
        tpu.vector_store %arg16[%swap3A_1258], %max3A_1255 {strides = array<i32>} : memref<41088xf32, #tpu.memory_space<vmem>>, vector<16xf32>,
        %add3A_1260 = arith.constant 96 : i32
        %add3A_1261 = arith.addi %mul3A_1151, %add3A_1260 : i32
        %get3A_1262 = arith.index_cast %add3A_1261 : i32 to index
        %get3A_1263 = tpu.vector_load %arg16[%get3A_1262] {strides = array<i32>} : memref<41088xf32, #tpu.memory_space<vmem>>, vector<16xf32>,
        %get3A_1264 = arith.index_cast %add3A_1157 : i32 to index
        %get3A_1265 = arith.constant 96 : index
        %get3A_1266 = tpu.vector_load %arg17[%get3A_1264, %get3A_1265] {strides = array<i32>} : memref<128x128xf32, #tpu.memory_space<vmem>>, vector<16xf32>,
        %get3A_1267 = arith.constant 96 : index
        %get3A_1268 = tpu.vector_load %arg15[%get3A_1267] {strides = array<i32>} : memref<128xf32, #tpu.memory_space<vmem>>, vector<16xf32>,
        %mul3A_1269 = vector.broadcast %squeeze3A_1153 : f32 to vector<16xf32>
        %mul3A_1270 = arith.mulf %mul3A_1269, %get3A_1268 : vector<16xf32>
        %add3A_1271 = arith.addf %get3A_1266, %mul3A_1270 : vector<16xf32>
        %max3A_1272 = arith.maximumf %get3A_1263, %add3A_1271 : vector<16xf32>
        %add3A_1273 = arith.constant 96 : i32
        %add3A_1274 = arith.addi %mul3A_1151, %add3A_1273 : i32
        %swap3A_1275 = arith.index_cast %add3A_1274 : i32 to index
        %swap3A_1276 = tpu.vector_load %arg16[%swap3A_1275] {strides = array<i32>} : memref<41088xf32, #tpu.memory_space<vmem>>, vector<16xf32>,
        tpu.vector_store %arg16[%swap3A_1275], %max3A_1272 {strides = array<i32>} : memref<41088xf32, #tpu.memory_space<vmem>>, vector<16xf32>,
        %add3A_1277 = arith.constant 112 : i32
        %add3A_1278 = arith.addi %mul3A_1151, %add3A_1277 : i32
        %get3A_1279 = arith.index_cast %add3A_1278 : i32 to index
        %get3A_1280 = tpu.vector_load %arg16[%get3A_1279] {strides = array<i32>} : memref<41088xf32, #tpu.memory_space<vmem>>, vector<16xf32>,
        %get3A_1281 = arith.index_cast %add3A_1157 : i32 to index
        %get3A_1282 = arith.constant 112 : index
        %get3A_1283 = tpu.vector_load %arg17[%get3A_1281, %get3A_1282] {strides = array<i32>} : memref<128x128xf32, #tpu.memory_space<vmem>>, vector<16xf32>,
        %get3A_1284 = arith.constant 112 : index
        %get3A_1285 = tpu.vector_load %arg15[%get3A_1284] {strides = array<i32>} : memref<128xf32, #tpu.memory_space<vmem>>, vector<16xf32>,
        %mul3A_1286 = vector.broadcast %squeeze3A_1153 : f32 to vector<16xf32>
        %mul3A_1287 = arith.mulf %mul3A_1286, %get3A_1285 : vector<16xf32>
        %add3A_1288 = arith.addf %get3A_1283, %mul3A_1287 : vector<16xf32>
        %max3A_1289 = arith.maximumf %get3A_1280, %add3A_1288 : vector<16xf32>
        %add3A_1290 = arith.constant 112 : i32
        %add3A_1291 = arith.addi %mul3A_1151, %add3A_1290 : i32
        %swap3A_1292 = arith.index_cast %add3A_1291 : i32 to index
        %swap3A_1293 = tpu.vector_load %arg16[%swap3A_1292] {strides = array<i32>} : memref<41088xf32, #tpu.memory_space<vmem>>, vector<16xf32>,
        tpu.vector_store %arg16[%swap3A_1292], %max3A_1289 {strides = array<i32>} : memref<41088xf32, #tpu.memory_space<vmem>>, vector<16xf32>,
        %slice3A_1294 = vector.extract_strided_slice %get3A_123 {offsets = [8], sizes = [1], strides = [1]} : vector<16xi32> to vector<1xi32>
        %squeeze3A_1295 = vector.extract %slice3A_1294[0] : i32 from vector<1xi32>
        %mul3A_1296 = arith.constant 128 : i32
        %mul3A_1297 = arith.muli %squeeze3A_1295, %mul3A_1296 : i32
        %slice3A_1298 = vector.extract_strided_slice %get3A_128 {offsets = [8], sizes = [1], strides = [1]} : vector<16xf32> to vector<1xf32>
        %squeeze3A_1299 = vector.extract %slice3A_1298[0] : f32 from vector<1xf32>
        %mul3A_1300 = arith.constant 16 : i32
        %mul3A_1301 = arith.muli %scan3A_118, %mul3A_1300 : i32
        %add3A_1302 = arith.constant 8 : i32
        %add3A_1303 = arith.addi %mul3A_1301, %add3A_1302 : i32
        %add3A_1304 = arith.constant 0 : i32
        %add3A_1305 = arith.addi %mul3A_1297, %add3A_1304 : i32
        %get3A_1306 = arith.index_cast %add3A_1305 : i32 to index
        %get3A_1307 = tpu.vector_load %arg16[%get3A_1306] {strides = array<i32>} : memref<41088xf32, #tpu.memory_space<vmem>>, vector<16xf32>,
        %get3A_1308 = arith.index_cast %add3A_1303 : i32 to index
        %get3A_1309 = arith.constant 0 : index
        %get3A_1310 = tpu.vector_load %arg17[%get3A_1308, %get3A_1309] {strides = array<i32>} : memref<128x128xf32, #tpu.memory_space<vmem>>, vector<16xf32>,
        %get3A_1311 = arith.constant 0 : index
        %get3A_1312 = tpu.vector_load %arg15[%get3A_1311] {strides = array<i32>} : memref<128xf32, #tpu.memory_space<vmem>>, vector<16xf32>,
        %mul3A_1313 = vector.broadcast %squeeze3A_1299 : f32 to vector<16xf32>
        %mul3A_1314 = arith.mulf %mul3A_1313, %get3A_1312 : vector<16xf32>
        %add3A_1315 = arith.addf %get3A_1310, %mul3A_1314 : vector<16xf32>
        %max3A_1316 = arith.maximumf %get3A_1307, %add3A_1315 : vector<16xf32>
        %add3A_1317 = arith.constant 0 : i32
        %add3A_1318 = arith.addi %mul3A_1297, %add3A_1317 : i32
        %swap3A_1319 = arith.index_cast %add3A_1318 : i32 to index
        %swap3A_1320 = tpu.vector_load %arg16[%swap3A_1319] {strides = array<i32>} : memref<41088xf32, #tpu.memory_space<vmem>>, vector<16xf32>,
        tpu.vector_store %arg16[%swap3A_1319], %max3A_1316 {strides = array<i32>} : memref<41088xf32, #tpu.memory_space<vmem>>, vector<16xf32>,
        %add3A_1321 = arith.constant 16 : i32
        %add3A_1322 = arith.addi %mul3A_1297, %add3A_1321 : i32
        %get3A_1323 = arith.index_cast %add3A_1322 : i32 to index
        %get3A_1324 = tpu.vector_load %arg16[%get3A_1323] {strides = array<i32>} : memref<41088xf32, #tpu.memory_space<vmem>>, vector<16xf32>,
        %get3A_1325 = arith.index_cast %add3A_1303 : i32 to index
        %get3A_1326 = arith.constant 16 : index
        %get3A_1327 = tpu.vector_load %arg17[%get3A_1325, %get3A_1326] {strides = array<i32>} : memref<128x128xf32, #tpu.memory_space<vmem>>, vector<16xf32>,
        %get3A_1328 = arith.constant 16 : index
        %get3A_1329 = tpu.vector_load %arg15[%get3A_1328] {strides = array<i32>} : memref<128xf32, #tpu.memory_space<vmem>>, vector<16xf32>,
        %mul3A_1330 = vector.broadcast %squeeze3A_1299 : f32 to vector<16xf32>
        %mul3A_1331 = arith.mulf %mul3A_1330, %get3A_1329 : vector<16xf32>
        %add3A_1332 = arith.addf %get3A_1327, %mul3A_1331 : vector<16xf32>
        %max3A_1333 = arith.maximumf %get3A_1324, %add3A_1332 : vector<16xf32>
        %add3A_1334 = arith.constant 16 : i32
        %add3A_1335 = arith.addi %mul3A_1297, %add3A_1334 : i32
        %swap3A_1336 = arith.index_cast %add3A_1335 : i32 to index
        %swap3A_1337 = tpu.vector_load %arg16[%swap3A_1336] {strides = array<i32>} : memref<41088xf32, #tpu.memory_space<vmem>>, vector<16xf32>,
        tpu.vector_store %arg16[%swap3A_1336], %max3A_1333 {strides = array<i32>} : memref<41088xf32, #tpu.memory_space<vmem>>, vector<16xf32>,
        %add3A_1338 = arith.constant 32 : i32
        %add3A_1339 = arith.addi %mul3A_1297, %add3A_1338 : i32
        %get3A_1340 = arith.index_cast %add3A_1339 : i32 to index
        %get3A_1341 = tpu.vector_load %arg16[%get3A_1340] {strides = array<i32>} : memref<41088xf32, #tpu.memory_space<vmem>>, vector<16xf32>,
        %get3A_1342 = arith.index_cast %add3A_1303 : i32 to index
        %get3A_1343 = arith.constant 32 : index
        %get3A_1344 = tpu.vector_load %arg17[%get3A_1342, %get3A_1343] {strides = array<i32>} : memref<128x128xf32, #tpu.memory_space<vmem>>, vector<16xf32>,
        %get3A_1345 = arith.constant 32 : index
        %get3A_1346 = tpu.vector_load %arg15[%get3A_1345] {strides = array<i32>} : memref<128xf32, #tpu.memory_space<vmem>>, vector<16xf32>,
        %mul3A_1347 = vector.broadcast %squeeze3A_1299 : f32 to vector<16xf32>
        %mul3A_1348 = arith.mulf %mul3A_1347, %get3A_1346 : vector<16xf32>
        %add3A_1349 = arith.addf %get3A_1344, %mul3A_1348 : vector<16xf32>
        %max3A_1350 = arith.maximumf %get3A_1341, %add3A_1349 : vector<16xf32>
        %add3A_1351 = arith.constant 32 : i32
        %add3A_1352 = arith.addi %mul3A_1297, %add3A_1351 : i32
        %swap3A_1353 = arith.index_cast %add3A_1352 : i32 to index
        %swap3A_1354 = tpu.vector_load %arg16[%swap3A_1353] {strides = array<i32>} : memref<41088xf32, #tpu.memory_space<vmem>>, vector<16xf32>,
        tpu.vector_store %arg16[%swap3A_1353], %max3A_1350 {strides = array<i32>} : memref<41088xf32, #tpu.memory_space<vmem>>, vector<16xf32>,
        %add3A_1355 = arith.constant 48 : i32
        %add3A_1356 = arith.addi %mul3A_1297, %add3A_1355 : i32
        %get3A_1357 = arith.index_cast %add3A_1356 : i32 to index
        %get3A_1358 = tpu.vector_load %arg16[%get3A_1357] {strides = array<i32>} : memref<41088xf32, #tpu.memory_space<vmem>>, vector<16xf32>,
        %get3A_1359 = arith.index_cast %add3A_1303 : i32 to index
        %get3A_1360 = arith.constant 48 : index
        %get3A_1361 = tpu.vector_load %arg17[%get3A_1359, %get3A_1360] {strides = array<i32>} : memref<128x128xf32, #tpu.memory_space<vmem>>, vector<16xf32>,
        %get3A_1362 = arith.constant 48 : index
        %get3A_1363 = tpu.vector_load %arg15[%get3A_1362] {strides = array<i32>} : memref<128xf32, #tpu.memory_space<vmem>>, vector<16xf32>,
        %mul3A_1364 = vector.broadcast %squeeze3A_1299 : f32 to vector<16xf32>
        %mul3A_1365 = arith.mulf %mul3A_1364, %get3A_1363 : vector<16xf32>
        %add3A_1366 = arith.addf %get3A_1361, %mul3A_1365 : vector<16xf32>
        %max3A_1367 = arith.maximumf %get3A_1358, %add3A_1366 : vector<16xf32>
        %add3A_1368 = arith.constant 48 : i32
        %add3A_1369 = arith.addi %mul3A_1297, %add3A_1368 : i32
        %swap3A_1370 = arith.index_cast %add3A_1369 : i32 to index
        %swap3A_1371 = tpu.vector_load %arg16[%swap3A_1370] {strides = array<i32>} : memref<41088xf32, #tpu.memory_space<vmem>>, vector<16xf32>,
        tpu.vector_store %arg16[%swap3A_1370], %max3A_1367 {strides = array<i32>} : memref<41088xf32, #tpu.memory_space<vmem>>, vector<16xf32>,
        %add3A_1372 = arith.constant 64 : i32
        %add3A_1373 = arith.addi %mul3A_1297, %add3A_1372 : i32
        %get3A_1374 = arith.index_cast %add3A_1373 : i32 to index
        %get3A_1375 = tpu.vector_load %arg16[%get3A_1374] {strides = array<i32>} : memref<41088xf32, #tpu.memory_space<vmem>>, vector<16xf32>,
        %get3A_1376 = arith.index_cast %add3A_1303 : i32 to index
        %get3A_1377 = arith.constant 64 : index
        %get3A_1378 = tpu.vector_load %arg17[%get3A_1376, %get3A_1377] {strides = array<i32>} : memref<128x128xf32, #tpu.memory_space<vmem>>, vector<16xf32>,
        %get3A_1379 = arith.constant 64 : index
        %get3A_1380 = tpu.vector_load %arg15[%get3A_1379] {strides = array<i32>} : memref<128xf32, #tpu.memory_space<vmem>>, vector<16xf32>,
        %mul3A_1381 = vector.broadcast %squeeze3A_1299 : f32 to vector<16xf32>
        %mul3A_1382 = arith.mulf %mul3A_1381, %get3A_1380 : vector<16xf32>
        %add3A_1383 = arith.addf %get3A_1378, %mul3A_1382 : vector<16xf32>
        %max3A_1384 = arith.maximumf %get3A_1375, %add3A_1383 : vector<16xf32>
        %add3A_1385 = arith.constant 64 : i32
        %add3A_1386 = arith.addi %mul3A_1297, %add3A_1385 : i32
        %swap3A_1387 = arith.index_cast %add3A_1386 : i32 to index
        %swap3A_1388 = tpu.vector_load %arg16[%swap3A_1387] {strides = array<i32>} : memref<41088xf32, #tpu.memory_space<vmem>>, vector<16xf32>,
        tpu.vector_store %arg16[%swap3A_1387], %max3A_1384 {strides = array<i32>} : memref<41088xf32, #tpu.memory_space<vmem>>, vector<16xf32>,
        %add3A_1389 = arith.constant 80 : i32
        %add3A_1390 = arith.addi %mul3A_1297, %add3A_1389 : i32
        %get3A_1391 = arith.index_cast %add3A_1390 : i32 to index
        %get3A_1392 = tpu.vector_load %arg16[%get3A_1391] {strides = array<i32>} : memref<41088xf32, #tpu.memory_space<vmem>>, vector<16xf32>,
        %get3A_1393 = arith.index_cast %add3A_1303 : i32 to index
        %get3A_1394 = arith.constant 80 : index
        %get3A_1395 = tpu.vector_load %arg17[%get3A_1393, %get3A_1394] {strides = array<i32>} : memref<128x128xf32, #tpu.memory_space<vmem>>, vector<16xf32>,
        %get3A_1396 = arith.constant 80 : index
        %get3A_1397 = tpu.vector_load %arg15[%get3A_1396] {strides = array<i32>} : memref<128xf32, #tpu.memory_space<vmem>>, vector<16xf32>,
        %mul3A_1398 = vector.broadcast %squeeze3A_1299 : f32 to vector<16xf32>
        %mul3A_1399 = arith.mulf %mul3A_1398, %get3A_1397 : vector<16xf32>
        %add3A_1400 = arith.addf %get3A_1395, %mul3A_1399 : vector<16xf32>
        %max3A_1401 = arith.maximumf %get3A_1392, %add3A_1400 : vector<16xf32>
        %add3A_1402 = arith.constant 80 : i32
        %add3A_1403 = arith.addi %mul3A_1297, %add3A_1402 : i32
        %swap3A_1404 = arith.index_cast %add3A_1403 : i32 to index
        %swap3A_1405 = tpu.vector_load %arg16[%swap3A_1404] {strides = array<i32>} : memref<41088xf32, #tpu.memory_space<vmem>>, vector<16xf32>,
        tpu.vector_store %arg16[%swap3A_1404], %max3A_1401 {strides = array<i32>} : memref<41088xf32, #tpu.memory_space<vmem>>, vector<16xf32>,
        %add3A_1406 = arith.constant 96 : i32
        %add3A_1407 = arith.addi %mul3A_1297, %add3A_1406 : i32
        %get3A_1408 = arith.index_cast %add3A_1407 : i32 to index
        %get3A_1409 = tpu.vector_load %arg16[%get3A_1408] {strides = array<i32>} : memref<41088xf32, #tpu.memory_space<vmem>>, vector<16xf32>,
        %get3A_1410 = arith.index_cast %add3A_1303 : i32 to index
        %get3A_1411 = arith.constant 96 : index
        %get3A_1412 = tpu.vector_load %arg17[%get3A_1410, %get3A_1411] {strides = array<i32>} : memref<128x128xf32, #tpu.memory_space<vmem>>, vector<16xf32>,
        %get3A_1413 = arith.constant 96 : index
        %get3A_1414 = tpu.vector_load %arg15[%get3A_1413] {strides = array<i32>} : memref<128xf32, #tpu.memory_space<vmem>>, vector<16xf32>,
        %mul3A_1415 = vector.broadcast %squeeze3A_1299 : f32 to vector<16xf32>
        %mul3A_1416 = arith.mulf %mul3A_1415, %get3A_1414 : vector<16xf32>
        %add3A_1417 = arith.addf %get3A_1412, %mul3A_1416 : vector<16xf32>
        %max3A_1418 = arith.maximumf %get3A_1409, %add3A_1417 : vector<16xf32>
        %add3A_1419 = arith.constant 96 : i32
        %add3A_1420 = arith.addi %mul3A_1297, %add3A_1419 : i32
        %swap3A_1421 = arith.index_cast %add3A_1420 : i32 to index
        %swap3A_1422 = tpu.vector_load %arg16[%swap3A_1421] {strides = array<i32>} : memref<41088xf32, #tpu.memory_space<vmem>>, vector<16xf32>,
        tpu.vector_store %arg16[%swap3A_1421], %max3A_1418 {strides = array<i32>} : memref<41088xf32, #tpu.memory_space<vmem>>, vector<16xf32>,
        %add3A_1423 = arith.constant 112 : i32
        %add3A_1424 = arith.addi %mul3A_1297, %add3A_1423 : i32
        %get3A_1425 = arith.index_cast %add3A_1424 : i32 to index
        %get3A_1426 = tpu.vector_load %arg16[%get3A_1425] {strides = array<i32>} : memref<41088xf32, #tpu.memory_space<vmem>>, vector<16xf32>,
        %get3A_1427 = arith.index_cast %add3A_1303 : i32 to index
        %get3A_1428 = arith.constant 112 : index
        %get3A_1429 = tpu.vector_load %arg17[%get3A_1427, %get3A_1428] {strides = array<i32>} : memref<128x128xf32, #tpu.memory_space<vmem>>, vector<16xf32>,
        %get3A_1430 = arith.constant 112 : index
        %get3A_1431 = tpu.vector_load %arg15[%get3A_1430] {strides = array<i32>} : memref<128xf32, #tpu.memory_space<vmem>>, vector<16xf32>,
        %mul3A_1432 = vector.broadcast %squeeze3A_1299 : f32 to vector<16xf32>
        %mul3A_1433 = arith.mulf %mul3A_1432, %get3A_1431 : vector<16xf32>
        %add3A_1434 = arith.addf %get3A_1429, %mul3A_1433 : vector<16xf32>
        %max3A_1435 = arith.maximumf %get3A_1426, %add3A_1434 : vector<16xf32>
        %add3A_1436 = arith.constant 112 : i32
        %add3A_1437 = arith.addi %mul3A_1297, %add3A_1436 : i32
        %swap3A_1438 = arith.index_cast %add3A_1437 : i32 to index
        %swap3A_1439 = tpu.vector_load %arg16[%swap3A_1438] {strides = array<i32>} : memref<41088xf32, #tpu.memory_space<vmem>>, vector<16xf32>,
        tpu.vector_store %arg16[%swap3A_1438], %max3A_1435 {strides = array<i32>} : memref<41088xf32, #tpu.memory_space<vmem>>, vector<16xf32>,
        %slice3A_1440 = vector.extract_strided_slice %get3A_123 {offsets = [9], sizes = [1], strides = [1]} : vector<16xi32> to vector<1xi32>
        %squeeze3A_1441 = vector.extract %slice3A_1440[0] : i32 from vector<1xi32>
        %mul3A_1442 = arith.constant 128 : i32
        %mul3A_1443 = arith.muli %squeeze3A_1441, %mul3A_1442 : i32
        %slice3A_1444 = vector.extract_strided_slice %get3A_128 {offsets = [9], sizes = [1], strides = [1]} : vector<16xf32> to vector<1xf32>
        %squeeze3A_1445 = vector.extract %slice3A_1444[0] : f32 from vector<1xf32>
        %mul3A_1446 = arith.constant 16 : i32
        %mul3A_1447 = arith.muli %scan3A_118, %mul3A_1446 : i32
        %add3A_1448 = arith.constant 9 : i32
        %add3A_1449 = arith.addi %mul3A_1447, %add3A_1448 : i32
        %add3A_1450 = arith.constant 0 : i32
        %add3A_1451 = arith.addi %mul3A_1443, %add3A_1450 : i32
        %get3A_1452 = arith.index_cast %add3A_1451 : i32 to index
        %get3A_1453 = tpu.vector_load %arg16[%get3A_1452] {strides = array<i32>} : memref<41088xf32, #tpu.memory_space<vmem>>, vector<16xf32>,
        %get3A_1454 = arith.index_cast %add3A_1449 : i32 to index
        %get3A_1455 = arith.constant 0 : index
        %get3A_1456 = tpu.vector_load %arg17[%get3A_1454, %get3A_1455] {strides = array<i32>} : memref<128x128xf32, #tpu.memory_space<vmem>>, vector<16xf32>,
        %get3A_1457 = arith.constant 0 : index
        %get3A_1458 = tpu.vector_load %arg15[%get3A_1457] {strides = array<i32>} : memref<128xf32, #tpu.memory_space<vmem>>, vector<16xf32>,
        %mul3A_1459 = vector.broadcast %squeeze3A_1445 : f32 to vector<16xf32>
        %mul3A_1460 = arith.mulf %mul3A_1459, %get3A_1458 : vector<16xf32>
        %add3A_1461 = arith.addf %get3A_1456, %mul3A_1460 : vector<16xf32>
        %max3A_1462 = arith.maximumf %get3A_1453, %add3A_1461 : vector<16xf32>
        %add3A_1463 = arith.constant 0 : i32
        %add3A_1464 = arith.addi %mul3A_1443, %add3A_1463 : i32
        %swap3A_1465 = arith.index_cast %add3A_1464 : i32 to index
        %swap3A_1466 = tpu.vector_load %arg16[%swap3A_1465] {strides = array<i32>} : memref<41088xf32, #tpu.memory_space<vmem>>, vector<16xf32>,
        tpu.vector_store %arg16[%swap3A_1465], %max3A_1462 {strides = array<i32>} : memref<41088xf32, #tpu.memory_space<vmem>>, vector<16xf32>,
        %add3A_1467 = arith.constant 16 : i32
        %add3A_1468 = arith.addi %mul3A_1443, %add3A_1467 : i32
        %get3A_1469 = arith.index_cast %add3A_1468 : i32 to index
        %get3A_1470 = tpu.vector_load %arg16[%get3A_1469] {strides = array<i32>} : memref<41088xf32, #tpu.memory_space<vmem>>, vector<16xf32>,
        %get3A_1471 = arith.index_cast %add3A_1449 : i32 to index
        %get3A_1472 = arith.constant 16 : index
        %get3A_1473 = tpu.vector_load %arg17[%get3A_1471, %get3A_1472] {strides = array<i32>} : memref<128x128xf32, #tpu.memory_space<vmem>>, vector<16xf32>,
        %get3A_1474 = arith.constant 16 : index
        %get3A_1475 = tpu.vector_load %arg15[%get3A_1474] {strides = array<i32>} : memref<128xf32, #tpu.memory_space<vmem>>, vector<16xf32>,
        %mul3A_1476 = vector.broadcast %squeeze3A_1445 : f32 to vector<16xf32>
        %mul3A_1477 = arith.mulf %mul3A_1476, %get3A_1475 : vector<16xf32>
        %add3A_1478 = arith.addf %get3A_1473, %mul3A_1477 : vector<16xf32>
        %max3A_1479 = arith.maximumf %get3A_1470, %add3A_1478 : vector<16xf32>
        %add3A_1480 = arith.constant 16 : i32
        %add3A_1481 = arith.addi %mul3A_1443, %add3A_1480 : i32
        %swap3A_1482 = arith.index_cast %add3A_1481 : i32 to index
        %swap3A_1483 = tpu.vector_load %arg16[%swap3A_1482] {strides = array<i32>} : memref<41088xf32, #tpu.memory_space<vmem>>, vector<16xf32>,
        tpu.vector_store %arg16[%swap3A_1482], %max3A_1479 {strides = array<i32>} : memref<41088xf32, #tpu.memory_space<vmem>>, vector<16xf32>,
        %add3A_1484 = arith.constant 32 : i32
        %add3A_1485 = arith.addi %mul3A_1443, %add3A_1484 : i32
        %get3A_1486 = arith.index_cast %add3A_1485 : i32 to index
        %get3A_1487 = tpu.vector_load %arg16[%get3A_1486] {strides = array<i32>} : memref<41088xf32, #tpu.memory_space<vmem>>, vector<16xf32>,
        %get3A_1488 = arith.index_cast %add3A_1449 : i32 to index
        %get3A_1489 = arith.constant 32 : index
        %get3A_1490 = tpu.vector_load %arg17[%get3A_1488, %get3A_1489] {strides = array<i32>} : memref<128x128xf32, #tpu.memory_space<vmem>>, vector<16xf32>,
        %get3A_1491 = arith.constant 32 : index
        %get3A_1492 = tpu.vector_load %arg15[%get3A_1491] {strides = array<i32>} : memref<128xf32, #tpu.memory_space<vmem>>, vector<16xf32>,
        %mul3A_1493 = vector.broadcast %squeeze3A_1445 : f32 to vector<16xf32>
        %mul3A_1494 = arith.mulf %mul3A_1493, %get3A_1492 : vector<16xf32>
        %add3A_1495 = arith.addf %get3A_1490, %mul3A_1494 : vector<16xf32>
        %max3A_1496 = arith.maximumf %get3A_1487, %add3A_1495 : vector<16xf32>
        %add3A_1497 = arith.constant 32 : i32
        %add3A_1498 = arith.addi %mul3A_1443, %add3A_1497 : i32
        %swap3A_1499 = arith.index_cast %add3A_1498 : i32 to index
        %swap3A_1500 = tpu.vector_load %arg16[%swap3A_1499] {strides = array<i32>} : memref<41088xf32, #tpu.memory_space<vmem>>, vector<16xf32>,
        tpu.vector_store %arg16[%swap3A_1499], %max3A_1496 {strides = array<i32>} : memref<41088xf32, #tpu.memory_space<vmem>>, vector<16xf32>,
        %add3A_1501 = arith.constant 48 : i32
        %add3A_1502 = arith.addi %mul3A_1443, %add3A_1501 : i32
        %get3A_1503 = arith.index_cast %add3A_1502 : i32 to index
        %get3A_1504 = tpu.vector_load %arg16[%get3A_1503] {strides = array<i32>} : memref<41088xf32, #tpu.memory_space<vmem>>, vector<16xf32>,
        %get3A_1505 = arith.index_cast %add3A_1449 : i32 to index
        %get3A_1506 = arith.constant 48 : index
        %get3A_1507 = tpu.vector_load %arg17[%get3A_1505, %get3A_1506] {strides = array<i32>} : memref<128x128xf32, #tpu.memory_space<vmem>>, vector<16xf32>,
        %get3A_1508 = arith.constant 48 : index
        %get3A_1509 = tpu.vector_load %arg15[%get3A_1508] {strides = array<i32>} : memref<128xf32, #tpu.memory_space<vmem>>, vector<16xf32>,
        %mul3A_1510 = vector.broadcast %squeeze3A_1445 : f32 to vector<16xf32>
        %mul3A_1511 = arith.mulf %mul3A_1510, %get3A_1509 : vector<16xf32>
        %add3A_1512 = arith.addf %get3A_1507, %mul3A_1511 : vector<16xf32>
        %max3A_1513 = arith.maximumf %get3A_1504, %add3A_1512 : vector<16xf32>
        %add3A_1514 = arith.constant 48 : i32
        %add3A_1515 = arith.addi %mul3A_1443, %add3A_1514 : i32
        %swap3A_1516 = arith.index_cast %add3A_1515 : i32 to index
        %swap3A_1517 = tpu.vector_load %arg16[%swap3A_1516] {strides = array<i32>} : memref<41088xf32, #tpu.memory_space<vmem>>, vector<16xf32>,
        tpu.vector_store %arg16[%swap3A_1516], %max3A_1513 {strides = array<i32>} : memref<41088xf32, #tpu.memory_space<vmem>>, vector<16xf32>,
        %add3A_1518 = arith.constant 64 : i32
        %add3A_1519 = arith.addi %mul3A_1443, %add3A_1518 : i32
        %get3A_1520 = arith.index_cast %add3A_1519 : i32 to index
        %get3A_1521 = tpu.vector_load %arg16[%get3A_1520] {strides = array<i32>} : memref<41088xf32, #tpu.memory_space<vmem>>, vector<16xf32>,
        %get3A_1522 = arith.index_cast %add3A_1449 : i32 to index
        %get3A_1523 = arith.constant 64 : index
        %get3A_1524 = tpu.vector_load %arg17[%get3A_1522, %get3A_1523] {strides = array<i32>} : memref<128x128xf32, #tpu.memory_space<vmem>>, vector<16xf32>,
        %get3A_1525 = arith.constant 64 : index
        %get3A_1526 = tpu.vector_load %arg15[%get3A_1525] {strides = array<i32>} : memref<128xf32, #tpu.memory_space<vmem>>, vector<16xf32>,
        %mul3A_1527 = vector.broadcast %squeeze3A_1445 : f32 to vector<16xf32>
        %mul3A_1528 = arith.mulf %mul3A_1527, %get3A_1526 : vector<16xf32>
        %add3A_1529 = arith.addf %get3A_1524, %mul3A_1528 : vector<16xf32>
        %max3A_1530 = arith.maximumf %get3A_1521, %add3A_1529 : vector<16xf32>
        %add3A_1531 = arith.constant 64 : i32
        %add3A_1532 = arith.addi %mul3A_1443, %add3A_1531 : i32
        %swap3A_1533 = arith.index_cast %add3A_1532 : i32 to index
        %swap3A_1534 = tpu.vector_load %arg16[%swap3A_1533] {strides = array<i32>} : memref<41088xf32, #tpu.memory_space<vmem>>, vector<16xf32>,
        tpu.vector_store %arg16[%swap3A_1533], %max3A_1530 {strides = array<i32>} : memref<41088xf32, #tpu.memory_space<vmem>>, vector<16xf32>,
        %add3A_1535 = arith.constant 80 : i32
        %add3A_1536 = arith.addi %mul3A_1443, %add3A_1535 : i32
        %get3A_1537 = arith.index_cast %add3A_1536 : i32 to index
        %get3A_1538 = tpu.vector_load %arg16[%get3A_1537] {strides = array<i32>} : memref<41088xf32, #tpu.memory_space<vmem>>, vector<16xf32>,
        %get3A_1539 = arith.index_cast %add3A_1449 : i32 to index
        %get3A_1540 = arith.constant 80 : index
        %get3A_1541 = tpu.vector_load %arg17[%get3A_1539, %get3A_1540] {strides = array<i32>} : memref<128x128xf32, #tpu.memory_space<vmem>>, vector<16xf32>,
        %get3A_1542 = arith.constant 80 : index
        %get3A_1543 = tpu.vector_load %arg15[%get3A_1542] {strides = array<i32>} : memref<128xf32, #tpu.memory_space<vmem>>, vector<16xf32>,
        %mul3A_1544 = vector.broadcast %squeeze3A_1445 : f32 to vector<16xf32>
        %mul3A_1545 = arith.mulf %mul3A_1544, %get3A_1543 : vector<16xf32>
        %add3A_1546 = arith.addf %get3A_1541, %mul3A_1545 : vector<16xf32>
        %max3A_1547 = arith.maximumf %get3A_1538, %add3A_1546 : vector<16xf32>
        %add3A_1548 = arith.constant 80 : i32
        %add3A_1549 = arith.addi %mul3A_1443, %add3A_1548 : i32
        %swap3A_1550 = arith.index_cast %add3A_1549 : i32 to index
        %swap3A_1551 = tpu.vector_load %arg16[%swap3A_1550] {strides = array<i32>} : memref<41088xf32, #tpu.memory_space<vmem>>, vector<16xf32>,
        tpu.vector_store %arg16[%swap3A_1550], %max3A_1547 {strides = array<i32>} : memref<41088xf32, #tpu.memory_space<vmem>>, vector<16xf32>,
        %add3A_1552 = arith.constant 96 : i32
        %add3A_1553 = arith.addi %mul3A_1443, %add3A_1552 : i32
        %get3A_1554 = arith.index_cast %add3A_1553 : i32 to index
        %get3A_1555 = tpu.vector_load %arg16[%get3A_1554] {strides = array<i32>} : memref<41088xf32, #tpu.memory_space<vmem>>, vector<16xf32>,
        %get3A_1556 = arith.index_cast %add3A_1449 : i32 to index
        %get3A_1557 = arith.constant 96 : index
        %get3A_1558 = tpu.vector_load %arg17[%get3A_1556, %get3A_1557] {strides = array<i32>} : memref<128x128xf32, #tpu.memory_space<vmem>>, vector<16xf32>,
        %get3A_1559 = arith.constant 96 : index
        %get3A_1560 = tpu.vector_load %arg15[%get3A_1559] {strides = array<i32>} : memref<128xf32, #tpu.memory_space<vmem>>, vector<16xf32>,
        %mul3A_1561 = vector.broadcast %squeeze3A_1445 : f32 to vector<16xf32>
        %mul3A_1562 = arith.mulf %mul3A_1561, %get3A_1560 : vector<16xf32>
        %add3A_1563 = arith.addf %get3A_1558, %mul3A_1562 : vector<16xf32>
        %max3A_1564 = arith.maximumf %get3A_1555, %add3A_1563 : vector<16xf32>
        %add3A_1565 = arith.constant 96 : i32
        %add3A_1566 = arith.addi %mul3A_1443, %add3A_1565 : i32
        %swap3A_1567 = arith.index_cast %add3A_1566 : i32 to index
        %swap3A_1568 = tpu.vector_load %arg16[%swap3A_1567] {strides = array<i32>} : memref<41088xf32, #tpu.memory_space<vmem>>, vector<16xf32>,
        tpu.vector_store %arg16[%swap3A_1567], %max3A_1564 {strides = array<i32>} : memref<41088xf32, #tpu.memory_space<vmem>>, vector<16xf32>,
        %add3A_1569 = arith.constant 112 : i32
        %add3A_1570 = arith.addi %mul3A_1443, %add3A_1569 : i32
        %get3A_1571 = arith.index_cast %add3A_1570 : i32 to index
        %get3A_1572 = tpu.vector_load %arg16[%get3A_1571] {strides = array<i32>} : memref<41088xf32, #tpu.memory_space<vmem>>, vector<16xf32>,
        %get3A_1573 = arith.index_cast %add3A_1449 : i32 to index
        %get3A_1574 = arith.constant 112 : index
        %get3A_1575 = tpu.vector_load %arg17[%get3A_1573, %get3A_1574] {strides = array<i32>} : memref<128x128xf32, #tpu.memory_space<vmem>>, vector<16xf32>,
        %get3A_1576 = arith.constant 112 : index
        %get3A_1577 = tpu.vector_load %arg15[%get3A_1576] {strides = array<i32>} : memref<128xf32, #tpu.memory_space<vmem>>, vector<16xf32>,
        %mul3A_1578 = vector.broadcast %squeeze3A_1445 : f32 to vector<16xf32>
        %mul3A_1579 = arith.mulf %mul3A_1578, %get3A_1577 : vector<16xf32>
        %add3A_1580 = arith.addf %get3A_1575, %mul3A_1579 : vector<16xf32>
        %max3A_1581 = arith.maximumf %get3A_1572, %add3A_1580 : vector<16xf32>
        %add3A_1582 = arith.constant 112 : i32
        %add3A_1583 = arith.addi %mul3A_1443, %add3A_1582 : i32
        %swap3A_1584 = arith.index_cast %add3A_1583 : i32 to index
        %swap3A_1585 = tpu.vector_load %arg16[%swap3A_1584] {strides = array<i32>} : memref<41088xf32, #tpu.memory_space<vmem>>, vector<16xf32>,
        tpu.vector_store %arg16[%swap3A_1584], %max3A_1581 {strides = array<i32>} : memref<41088xf32, #tpu.memory_space<vmem>>, vector<16xf32>,
        %slice3A_1586 = vector.extract_strided_slice %get3A_123 {offsets = [10], sizes = [1], strides = [1]} : vector<16xi32> to vector<1xi32>
        %squeeze3A_1587 = vector.extract %slice3A_1586[0] : i32 from vector<1xi32>
        %mul3A_1588 = arith.constant 128 : i32
        %mul3A_1589 = arith.muli %squeeze3A_1587, %mul3A_1588 : i32
        %slice3A_1590 = vector.extract_strided_slice %get3A_128 {offsets = [10], sizes = [1], strides = [1]} : vector<16xf32> to vector<1xf32>
        %squeeze3A_1591 = vector.extract %slice3A_1590[0] : f32 from vector<1xf32>
        %mul3A_1592 = arith.constant 16 : i32
        %mul3A_1593 = arith.muli %scan3A_118, %mul3A_1592 : i32
        %add3A_1594 = arith.constant 10 : i32
        %add3A_1595 = arith.addi %mul3A_1593, %add3A_1594 : i32
        %add3A_1596 = arith.constant 0 : i32
        %add3A_1597 = arith.addi %mul3A_1589, %add3A_1596 : i32
        %get3A_1598 = arith.index_cast %add3A_1597 : i32 to index
        %get3A_1599 = tpu.vector_load %arg16[%get3A_1598] {strides = array<i32>} : memref<41088xf32, #tpu.memory_space<vmem>>, vector<16xf32>,
        %get3A_1600 = arith.index_cast %add3A_1595 : i32 to index
        %get3A_1601 = arith.constant 0 : index
        %get3A_1602 = tpu.vector_load %arg17[%get3A_1600, %get3A_1601] {strides = array<i32>} : memref<128x128xf32, #tpu.memory_space<vmem>>, vector<16xf32>,
        %get3A_1603 = arith.constant 0 : index
        %get3A_1604 = tpu.vector_load %arg15[%get3A_1603] {strides = array<i32>} : memref<128xf32, #tpu.memory_space<vmem>>, vector<16xf32>,
        %mul3A_1605 = vector.broadcast %squeeze3A_1591 : f32 to vector<16xf32>
        %mul3A_1606 = arith.mulf %mul3A_1605, %get3A_1604 : vector<16xf32>
        %add3A_1607 = arith.addf %get3A_1602, %mul3A_1606 : vector<16xf32>
        %max3A_1608 = arith.maximumf %get3A_1599, %add3A_1607 : vector<16xf32>
        %add3A_1609 = arith.constant 0 : i32
        %add3A_1610 = arith.addi %mul3A_1589, %add3A_1609 : i32
        %swap3A_1611 = arith.index_cast %add3A_1610 : i32 to index
        %swap3A_1612 = tpu.vector_load %arg16[%swap3A_1611] {strides = array<i32>} : memref<41088xf32, #tpu.memory_space<vmem>>, vector<16xf32>,
        tpu.vector_store %arg16[%swap3A_1611], %max3A_1608 {strides = array<i32>} : memref<41088xf32, #tpu.memory_space<vmem>>, vector<16xf32>,
        %add3A_1613 = arith.constant 16 : i32
        %add3A_1614 = arith.addi %mul3A_1589, %add3A_1613 : i32
        %get3A_1615 = arith.index_cast %add3A_1614 : i32 to index
        %get3A_1616 = tpu.vector_load %arg16[%get3A_1615] {strides = array<i32>} : memref<41088xf32, #tpu.memory_space<vmem>>, vector<16xf32>,
        %get3A_1617 = arith.index_cast %add3A_1595 : i32 to index
        %get3A_1618 = arith.constant 16 : index
        %get3A_1619 = tpu.vector_load %arg17[%get3A_1617, %get3A_1618] {strides = array<i32>} : memref<128x128xf32, #tpu.memory_space<vmem>>, vector<16xf32>,
        %get3A_1620 = arith.constant 16 : index
        %get3A_1621 = tpu.vector_load %arg15[%get3A_1620] {strides = array<i32>} : memref<128xf32, #tpu.memory_space<vmem>>, vector<16xf32>,
        %mul3A_1622 = vector.broadcast %squeeze3A_1591 : f32 to vector<16xf32>
        %mul3A_1623 = arith.mulf %mul3A_1622, %get3A_1621 : vector<16xf32>
        %add3A_1624 = arith.addf %get3A_1619, %mul3A_1623 : vector<16xf32>
        %max3A_1625 = arith.maximumf %get3A_1616, %add3A_1624 : vector<16xf32>
        %add3A_1626 = arith.constant 16 : i32
        %add3A_1627 = arith.addi %mul3A_1589, %add3A_1626 : i32
        %swap3A_1628 = arith.index_cast %add3A_1627 : i32 to index
        %swap3A_1629 = tpu.vector_load %arg16[%swap3A_1628] {strides = array<i32>} : memref<41088xf32, #tpu.memory_space<vmem>>, vector<16xf32>,
        tpu.vector_store %arg16[%swap3A_1628], %max3A_1625 {strides = array<i32>} : memref<41088xf32, #tpu.memory_space<vmem>>, vector<16xf32>,
        %add3A_1630 = arith.constant 32 : i32
        %add3A_1631 = arith.addi %mul3A_1589, %add3A_1630 : i32
        %get3A_1632 = arith.index_cast %add3A_1631 : i32 to index
        %get3A_1633 = tpu.vector_load %arg16[%get3A_1632] {strides = array<i32>} : memref<41088xf32, #tpu.memory_space<vmem>>, vector<16xf32>,
        %get3A_1634 = arith.index_cast %add3A_1595 : i32 to index
        %get3A_1635 = arith.constant 32 : index
        %get3A_1636 = tpu.vector_load %arg17[%get3A_1634, %get3A_1635] {strides = array<i32>} : memref<128x128xf32, #tpu.memory_space<vmem>>, vector<16xf32>,
        %get3A_1637 = arith.constant 32 : index
        %get3A_1638 = tpu.vector_load %arg15[%get3A_1637] {strides = array<i32>} : memref<128xf32, #tpu.memory_space<vmem>>, vector<16xf32>,
        %mul3A_1639 = vector.broadcast %squeeze3A_1591 : f32 to vector<16xf32>
        %mul3A_1640 = arith.mulf %mul3A_1639, %get3A_1638 : vector<16xf32>
        %add3A_1641 = arith.addf %get3A_1636, %mul3A_1640 : vector<16xf32>
        %max3A_1642 = arith.maximumf %get3A_1633, %add3A_1641 : vector<16xf32>
        %add3A_1643 = arith.constant 32 : i32
        %add3A_1644 = arith.addi %mul3A_1589, %add3A_1643 : i32
        %swap3A_1645 = arith.index_cast %add3A_1644 : i32 to index
        %swap3A_1646 = tpu.vector_load %arg16[%swap3A_1645] {strides = array<i32>} : memref<41088xf32, #tpu.memory_space<vmem>>, vector<16xf32>,
        tpu.vector_store %arg16[%swap3A_1645], %max3A_1642 {strides = array<i32>} : memref<41088xf32, #tpu.memory_space<vmem>>, vector<16xf32>,
        %add3A_1647 = arith.constant 48 : i32
        %add3A_1648 = arith.addi %mul3A_1589, %add3A_1647 : i32
        %get3A_1649 = arith.index_cast %add3A_1648 : i32 to index
        %get3A_1650 = tpu.vector_load %arg16[%get3A_1649] {strides = array<i32>} : memref<41088xf32, #tpu.memory_space<vmem>>, vector<16xf32>,
        %get3A_1651 = arith.index_cast %add3A_1595 : i32 to index
        %get3A_1652 = arith.constant 48 : index
        %get3A_1653 = tpu.vector_load %arg17[%get3A_1651, %get3A_1652] {strides = array<i32>} : memref<128x128xf32, #tpu.memory_space<vmem>>, vector<16xf32>,
        %get3A_1654 = arith.constant 48 : index
        %get3A_1655 = tpu.vector_load %arg15[%get3A_1654] {strides = array<i32>} : memref<128xf32, #tpu.memory_space<vmem>>, vector<16xf32>,
        %mul3A_1656 = vector.broadcast %squeeze3A_1591 : f32 to vector<16xf32>
        %mul3A_1657 = arith.mulf %mul3A_1656, %get3A_1655 : vector<16xf32>
        %add3A_1658 = arith.addf %get3A_1653, %mul3A_1657 : vector<16xf32>
        %max3A_1659 = arith.maximumf %get3A_1650, %add3A_1658 : vector<16xf32>
        %add3A_1660 = arith.constant 48 : i32
        %add3A_1661 = arith.addi %mul3A_1589, %add3A_1660 : i32
        %swap3A_1662 = arith.index_cast %add3A_1661 : i32 to index
        %swap3A_1663 = tpu.vector_load %arg16[%swap3A_1662] {strides = array<i32>} : memref<41088xf32, #tpu.memory_space<vmem>>, vector<16xf32>,
        tpu.vector_store %arg16[%swap3A_1662], %max3A_1659 {strides = array<i32>} : memref<41088xf32, #tpu.memory_space<vmem>>, vector<16xf32>,
        %add3A_1664 = arith.constant 64 : i32
        %add3A_1665 = arith.addi %mul3A_1589, %add3A_1664 : i32
        %get3A_1666 = arith.index_cast %add3A_1665 : i32 to index
        %get3A_1667 = tpu.vector_load %arg16[%get3A_1666] {strides = array<i32>} : memref<41088xf32, #tpu.memory_space<vmem>>, vector<16xf32>,
        %get3A_1668 = arith.index_cast %add3A_1595 : i32 to index
        %get3A_1669 = arith.constant 64 : index
        %get3A_1670 = tpu.vector_load %arg17[%get3A_1668, %get3A_1669] {strides = array<i32>} : memref<128x128xf32, #tpu.memory_space<vmem>>, vector<16xf32>,
        %get3A_1671 = arith.constant 64 : index
        %get3A_1672 = tpu.vector_load %arg15[%get3A_1671] {strides = array<i32>} : memref<128xf32, #tpu.memory_space<vmem>>, vector<16xf32>,
        %mul3A_1673 = vector.broadcast %squeeze3A_1591 : f32 to vector<16xf32>
        %mul3A_1674 = arith.mulf %mul3A_1673, %get3A_1672 : vector<16xf32>
        %add3A_1675 = arith.addf %get3A_1670, %mul3A_1674 : vector<16xf32>
        %max3A_1676 = arith.maximumf %get3A_1667, %add3A_1675 : vector<16xf32>
        %add3A_1677 = arith.constant 64 : i32
        %add3A_1678 = arith.addi %mul3A_1589, %add3A_1677 : i32
        %swap3A_1679 = arith.index_cast %add3A_1678 : i32 to index
        %swap3A_1680 = tpu.vector_load %arg16[%swap3A_1679] {strides = array<i32>} : memref<41088xf32, #tpu.memory_space<vmem>>, vector<16xf32>,
        tpu.vector_store %arg16[%swap3A_1679], %max3A_1676 {strides = array<i32>} : memref<41088xf32, #tpu.memory_space<vmem>>, vector<16xf32>,
        %add3A_1681 = arith.constant 80 : i32
        %add3A_1682 = arith.addi %mul3A_1589, %add3A_1681 : i32
        %get3A_1683 = arith.index_cast %add3A_1682 : i32 to index
        %get3A_1684 = tpu.vector_load %arg16[%get3A_1683] {strides = array<i32>} : memref<41088xf32, #tpu.memory_space<vmem>>, vector<16xf32>,
        %get3A_1685 = arith.index_cast %add3A_1595 : i32 to index
        %get3A_1686 = arith.constant 80 : index
        %get3A_1687 = tpu.vector_load %arg17[%get3A_1685, %get3A_1686] {strides = array<i32>} : memref<128x128xf32, #tpu.memory_space<vmem>>, vector<16xf32>,
        %get3A_1688 = arith.constant 80 : index
        %get3A_1689 = tpu.vector_load %arg15[%get3A_1688] {strides = array<i32>} : memref<128xf32, #tpu.memory_space<vmem>>, vector<16xf32>,
        %mul3A_1690 = vector.broadcast %squeeze3A_1591 : f32 to vector<16xf32>
        %mul3A_1691 = arith.mulf %mul3A_1690, %get3A_1689 : vector<16xf32>
        %add3A_1692 = arith.addf %get3A_1687, %mul3A_1691 : vector<16xf32>
        %max3A_1693 = arith.maximumf %get3A_1684, %add3A_1692 : vector<16xf32>
        %add3A_1694 = arith.constant 80 : i32
        %add3A_1695 = arith.addi %mul3A_1589, %add3A_1694 : i32
        %swap3A_1696 = arith.index_cast %add3A_1695 : i32 to index
        %swap3A_1697 = tpu.vector_load %arg16[%swap3A_1696] {strides = array<i32>} : memref<41088xf32, #tpu.memory_space<vmem>>, vector<16xf32>,
        tpu.vector_store %arg16[%swap3A_1696], %max3A_1693 {strides = array<i32>} : memref<41088xf32, #tpu.memory_space<vmem>>, vector<16xf32>,
        %add3A_1698 = arith.constant 96 : i32
        %add3A_1699 = arith.addi %mul3A_1589, %add3A_1698 : i32
        %get3A_1700 = arith.index_cast %add3A_1699 : i32 to index
        %get3A_1701 = tpu.vector_load %arg16[%get3A_1700] {strides = array<i32>} : memref<41088xf32, #tpu.memory_space<vmem>>, vector<16xf32>,
        %get3A_1702 = arith.index_cast %add3A_1595 : i32 to index
        %get3A_1703 = arith.constant 96 : index
        %get3A_1704 = tpu.vector_load %arg17[%get3A_1702, %get3A_1703] {strides = array<i32>} : memref<128x128xf32, #tpu.memory_space<vmem>>, vector<16xf32>,
        %get3A_1705 = arith.constant 96 : index
        %get3A_1706 = tpu.vector_load %arg15[%get3A_1705] {strides = array<i32>} : memref<128xf32, #tpu.memory_space<vmem>>, vector<16xf32>,
        %mul3A_1707 = vector.broadcast %squeeze3A_1591 : f32 to vector<16xf32>
        %mul3A_1708 = arith.mulf %mul3A_1707, %get3A_1706 : vector<16xf32>
        %add3A_1709 = arith.addf %get3A_1704, %mul3A_1708 : vector<16xf32>
        %max3A_1710 = arith.maximumf %get3A_1701, %add3A_1709 : vector<16xf32>
        %add3A_1711 = arith.constant 96 : i32
        %add3A_1712 = arith.addi %mul3A_1589, %add3A_1711 : i32
        %swap3A_1713 = arith.index_cast %add3A_1712 : i32 to index
        %swap3A_1714 = tpu.vector_load %arg16[%swap3A_1713] {strides = array<i32>} : memref<41088xf32, #tpu.memory_space<vmem>>, vector<16xf32>,
        tpu.vector_store %arg16[%swap3A_1713], %max3A_1710 {strides = array<i32>} : memref<41088xf32, #tpu.memory_space<vmem>>, vector<16xf32>,
        %add3A_1715 = arith.constant 112 : i32
        %add3A_1716 = arith.addi %mul3A_1589, %add3A_1715 : i32
        %get3A_1717 = arith.index_cast %add3A_1716 : i32 to index
        %get3A_1718 = tpu.vector_load %arg16[%get3A_1717] {strides = array<i32>} : memref<41088xf32, #tpu.memory_space<vmem>>, vector<16xf32>,
        %get3A_1719 = arith.index_cast %add3A_1595 : i32 to index
        %get3A_1720 = arith.constant 112 : index
        %get3A_1721 = tpu.vector_load %arg17[%get3A_1719, %get3A_1720] {strides = array<i32>} : memref<128x128xf32, #tpu.memory_space<vmem>>, vector<16xf32>,
        %get3A_1722 = arith.constant 112 : index
        %get3A_1723 = tpu.vector_load %arg15[%get3A_1722] {strides = array<i32>} : memref<128xf32, #tpu.memory_space<vmem>>, vector<16xf32>,
        %mul3A_1724 = vector.broadcast %squeeze3A_1591 : f32 to vector<16xf32>
        %mul3A_1725 = arith.mulf %mul3A_1724, %get3A_1723 : vector<16xf32>
        %add3A_1726 = arith.addf %get3A_1721, %mul3A_1725 : vector<16xf32>
        %max3A_1727 = arith.maximumf %get3A_1718, %add3A_1726 : vector<16xf32>
        %add3A_1728 = arith.constant 112 : i32
        %add3A_1729 = arith.addi %mul3A_1589, %add3A_1728 : i32
        %swap3A_1730 = arith.index_cast %add3A_1729 : i32 to index
        %swap3A_1731 = tpu.vector_load %arg16[%swap3A_1730] {strides = array<i32>} : memref<41088xf32, #tpu.memory_space<vmem>>, vector<16xf32>,
        tpu.vector_store %arg16[%swap3A_1730], %max3A_1727 {strides = array<i32>} : memref<41088xf32, #tpu.memory_space<vmem>>, vector<16xf32>,
        %slice3A_1732 = vector.extract_strided_slice %get3A_123 {offsets = [11], sizes = [1], strides = [1]} : vector<16xi32> to vector<1xi32>
        %squeeze3A_1733 = vector.extract %slice3A_1732[0] : i32 from vector<1xi32>
        %mul3A_1734 = arith.constant 128 : i32
        %mul3A_1735 = arith.muli %squeeze3A_1733, %mul3A_1734 : i32
        %slice3A_1736 = vector.extract_strided_slice %get3A_128 {offsets = [11], sizes = [1], strides = [1]} : vector<16xf32> to vector<1xf32>
        %squeeze3A_1737 = vector.extract %slice3A_1736[0] : f32 from vector<1xf32>
        %mul3A_1738 = arith.constant 16 : i32
        %mul3A_1739 = arith.muli %scan3A_118, %mul3A_1738 : i32
        %add3A_1740 = arith.constant 11 : i32
        %add3A_1741 = arith.addi %mul3A_1739, %add3A_1740 : i32
        %add3A_1742 = arith.constant 0 : i32
        %add3A_1743 = arith.addi %mul3A_1735, %add3A_1742 : i32
        %get3A_1744 = arith.index_cast %add3A_1743 : i32 to index
        %get3A_1745 = tpu.vector_load %arg16[%get3A_1744] {strides = array<i32>} : memref<41088xf32, #tpu.memory_space<vmem>>, vector<16xf32>,
        %get3A_1746 = arith.index_cast %add3A_1741 : i32 to index
        %get3A_1747 = arith.constant 0 : index
        %get3A_1748 = tpu.vector_load %arg17[%get3A_1746, %get3A_1747] {strides = array<i32>} : memref<128x128xf32, #tpu.memory_space<vmem>>, vector<16xf32>,
        %get3A_1749 = arith.constant 0 : index
        %get3A_1750 = tpu.vector_load %arg15[%get3A_1749] {strides = array<i32>} : memref<128xf32, #tpu.memory_space<vmem>>, vector<16xf32>,
        %mul3A_1751 = vector.broadcast %squeeze3A_1737 : f32 to vector<16xf32>
        %mul3A_1752 = arith.mulf %mul3A_1751, %get3A_1750 : vector<16xf32>
        %add3A_1753 = arith.addf %get3A_1748, %mul3A_1752 : vector<16xf32>
        %max3A_1754 = arith.maximumf %get3A_1745, %add3A_1753 : vector<16xf32>
        %add3A_1755 = arith.constant 0 : i32
        %add3A_1756 = arith.addi %mul3A_1735, %add3A_1755 : i32
        %swap3A_1757 = arith.index_cast %add3A_1756 : i32 to index
        %swap3A_1758 = tpu.vector_load %arg16[%swap3A_1757] {strides = array<i32>} : memref<41088xf32, #tpu.memory_space<vmem>>, vector<16xf32>,
        tpu.vector_store %arg16[%swap3A_1757], %max3A_1754 {strides = array<i32>} : memref<41088xf32, #tpu.memory_space<vmem>>, vector<16xf32>,
        %add3A_1759 = arith.constant 16 : i32
        %add3A_1760 = arith.addi %mul3A_1735, %add3A_1759 : i32
        %get3A_1761 = arith.index_cast %add3A_1760 : i32 to index
        %get3A_1762 = tpu.vector_load %arg16[%get3A_1761] {strides = array<i32>} : memref<41088xf32, #tpu.memory_space<vmem>>, vector<16xf32>,
        %get3A_1763 = arith.index_cast %add3A_1741 : i32 to index
        %get3A_1764 = arith.constant 16 : index
        %get3A_1765 = tpu.vector_load %arg17[%get3A_1763, %get3A_1764] {strides = array<i32>} : memref<128x128xf32, #tpu.memory_space<vmem>>, vector<16xf32>,
        %get3A_1766 = arith.constant 16 : index
        %get3A_1767 = tpu.vector_load %arg15[%get3A_1766] {strides = array<i32>} : memref<128xf32, #tpu.memory_space<vmem>>, vector<16xf32>,
        %mul3A_1768 = vector.broadcast %squeeze3A_1737 : f32 to vector<16xf32>
        %mul3A_1769 = arith.mulf %mul3A_1768, %get3A_1767 : vector<16xf32>
        %add3A_1770 = arith.addf %get3A_1765, %mul3A_1769 : vector<16xf32>
        %max3A_1771 = arith.maximumf %get3A_1762, %add3A_1770 : vector<16xf32>
        %add3A_1772 = arith.constant 16 : i32
        %add3A_1773 = arith.addi %mul3A_1735, %add3A_1772 : i32
        %swap3A_1774 = arith.index_cast %add3A_1773 : i32 to index
        %swap3A_1775 = tpu.vector_load %arg16[%swap3A_1774] {strides = array<i32>} : memref<41088xf32, #tpu.memory_space<vmem>>, vector<16xf32>,
        tpu.vector_store %arg16[%swap3A_1774], %max3A_1771 {strides = array<i32>} : memref<41088xf32, #tpu.memory_space<vmem>>, vector<16xf32>,
        %add3A_1776 = arith.constant 32 : i32
        %add3A_1777 = arith.addi %mul3A_1735, %add3A_1776 : i32
        %get3A_1778 = arith.index_cast %add3A_1777 : i32 to index
        %get3A_1779 = tpu.vector_load %arg16[%get3A_1778] {strides = array<i32>} : memref<41088xf32, #tpu.memory_space<vmem>>, vector<16xf32>,
        %get3A_1780 = arith.index_cast %add3A_1741 : i32 to index
        %get3A_1781 = arith.constant 32 : index
        %get3A_1782 = tpu.vector_load %arg17[%get3A_1780, %get3A_1781] {strides = array<i32>} : memref<128x128xf32, #tpu.memory_space<vmem>>, vector<16xf32>,
        %get3A_1783 = arith.constant 32 : index
        %get3A_1784 = tpu.vector_load %arg15[%get3A_1783] {strides = array<i32>} : memref<128xf32, #tpu.memory_space<vmem>>, vector<16xf32>,
        %mul3A_1785 = vector.broadcast %squeeze3A_1737 : f32 to vector<16xf32>
        %mul3A_1786 = arith.mulf %mul3A_1785, %get3A_1784 : vector<16xf32>
        %add3A_1787 = arith.addf %get3A_1782, %mul3A_1786 : vector<16xf32>
        %max3A_1788 = arith.maximumf %get3A_1779, %add3A_1787 : vector<16xf32>
        %add3A_1789 = arith.constant 32 : i32
        %add3A_1790 = arith.addi %mul3A_1735, %add3A_1789 : i32
        %swap3A_1791 = arith.index_cast %add3A_1790 : i32 to index
        %swap3A_1792 = tpu.vector_load %arg16[%swap3A_1791] {strides = array<i32>} : memref<41088xf32, #tpu.memory_space<vmem>>, vector<16xf32>,
        tpu.vector_store %arg16[%swap3A_1791], %max3A_1788 {strides = array<i32>} : memref<41088xf32, #tpu.memory_space<vmem>>, vector<16xf32>,
        %add3A_1793 = arith.constant 48 : i32
        %add3A_1794 = arith.addi %mul3A_1735, %add3A_1793 : i32
        %get3A_1795 = arith.index_cast %add3A_1794 : i32 to index
        %get3A_1796 = tpu.vector_load %arg16[%get3A_1795] {strides = array<i32>} : memref<41088xf32, #tpu.memory_space<vmem>>, vector<16xf32>,
        %get3A_1797 = arith.index_cast %add3A_1741 : i32 to index
        %get3A_1798 = arith.constant 48 : index
        %get3A_1799 = tpu.vector_load %arg17[%get3A_1797, %get3A_1798] {strides = array<i32>} : memref<128x128xf32, #tpu.memory_space<vmem>>, vector<16xf32>,
        %get3A_1800 = arith.constant 48 : index
        %get3A_1801 = tpu.vector_load %arg15[%get3A_1800] {strides = array<i32>} : memref<128xf32, #tpu.memory_space<vmem>>, vector<16xf32>,
        %mul3A_1802 = vector.broadcast %squeeze3A_1737 : f32 to vector<16xf32>
        %mul3A_1803 = arith.mulf %mul3A_1802, %get3A_1801 : vector<16xf32>
        %add3A_1804 = arith.addf %get3A_1799, %mul3A_1803 : vector<16xf32>
        %max3A_1805 = arith.maximumf %get3A_1796, %add3A_1804 : vector<16xf32>
        %add3A_1806 = arith.constant 48 : i32
        %add3A_1807 = arith.addi %mul3A_1735, %add3A_1806 : i32
        %swap3A_1808 = arith.index_cast %add3A_1807 : i32 to index
        %swap3A_1809 = tpu.vector_load %arg16[%swap3A_1808] {strides = array<i32>} : memref<41088xf32, #tpu.memory_space<vmem>>, vector<16xf32>,
        tpu.vector_store %arg16[%swap3A_1808], %max3A_1805 {strides = array<i32>} : memref<41088xf32, #tpu.memory_space<vmem>>, vector<16xf32>,
        %add3A_1810 = arith.constant 64 : i32
        %add3A_1811 = arith.addi %mul3A_1735, %add3A_1810 : i32
        %get3A_1812 = arith.index_cast %add3A_1811 : i32 to index
        %get3A_1813 = tpu.vector_load %arg16[%get3A_1812] {strides = array<i32>} : memref<41088xf32, #tpu.memory_space<vmem>>, vector<16xf32>,
        %get3A_1814 = arith.index_cast %add3A_1741 : i32 to index
        %get3A_1815 = arith.constant 64 : index
        %get3A_1816 = tpu.vector_load %arg17[%get3A_1814, %get3A_1815] {strides = array<i32>} : memref<128x128xf32, #tpu.memory_space<vmem>>, vector<16xf32>,
        %get3A_1817 = arith.constant 64 : index
        %get3A_1818 = tpu.vector_load %arg15[%get3A_1817] {strides = array<i32>} : memref<128xf32, #tpu.memory_space<vmem>>, vector<16xf32>,
        %mul3A_1819 = vector.broadcast %squeeze3A_1737 : f32 to vector<16xf32>
        %mul3A_1820 = arith.mulf %mul3A_1819, %get3A_1818 : vector<16xf32>
        %add3A_1821 = arith.addf %get3A_1816, %mul3A_1820 : vector<16xf32>
        %max3A_1822 = arith.maximumf %get3A_1813, %add3A_1821 : vector<16xf32>
        %add3A_1823 = arith.constant 64 : i32
        %add3A_1824 = arith.addi %mul3A_1735, %add3A_1823 : i32
        %swap3A_1825 = arith.index_cast %add3A_1824 : i32 to index
        %swap3A_1826 = tpu.vector_load %arg16[%swap3A_1825] {strides = array<i32>} : memref<41088xf32, #tpu.memory_space<vmem>>, vector<16xf32>,
        tpu.vector_store %arg16[%swap3A_1825], %max3A_1822 {strides = array<i32>} : memref<41088xf32, #tpu.memory_space<vmem>>, vector<16xf32>,
        %add3A_1827 = arith.constant 80 : i32
        %add3A_1828 = arith.addi %mul3A_1735, %add3A_1827 : i32
        %get3A_1829 = arith.index_cast %add3A_1828 : i32 to index
        %get3A_1830 = tpu.vector_load %arg16[%get3A_1829] {strides = array<i32>} : memref<41088xf32, #tpu.memory_space<vmem>>, vector<16xf32>,
        %get3A_1831 = arith.index_cast %add3A_1741 : i32 to index
        %get3A_1832 = arith.constant 80 : index
        %get3A_1833 = tpu.vector_load %arg17[%get3A_1831, %get3A_1832] {strides = array<i32>} : memref<128x128xf32, #tpu.memory_space<vmem>>, vector<16xf32>,
        %get3A_1834 = arith.constant 80 : index
        %get3A_1835 = tpu.vector_load %arg15[%get3A_1834] {strides = array<i32>} : memref<128xf32, #tpu.memory_space<vmem>>, vector<16xf32>,
        %mul3A_1836 = vector.broadcast %squeeze3A_1737 : f32 to vector<16xf32>
        %mul3A_1837 = arith.mulf %mul3A_1836, %get3A_1835 : vector<16xf32>
        %add3A_1838 = arith.addf %get3A_1833, %mul3A_1837 : vector<16xf32>
        %max3A_1839 = arith.maximumf %get3A_1830, %add3A_1838 : vector<16xf32>
        %add3A_1840 = arith.constant 80 : i32
        %add3A_1841 = arith.addi %mul3A_1735, %add3A_1840 : i32
        %swap3A_1842 = arith.index_cast %add3A_1841 : i32 to index
        %swap3A_1843 = tpu.vector_load %arg16[%swap3A_1842] {strides = array<i32>} : memref<41088xf32, #tpu.memory_space<vmem>>, vector<16xf32>,
        tpu.vector_store %arg16[%swap3A_1842], %max3A_1839 {strides = array<i32>} : memref<41088xf32, #tpu.memory_space<vmem>>, vector<16xf32>,
        %add3A_1844 = arith.constant 96 : i32
        %add3A_1845 = arith.addi %mul3A_1735, %add3A_1844 : i32
        %get3A_1846 = arith.index_cast %add3A_1845 : i32 to index
        %get3A_1847 = tpu.vector_load %arg16[%get3A_1846] {strides = array<i32>} : memref<41088xf32, #tpu.memory_space<vmem>>, vector<16xf32>,
        %get3A_1848 = arith.index_cast %add3A_1741 : i32 to index
        %get3A_1849 = arith.constant 96 : index
        %get3A_1850 = tpu.vector_load %arg17[%get3A_1848, %get3A_1849] {strides = array<i32>} : memref<128x128xf32, #tpu.memory_space<vmem>>, vector<16xf32>,
        %get3A_1851 = arith.constant 96 : index
        %get3A_1852 = tpu.vector_load %arg15[%get3A_1851] {strides = array<i32>} : memref<128xf32, #tpu.memory_space<vmem>>, vector<16xf32>,
        %mul3A_1853 = vector.broadcast %squeeze3A_1737 : f32 to vector<16xf32>
        %mul3A_1854 = arith.mulf %mul3A_1853, %get3A_1852 : vector<16xf32>
        %add3A_1855 = arith.addf %get3A_1850, %mul3A_1854 : vector<16xf32>
        %max3A_1856 = arith.maximumf %get3A_1847, %add3A_1855 : vector<16xf32>
        %add3A_1857 = arith.constant 96 : i32
        %add3A_1858 = arith.addi %mul3A_1735, %add3A_1857 : i32
        %swap3A_1859 = arith.index_cast %add3A_1858 : i32 to index
        %swap3A_1860 = tpu.vector_load %arg16[%swap3A_1859] {strides = array<i32>} : memref<41088xf32, #tpu.memory_space<vmem>>, vector<16xf32>,
        tpu.vector_store %arg16[%swap3A_1859], %max3A_1856 {strides = array<i32>} : memref<41088xf32, #tpu.memory_space<vmem>>, vector<16xf32>,
        %add3A_1861 = arith.constant 112 : i32
        %add3A_1862 = arith.addi %mul3A_1735, %add3A_1861 : i32
        %get3A_1863 = arith.index_cast %add3A_1862 : i32 to index
        %get3A_1864 = tpu.vector_load %arg16[%get3A_1863] {strides = array<i32>} : memref<41088xf32, #tpu.memory_space<vmem>>, vector<16xf32>,
        %get3A_1865 = arith.index_cast %add3A_1741 : i32 to index
        %get3A_1866 = arith.constant 112 : index
        %get3A_1867 = tpu.vector_load %arg17[%get3A_1865, %get3A_1866] {strides = array<i32>} : memref<128x128xf32, #tpu.memory_space<vmem>>, vector<16xf32>,
        %get3A_1868 = arith.constant 112 : index
        %get3A_1869 = tpu.vector_load %arg15[%get3A_1868] {strides = array<i32>} : memref<128xf32, #tpu.memory_space<vmem>>, vector<16xf32>,
        %mul3A_1870 = vector.broadcast %squeeze3A_1737 : f32 to vector<16xf32>
        %mul3A_1871 = arith.mulf %mul3A_1870, %get3A_1869 : vector<16xf32>
        %add3A_1872 = arith.addf %get3A_1867, %mul3A_1871 : vector<16xf32>
        %max3A_1873 = arith.maximumf %get3A_1864, %add3A_1872 : vector<16xf32>
        %add3A_1874 = arith.constant 112 : i32
        %add3A_1875 = arith.addi %mul3A_1735, %add3A_1874 : i32
        %swap3A_1876 = arith.index_cast %add3A_1875 : i32 to index
        %swap3A_1877 = tpu.vector_load %arg16[%swap3A_1876] {strides = array<i32>} : memref<41088xf32, #tpu.memory_space<vmem>>, vector<16xf32>,
        tpu.vector_store %arg16[%swap3A_1876], %max3A_1873 {strides = array<i32>} : memref<41088xf32, #tpu.memory_space<vmem>>, vector<16xf32>,
        %slice3A_1878 = vector.extract_strided_slice %get3A_123 {offsets = [12], sizes = [1], strides = [1]} : vector<16xi32> to vector<1xi32>
        %squeeze3A_1879 = vector.extract %slice3A_1878[0] : i32 from vector<1xi32>
        %mul3A_1880 = arith.constant 128 : i32
        %mul3A_1881 = arith.muli %squeeze3A_1879, %mul3A_1880 : i32
        %slice3A_1882 = vector.extract_strided_slice %get3A_128 {offsets = [12], sizes = [1], strides = [1]} : vector<16xf32> to vector<1xf32>
        %squeeze3A_1883 = vector.extract %slice3A_1882[0] : f32 from vector<1xf32>
        %mul3A_1884 = arith.constant 16 : i32
        %mul3A_1885 = arith.muli %scan3A_118, %mul3A_1884 : i32
        %add3A_1886 = arith.constant 12 : i32
        %add3A_1887 = arith.addi %mul3A_1885, %add3A_1886 : i32
        %add3A_1888 = arith.constant 0 : i32
        %add3A_1889 = arith.addi %mul3A_1881, %add3A_1888 : i32
        %get3A_1890 = arith.index_cast %add3A_1889 : i32 to index
        %get3A_1891 = tpu.vector_load %arg16[%get3A_1890] {strides = array<i32>} : memref<41088xf32, #tpu.memory_space<vmem>>, vector<16xf32>,
        %get3A_1892 = arith.index_cast %add3A_1887 : i32 to index
        %get3A_1893 = arith.constant 0 : index
        %get3A_1894 = tpu.vector_load %arg17[%get3A_1892, %get3A_1893] {strides = array<i32>} : memref<128x128xf32, #tpu.memory_space<vmem>>, vector<16xf32>,
        %get3A_1895 = arith.constant 0 : index
        %get3A_1896 = tpu.vector_load %arg15[%get3A_1895] {strides = array<i32>} : memref<128xf32, #tpu.memory_space<vmem>>, vector<16xf32>,
        %mul3A_1897 = vector.broadcast %squeeze3A_1883 : f32 to vector<16xf32>
        %mul3A_1898 = arith.mulf %mul3A_1897, %get3A_1896 : vector<16xf32>
        %add3A_1899 = arith.addf %get3A_1894, %mul3A_1898 : vector<16xf32>
        %max3A_1900 = arith.maximumf %get3A_1891, %add3A_1899 : vector<16xf32>
        %add3A_1901 = arith.constant 0 : i32
        %add3A_1902 = arith.addi %mul3A_1881, %add3A_1901 : i32
        %swap3A_1903 = arith.index_cast %add3A_1902 : i32 to index
        %swap3A_1904 = tpu.vector_load %arg16[%swap3A_1903] {strides = array<i32>} : memref<41088xf32, #tpu.memory_space<vmem>>, vector<16xf32>,
        tpu.vector_store %arg16[%swap3A_1903], %max3A_1900 {strides = array<i32>} : memref<41088xf32, #tpu.memory_space<vmem>>, vector<16xf32>,
        %add3A_1905 = arith.constant 16 : i32
        %add3A_1906 = arith.addi %mul3A_1881, %add3A_1905 : i32
        %get3A_1907 = arith.index_cast %add3A_1906 : i32 to index
        %get3A_1908 = tpu.vector_load %arg16[%get3A_1907] {strides = array<i32>} : memref<41088xf32, #tpu.memory_space<vmem>>, vector<16xf32>,
        %get3A_1909 = arith.index_cast %add3A_1887 : i32 to index
        %get3A_1910 = arith.constant 16 : index
        %get3A_1911 = tpu.vector_load %arg17[%get3A_1909, %get3A_1910] {strides = array<i32>} : memref<128x128xf32, #tpu.memory_space<vmem>>, vector<16xf32>,
        %get3A_1912 = arith.constant 16 : index
        %get3A_1913 = tpu.vector_load %arg15[%get3A_1912] {strides = array<i32>} : memref<128xf32, #tpu.memory_space<vmem>>, vector<16xf32>,
        %mul3A_1914 = vector.broadcast %squeeze3A_1883 : f32 to vector<16xf32>
        %mul3A_1915 = arith.mulf %mul3A_1914, %get3A_1913 : vector<16xf32>
        %add3A_1916 = arith.addf %get3A_1911, %mul3A_1915 : vector<16xf32>
        %max3A_1917 = arith.maximumf %get3A_1908, %add3A_1916 : vector<16xf32>
        %add3A_1918 = arith.constant 16 : i32
        %add3A_1919 = arith.addi %mul3A_1881, %add3A_1918 : i32
        %swap3A_1920 = arith.index_cast %add3A_1919 : i32 to index
        %swap3A_1921 = tpu.vector_load %arg16[%swap3A_1920] {strides = array<i32>} : memref<41088xf32, #tpu.memory_space<vmem>>, vector<16xf32>,
        tpu.vector_store %arg16[%swap3A_1920], %max3A_1917 {strides = array<i32>} : memref<41088xf32, #tpu.memory_space<vmem>>, vector<16xf32>,
        %add3A_1922 = arith.constant 32 : i32
        %add3A_1923 = arith.addi %mul3A_1881, %add3A_1922 : i32
        %get3A_1924 = arith.index_cast %add3A_1923 : i32 to index
        %get3A_1925 = tpu.vector_load %arg16[%get3A_1924] {strides = array<i32>} : memref<41088xf32, #tpu.memory_space<vmem>>, vector<16xf32>,
        %get3A_1926 = arith.index_cast %add3A_1887 : i32 to index
        %get3A_1927 = arith.constant 32 : index
        %get3A_1928 = tpu.vector_load %arg17[%get3A_1926, %get3A_1927] {strides = array<i32>} : memref<128x128xf32, #tpu.memory_space<vmem>>, vector<16xf32>,
        %get3A_1929 = arith.constant 32 : index
        %get3A_1930 = tpu.vector_load %arg15[%get3A_1929] {strides = array<i32>} : memref<128xf32, #tpu.memory_space<vmem>>, vector<16xf32>,
        %mul3A_1931 = vector.broadcast %squeeze3A_1883 : f32 to vector<16xf32>
        %mul3A_1932 = arith.mulf %mul3A_1931, %get3A_1930 : vector<16xf32>
        %add3A_1933 = arith.addf %get3A_1928, %mul3A_1932 : vector<16xf32>
        %max3A_1934 = arith.maximumf %get3A_1925, %add3A_1933 : vector<16xf32>
        %add3A_1935 = arith.constant 32 : i32
        %add3A_1936 = arith.addi %mul3A_1881, %add3A_1935 : i32
        %swap3A_1937 = arith.index_cast %add3A_1936 : i32 to index
        %swap3A_1938 = tpu.vector_load %arg16[%swap3A_1937] {strides = array<i32>} : memref<41088xf32, #tpu.memory_space<vmem>>, vector<16xf32>,
        tpu.vector_store %arg16[%swap3A_1937], %max3A_1934 {strides = array<i32>} : memref<41088xf32, #tpu.memory_space<vmem>>, vector<16xf32>,
        %add3A_1939 = arith.constant 48 : i32
        %add3A_1940 = arith.addi %mul3A_1881, %add3A_1939 : i32
        %get3A_1941 = arith.index_cast %add3A_1940 : i32 to index
        %get3A_1942 = tpu.vector_load %arg16[%get3A_1941] {strides = array<i32>} : memref<41088xf32, #tpu.memory_space<vmem>>, vector<16xf32>,
        %get3A_1943 = arith.index_cast %add3A_1887 : i32 to index
        %get3A_1944 = arith.constant 48 : index
        %get3A_1945 = tpu.vector_load %arg17[%get3A_1943, %get3A_1944] {strides = array<i32>} : memref<128x128xf32, #tpu.memory_space<vmem>>, vector<16xf32>,
        %get3A_1946 = arith.constant 48 : index
        %get3A_1947 = tpu.vector_load %arg15[%get3A_1946] {strides = array<i32>} : memref<128xf32, #tpu.memory_space<vmem>>, vector<16xf32>,
        %mul3A_1948 = vector.broadcast %squeeze3A_1883 : f32 to vector<16xf32>
        %mul3A_1949 = arith.mulf %mul3A_1948, %get3A_1947 : vector<16xf32>
        %add3A_1950 = arith.addf %get3A_1945, %mul3A_1949 : vector<16xf32>
        %max3A_1951 = arith.maximumf %get3A_1942, %add3A_1950 : vector<16xf32>
        %add3A_1952 = arith.constant 48 : i32
        %add3A_1953 = arith.addi %mul3A_1881, %add3A_1952 : i32
        %swap3A_1954 = arith.index_cast %add3A_1953 : i32 to index
        %swap3A_1955 = tpu.vector_load %arg16[%swap3A_1954] {strides = array<i32>} : memref<41088xf32, #tpu.memory_space<vmem>>, vector<16xf32>,
        tpu.vector_store %arg16[%swap3A_1954], %max3A_1951 {strides = array<i32>} : memref<41088xf32, #tpu.memory_space<vmem>>, vector<16xf32>,
        %add3A_1956 = arith.constant 64 : i32
        %add3A_1957 = arith.addi %mul3A_1881, %add3A_1956 : i32
        %get3A_1958 = arith.index_cast %add3A_1957 : i32 to index
        %get3A_1959 = tpu.vector_load %arg16[%get3A_1958] {strides = array<i32>} : memref<41088xf32, #tpu.memory_space<vmem>>, vector<16xf32>,
        %get3A_1960 = arith.index_cast %add3A_1887 : i32 to index
        %get3A_1961 = arith.constant 64 : index
        %get3A_1962 = tpu.vector_load %arg17[%get3A_1960, %get3A_1961] {strides = array<i32>} : memref<128x128xf32, #tpu.memory_space<vmem>>, vector<16xf32>,
        %get3A_1963 = arith.constant 64 : index
        %get3A_1964 = tpu.vector_load %arg15[%get3A_1963] {strides = array<i32>} : memref<128xf32, #tpu.memory_space<vmem>>, vector<16xf32>,
        %mul3A_1965 = vector.broadcast %squeeze3A_1883 : f32 to vector<16xf32>
        %mul3A_1966 = arith.mulf %mul3A_1965, %get3A_1964 : vector<16xf32>
        %add3A_1967 = arith.addf %get3A_1962, %mul3A_1966 : vector<16xf32>
        %max3A_1968 = arith.maximumf %get3A_1959, %add3A_1967 : vector<16xf32>
        %add3A_1969 = arith.constant 64 : i32
        %add3A_1970 = arith.addi %mul3A_1881, %add3A_1969 : i32
        %swap3A_1971 = arith.index_cast %add3A_1970 : i32 to index
        %swap3A_1972 = tpu.vector_load %arg16[%swap3A_1971] {strides = array<i32>} : memref<41088xf32, #tpu.memory_space<vmem>>, vector<16xf32>,
        tpu.vector_store %arg16[%swap3A_1971], %max3A_1968 {strides = array<i32>} : memref<41088xf32, #tpu.memory_space<vmem>>, vector<16xf32>,
        %add3A_1973 = arith.constant 80 : i32
        %add3A_1974 = arith.addi %mul3A_1881, %add3A_1973 : i32
        %get3A_1975 = arith.index_cast %add3A_1974 : i32 to index
        %get3A_1976 = tpu.vector_load %arg16[%get3A_1975] {strides = array<i32>} : memref<41088xf32, #tpu.memory_space<vmem>>, vector<16xf32>,
        %get3A_1977 = arith.index_cast %add3A_1887 : i32 to index
        %get3A_1978 = arith.constant 80 : index
        %get3A_1979 = tpu.vector_load %arg17[%get3A_1977, %get3A_1978] {strides = array<i32>} : memref<128x128xf32, #tpu.memory_space<vmem>>, vector<16xf32>,
        %get3A_1980 = arith.constant 80 : index
        %get3A_1981 = tpu.vector_load %arg15[%get3A_1980] {strides = array<i32>} : memref<128xf32, #tpu.memory_space<vmem>>, vector<16xf32>,
        %mul3A_1982 = vector.broadcast %squeeze3A_1883 : f32 to vector<16xf32>
        %mul3A_1983 = arith.mulf %mul3A_1982, %get3A_1981 : vector<16xf32>
        %add3A_1984 = arith.addf %get3A_1979, %mul3A_1983 : vector<16xf32>
        %max3A_1985 = arith.maximumf %get3A_1976, %add3A_1984 : vector<16xf32>
        %add3A_1986 = arith.constant 80 : i32
        %add3A_1987 = arith.addi %mul3A_1881, %add3A_1986 : i32
        %swap3A_1988 = arith.index_cast %add3A_1987 : i32 to index
        %swap3A_1989 = tpu.vector_load %arg16[%swap3A_1988] {strides = array<i32>} : memref<41088xf32, #tpu.memory_space<vmem>>, vector<16xf32>,
        tpu.vector_store %arg16[%swap3A_1988], %max3A_1985 {strides = array<i32>} : memref<41088xf32, #tpu.memory_space<vmem>>, vector<16xf32>,
        %add3A_1990 = arith.constant 96 : i32
        %add3A_1991 = arith.addi %mul3A_1881, %add3A_1990 : i32
        %get3A_1992 = arith.index_cast %add3A_1991 : i32 to index
        %get3A_1993 = tpu.vector_load %arg16[%get3A_1992] {strides = array<i32>} : memref<41088xf32, #tpu.memory_space<vmem>>, vector<16xf32>,
        %get3A_1994 = arith.index_cast %add3A_1887 : i32 to index
        %get3A_1995 = arith.constant 96 : index
        %get3A_1996 = tpu.vector_load %arg17[%get3A_1994, %get3A_1995] {strides = array<i32>} : memref<128x128xf32, #tpu.memory_space<vmem>>, vector<16xf32>,
        %get3A_1997 = arith.constant 96 : index
        %get3A_1998 = tpu.vector_load %arg15[%get3A_1997] {strides = array<i32>} : memref<128xf32, #tpu.memory_space<vmem>>, vector<16xf32>,
        %mul3A_1999 = vector.broadcast %squeeze3A_1883 : f32 to vector<16xf32>
        %mul3A_2000 = arith.mulf %mul3A_1999, %get3A_1998 : vector<16xf32>
        %add3A_2001 = arith.addf %get3A_1996, %mul3A_2000 : vector<16xf32>
        %max3A_2002 = arith.maximumf %get3A_1993, %add3A_2001 : vector<16xf32>
        %add3A_2003 = arith.constant 96 : i32
        %add3A_2004 = arith.addi %mul3A_1881, %add3A_2003 : i32
        %swap3A_2005 = arith.index_cast %add3A_2004 : i32 to index
        %swap3A_2006 = tpu.vector_load %arg16[%swap3A_2005] {strides = array<i32>} : memref<41088xf32, #tpu.memory_space<vmem>>, vector<16xf32>,
        tpu.vector_store %arg16[%swap3A_2005], %max3A_2002 {strides = array<i32>} : memref<41088xf32, #tpu.memory_space<vmem>>, vector<16xf32>,
        %add3A_2007 = arith.constant 112 : i32
        %add3A_2008 = arith.addi %mul3A_1881, %add3A_2007 : i32
        %get3A_2009 = arith.index_cast %add3A_2008 : i32 to index
        %get3A_2010 = tpu.vector_load %arg16[%get3A_2009] {strides = array<i32>} : memref<41088xf32, #tpu.memory_space<vmem>>, vector<16xf32>,
        %get3A_2011 = arith.index_cast %add3A_1887 : i32 to index
        %get3A_2012 = arith.constant 112 : index
        %get3A_2013 = tpu.vector_load %arg17[%get3A_2011, %get3A_2012] {strides = array<i32>} : memref<128x128xf32, #tpu.memory_space<vmem>>, vector<16xf32>,
        %get3A_2014 = arith.constant 112 : index
        %get3A_2015 = tpu.vector_load %arg15[%get3A_2014] {strides = array<i32>} : memref<128xf32, #tpu.memory_space<vmem>>, vector<16xf32>,
        %mul3A_2016 = vector.broadcast %squeeze3A_1883 : f32 to vector<16xf32>
        %mul3A_2017 = arith.mulf %mul3A_2016, %get3A_2015 : vector<16xf32>
        %add3A_2018 = arith.addf %get3A_2013, %mul3A_2017 : vector<16xf32>
        %max3A_2019 = arith.maximumf %get3A_2010, %add3A_2018 : vector<16xf32>
        %add3A_2020 = arith.constant 112 : i32
        %add3A_2021 = arith.addi %mul3A_1881, %add3A_2020 : i32
        %swap3A_2022 = arith.index_cast %add3A_2021 : i32 to index
        %swap3A_2023 = tpu.vector_load %arg16[%swap3A_2022] {strides = array<i32>} : memref<41088xf32, #tpu.memory_space<vmem>>, vector<16xf32>,
        tpu.vector_store %arg16[%swap3A_2022], %max3A_2019 {strides = array<i32>} : memref<41088xf32, #tpu.memory_space<vmem>>, vector<16xf32>,
        %slice3A_2024 = vector.extract_strided_slice %get3A_123 {offsets = [13], sizes = [1], strides = [1]} : vector<16xi32> to vector<1xi32>
        %squeeze3A_2025 = vector.extract %slice3A_2024[0] : i32 from vector<1xi32>
        %mul3A_2026 = arith.constant 128 : i32
        %mul3A_2027 = arith.muli %squeeze3A_2025, %mul3A_2026 : i32
        %slice3A_2028 = vector.extract_strided_slice %get3A_128 {offsets = [13], sizes = [1], strides = [1]} : vector<16xf32> to vector<1xf32>
        %squeeze3A_2029 = vector.extract %slice3A_2028[0] : f32 from vector<1xf32>
        %mul3A_2030 = arith.constant 16 : i32
        %mul3A_2031 = arith.muli %scan3A_118, %mul3A_2030 : i32
        %add3A_2032 = arith.constant 13 : i32
        %add3A_2033 = arith.addi %mul3A_2031, %add3A_2032 : i32
        %add3A_2034 = arith.constant 0 : i32
        %add3A_2035 = arith.addi %mul3A_2027, %add3A_2034 : i32
        %get3A_2036 = arith.index_cast %add3A_2035 : i32 to index
        %get3A_2037 = tpu.vector_load %arg16[%get3A_2036] {strides = array<i32>} : memref<41088xf32, #tpu.memory_space<vmem>>, vector<16xf32>,
        %get3A_2038 = arith.index_cast %add3A_2033 : i32 to index
        %get3A_2039 = arith.constant 0 : index
        %get3A_2040 = tpu.vector_load %arg17[%get3A_2038, %get3A_2039] {strides = array<i32>} : memref<128x128xf32, #tpu.memory_space<vmem>>, vector<16xf32>,
        %get3A_2041 = arith.constant 0 : index
        %get3A_2042 = tpu.vector_load %arg15[%get3A_2041] {strides = array<i32>} : memref<128xf32, #tpu.memory_space<vmem>>, vector<16xf32>,
        %mul3A_2043 = vector.broadcast %squeeze3A_2029 : f32 to vector<16xf32>
        %mul3A_2044 = arith.mulf %mul3A_2043, %get3A_2042 : vector<16xf32>
        %add3A_2045 = arith.addf %get3A_2040, %mul3A_2044 : vector<16xf32>
        %max3A_2046 = arith.maximumf %get3A_2037, %add3A_2045 : vector<16xf32>
        %add3A_2047 = arith.constant 0 : i32
        %add3A_2048 = arith.addi %mul3A_2027, %add3A_2047 : i32
        %swap3A_2049 = arith.index_cast %add3A_2048 : i32 to index
        %swap3A_2050 = tpu.vector_load %arg16[%swap3A_2049] {strides = array<i32>} : memref<41088xf32, #tpu.memory_space<vmem>>, vector<16xf32>,
        tpu.vector_store %arg16[%swap3A_2049], %max3A_2046 {strides = array<i32>} : memref<41088xf32, #tpu.memory_space<vmem>>, vector<16xf32>,
        %add3A_2051 = arith.constant 16 : i32
        %add3A_2052 = arith.addi %mul3A_2027, %add3A_2051 : i32
        %get3A_2053 = arith.index_cast %add3A_2052 : i32 to index
        %get3A_2054 = tpu.vector_load %arg16[%get3A_2053] {strides = array<i32>} : memref<41088xf32, #tpu.memory_space<vmem>>, vector<16xf32>,
        %get3A_2055 = arith.index_cast %add3A_2033 : i32 to index
        %get3A_2056 = arith.constant 16 : index
        %get3A_2057 = tpu.vector_load %arg17[%get3A_2055, %get3A_2056] {strides = array<i32>} : memref<128x128xf32, #tpu.memory_space<vmem>>, vector<16xf32>,
        %get3A_2058 = arith.constant 16 : index
        %get3A_2059 = tpu.vector_load %arg15[%get3A_2058] {strides = array<i32>} : memref<128xf32, #tpu.memory_space<vmem>>, vector<16xf32>,
        %mul3A_2060 = vector.broadcast %squeeze3A_2029 : f32 to vector<16xf32>
        %mul3A_2061 = arith.mulf %mul3A_2060, %get3A_2059 : vector<16xf32>
        %add3A_2062 = arith.addf %get3A_2057, %mul3A_2061 : vector<16xf32>
        %max3A_2063 = arith.maximumf %get3A_2054, %add3A_2062 : vector<16xf32>
        %add3A_2064 = arith.constant 16 : i32
        %add3A_2065 = arith.addi %mul3A_2027, %add3A_2064 : i32
        %swap3A_2066 = arith.index_cast %add3A_2065 : i32 to index
        %swap3A_2067 = tpu.vector_load %arg16[%swap3A_2066] {strides = array<i32>} : memref<41088xf32, #tpu.memory_space<vmem>>, vector<16xf32>,
        tpu.vector_store %arg16[%swap3A_2066], %max3A_2063 {strides = array<i32>} : memref<41088xf32, #tpu.memory_space<vmem>>, vector<16xf32>,
        %add3A_2068 = arith.constant 32 : i32
        %add3A_2069 = arith.addi %mul3A_2027, %add3A_2068 : i32
        %get3A_2070 = arith.index_cast %add3A_2069 : i32 to index
        %get3A_2071 = tpu.vector_load %arg16[%get3A_2070] {strides = array<i32>} : memref<41088xf32, #tpu.memory_space<vmem>>, vector<16xf32>,
        %get3A_2072 = arith.index_cast %add3A_2033 : i32 to index
        %get3A_2073 = arith.constant 32 : index
        %get3A_2074 = tpu.vector_load %arg17[%get3A_2072, %get3A_2073] {strides = array<i32>} : memref<128x128xf32, #tpu.memory_space<vmem>>, vector<16xf32>,
        %get3A_2075 = arith.constant 32 : index
        %get3A_2076 = tpu.vector_load %arg15[%get3A_2075] {strides = array<i32>} : memref<128xf32, #tpu.memory_space<vmem>>, vector<16xf32>,
        %mul3A_2077 = vector.broadcast %squeeze3A_2029 : f32 to vector<16xf32>
        %mul3A_2078 = arith.mulf %mul3A_2077, %get3A_2076 : vector<16xf32>
        %add3A_2079 = arith.addf %get3A_2074, %mul3A_2078 : vector<16xf32>
        %max3A_2080 = arith.maximumf %get3A_2071, %add3A_2079 : vector<16xf32>
        %add3A_2081 = arith.constant 32 : i32
        %add3A_2082 = arith.addi %mul3A_2027, %add3A_2081 : i32
        %swap3A_2083 = arith.index_cast %add3A_2082 : i32 to index
        %swap3A_2084 = tpu.vector_load %arg16[%swap3A_2083] {strides = array<i32>} : memref<41088xf32, #tpu.memory_space<vmem>>, vector<16xf32>,
        tpu.vector_store %arg16[%swap3A_2083], %max3A_2080 {strides = array<i32>} : memref<41088xf32, #tpu.memory_space<vmem>>, vector<16xf32>,
        %add3A_2085 = arith.constant 48 : i32
        %add3A_2086 = arith.addi %mul3A_2027, %add3A_2085 : i32
        %get3A_2087 = arith.index_cast %add3A_2086 : i32 to index
        %get3A_2088 = tpu.vector_load %arg16[%get3A_2087] {strides = array<i32>} : memref<41088xf32, #tpu.memory_space<vmem>>, vector<16xf32>,
        %get3A_2089 = arith.index_cast %add3A_2033 : i32 to index
        %get3A_2090 = arith.constant 48 : index
        %get3A_2091 = tpu.vector_load %arg17[%get3A_2089, %get3A_2090] {strides = array<i32>} : memref<128x128xf32, #tpu.memory_space<vmem>>, vector<16xf32>,
        %get3A_2092 = arith.constant 48 : index
        %get3A_2093 = tpu.vector_load %arg15[%get3A_2092] {strides = array<i32>} : memref<128xf32, #tpu.memory_space<vmem>>, vector<16xf32>,
        %mul3A_2094 = vector.broadcast %squeeze3A_2029 : f32 to vector<16xf32>
        %mul3A_2095 = arith.mulf %mul3A_2094, %get3A_2093 : vector<16xf32>
        %add3A_2096 = arith.addf %get3A_2091, %mul3A_2095 : vector<16xf32>
        %max3A_2097 = arith.maximumf %get3A_2088, %add3A_2096 : vector<16xf32>
        %add3A_2098 = arith.constant 48 : i32
        %add3A_2099 = arith.addi %mul3A_2027, %add3A_2098 : i32
        %swap3A_2100 = arith.index_cast %add3A_2099 : i32 to index
        %swap3A_2101 = tpu.vector_load %arg16[%swap3A_2100] {strides = array<i32>} : memref<41088xf32, #tpu.memory_space<vmem>>, vector<16xf32>,
        tpu.vector_store %arg16[%swap3A_2100], %max3A_2097 {strides = array<i32>} : memref<41088xf32, #tpu.memory_space<vmem>>, vector<16xf32>,
        %add3A_2102 = arith.constant 64 : i32
        %add3A_2103 = arith.addi %mul3A_2027, %add3A_2102 : i32
        %get3A_2104 = arith.index_cast %add3A_2103 : i32 to index
        %get3A_2105 = tpu.vector_load %arg16[%get3A_2104] {strides = array<i32>} : memref<41088xf32, #tpu.memory_space<vmem>>, vector<16xf32>,
        %get3A_2106 = arith.index_cast %add3A_2033 : i32 to index
        %get3A_2107 = arith.constant 64 : index
        %get3A_2108 = tpu.vector_load %arg17[%get3A_2106, %get3A_2107] {strides = array<i32>} : memref<128x128xf32, #tpu.memory_space<vmem>>, vector<16xf32>,
        %get3A_2109 = arith.constant 64 : index
        %get3A_2110 = tpu.vector_load %arg15[%get3A_2109] {strides = array<i32>} : memref<128xf32, #tpu.memory_space<vmem>>, vector<16xf32>,
        %mul3A_2111 = vector.broadcast %squeeze3A_2029 : f32 to vector<16xf32>
        %mul3A_2112 = arith.mulf %mul3A_2111, %get3A_2110 : vector<16xf32>
        %add3A_2113 = arith.addf %get3A_2108, %mul3A_2112 : vector<16xf32>
        %max3A_2114 = arith.maximumf %get3A_2105, %add3A_2113 : vector<16xf32>
        %add3A_2115 = arith.constant 64 : i32
        %add3A_2116 = arith.addi %mul3A_2027, %add3A_2115 : i32
        %swap3A_2117 = arith.index_cast %add3A_2116 : i32 to index
        %swap3A_2118 = tpu.vector_load %arg16[%swap3A_2117] {strides = array<i32>} : memref<41088xf32, #tpu.memory_space<vmem>>, vector<16xf32>,
        tpu.vector_store %arg16[%swap3A_2117], %max3A_2114 {strides = array<i32>} : memref<41088xf32, #tpu.memory_space<vmem>>, vector<16xf32>,
        %add3A_2119 = arith.constant 80 : i32
        %add3A_2120 = arith.addi %mul3A_2027, %add3A_2119 : i32
        %get3A_2121 = arith.index_cast %add3A_2120 : i32 to index
        %get3A_2122 = tpu.vector_load %arg16[%get3A_2121] {strides = array<i32>} : memref<41088xf32, #tpu.memory_space<vmem>>, vector<16xf32>,
        %get3A_2123 = arith.index_cast %add3A_2033 : i32 to index
        %get3A_2124 = arith.constant 80 : index
        %get3A_2125 = tpu.vector_load %arg17[%get3A_2123, %get3A_2124] {strides = array<i32>} : memref<128x128xf32, #tpu.memory_space<vmem>>, vector<16xf32>,
        %get3A_2126 = arith.constant 80 : index
        %get3A_2127 = tpu.vector_load %arg15[%get3A_2126] {strides = array<i32>} : memref<128xf32, #tpu.memory_space<vmem>>, vector<16xf32>,
        %mul3A_2128 = vector.broadcast %squeeze3A_2029 : f32 to vector<16xf32>
        %mul3A_2129 = arith.mulf %mul3A_2128, %get3A_2127 : vector<16xf32>
        %add3A_2130 = arith.addf %get3A_2125, %mul3A_2129 : vector<16xf32>
        %max3A_2131 = arith.maximumf %get3A_2122, %add3A_2130 : vector<16xf32>
        %add3A_2132 = arith.constant 80 : i32
        %add3A_2133 = arith.addi %mul3A_2027, %add3A_2132 : i32
        %swap3A_2134 = arith.index_cast %add3A_2133 : i32 to index
        %swap3A_2135 = tpu.vector_load %arg16[%swap3A_2134] {strides = array<i32>} : memref<41088xf32, #tpu.memory_space<vmem>>, vector<16xf32>,
        tpu.vector_store %arg16[%swap3A_2134], %max3A_2131 {strides = array<i32>} : memref<41088xf32, #tpu.memory_space<vmem>>, vector<16xf32>,
        %add3A_2136 = arith.constant 96 : i32
        %add3A_2137 = arith.addi %mul3A_2027, %add3A_2136 : i32
        %get3A_2138 = arith.index_cast %add3A_2137 : i32 to index
        %get3A_2139 = tpu.vector_load %arg16[%get3A_2138] {strides = array<i32>} : memref<41088xf32, #tpu.memory_space<vmem>>, vector<16xf32>,
        %get3A_2140 = arith.index_cast %add3A_2033 : i32 to index
        %get3A_2141 = arith.constant 96 : index
        %get3A_2142 = tpu.vector_load %arg17[%get3A_2140, %get3A_2141] {strides = array<i32>} : memref<128x128xf32, #tpu.memory_space<vmem>>, vector<16xf32>,
        %get3A_2143 = arith.constant 96 : index
        %get3A_2144 = tpu.vector_load %arg15[%get3A_2143] {strides = array<i32>} : memref<128xf32, #tpu.memory_space<vmem>>, vector<16xf32>,
        %mul3A_2145 = vector.broadcast %squeeze3A_2029 : f32 to vector<16xf32>
        %mul3A_2146 = arith.mulf %mul3A_2145, %get3A_2144 : vector<16xf32>
        %add3A_2147 = arith.addf %get3A_2142, %mul3A_2146 : vector<16xf32>
        %max3A_2148 = arith.maximumf %get3A_2139, %add3A_2147 : vector<16xf32>
        %add3A_2149 = arith.constant 96 : i32
        %add3A_2150 = arith.addi %mul3A_2027, %add3A_2149 : i32
        %swap3A_2151 = arith.index_cast %add3A_2150 : i32 to index
        %swap3A_2152 = tpu.vector_load %arg16[%swap3A_2151] {strides = array<i32>} : memref<41088xf32, #tpu.memory_space<vmem>>, vector<16xf32>,
        tpu.vector_store %arg16[%swap3A_2151], %max3A_2148 {strides = array<i32>} : memref<41088xf32, #tpu.memory_space<vmem>>, vector<16xf32>,
        %add3A_2153 = arith.constant 112 : i32
        %add3A_2154 = arith.addi %mul3A_2027, %add3A_2153 : i32
        %get3A_2155 = arith.index_cast %add3A_2154 : i32 to index
        %get3A_2156 = tpu.vector_load %arg16[%get3A_2155] {strides = array<i32>} : memref<41088xf32, #tpu.memory_space<vmem>>, vector<16xf32>,
        %get3A_2157 = arith.index_cast %add3A_2033 : i32 to index
        %get3A_2158 = arith.constant 112 : index
        %get3A_2159 = tpu.vector_load %arg17[%get3A_2157, %get3A_2158] {strides = array<i32>} : memref<128x128xf32, #tpu.memory_space<vmem>>, vector<16xf32>,
        %get3A_2160 = arith.constant 112 : index
        %get3A_2161 = tpu.vector_load %arg15[%get3A_2160] {strides = array<i32>} : memref<128xf32, #tpu.memory_space<vmem>>, vector<16xf32>,
        %mul3A_2162 = vector.broadcast %squeeze3A_2029 : f32 to vector<16xf32>
        %mul3A_2163 = arith.mulf %mul3A_2162, %get3A_2161 : vector<16xf32>
        %add3A_2164 = arith.addf %get3A_2159, %mul3A_2163 : vector<16xf32>
        %max3A_2165 = arith.maximumf %get3A_2156, %add3A_2164 : vector<16xf32>
        %add3A_2166 = arith.constant 112 : i32
        %add3A_2167 = arith.addi %mul3A_2027, %add3A_2166 : i32
        %swap3A_2168 = arith.index_cast %add3A_2167 : i32 to index
        %swap3A_2169 = tpu.vector_load %arg16[%swap3A_2168] {strides = array<i32>} : memref<41088xf32, #tpu.memory_space<vmem>>, vector<16xf32>,
        tpu.vector_store %arg16[%swap3A_2168], %max3A_2165 {strides = array<i32>} : memref<41088xf32, #tpu.memory_space<vmem>>, vector<16xf32>,
        %slice3A_2170 = vector.extract_strided_slice %get3A_123 {offsets = [14], sizes = [1], strides = [1]} : vector<16xi32> to vector<1xi32>
        %squeeze3A_2171 = vector.extract %slice3A_2170[0] : i32 from vector<1xi32>
        %mul3A_2172 = arith.constant 128 : i32
        %mul3A_2173 = arith.muli %squeeze3A_2171, %mul3A_2172 : i32
        %slice3A_2174 = vector.extract_strided_slice %get3A_128 {offsets = [14], sizes = [1], strides = [1]} : vector<16xf32> to vector<1xf32>
        %squeeze3A_2175 = vector.extract %slice3A_2174[0] : f32 from vector<1xf32>
        %mul3A_2176 = arith.constant 16 : i32
        %mul3A_2177 = arith.muli %scan3A_118, %mul3A_2176 : i32
        %add3A_2178 = arith.constant 14 : i32
        %add3A_2179 = arith.addi %mul3A_2177, %add3A_2178 : i32
        %add3A_2180 = arith.constant 0 : i32
        %add3A_2181 = arith.addi %mul3A_2173, %add3A_2180 : i32
        %get3A_2182 = arith.index_cast %add3A_2181 : i32 to index
        %get3A_2183 = tpu.vector_load %arg16[%get3A_2182] {strides = array<i32>} : memref<41088xf32, #tpu.memory_space<vmem>>, vector<16xf32>,
        %get3A_2184 = arith.index_cast %add3A_2179 : i32 to index
        %get3A_2185 = arith.constant 0 : index
        %get3A_2186 = tpu.vector_load %arg17[%get3A_2184, %get3A_2185] {strides = array<i32>} : memref<128x128xf32, #tpu.memory_space<vmem>>, vector<16xf32>,
        %get3A_2187 = arith.constant 0 : index
        %get3A_2188 = tpu.vector_load %arg15[%get3A_2187] {strides = array<i32>} : memref<128xf32, #tpu.memory_space<vmem>>, vector<16xf32>,
        %mul3A_2189 = vector.broadcast %squeeze3A_2175 : f32 to vector<16xf32>
        %mul3A_2190 = arith.mulf %mul3A_2189, %get3A_2188 : vector<16xf32>
        %add3A_2191 = arith.addf %get3A_2186, %mul3A_2190 : vector<16xf32>
        %max3A_2192 = arith.maximumf %get3A_2183, %add3A_2191 : vector<16xf32>
        %add3A_2193 = arith.constant 0 : i32
        %add3A_2194 = arith.addi %mul3A_2173, %add3A_2193 : i32
        %swap3A_2195 = arith.index_cast %add3A_2194 : i32 to index
        %swap3A_2196 = tpu.vector_load %arg16[%swap3A_2195] {strides = array<i32>} : memref<41088xf32, #tpu.memory_space<vmem>>, vector<16xf32>,
        tpu.vector_store %arg16[%swap3A_2195], %max3A_2192 {strides = array<i32>} : memref<41088xf32, #tpu.memory_space<vmem>>, vector<16xf32>,
        %add3A_2197 = arith.constant 16 : i32
        %add3A_2198 = arith.addi %mul3A_2173, %add3A_2197 : i32
        %get3A_2199 = arith.index_cast %add3A_2198 : i32 to index
        %get3A_2200 = tpu.vector_load %arg16[%get3A_2199] {strides = array<i32>} : memref<41088xf32, #tpu.memory_space<vmem>>, vector<16xf32>,
        %get3A_2201 = arith.index_cast %add3A_2179 : i32 to index
        %get3A_2202 = arith.constant 16 : index
        %get3A_2203 = tpu.vector_load %arg17[%get3A_2201, %get3A_2202] {strides = array<i32>} : memref<128x128xf32, #tpu.memory_space<vmem>>, vector<16xf32>,
        %get3A_2204 = arith.constant 16 : index
        %get3A_2205 = tpu.vector_load %arg15[%get3A_2204] {strides = array<i32>} : memref<128xf32, #tpu.memory_space<vmem>>, vector<16xf32>,
        %mul3A_2206 = vector.broadcast %squeeze3A_2175 : f32 to vector<16xf32>
        %mul3A_2207 = arith.mulf %mul3A_2206, %get3A_2205 : vector<16xf32>
        %add3A_2208 = arith.addf %get3A_2203, %mul3A_2207 : vector<16xf32>
        %max3A_2209 = arith.maximumf %get3A_2200, %add3A_2208 : vector<16xf32>
        %add3A_2210 = arith.constant 16 : i32
        %add3A_2211 = arith.addi %mul3A_2173, %add3A_2210 : i32
        %swap3A_2212 = arith.index_cast %add3A_2211 : i32 to index
        %swap3A_2213 = tpu.vector_load %arg16[%swap3A_2212] {strides = array<i32>} : memref<41088xf32, #tpu.memory_space<vmem>>, vector<16xf32>,
        tpu.vector_store %arg16[%swap3A_2212], %max3A_2209 {strides = array<i32>} : memref<41088xf32, #tpu.memory_space<vmem>>, vector<16xf32>,
        %add3A_2214 = arith.constant 32 : i32
        %add3A_2215 = arith.addi %mul3A_2173, %add3A_2214 : i32
        %get3A_2216 = arith.index_cast %add3A_2215 : i32 to index
        %get3A_2217 = tpu.vector_load %arg16[%get3A_2216] {strides = array<i32>} : memref<41088xf32, #tpu.memory_space<vmem>>, vector<16xf32>,
        %get3A_2218 = arith.index_cast %add3A_2179 : i32 to index
        %get3A_2219 = arith.constant 32 : index
        %get3A_2220 = tpu.vector_load %arg17[%get3A_2218, %get3A_2219] {strides = array<i32>} : memref<128x128xf32, #tpu.memory_space<vmem>>, vector<16xf32>,
        %get3A_2221 = arith.constant 32 : index
        %get3A_2222 = tpu.vector_load %arg15[%get3A_2221] {strides = array<i32>} : memref<128xf32, #tpu.memory_space<vmem>>, vector<16xf32>,
        %mul3A_2223 = vector.broadcast %squeeze3A_2175 : f32 to vector<16xf32>
        %mul3A_2224 = arith.mulf %mul3A_2223, %get3A_2222 : vector<16xf32>
        %add3A_2225 = arith.addf %get3A_2220, %mul3A_2224 : vector<16xf32>
        %max3A_2226 = arith.maximumf %get3A_2217, %add3A_2225 : vector<16xf32>
        %add3A_2227 = arith.constant 32 : i32
        %add3A_2228 = arith.addi %mul3A_2173, %add3A_2227 : i32
        %swap3A_2229 = arith.index_cast %add3A_2228 : i32 to index
        %swap3A_2230 = tpu.vector_load %arg16[%swap3A_2229] {strides = array<i32>} : memref<41088xf32, #tpu.memory_space<vmem>>, vector<16xf32>,
        tpu.vector_store %arg16[%swap3A_2229], %max3A_2226 {strides = array<i32>} : memref<41088xf32, #tpu.memory_space<vmem>>, vector<16xf32>,
        %add3A_2231 = arith.constant 48 : i32
        %add3A_2232 = arith.addi %mul3A_2173, %add3A_2231 : i32
        %get3A_2233 = arith.index_cast %add3A_2232 : i32 to index
        %get3A_2234 = tpu.vector_load %arg16[%get3A_2233] {strides = array<i32>} : memref<41088xf32, #tpu.memory_space<vmem>>, vector<16xf32>,
        %get3A_2235 = arith.index_cast %add3A_2179 : i32 to index
        %get3A_2236 = arith.constant 48 : index
        %get3A_2237 = tpu.vector_load %arg17[%get3A_2235, %get3A_2236] {strides = array<i32>} : memref<128x128xf32, #tpu.memory_space<vmem>>, vector<16xf32>,
        %get3A_2238 = arith.constant 48 : index
        %get3A_2239 = tpu.vector_load %arg15[%get3A_2238] {strides = array<i32>} : memref<128xf32, #tpu.memory_space<vmem>>, vector<16xf32>,
        %mul3A_2240 = vector.broadcast %squeeze3A_2175 : f32 to vector<16xf32>
        %mul3A_2241 = arith.mulf %mul3A_2240, %get3A_2239 : vector<16xf32>
        %add3A_2242 = arith.addf %get3A_2237, %mul3A_2241 : vector<16xf32>
        %max3A_2243 = arith.maximumf %get3A_2234, %add3A_2242 : vector<16xf32>
        %add3A_2244 = arith.constant 48 : i32
        %add3A_2245 = arith.addi %mul3A_2173, %add3A_2244 : i32
        %swap3A_2246 = arith.index_cast %add3A_2245 : i32 to index
        %swap3A_2247 = tpu.vector_load %arg16[%swap3A_2246] {strides = array<i32>} : memref<41088xf32, #tpu.memory_space<vmem>>, vector<16xf32>,
        tpu.vector_store %arg16[%swap3A_2246], %max3A_2243 {strides = array<i32>} : memref<41088xf32, #tpu.memory_space<vmem>>, vector<16xf32>,
        %add3A_2248 = arith.constant 64 : i32
        %add3A_2249 = arith.addi %mul3A_2173, %add3A_2248 : i32
        %get3A_2250 = arith.index_cast %add3A_2249 : i32 to index
        %get3A_2251 = tpu.vector_load %arg16[%get3A_2250] {strides = array<i32>} : memref<41088xf32, #tpu.memory_space<vmem>>, vector<16xf32>,
        %get3A_2252 = arith.index_cast %add3A_2179 : i32 to index
        %get3A_2253 = arith.constant 64 : index
        %get3A_2254 = tpu.vector_load %arg17[%get3A_2252, %get3A_2253] {strides = array<i32>} : memref<128x128xf32, #tpu.memory_space<vmem>>, vector<16xf32>,
        %get3A_2255 = arith.constant 64 : index
        %get3A_2256 = tpu.vector_load %arg15[%get3A_2255] {strides = array<i32>} : memref<128xf32, #tpu.memory_space<vmem>>, vector<16xf32>,
        %mul3A_2257 = vector.broadcast %squeeze3A_2175 : f32 to vector<16xf32>
        %mul3A_2258 = arith.mulf %mul3A_2257, %get3A_2256 : vector<16xf32>
        %add3A_2259 = arith.addf %get3A_2254, %mul3A_2258 : vector<16xf32>
        %max3A_2260 = arith.maximumf %get3A_2251, %add3A_2259 : vector<16xf32>
        %add3A_2261 = arith.constant 64 : i32
        %add3A_2262 = arith.addi %mul3A_2173, %add3A_2261 : i32
        %swap3A_2263 = arith.index_cast %add3A_2262 : i32 to index
        %swap3A_2264 = tpu.vector_load %arg16[%swap3A_2263] {strides = array<i32>} : memref<41088xf32, #tpu.memory_space<vmem>>, vector<16xf32>,
        tpu.vector_store %arg16[%swap3A_2263], %max3A_2260 {strides = array<i32>} : memref<41088xf32, #tpu.memory_space<vmem>>, vector<16xf32>,
        %add3A_2265 = arith.constant 80 : i32
        %add3A_2266 = arith.addi %mul3A_2173, %add3A_2265 : i32
        %get3A_2267 = arith.index_cast %add3A_2266 : i32 to index
        %get3A_2268 = tpu.vector_load %arg16[%get3A_2267] {strides = array<i32>} : memref<41088xf32, #tpu.memory_space<vmem>>, vector<16xf32>,
        %get3A_2269 = arith.index_cast %add3A_2179 : i32 to index
        %get3A_2270 = arith.constant 80 : index
        %get3A_2271 = tpu.vector_load %arg17[%get3A_2269, %get3A_2270] {strides = array<i32>} : memref<128x128xf32, #tpu.memory_space<vmem>>, vector<16xf32>,
        %get3A_2272 = arith.constant 80 : index
        %get3A_2273 = tpu.vector_load %arg15[%get3A_2272] {strides = array<i32>} : memref<128xf32, #tpu.memory_space<vmem>>, vector<16xf32>,
        %mul3A_2274 = vector.broadcast %squeeze3A_2175 : f32 to vector<16xf32>
        %mul3A_2275 = arith.mulf %mul3A_2274, %get3A_2273 : vector<16xf32>
        %add3A_2276 = arith.addf %get3A_2271, %mul3A_2275 : vector<16xf32>
        %max3A_2277 = arith.maximumf %get3A_2268, %add3A_2276 : vector<16xf32>
        %add3A_2278 = arith.constant 80 : i32
        %add3A_2279 = arith.addi %mul3A_2173, %add3A_2278 : i32
        %swap3A_2280 = arith.index_cast %add3A_2279 : i32 to index
        %swap3A_2281 = tpu.vector_load %arg16[%swap3A_2280] {strides = array<i32>} : memref<41088xf32, #tpu.memory_space<vmem>>, vector<16xf32>,
        tpu.vector_store %arg16[%swap3A_2280], %max3A_2277 {strides = array<i32>} : memref<41088xf32, #tpu.memory_space<vmem>>, vector<16xf32>,
        %add3A_2282 = arith.constant 96 : i32
        %add3A_2283 = arith.addi %mul3A_2173, %add3A_2282 : i32
        %get3A_2284 = arith.index_cast %add3A_2283 : i32 to index
        %get3A_2285 = tpu.vector_load %arg16[%get3A_2284] {strides = array<i32>} : memref<41088xf32, #tpu.memory_space<vmem>>, vector<16xf32>,
        %get3A_2286 = arith.index_cast %add3A_2179 : i32 to index
        %get3A_2287 = arith.constant 96 : index
        %get3A_2288 = tpu.vector_load %arg17[%get3A_2286, %get3A_2287] {strides = array<i32>} : memref<128x128xf32, #tpu.memory_space<vmem>>, vector<16xf32>,
        %get3A_2289 = arith.constant 96 : index
        %get3A_2290 = tpu.vector_load %arg15[%get3A_2289] {strides = array<i32>} : memref<128xf32, #tpu.memory_space<vmem>>, vector<16xf32>,
        %mul3A_2291 = vector.broadcast %squeeze3A_2175 : f32 to vector<16xf32>
        %mul3A_2292 = arith.mulf %mul3A_2291, %get3A_2290 : vector<16xf32>
        %add3A_2293 = arith.addf %get3A_2288, %mul3A_2292 : vector<16xf32>
        %max3A_2294 = arith.maximumf %get3A_2285, %add3A_2293 : vector<16xf32>
        %add3A_2295 = arith.constant 96 : i32
        %add3A_2296 = arith.addi %mul3A_2173, %add3A_2295 : i32
        %swap3A_2297 = arith.index_cast %add3A_2296 : i32 to index
        %swap3A_2298 = tpu.vector_load %arg16[%swap3A_2297] {strides = array<i32>} : memref<41088xf32, #tpu.memory_space<vmem>>, vector<16xf32>,
        tpu.vector_store %arg16[%swap3A_2297], %max3A_2294 {strides = array<i32>} : memref<41088xf32, #tpu.memory_space<vmem>>, vector<16xf32>,
        %add3A_2299 = arith.constant 112 : i32
        %add3A_2300 = arith.addi %mul3A_2173, %add3A_2299 : i32
        %get3A_2301 = arith.index_cast %add3A_2300 : i32 to index
        %get3A_2302 = tpu.vector_load %arg16[%get3A_2301] {strides = array<i32>} : memref<41088xf32, #tpu.memory_space<vmem>>, vector<16xf32>,
        %get3A_2303 = arith.index_cast %add3A_2179 : i32 to index
        %get3A_2304 = arith.constant 112 : index
        %get3A_2305 = tpu.vector_load %arg17[%get3A_2303, %get3A_2304] {strides = array<i32>} : memref<128x128xf32, #tpu.memory_space<vmem>>, vector<16xf32>,
        %get3A_2306 = arith.constant 112 : index
        %get3A_2307 = tpu.vector_load %arg15[%get3A_2306] {strides = array<i32>} : memref<128xf32, #tpu.memory_space<vmem>>, vector<16xf32>,
        %mul3A_2308 = vector.broadcast %squeeze3A_2175 : f32 to vector<16xf32>
        %mul3A_2309 = arith.mulf %mul3A_2308, %get3A_2307 : vector<16xf32>
        %add3A_2310 = arith.addf %get3A_2305, %mul3A_2309 : vector<16xf32>
        %max3A_2311 = arith.maximumf %get3A_2302, %add3A_2310 : vector<16xf32>
        %add3A_2312 = arith.constant 112 : i32
        %add3A_2313 = arith.addi %mul3A_2173, %add3A_2312 : i32
        %swap3A_2314 = arith.index_cast %add3A_2313 : i32 to index
        %swap3A_2315 = tpu.vector_load %arg16[%swap3A_2314] {strides = array<i32>} : memref<41088xf32, #tpu.memory_space<vmem>>, vector<16xf32>,
        tpu.vector_store %arg16[%swap3A_2314], %max3A_2311 {strides = array<i32>} : memref<41088xf32, #tpu.memory_space<vmem>>, vector<16xf32>,
        %slice3A_2316 = vector.extract_strided_slice %get3A_123 {offsets = [15], sizes = [1], strides = [1]} : vector<16xi32> to vector<1xi32>
        %squeeze3A_2317 = vector.extract %slice3A_2316[0] : i32 from vector<1xi32>
        %mul3A_2318 = arith.constant 128 : i32
        %mul3A_2319 = arith.muli %squeeze3A_2317, %mul3A_2318 : i32
        %slice3A_2320 = vector.extract_strided_slice %get3A_128 {offsets = [15], sizes = [1], strides = [1]} : vector<16xf32> to vector<1xf32>
        %squeeze3A_2321 = vector.extract %slice3A_2320[0] : f32 from vector<1xf32>
        %mul3A_2322 = arith.constant 16 : i32
        %mul3A_2323 = arith.muli %scan3A_118, %mul3A_2322 : i32
        %add3A_2324 = arith.constant 15 : i32
        %add3A_2325 = arith.addi %mul3A_2323, %add3A_2324 : i32
        %add3A_2326 = arith.constant 0 : i32
        %add3A_2327 = arith.addi %mul3A_2319, %add3A_2326 : i32
        %get3A_2328 = arith.index_cast %add3A_2327 : i32 to index
        %get3A_2329 = tpu.vector_load %arg16[%get3A_2328] {strides = array<i32>} : memref<41088xf32, #tpu.memory_space<vmem>>, vector<16xf32>,
        %get3A_2330 = arith.index_cast %add3A_2325 : i32 to index
        %get3A_2331 = arith.constant 0 : index
        %get3A_2332 = tpu.vector_load %arg17[%get3A_2330, %get3A_2331] {strides = array<i32>} : memref<128x128xf32, #tpu.memory_space<vmem>>, vector<16xf32>,
        %get3A_2333 = arith.constant 0 : index
        %get3A_2334 = tpu.vector_load %arg15[%get3A_2333] {strides = array<i32>} : memref<128xf32, #tpu.memory_space<vmem>>, vector<16xf32>,
        %mul3A_2335 = vector.broadcast %squeeze3A_2321 : f32 to vector<16xf32>
        %mul3A_2336 = arith.mulf %mul3A_2335, %get3A_2334 : vector<16xf32>
        %add3A_2337 = arith.addf %get3A_2332, %mul3A_2336 : vector<16xf32>
        %max3A_2338 = arith.maximumf %get3A_2329, %add3A_2337 : vector<16xf32>
        %add3A_2339 = arith.constant 0 : i32
        %add3A_2340 = arith.addi %mul3A_2319, %add3A_2339 : i32
        %swap3A_2341 = arith.index_cast %add3A_2340 : i32 to index
        %swap3A_2342 = tpu.vector_load %arg16[%swap3A_2341] {strides = array<i32>} : memref<41088xf32, #tpu.memory_space<vmem>>, vector<16xf32>,
        tpu.vector_store %arg16[%swap3A_2341], %max3A_2338 {strides = array<i32>} : memref<41088xf32, #tpu.memory_space<vmem>>, vector<16xf32>,
        %add3A_2343 = arith.constant 16 : i32
        %add3A_2344 = arith.addi %mul3A_2319, %add3A_2343 : i32
        %get3A_2345 = arith.index_cast %add3A_2344 : i32 to index
        %get3A_2346 = tpu.vector_load %arg16[%get3A_2345] {strides = array<i32>} : memref<41088xf32, #tpu.memory_space<vmem>>, vector<16xf32>,
        %get3A_2347 = arith.index_cast %add3A_2325 : i32 to index
        %get3A_2348 = arith.constant 16 : index
        %get3A_2349 = tpu.vector_load %arg17[%get3A_2347, %get3A_2348] {strides = array<i32>} : memref<128x128xf32, #tpu.memory_space<vmem>>, vector<16xf32>,
        %get3A_2350 = arith.constant 16 : index
        %get3A_2351 = tpu.vector_load %arg15[%get3A_2350] {strides = array<i32>} : memref<128xf32, #tpu.memory_space<vmem>>, vector<16xf32>,
        %mul3A_2352 = vector.broadcast %squeeze3A_2321 : f32 to vector<16xf32>
        %mul3A_2353 = arith.mulf %mul3A_2352, %get3A_2351 : vector<16xf32>
        %add3A_2354 = arith.addf %get3A_2349, %mul3A_2353 : vector<16xf32>
        %max3A_2355 = arith.maximumf %get3A_2346, %add3A_2354 : vector<16xf32>
        %add3A_2356 = arith.constant 16 : i32
        %add3A_2357 = arith.addi %mul3A_2319, %add3A_2356 : i32
        %swap3A_2358 = arith.index_cast %add3A_2357 : i32 to index
        %swap3A_2359 = tpu.vector_load %arg16[%swap3A_2358] {strides = array<i32>} : memref<41088xf32, #tpu.memory_space<vmem>>, vector<16xf32>,
        tpu.vector_store %arg16[%swap3A_2358], %max3A_2355 {strides = array<i32>} : memref<41088xf32, #tpu.memory_space<vmem>>, vector<16xf32>,
        %add3A_2360 = arith.constant 32 : i32
        %add3A_2361 = arith.addi %mul3A_2319, %add3A_2360 : i32
        %get3A_2362 = arith.index_cast %add3A_2361 : i32 to index
        %get3A_2363 = tpu.vector_load %arg16[%get3A_2362] {strides = array<i32>} : memref<41088xf32, #tpu.memory_space<vmem>>, vector<16xf32>,
        %get3A_2364 = arith.index_cast %add3A_2325 : i32 to index
        %get3A_2365 = arith.constant 32 : index
        %get3A_2366 = tpu.vector_load %arg17[%get3A_2364, %get3A_2365] {strides = array<i32>} : memref<128x128xf32, #tpu.memory_space<vmem>>, vector<16xf32>,
        %get3A_2367 = arith.constant 32 : index
        %get3A_2368 = tpu.vector_load %arg15[%get3A_2367] {strides = array<i32>} : memref<128xf32, #tpu.memory_space<vmem>>, vector<16xf32>,
        %mul3A_2369 = vector.broadcast %squeeze3A_2321 : f32 to vector<16xf32>
        %mul3A_2370 = arith.mulf %mul3A_2369, %get3A_2368 : vector<16xf32>
        %add3A_2371 = arith.addf %get3A_2366, %mul3A_2370 : vector<16xf32>
        %max3A_2372 = arith.maximumf %get3A_2363, %add3A_2371 : vector<16xf32>
        %add3A_2373 = arith.constant 32 : i32
        %add3A_2374 = arith.addi %mul3A_2319, %add3A_2373 : i32
        %swap3A_2375 = arith.index_cast %add3A_2374 : i32 to index
        %swap3A_2376 = tpu.vector_load %arg16[%swap3A_2375] {strides = array<i32>} : memref<41088xf32, #tpu.memory_space<vmem>>, vector<16xf32>,
        tpu.vector_store %arg16[%swap3A_2375], %max3A_2372 {strides = array<i32>} : memref<41088xf32, #tpu.memory_space<vmem>>, vector<16xf32>,
        %add3A_2377 = arith.constant 48 : i32
        %add3A_2378 = arith.addi %mul3A_2319, %add3A_2377 : i32
        %get3A_2379 = arith.index_cast %add3A_2378 : i32 to index
        %get3A_2380 = tpu.vector_load %arg16[%get3A_2379] {strides = array<i32>} : memref<41088xf32, #tpu.memory_space<vmem>>, vector<16xf32>,
        %get3A_2381 = arith.index_cast %add3A_2325 : i32 to index
        %get3A_2382 = arith.constant 48 : index
        %get3A_2383 = tpu.vector_load %arg17[%get3A_2381, %get3A_2382] {strides = array<i32>} : memref<128x128xf32, #tpu.memory_space<vmem>>, vector<16xf32>,
        %get3A_2384 = arith.constant 48 : index
        %get3A_2385 = tpu.vector_load %arg15[%get3A_2384] {strides = array<i32>} : memref<128xf32, #tpu.memory_space<vmem>>, vector<16xf32>,
        %mul3A_2386 = vector.broadcast %squeeze3A_2321 : f32 to vector<16xf32>
        %mul3A_2387 = arith.mulf %mul3A_2386, %get3A_2385 : vector<16xf32>
        %add3A_2388 = arith.addf %get3A_2383, %mul3A_2387 : vector<16xf32>
        %max3A_2389 = arith.maximumf %get3A_2380, %add3A_2388 : vector<16xf32>
        %add3A_2390 = arith.constant 48 : i32
        %add3A_2391 = arith.addi %mul3A_2319, %add3A_2390 : i32
        %swap3A_2392 = arith.index_cast %add3A_2391 : i32 to index
        %swap3A_2393 = tpu.vector_load %arg16[%swap3A_2392] {strides = array<i32>} : memref<41088xf32, #tpu.memory_space<vmem>>, vector<16xf32>,
        tpu.vector_store %arg16[%swap3A_2392], %max3A_2389 {strides = array<i32>} : memref<41088xf32, #tpu.memory_space<vmem>>, vector<16xf32>,
        %add3A_2394 = arith.constant 64 : i32
        %add3A_2395 = arith.addi %mul3A_2319, %add3A_2394 : i32
        %get3A_2396 = arith.index_cast %add3A_2395 : i32 to index
        %get3A_2397 = tpu.vector_load %arg16[%get3A_2396] {strides = array<i32>} : memref<41088xf32, #tpu.memory_space<vmem>>, vector<16xf32>,
        %get3A_2398 = arith.index_cast %add3A_2325 : i32 to index
        %get3A_2399 = arith.constant 64 : index
        %get3A_2400 = tpu.vector_load %arg17[%get3A_2398, %get3A_2399] {strides = array<i32>} : memref<128x128xf32, #tpu.memory_space<vmem>>, vector<16xf32>,
        %get3A_2401 = arith.constant 64 : index
        %get3A_2402 = tpu.vector_load %arg15[%get3A_2401] {strides = array<i32>} : memref<128xf32, #tpu.memory_space<vmem>>, vector<16xf32>,
        %mul3A_2403 = vector.broadcast %squeeze3A_2321 : f32 to vector<16xf32>
        %mul3A_2404 = arith.mulf %mul3A_2403, %get3A_2402 : vector<16xf32>
        %add3A_2405 = arith.addf %get3A_2400, %mul3A_2404 : vector<16xf32>
        %max3A_2406 = arith.maximumf %get3A_2397, %add3A_2405 : vector<16xf32>
        %add3A_2407 = arith.constant 64 : i32
        %add3A_2408 = arith.addi %mul3A_2319, %add3A_2407 : i32
        %swap3A_2409 = arith.index_cast %add3A_2408 : i32 to index
        %swap3A_2410 = tpu.vector_load %arg16[%swap3A_2409] {strides = array<i32>} : memref<41088xf32, #tpu.memory_space<vmem>>, vector<16xf32>,
        tpu.vector_store %arg16[%swap3A_2409], %max3A_2406 {strides = array<i32>} : memref<41088xf32, #tpu.memory_space<vmem>>, vector<16xf32>,
        %add3A_2411 = arith.constant 80 : i32
        %add3A_2412 = arith.addi %mul3A_2319, %add3A_2411 : i32
        %get3A_2413 = arith.index_cast %add3A_2412 : i32 to index
        %get3A_2414 = tpu.vector_load %arg16[%get3A_2413] {strides = array<i32>} : memref<41088xf32, #tpu.memory_space<vmem>>, vector<16xf32>,
        %get3A_2415 = arith.index_cast %add3A_2325 : i32 to index
        %get3A_2416 = arith.constant 80 : index
        %get3A_2417 = tpu.vector_load %arg17[%get3A_2415, %get3A_2416] {strides = array<i32>} : memref<128x128xf32, #tpu.memory_space<vmem>>, vector<16xf32>,
        %get3A_2418 = arith.constant 80 : index
        %get3A_2419 = tpu.vector_load %arg15[%get3A_2418] {strides = array<i32>} : memref<128xf32, #tpu.memory_space<vmem>>, vector<16xf32>,
        %mul3A_2420 = vector.broadcast %squeeze3A_2321 : f32 to vector<16xf32>
        %mul3A_2421 = arith.mulf %mul3A_2420, %get3A_2419 : vector<16xf32>
        %add3A_2422 = arith.addf %get3A_2417, %mul3A_2421 : vector<16xf32>
        %max3A_2423 = arith.maximumf %get3A_2414, %add3A_2422 : vector<16xf32>
        %add3A_2424 = arith.constant 80 : i32
        %add3A_2425 = arith.addi %mul3A_2319, %add3A_2424 : i32
        %swap3A_2426 = arith.index_cast %add3A_2425 : i32 to index
        %swap3A_2427 = tpu.vector_load %arg16[%swap3A_2426] {strides = array<i32>} : memref<41088xf32, #tpu.memory_space<vmem>>, vector<16xf32>,
        tpu.vector_store %arg16[%swap3A_2426], %max3A_2423 {strides = array<i32>} : memref<41088xf32, #tpu.memory_space<vmem>>, vector<16xf32>,
        %add3A_2428 = arith.constant 96 : i32
        %add3A_2429 = arith.addi %mul3A_2319, %add3A_2428 : i32
        %get3A_2430 = arith.index_cast %add3A_2429 : i32 to index
        %get3A_2431 = tpu.vector_load %arg16[%get3A_2430] {strides = array<i32>} : memref<41088xf32, #tpu.memory_space<vmem>>, vector<16xf32>,
        %get3A_2432 = arith.index_cast %add3A_2325 : i32 to index
        %get3A_2433 = arith.constant 96 : index
        %get3A_2434 = tpu.vector_load %arg17[%get3A_2432, %get3A_2433] {strides = array<i32>} : memref<128x128xf32, #tpu.memory_space<vmem>>, vector<16xf32>,
        %get3A_2435 = arith.constant 96 : index
        %get3A_2436 = tpu.vector_load %arg15[%get3A_2435] {strides = array<i32>} : memref<128xf32, #tpu.memory_space<vmem>>, vector<16xf32>,
        %mul3A_2437 = vector.broadcast %squeeze3A_2321 : f32 to vector<16xf32>
        %mul3A_2438 = arith.mulf %mul3A_2437, %get3A_2436 : vector<16xf32>
        %add3A_2439 = arith.addf %get3A_2434, %mul3A_2438 : vector<16xf32>
        %max3A_2440 = arith.maximumf %get3A_2431, %add3A_2439 : vector<16xf32>
        %add3A_2441 = arith.constant 96 : i32
        %add3A_2442 = arith.addi %mul3A_2319, %add3A_2441 : i32
        %swap3A_2443 = arith.index_cast %add3A_2442 : i32 to index
        %swap3A_2444 = tpu.vector_load %arg16[%swap3A_2443] {strides = array<i32>} : memref<41088xf32, #tpu.memory_space<vmem>>, vector<16xf32>,
        tpu.vector_store %arg16[%swap3A_2443], %max3A_2440 {strides = array<i32>} : memref<41088xf32, #tpu.memory_space<vmem>>, vector<16xf32>,
        %add3A_2445 = arith.constant 112 : i32
        %add3A_2446 = arith.addi %mul3A_2319, %add3A_2445 : i32
        %get3A_2447 = arith.index_cast %add3A_2446 : i32 to index
        %get3A_2448 = tpu.vector_load %arg16[%get3A_2447] {strides = array<i32>} : memref<41088xf32, #tpu.memory_space<vmem>>, vector<16xf32>,
        %get3A_2449 = arith.index_cast %add3A_2325 : i32 to index
        %get3A_2450 = arith.constant 112 : index
        %get3A_2451 = tpu.vector_load %arg17[%get3A_2449, %get3A_2450] {strides = array<i32>} : memref<128x128xf32, #tpu.memory_space<vmem>>, vector<16xf32>,
        %get3A_2452 = arith.constant 112 : index
        %get3A_2453 = tpu.vector_load %arg15[%get3A_2452] {strides = array<i32>} : memref<128xf32, #tpu.memory_space<vmem>>, vector<16xf32>,
        %mul3A_2454 = vector.broadcast %squeeze3A_2321 : f32 to vector<16xf32>
        %mul3A_2455 = arith.mulf %mul3A_2454, %get3A_2453 : vector<16xf32>
        %add3A_2456 = arith.addf %get3A_2451, %mul3A_2455 : vector<16xf32>
        %max3A_2457 = arith.maximumf %get3A_2448, %add3A_2456 : vector<16xf32>
        %add3A_2458 = arith.constant 112 : i32
        %add3A_2459 = arith.addi %mul3A_2319, %add3A_2458 : i32
        %swap3A_2460 = arith.index_cast %add3A_2459 : i32 to index
        %swap3A_2461 = tpu.vector_load %arg16[%swap3A_2460] {strides = array<i32>} : memref<41088xf32, #tpu.memory_space<vmem>>, vector<16xf32>,
        tpu.vector_store %arg16[%swap3A_2460], %max3A_2457 {strides = array<i32>} : memref<41088xf32, #tpu.memory_space<vmem>>, vector<16xf32>,
      }
      %scan3A_117 = arith.constant 8 : i32
    }
    %while3A_56 = arith.constant 1 : i32
    scf.for %while3A_59 = %while3A_54 to %while3A_50 step %while3A_56  : i32 {
      %mul3A_60 = arith.constant 128 : i32
      %mul3A_61 = arith.muli %while3A_59, %mul3A_60 : i32
      %add3A_62 = arith.constant 0 : i32
      %add3A_63 = arith.addi %mul3A_61, %add3A_62 : i32
      %get3A = arith.index_cast %add3A_63 : i32 to index
      %get3A_64 = tpu.vector_load %arg9[%get3A] {strides = array<i32>} : memref<20480xi32, #tpu.memory_space<vmem>>, vector<16xi32>,
      %swap3A = arith.constant 0 : index
      %swap3A_65 = tpu.vector_load %arg14[%swap3A] {strides = array<i32>} : memref<128xi32, #tpu.memory_space<vmem>>, vector<16xi32>,
      tpu.vector_store %arg14[%swap3A], %get3A_64 {strides = array<i32>} : memref<128xi32, #tpu.memory_space<vmem>>, vector<16xi32>,
      %add3A_66 = arith.constant 16 : i32
      %add3A_67 = arith.addi %mul3A_61, %add3A_66 : i32
      %get3A_68 = arith.index_cast %add3A_67 : i32 to index
      %get3A_69 = tpu.vector_load %arg9[%get3A_68] {strides = array<i32>} : memref<20480xi32, #tpu.memory_space<vmem>>, vector<16xi32>,
      %swap3A_70 = arith.constant 16 : index
      %swap3A_71 = tpu.vector_load %arg14[%swap3A_70] {strides = array<i32>} : memref<128xi32, #tpu.memory_space<vmem>>, vector<16xi32>,
      tpu.vector_store %arg14[%swap3A_70], %get3A_69 {strides = array<i32>} : memref<128xi32, #tpu.memory_space<vmem>>, vector<16xi32>,
      %add3A_72 = arith.constant 32 : i32
      %add3A_73 = arith.addi %mul3A_61, %add3A_72 : i32
      %get3A_74 = arith.index_cast %add3A_73 : i32 to index
      %get3A_75 = tpu.vector_load %arg9[%get3A_74] {strides = array<i32>} : memref<20480xi32, #tpu.memory_space<vmem>>, vector<16xi32>,
      %swap3A_76 = arith.constant 32 : index
      %swap3A_77 = tpu.vector_load %arg14[%swap3A_76] {strides = array<i32>} : memref<128xi32, #tpu.memory_space<vmem>>, vector<16xi32>,
      tpu.vector_store %arg14[%swap3A_76], %get3A_75 {strides = array<i32>} : memref<128xi32, #tpu.memory_space<vmem>>, vector<16xi32>,
      %add3A_78 = arith.constant 48 : i32
      %add3A_79 = arith.addi %mul3A_61, %add3A_78 : i32
      %get3A_80 = arith.index_cast %add3A_79 : i32 to index
      %get3A_81 = tpu.vector_load %arg9[%get3A_80] {strides = array<i32>} : memref<20480xi32, #tpu.memory_space<vmem>>, vector<16xi32>,
      %swap3A_82 = arith.constant 48 : index
      %swap3A_83 = tpu.vector_load %arg14[%swap3A_82] {strides = array<i32>} : memref<128xi32, #tpu.memory_space<vmem>>, vector<16xi32>,
      tpu.vector_store %arg14[%swap3A_82], %get3A_81 {strides = array<i32>} : memref<128xi32, #tpu.memory_space<vmem>>, vector<16xi32>,
      %add3A_84 = arith.constant 64 : i32
      %add3A_85 = arith.addi %mul3A_61, %add3A_84 : i32
      %get3A_86 = arith.index_cast %add3A_85 : i32 to index
      %get3A_87 = tpu.vector_load %arg9[%get3A_86] {strides = array<i32>} : memref<20480xi32, #tpu.memory_space<vmem>>, vector<16xi32>,
      %swap3A_88 = arith.constant 64 : index
      %swap3A_89 = tpu.vector_load %arg14[%swap3A_88] {strides = array<i32>} : memref<128xi32, #tpu.memory_space<vmem>>, vector<16xi32>,
      tpu.vector_store %arg14[%swap3A_88], %get3A_87 {strides = array<i32>} : memref<128xi32, #tpu.memory_space<vmem>>, vector<16xi32>,
      %add3A_90 = arith.constant 80 : i32
      %add3A_91 = arith.addi %mul3A_61, %add3A_90 : i32
      %get3A_92 = arith.index_cast %add3A_91 : i32 to index
      %get3A_93 = tpu.vector_load %arg9[%get3A_92] {strides = array<i32>} : memref<20480xi32, #tpu.memory_space<vmem>>, vector<16xi32>,
      %swap3A_94 = arith.constant 80 : index
      %swap3A_95 = tpu.vector_load %arg14[%swap3A_94] {strides = array<i32>} : memref<128xi32, #tpu.memory_space<vmem>>, vector<16xi32>,
      tpu.vector_store %arg14[%swap3A_94], %get3A_93 {strides = array<i32>} : memref<128xi32, #tpu.memory_space<vmem>>, vector<16xi32>,
      %add3A_96 = arith.constant 96 : i32
      %add3A_97 = arith.addi %mul3A_61, %add3A_96 : i32
      %get3A_98 = arith.index_cast %add3A_97 : i32 to index
      %get3A_99 = tpu.vector_load %arg9[%get3A_98] {strides = array<i32>} : memref<20480xi32, #tpu.memory_space<vmem>>, vector<16xi32>,
      %swap3A_100 = arith.constant 96 : index
      %swap3A_101 = tpu.vector_load %arg14[%swap3A_100] {strides = array<i32>} : memref<128xi32, #tpu.memory_space<vmem>>, vector<16xi32>,
      tpu.vector_store %arg14[%swap3A_100], %get3A_99 {strides = array<i32>} : memref<128xi32, #tpu.memory_space<vmem>>, vector<16xi32>,
      %add3A_102 = arith.constant 112 : i32
      %add3A_103 = arith.addi %mul3A_61, %add3A_102 : i32
      %get3A_104 = arith.index_cast %add3A_103 : i32 to index
      %get3A_105 = tpu.vector_load %arg9[%get3A_104] {strides = array<i32>} : memref<20480xi32, #tpu.memory_space<vmem>>, vector<16xi32>,
      %swap3A_106 = arith.constant 112 : index
      %swap3A_107 = tpu.vector_load %arg14[%swap3A_106] {strides = array<i32>} : memref<128xi32, #tpu.memory_space<vmem>>, vector<16xi32>,
      tpu.vector_store %arg14[%swap3A_106], %get3A_105 {strides = array<i32>} : memref<128xi32, #tpu.memory_space<vmem>>, vector<16xi32>,
      %dma_start3A = arith.constant 0 : i32
      %dma_start3A_108 = arith.constant 0 : i32
      %dma_start3A_109 = tpu.memref_slice %arg2[%dma_start3A, %dma_start3A_108] : memref<10000x128xf32, #tpu.memory_space<hbm>> -> memref<10000x128xf32, #tpu.memory_space<hbm>>
      tpu.enqueue_indirect_dma source(%dma_start3A_109 : memref<10000x128xf32, #tpu.memory_space<hbm>>) target(%arg17 : memref<128x128xf32, #tpu.memory_space<vmem>>) offsets(%arg14 : memref<128xi32, #tpu.memory_space<vmem>>) semaphore(%arg18 : memref<!tpu.dma_semaphore, #tpu.memory_space<semaphore_mem>>)
      %dma_wait3A = arith.constant 0 : i32
      %dma_wait3A_110 = arith.constant 0 : i32
      %dma_wait3A_111 = tpu.memref_slice %arg2[%dma_wait3A, %dma_wait3A_110] : memref<10000x128xf32, #tpu.memory_space<hbm>> -> memref<10000x128xf32, #tpu.memory_space<hbm>>
      tpu.wait_indirect_dma semaphore(%arg18 : memref<!tpu.dma_semaphore, #tpu.memory_space<semaphore_mem>>) src(%dma_wait3A_111 : memref<10000x128xf32, #tpu.memory_space<hbm>>) dst(%arg17 : memref<128x128xf32, #tpu.memory_space<vmem>>)
      %scan3A_112 = arith.constant 0 : i32
      %scan3A_113 = arith.constant 0 : i32
      %scan3A_114 = arith.constant 8 : i32
      %scan3A_115 = arith.addi %scan3A_113, %scan3A_114 : i32
      %scan3A_116 = arith.constant 1 : i32
      scf.for %scan3A_118 = %scan3A_113 to %scan3A_115 step %scan3A_116  : i32 {
        %mul3A_119 = arith.constant 16 : i32
        %mul3A_120 = arith.muli %scan3A_118, %mul3A_119 : i32
        %add3A_121 = arith.addi %mul3A_61, %mul3A_120 : i32
        %get3A_122 = arith.index_cast %add3A_121 : i32 to index
        %get3A_123 = tpu.vector_load %arg8[%get3A_122] {strides = array<i32>} : memref<20480xi32, #tpu.memory_space<vmem>>, vector<16xi32>,
        %mul3A_124 = arith.constant 16 : i32
        %mul3A_125 = arith.muli %scan3A_118, %mul3A_124 : i32
        %add3A_126 = arith.addi %mul3A_61, %mul3A_125 : i32
        %get3A_127 = arith.index_cast %add3A_126 : i32 to index
        %get3A_128 = tpu.vector_load %arg10[%get3A_127] {strides = array<i32>} : memref<20480xf32, #tpu.memory_space<vmem>>, vector<16xf32>,
        %slice3A = vector.extract_strided_slice %get3A_123 {offsets = [0], sizes = [1], strides = [1]} : vector<16xi32> to vector<1xi32>
        %squeeze3A = vector.extract %slice3A[0] : i32 from vector<1xi32>
        %mul3A_129 = arith.constant 128 : i32
        %mul3A_130 = arith.muli %squeeze3A, %mul3A_129 : i32
        %slice3A_131 = vector.extract_strided_slice %get3A_128 {offsets = [0], sizes = [1], strides = [1]} : vector<16xf32> to vector<1xf32>
        %squeeze3A_132 = vector.extract %slice3A_131[0] : f32 from vector<1xf32>
        %mul3A_133 = arith.constant 16 : i32
        %mul3A_134 = arith.muli %scan3A_118, %mul3A_133 : i32
        %add3A_135 = arith.constant 0 : i32
        %add3A_136 = arith.addi %mul3A_134, %add3A_135 : i32
        %add3A_137 = arith.constant 0 : i32
        %add3A_138 = arith.addi %mul3A_130, %add3A_137 : i32
        %get3A_139 = arith.index_cast %add3A_138 : i32 to index
        %get3A_140 = tpu.vector_load %arg16[%get3A_139] {strides = array<i32>} : memref<41088xf32, #tpu.memory_space<vmem>>, vector<16xf32>,
        %get3A_141 = arith.index_cast %add3A_136 : i32 to index
        %get3A_142 = arith.constant 0 : index
        %get3A_143 = tpu.vector_load %arg17[%get3A_141, %get3A_142] {strides = array<i32>} : memref<128x128xf32, #tpu.memory_space<vmem>>, vector<16xf32>,
        %get3A_144 = arith.constant 0 : index
        %get3A_145 = tpu.vector_load %arg15[%get3A_144] {strides = array<i32>} : memref<128xf32, #tpu.memory_space<vmem>>, vector<16xf32>,
        %mul3A_146 = vector.broadcast %squeeze3A_132 : f32 to vector<16xf32>
        %mul3A_147 = arith.mulf %mul3A_146, %get3A_145 : vector<16xf32>
        %add3A_148 = arith.addf %get3A_143, %mul3A_147 : vector<16xf32>
        %max3A = arith.maximumf %get3A_140, %add3A_148 : vector<16xf32>
        %add3A_149 = arith.constant 0 : i32
        %add3A_150 = arith.addi %mul3A_130, %add3A_149 : i32
        %swap3A_151 = arith.index_cast %add3A_150 : i32 to index
        %swap3A_152 = tpu.vector_load %arg16[%swap3A_151] {strides = array<i32>} : memref<41088xf32, #tpu.memory_space<vmem>>, vector<16xf32>,
        tpu.vector_store %arg16[%swap3A_151], %max3A {strides = array<i32>} : memref<41088xf32, #tpu.memory_space<vmem>>, vector<16xf32>,
        %add3A_153 = arith.constant 16 : i32
        %add3A_154 = arith.addi %mul3A_130, %add3A_153 : i32
        %get3A_155 = arith.index_cast %add3A_154 : i32 to index
        %get3A_156 = tpu.vector_load %arg16[%get3A_155] {strides = array<i32>} : memref<41088xf32, #tpu.memory_space<vmem>>, vector<16xf32>,
        %get3A_157 = arith.index_cast %add3A_136 : i32 to index
        %get3A_158 = arith.constant 16 : index
        %get3A_159 = tpu.vector_load %arg17[%get3A_157, %get3A_158] {strides = array<i32>} : memref<128x128xf32, #tpu.memory_space<vmem>>, vector<16xf32>,
        %get3A_160 = arith.constant 16 : index
        %get3A_161 = tpu.vector_load %arg15[%get3A_160] {strides = array<i32>} : memref<128xf32, #tpu.memory_space<vmem>>, vector<16xf32>,
        %mul3A_162 = vector.broadcast %squeeze3A_132 : f32 to vector<16xf32>
        %mul3A_163 = arith.mulf %mul3A_162, %get3A_161 : vector<16xf32>
        %add3A_164 = arith.addf %get3A_159, %mul3A_163 : vector<16xf32>
        %max3A_165 = arith.maximumf %get3A_156, %add3A_164 : vector<16xf32>
        %add3A_166 = arith.constant 16 : i32
        %add3A_167 = arith.addi %mul3A_130, %add3A_166 : i32
        %swap3A_168 = arith.index_cast %add3A_167 : i32 to index
        %swap3A_169 = tpu.vector_load %arg16[%swap3A_168] {strides = array<i32>} : memref<41088xf32, #tpu.memory_space<vmem>>, vector<16xf32>,
        tpu.vector_store %arg16[%swap3A_168], %max3A_165 {strides = array<i32>} : memref<41088xf32, #tpu.memory_space<vmem>>, vector<16xf32>,
        %add3A_170 = arith.constant 32 : i32
        %add3A_171 = arith.addi %mul3A_130, %add3A_170 : i32
        %get3A_172 = arith.index_cast %add3A_171 : i32 to index
        %get3A_173 = tpu.vector_load %arg16[%get3A_172] {strides = array<i32>} : memref<41088xf32, #tpu.memory_space<vmem>>, vector<16xf32>,
        %get3A_174 = arith.index_cast %add3A_136 : i32 to index
        %get3A_175 = arith.constant 32 : index
        %get3A_176 = tpu.vector_load %arg17[%get3A_174, %get3A_175] {strides = array<i32>} : memref<128x128xf32, #tpu.memory_space<vmem>>, vector<16xf32>,
        %get3A_177 = arith.constant 32 : index
        %get3A_178 = tpu.vector_load %arg15[%get3A_177] {strides = array<i32>} : memref<128xf32, #tpu.memory_space<vmem>>, vector<16xf32>,
        %mul3A_179 = vector.broadcast %squeeze3A_132 : f32 to vector<16xf32>
        %mul3A_180 = arith.mulf %mul3A_179, %get3A_178 : vector<16xf32>
        %add3A_181 = arith.addf %get3A_176, %mul3A_180 : vector<16xf32>
        %max3A_182 = arith.maximumf %get3A_173, %add3A_181 : vector<16xf32>
        %add3A_183 = arith.constant 32 : i32
        %add3A_184 = arith.addi %mul3A_130, %add3A_183 : i32
        %swap3A_185 = arith.index_cast %add3A_184 : i32 to index
        %swap3A_186 = tpu.vector_load %arg16[%swap3A_185] {strides = array<i32>} : memref<41088xf32, #tpu.memory_space<vmem>>, vector<16xf32>,
        tpu.vector_store %arg16[%swap3A_185], %max3A_182 {strides = array<i32>} : memref<41088xf32, #tpu.memory_space<vmem>>, vector<16xf32>,
        %add3A_187 = arith.constant 48 : i32
        %add3A_188 = arith.addi %mul3A_130, %add3A_187 : i32
        %get3A_189 = arith.index_cast %add3A_188 : i32 to index
        %get3A_190 = tpu.vector_load %arg16[%get3A_189] {strides = array<i32>} : memref<41088xf32, #tpu.memory_space<vmem>>, vector<16xf32>,
        %get3A_191 = arith.index_cast %add3A_136 : i32 to index
        %get3A_192 = arith.constant 48 : index
        %get3A_193 = tpu.vector_load %arg17[%get3A_191, %get3A_192] {strides = array<i32>} : memref<128x128xf32, #tpu.memory_space<vmem>>, vector<16xf32>,
        %get3A_194 = arith.constant 48 : index
        %get3A_195 = tpu.vector_load %arg15[%get3A_194] {strides = array<i32>} : memref<128xf32, #tpu.memory_space<vmem>>, vector<16xf32>,
        %mul3A_196 = vector.broadcast %squeeze3A_132 : f32 to vector<16xf32>
        %mul3A_197 = arith.mulf %mul3A_196, %get3A_195 : vector<16xf32>
        %add3A_198 = arith.addf %get3A_193, %mul3A_197 : vector<16xf32>
        %max3A_199 = arith.maximumf %get3A_190, %add3A_198 : vector<16xf32>
        %add3A_200 = arith.constant 48 : i32
        %add3A_201 = arith.addi %mul3A_130, %add3A_200 : i32
        %swap3A_202 = arith.index_cast %add3A_201 : i32 to index
        %swap3A_203 = tpu.vector_load %arg16[%swap3A_202] {strides = array<i32>} : memref<41088xf32, #tpu.memory_space<vmem>>, vector<16xf32>,
        tpu.vector_store %arg16[%swap3A_202], %max3A_199 {strides = array<i32>} : memref<41088xf32, #tpu.memory_space<vmem>>, vector<16xf32>,
        %add3A_204 = arith.constant 64 : i32
        %add3A_205 = arith.addi %mul3A_130, %add3A_204 : i32
        %get3A_206 = arith.index_cast %add3A_205 : i32 to index
        %get3A_207 = tpu.vector_load %arg16[%get3A_206] {strides = array<i32>} : memref<41088xf32, #tpu.memory_space<vmem>>, vector<16xf32>,
        %get3A_208 = arith.index_cast %add3A_136 : i32 to index
        %get3A_209 = arith.constant 64 : index
        %get3A_210 = tpu.vector_load %arg17[%get3A_208, %get3A_209] {strides = array<i32>} : memref<128x128xf32, #tpu.memory_space<vmem>>, vector<16xf32>,
        %get3A_211 = arith.constant 64 : index
        %get3A_212 = tpu.vector_load %arg15[%get3A_211] {strides = array<i32>} : memref<128xf32, #tpu.memory_space<vmem>>, vector<16xf32>,
        %mul3A_213 = vector.broadcast %squeeze3A_132 : f32 to vector<16xf32>
        %mul3A_214 = arith.mulf %mul3A_213, %get3A_212 : vector<16xf32>
        %add3A_215 = arith.addf %get3A_210, %mul3A_214 : vector<16xf32>
        %max3A_216 = arith.maximumf %get3A_207, %add3A_215 : vector<16xf32>
        %add3A_217 = arith.constant 64 : i32
        %add3A_218 = arith.addi %mul3A_130, %add3A_217 : i32
        %swap3A_219 = arith.index_cast %add3A_218 : i32 to index
        %swap3A_220 = tpu.vector_load %arg16[%swap3A_219] {strides = array<i32>} : memref<41088xf32, #tpu.memory_space<vmem>>, vector<16xf32>,
        tpu.vector_store %arg16[%swap3A_219], %max3A_216 {strides = array<i32>} : memref<41088xf32, #tpu.memory_space<vmem>>, vector<16xf32>,
        %add3A_221 = arith.constant 80 : i32
        %add3A_222 = arith.addi %mul3A_130, %add3A_221 : i32
        %get3A_223 = arith.index_cast %add3A_222 : i32 to index
        %get3A_224 = tpu.vector_load %arg16[%get3A_223] {strides = array<i32>} : memref<41088xf32, #tpu.memory_space<vmem>>, vector<16xf32>,
        %get3A_225 = arith.index_cast %add3A_136 : i32 to index
        %get3A_226 = arith.constant 80 : index
        %get3A_227 = tpu.vector_load %arg17[%get3A_225, %get3A_226] {strides = array<i32>} : memref<128x128xf32, #tpu.memory_space<vmem>>, vector<16xf32>,
        %get3A_228 = arith.constant 80 : index
        %get3A_229 = tpu.vector_load %arg15[%get3A_228] {strides = array<i32>} : memref<128xf32, #tpu.memory_space<vmem>>, vector<16xf32>,
        %mul3A_230 = vector.broadcast %squeeze3A_132 : f32 to vector<16xf32>
        %mul3A_231 = arith.mulf %mul3A_230, %get3A_229 : vector<16xf32>
        %add3A_232 = arith.addf %get3A_227, %mul3A_231 : vector<16xf32>
        %max3A_233 = arith.maximumf %get3A_224, %add3A_232 : vector<16xf32>
        %add3A_234 = arith.constant 80 : i32
        %add3A_235 = arith.addi %mul3A_130, %add3A_234 : i32
        %swap3A_236 = arith.index_cast %add3A_235 : i32 to index
        %swap3A_237 = tpu.vector_load %arg16[%swap3A_236] {strides = array<i32>} : memref<41088xf32, #tpu.memory_space<vmem>>, vector<16xf32>,
        tpu.vector_store %arg16[%swap3A_236], %max3A_233 {strides = array<i32>} : memref<41088xf32, #tpu.memory_space<vmem>>, vector<16xf32>,
        %add3A_238 = arith.constant 96 : i32
        %add3A_239 = arith.addi %mul3A_130, %add3A_238 : i32
        %get3A_240 = arith.index_cast %add3A_239 : i32 to index
        %get3A_241 = tpu.vector_load %arg16[%get3A_240] {strides = array<i32>} : memref<41088xf32, #tpu.memory_space<vmem>>, vector<16xf32>,
        %get3A_242 = arith.index_cast %add3A_136 : i32 to index
        %get3A_243 = arith.constant 96 : index
        %get3A_244 = tpu.vector_load %arg17[%get3A_242, %get3A_243] {strides = array<i32>} : memref<128x128xf32, #tpu.memory_space<vmem>>, vector<16xf32>,
        %get3A_245 = arith.constant 96 : index
        %get3A_246 = tpu.vector_load %arg15[%get3A_245] {strides = array<i32>} : memref<128xf32, #tpu.memory_space<vmem>>, vector<16xf32>,
        %mul3A_247 = vector.broadcast %squeeze3A_132 : f32 to vector<16xf32>
        %mul3A_248 = arith.mulf %mul3A_247, %get3A_246 : vector<16xf32>
        %add3A_249 = arith.addf %get3A_244, %mul3A_248 : vector<16xf32>
        %max3A_250 = arith.maximumf %get3A_241, %add3A_249 : vector<16xf32>
        %add3A_251 = arith.constant 96 : i32
        %add3A_252 = arith.addi %mul3A_130, %add3A_251 : i32
        %swap3A_253 = arith.index_cast %add3A_252 : i32 to index
        %swap3A_254 = tpu.vector_load %arg16[%swap3A_253] {strides = array<i32>} : memref<41088xf32, #tpu.memory_space<vmem>>, vector<16xf32>,
        tpu.vector_store %arg16[%swap3A_253], %max3A_250 {strides = array<i32>} : memref<41088xf32, #tpu.memory_space<vmem>>, vector<16xf32>,
        %add3A_255 = arith.constant 112 : i32
        %add3A_256 = arith.addi %mul3A_130, %add3A_255 : i32
        %get3A_257 = arith.index_cast %add3A_256 : i32 to index
        %get3A_258 = tpu.vector_load %arg16[%get3A_257] {strides = array<i32>} : memref<41088xf32, #tpu.memory_space<vmem>>, vector<16xf32>,
        %get3A_259 = arith.index_cast %add3A_136 : i32 to index
        %get3A_260 = arith.constant 112 : index
        %get3A_261 = tpu.vector_load %arg17[%get3A_259, %get3A_260] {strides = array<i32>} : memref<128x128xf32, #tpu.memory_space<vmem>>, vector<16xf32>,
        %get3A_262 = arith.constant 112 : index
        %get3A_263 = tpu.vector_load %arg15[%get3A_262] {strides = array<i32>} : memref<128xf32, #tpu.memory_space<vmem>>, vector<16xf32>,
        %mul3A_264 = vector.broadcast %squeeze3A_132 : f32 to vector<16xf32>
        %mul3A_265 = arith.mulf %mul3A_264, %get3A_263 : vector<16xf32>
        %add3A_266 = arith.addf %get3A_261, %mul3A_265 : vector<16xf32>
        %max3A_267 = arith.maximumf %get3A_258, %add3A_266 : vector<16xf32>
        %add3A_268 = arith.constant 112 : i32
        %add3A_269 = arith.addi %mul3A_130, %add3A_268 : i32
        %swap3A_270 = arith.index_cast %add3A_269 : i32 to index
        %swap3A_271 = tpu.vector_load %arg16[%swap3A_270] {strides = array<i32>} : memref<41088xf32, #tpu.memory_space<vmem>>, vector<16xf32>,
        tpu.vector_store %arg16[%swap3A_270], %max3A_267 {strides = array<i32>} : memref<41088xf32, #tpu.memory_space<vmem>>, vector<16xf32>,
        %slice3A_272 = vector.extract_strided_slice %get3A_123 {offsets = [1], sizes = [1], strides = [1]} : vector<16xi32> to vector<1xi32>
        %squeeze3A_273 = vector.extract %slice3A_272[0] : i32 from vector<1xi32>
        %mul3A_274 = arith.constant 128 : i32
        %mul3A_275 = arith.muli %squeeze3A_273, %mul3A_274 : i32
        %slice3A_276 = vector.extract_strided_slice %get3A_128 {offsets = [1], sizes = [1], strides = [1]} : vector<16xf32> to vector<1xf32>
        %squeeze3A_277 = vector.extract %slice3A_276[0] : f32 from vector<1xf32>
        %mul3A_278 = arith.constant 16 : i32
        %mul3A_279 = arith.muli %scan3A_118, %mul3A_278 : i32
        %add3A_280 = arith.constant 1 : i32
        %add3A_281 = arith.addi %mul3A_279, %add3A_280 : i32
        %add3A_282 = arith.constant 0 : i32
        %add3A_283 = arith.addi %mul3A_275, %add3A_282 : i32
        %get3A_284 = arith.index_cast %add3A_283 : i32 to index
        %get3A_285 = tpu.vector_load %arg16[%get3A_284] {strides = array<i32>} : memref<41088xf32, #tpu.memory_space<vmem>>, vector<16xf32>,
        %get3A_286 = arith.index_cast %add3A_281 : i32 to index
        %get3A_287 = arith.constant 0 : index
        %get3A_288 = tpu.vector_load %arg17[%get3A_286, %get3A_287] {strides = array<i32>} : memref<128x128xf32, #tpu.memory_space<vmem>>, vector<16xf32>,
        %get3A_289 = arith.constant 0 : index
        %get3A_290 = tpu.vector_load %arg15[%get3A_289] {strides = array<i32>} : memref<128xf32, #tpu.memory_space<vmem>>, vector<16xf32>,
        %mul3A_291 = vector.broadcast %squeeze3A_277 : f32 to vector<16xf32>
        %mul3A_292 = arith.mulf %mul3A_291, %get3A_290 : vector<16xf32>
        %add3A_293 = arith.addf %get3A_288, %mul3A_292 : vector<16xf32>
        %max3A_294 = arith.maximumf %get3A_285, %add3A_293 : vector<16xf32>
        %add3A_295 = arith.constant 0 : i32
        %add3A_296 = arith.addi %mul3A_275, %add3A_295 : i32
        %swap3A_297 = arith.index_cast %add3A_296 : i32 to index
        %swap3A_298 = tpu.vector_load %arg16[%swap3A_297] {strides = array<i32>} : memref<41088xf32, #tpu.memory_space<vmem>>, vector<16xf32>,
        tpu.vector_store %arg16[%swap3A_297], %max3A_294 {strides = array<i32>} : memref<41088xf32, #tpu.memory_space<vmem>>, vector<16xf32>,
        %add3A_299 = arith.constant 16 : i32
        %add3A_300 = arith.addi %mul3A_275, %add3A_299 : i32
        %get3A_301 = arith.index_cast %add3A_300 : i32 to index
        %get3A_302 = tpu.vector_load %arg16[%get3A_301] {strides = array<i32>} : memref<41088xf32, #tpu.memory_space<vmem>>, vector<16xf32>,
        %get3A_303 = arith.index_cast %add3A_281 : i32 to index
        %get3A_304 = arith.constant 16 : index
        %get3A_305 = tpu.vector_load %arg17[%get3A_303, %get3A_304] {strides = array<i32>} : memref<128x128xf32, #tpu.memory_space<vmem>>, vector<16xf32>,
        %get3A_306 = arith.constant 16 : index
        %get3A_307 = tpu.vector_load %arg15[%get3A_306] {strides = array<i32>} : memref<128xf32, #tpu.memory_space<vmem>>, vector<16xf32>,
        %mul3A_308 = vector.broadcast %squeeze3A_277 : f32 to vector<16xf32>
        %mul3A_309 = arith.mulf %mul3A_308, %get3A_307 : vector<16xf32>
        %add3A_310 = arith.addf %get3A_305, %mul3A_309 : vector<16xf32>
        %max3A_311 = arith.maximumf %get3A_302, %add3A_310 : vector<16xf32>
        %add3A_312 = arith.constant 16 : i32
        %add3A_313 = arith.addi %mul3A_275, %add3A_312 : i32
        %swap3A_314 = arith.index_cast %add3A_313 : i32 to index
        %swap3A_315 = tpu.vector_load %arg16[%swap3A_314] {strides = array<i32>} : memref<41088xf32, #tpu.memory_space<vmem>>, vector<16xf32>,
        tpu.vector_store %arg16[%swap3A_314], %max3A_311 {strides = array<i32>} : memref<41088xf32, #tpu.memory_space<vmem>>, vector<16xf32>,
        %add3A_316 = arith.constant 32 : i32
        %add3A_317 = arith.addi %mul3A_275, %add3A_316 : i32
        %get3A_318 = arith.index_cast %add3A_317 : i32 to index
        %get3A_319 = tpu.vector_load %arg16[%get3A_318] {strides = array<i32>} : memref<41088xf32, #tpu.memory_space<vmem>>, vector<16xf32>,
        %get3A_320 = arith.index_cast %add3A_281 : i32 to index
        %get3A_321 = arith.constant 32 : index
        %get3A_322 = tpu.vector_load %arg17[%get3A_320, %get3A_321] {strides = array<i32>} : memref<128x128xf32, #tpu.memory_space<vmem>>, vector<16xf32>,
        %get3A_323 = arith.constant 32 : index
        %get3A_324 = tpu.vector_load %arg15[%get3A_323] {strides = array<i32>} : memref<128xf32, #tpu.memory_space<vmem>>, vector<16xf32>,
        %mul3A_325 = vector.broadcast %squeeze3A_277 : f32 to vector<16xf32>
        %mul3A_326 = arith.mulf %mul3A_325, %get3A_324 : vector<16xf32>
        %add3A_327 = arith.addf %get3A_322, %mul3A_326 : vector<16xf32>
        %max3A_328 = arith.maximumf %get3A_319, %add3A_327 : vector<16xf32>
        %add3A_329 = arith.constant 32 : i32
        %add3A_330 = arith.addi %mul3A_275, %add3A_329 : i32
        %swap3A_331 = arith.index_cast %add3A_330 : i32 to index
        %swap3A_332 = tpu.vector_load %arg16[%swap3A_331] {strides = array<i32>} : memref<41088xf32, #tpu.memory_space<vmem>>, vector<16xf32>,
        tpu.vector_store %arg16[%swap3A_331], %max3A_328 {strides = array<i32>} : memref<41088xf32, #tpu.memory_space<vmem>>, vector<16xf32>,
        %add3A_333 = arith.constant 48 : i32
        %add3A_334 = arith.addi %mul3A_275, %add3A_333 : i32
        %get3A_335 = arith.index_cast %add3A_334 : i32 to index
        %get3A_336 = tpu.vector_load %arg16[%get3A_335] {strides = array<i32>} : memref<41088xf32, #tpu.memory_space<vmem>>, vector<16xf32>,
        %get3A_337 = arith.index_cast %add3A_281 : i32 to index
        %get3A_338 = arith.constant 48 : index
        %get3A_339 = tpu.vector_load %arg17[%get3A_337, %get3A_338] {strides = array<i32>} : memref<128x128xf32, #tpu.memory_space<vmem>>, vector<16xf32>,
        %get3A_340 = arith.constant 48 : index
        %get3A_341 = tpu.vector_load %arg15[%get3A_340] {strides = array<i32>} : memref<128xf32, #tpu.memory_space<vmem>>, vector<16xf32>,
        %mul3A_342 = vector.broadcast %squeeze3A_277 : f32 to vector<16xf32>
        %mul3A_343 = arith.mulf %mul3A_342, %get3A_341 : vector<16xf32>
        %add3A_344 = arith.addf %get3A_339, %mul3A_343 : vector<16xf32>
        %max3A_345 = arith.maximumf %get3A_336, %add3A_344 : vector<16xf32>
        %add3A_346 = arith.constant 48 : i32
        %add3A_347 = arith.addi %mul3A_275, %add3A_346 : i32
        %swap3A_348 = arith.index_cast %add3A_347 : i32 to index
        %swap3A_349 = tpu.vector_load %arg16[%swap3A_348] {strides = array<i32>} : memref<41088xf32, #tpu.memory_space<vmem>>, vector<16xf32>,
        tpu.vector_store %arg16[%swap3A_348], %max3A_345 {strides = array<i32>} : memref<41088xf32, #tpu.memory_space<vmem>>, vector<16xf32>,
        %add3A_350 = arith.constant 64 : i32
        %add3A_351 = arith.addi %mul3A_275, %add3A_350 : i32
        %get3A_352 = arith.index_cast %add3A_351 : i32 to index
        %get3A_353 = tpu.vector_load %arg16[%get3A_352] {strides = array<i32>} : memref<41088xf32, #tpu.memory_space<vmem>>, vector<16xf32>,
        %get3A_354 = arith.index_cast %add3A_281 : i32 to index
        %get3A_355 = arith.constant 64 : index
        %get3A_356 = tpu.vector_load %arg17[%get3A_354, %get3A_355] {strides = array<i32>} : memref<128x128xf32, #tpu.memory_space<vmem>>, vector<16xf32>,
        %get3A_357 = arith.constant 64 : index
        %get3A_358 = tpu.vector_load %arg15[%get3A_357] {strides = array<i32>} : memref<128xf32, #tpu.memory_space<vmem>>, vector<16xf32>,
        %mul3A_359 = vector.broadcast %squeeze3A_277 : f32 to vector<16xf32>
        %mul3A_360 = arith.mulf %mul3A_359, %get3A_358 : vector<16xf32>
        %add3A_361 = arith.addf %get3A_356, %mul3A_360 : vector<16xf32>
        %max3A_362 = arith.maximumf %get3A_353, %add3A_361 : vector<16xf32>
        %add3A_363 = arith.constant 64 : i32
        %add3A_364 = arith.addi %mul3A_275, %add3A_363 : i32
        %swap3A_365 = arith.index_cast %add3A_364 : i32 to index
        %swap3A_366 = tpu.vector_load %arg16[%swap3A_365] {strides = array<i32>} : memref<41088xf32, #tpu.memory_space<vmem>>, vector<16xf32>,
        tpu.vector_store %arg16[%swap3A_365], %max3A_362 {strides = array<i32>} : memref<41088xf32, #tpu.memory_space<vmem>>, vector<16xf32>,
        %add3A_367 = arith.constant 80 : i32
        %add3A_368 = arith.addi %mul3A_275, %add3A_367 : i32
        %get3A_369 = arith.index_cast %add3A_368 : i32 to index
        %get3A_370 = tpu.vector_load %arg16[%get3A_369] {strides = array<i32>} : memref<41088xf32, #tpu.memory_space<vmem>>, vector<16xf32>,
        %get3A_371 = arith.index_cast %add3A_281 : i32 to index
        %get3A_372 = arith.constant 80 : index
        %get3A_373 = tpu.vector_load %arg17[%get3A_371, %get3A_372] {strides = array<i32>} : memref<128x128xf32, #tpu.memory_space<vmem>>, vector<16xf32>,
        %get3A_374 = arith.constant 80 : index
        %get3A_375 = tpu.vector_load %arg15[%get3A_374] {strides = array<i32>} : memref<128xf32, #tpu.memory_space<vmem>>, vector<16xf32>,
        %mul3A_376 = vector.broadcast %squeeze3A_277 : f32 to vector<16xf32>
        %mul3A_377 = arith.mulf %mul3A_376, %get3A_375 : vector<16xf32>
        %add3A_378 = arith.addf %get3A_373, %mul3A_377 : vector<16xf32>
        %max3A_379 = arith.maximumf %get3A_370, %add3A_378 : vector<16xf32>
        %add3A_380 = arith.constant 80 : i32
        %add3A_381 = arith.addi %mul3A_275, %add3A_380 : i32
        %swap3A_382 = arith.index_cast %add3A_381 : i32 to index
        %swap3A_383 = tpu.vector_load %arg16[%swap3A_382] {strides = array<i32>} : memref<41088xf32, #tpu.memory_space<vmem>>, vector<16xf32>,
        tpu.vector_store %arg16[%swap3A_382], %max3A_379 {strides = array<i32>} : memref<41088xf32, #tpu.memory_space<vmem>>, vector<16xf32>,
        %add3A_384 = arith.constant 96 : i32
        %add3A_385 = arith.addi %mul3A_275, %add3A_384 : i32
        %get3A_386 = arith.index_cast %add3A_385 : i32 to index
        %get3A_387 = tpu.vector_load %arg16[%get3A_386] {strides = array<i32>} : memref<41088xf32, #tpu.memory_space<vmem>>, vector<16xf32>,
        %get3A_388 = arith.index_cast %add3A_281 : i32 to index
        %get3A_389 = arith.constant 96 : index
        %get3A_390 = tpu.vector_load %arg17[%get3A_388, %get3A_389] {strides = array<i32>} : memref<128x128xf32, #tpu.memory_space<vmem>>, vector<16xf32>,
        %get3A_391 = arith.constant 96 : index
        %get3A_392 = tpu.vector_load %arg15[%get3A_391] {strides = array<i32>} : memref<128xf32, #tpu.memory_space<vmem>>, vector<16xf32>,
        %mul3A_393 = vector.broadcast %squeeze3A_277 : f32 to vector<16xf32>
        %mul3A_394 = arith.mulf %mul3A_393, %get3A_392 : vector<16xf32>
        %add3A_395 = arith.addf %get3A_390, %mul3A_394 : vector<16xf32>
        %max3A_396 = arith.maximumf %get3A_387, %add3A_395 : vector<16xf32>
        %add3A_397 = arith.constant 96 : i32
        %add3A_398 = arith.addi %mul3A_275, %add3A_397 : i32
        %swap3A_399 = arith.index_cast %add3A_398 : i32 to index
        %swap3A_400 = tpu.vector_load %arg16[%swap3A_399] {strides = array<i32>} : memref<41088xf32, #tpu.memory_space<vmem>>, vector<16xf32>,
        tpu.vector_store %arg16[%swap3A_399], %max3A_396 {strides = array<i32>} : memref<41088xf32, #tpu.memory_space<vmem>>, vector<16xf32>,
        %add3A_401 = arith.constant 112 : i32
        %add3A_402 = arith.addi %mul3A_275, %add3A_401 : i32
        %get3A_403 = arith.index_cast %add3A_402 : i32 to index
        %get3A_404 = tpu.vector_load %arg16[%get3A_403] {strides = array<i32>} : memref<41088xf32, #tpu.memory_space<vmem>>, vector<16xf32>,
        %get3A_405 = arith.index_cast %add3A_281 : i32 to index
        %get3A_406 = arith.constant 112 : index
        %get3A_407 = tpu.vector_load %arg17[%get3A_405, %get3A_406] {strides = array<i32>} : memref<128x128xf32, #tpu.memory_space<vmem>>, vector<16xf32>,
        %get3A_408 = arith.constant 112 : index
        %get3A_409 = tpu.vector_load %arg15[%get3A_408] {strides = array<i32>} : memref<128xf32, #tpu.memory_space<vmem>>, vector<16xf32>,
        %mul3A_410 = vector.broadcast %squeeze3A_277 : f32 to vector<16xf32>
        %mul3A_411 = arith.mulf %mul3A_410, %get3A_409 : vector<16xf32>
        %add3A_412 = arith.addf %get3A_407, %mul3A_411 : vector<16xf32>
        %max3A_413 = arith.maximumf %get3A_404, %add3A_412 : vector<16xf32>
        %add3A_414 = arith.constant 112 : i32
        %add3A_415 = arith.addi %mul3A_275, %add3A_414 : i32
        %swap3A_416 = arith.index_cast %add3A_415 : i32 to index
        %swap3A_417 = tpu.vector_load %arg16[%swap3A_416] {strides = array<i32>} : memref<41088xf32, #tpu.memory_space<vmem>>, vector<16xf32>,
        tpu.vector_store %arg16[%swap3A_416], %max3A_413 {strides = array<i32>} : memref<41088xf32, #tpu.memory_space<vmem>>, vector<16xf32>,
        %slice3A_418 = vector.extract_strided_slice %get3A_123 {offsets = [2], sizes = [1], strides = [1]} : vector<16xi32> to vector<1xi32>
        %squeeze3A_419 = vector.extract %slice3A_418[0] : i32 from vector<1xi32>
        %mul3A_420 = arith.constant 128 : i32
        %mul3A_421 = arith.muli %squeeze3A_419, %mul3A_420 : i32
        %slice3A_422 = vector.extract_strided_slice %get3A_128 {offsets = [2], sizes = [1], strides = [1]} : vector<16xf32> to vector<1xf32>
        %squeeze3A_423 = vector.extract %slice3A_422[0] : f32 from vector<1xf32>
        %mul3A_424 = arith.constant 16 : i32
        %mul3A_425 = arith.muli %scan3A_118, %mul3A_424 : i32
        %add3A_426 = arith.constant 2 : i32
        %add3A_427 = arith.addi %mul3A_425, %add3A_426 : i32
        %add3A_428 = arith.constant 0 : i32
        %add3A_429 = arith.addi %mul3A_421, %add3A_428 : i32
        %get3A_430 = arith.index_cast %add3A_429 : i32 to index
        %get3A_431 = tpu.vector_load %arg16[%get3A_430] {strides = array<i32>} : memref<41088xf32, #tpu.memory_space<vmem>>, vector<16xf32>,
        %get3A_432 = arith.index_cast %add3A_427 : i32 to index
        %get3A_433 = arith.constant 0 : index
        %get3A_434 = tpu.vector_load %arg17[%get3A_432, %get3A_433] {strides = array<i32>} : memref<128x128xf32, #tpu.memory_space<vmem>>, vector<16xf32>,
        %get3A_435 = arith.constant 0 : index
        %get3A_436 = tpu.vector_load %arg15[%get3A_435] {strides = array<i32>} : memref<128xf32, #tpu.memory_space<vmem>>, vector<16xf32>,
        %mul3A_437 = vector.broadcast %squeeze3A_423 : f32 to vector<16xf32>
        %mul3A_438 = arith.mulf %mul3A_437, %get3A_436 : vector<16xf32>
        %add3A_439 = arith.addf %get3A_434, %mul3A_438 : vector<16xf32>
        %max3A_440 = arith.maximumf %get3A_431, %add3A_439 : vector<16xf32>
        %add3A_441 = arith.constant 0 : i32
        %add3A_442 = arith.addi %mul3A_421, %add3A_441 : i32
        %swap3A_443 = arith.index_cast %add3A_442 : i32 to index
        %swap3A_444 = tpu.vector_load %arg16[%swap3A_443] {strides = array<i32>} : memref<41088xf32, #tpu.memory_space<vmem>>, vector<16xf32>,
        tpu.vector_store %arg16[%swap3A_443], %max3A_440 {strides = array<i32>} : memref<41088xf32, #tpu.memory_space<vmem>>, vector<16xf32>,
        %add3A_445 = arith.constant 16 : i32
        %add3A_446 = arith.addi %mul3A_421, %add3A_445 : i32
        %get3A_447 = arith.index_cast %add3A_446 : i32 to index
        %get3A_448 = tpu.vector_load %arg16[%get3A_447] {strides = array<i32>} : memref<41088xf32, #tpu.memory_space<vmem>>, vector<16xf32>,
        %get3A_449 = arith.index_cast %add3A_427 : i32 to index
        %get3A_450 = arith.constant 16 : index
        %get3A_451 = tpu.vector_load %arg17[%get3A_449, %get3A_450] {strides = array<i32>} : memref<128x128xf32, #tpu.memory_space<vmem>>, vector<16xf32>,
        %get3A_452 = arith.constant 16 : index
        %get3A_453 = tpu.vector_load %arg15[%get3A_452] {strides = array<i32>} : memref<128xf32, #tpu.memory_space<vmem>>, vector<16xf32>,
        %mul3A_454 = vector.broadcast %squeeze3A_423 : f32 to vector<16xf32>
        %mul3A_455 = arith.mulf %mul3A_454, %get3A_453 : vector<16xf32>
        %add3A_456 = arith.addf %get3A_451, %mul3A_455 : vector<16xf32>
        %max3A_457 = arith.maximumf %get3A_448, %add3A_456 : vector<16xf32>
        %add3A_458 = arith.constant 16 : i32
        %add3A_459 = arith.addi %mul3A_421, %add3A_458 : i32
        %swap3A_460 = arith.index_cast %add3A_459 : i32 to index
        %swap3A_461 = tpu.vector_load %arg16[%swap3A_460] {strides = array<i32>} : memref<41088xf32, #tpu.memory_space<vmem>>, vector<16xf32>,
        tpu.vector_store %arg16[%swap3A_460], %max3A_457 {strides = array<i32>} : memref<41088xf32, #tpu.memory_space<vmem>>, vector<16xf32>,
        %add3A_462 = arith.constant 32 : i32
        %add3A_463 = arith.addi %mul3A_421, %add3A_462 : i32
        %get3A_464 = arith.index_cast %add3A_463 : i32 to index
        %get3A_465 = tpu.vector_load %arg16[%get3A_464] {strides = array<i32>} : memref<41088xf32, #tpu.memory_space<vmem>>, vector<16xf32>,
        %get3A_466 = arith.index_cast %add3A_427 : i32 to index
        %get3A_467 = arith.constant 32 : index
        %get3A_468 = tpu.vector_load %arg17[%get3A_466, %get3A_467] {strides = array<i32>} : memref<128x128xf32, #tpu.memory_space<vmem>>, vector<16xf32>,
        %get3A_469 = arith.constant 32 : index
        %get3A_470 = tpu.vector_load %arg15[%get3A_469] {strides = array<i32>} : memref<128xf32, #tpu.memory_space<vmem>>, vector<16xf32>,
        %mul3A_471 = vector.broadcast %squeeze3A_423 : f32 to vector<16xf32>
        %mul3A_472 = arith.mulf %mul3A_471, %get3A_470 : vector<16xf32>
        %add3A_473 = arith.addf %get3A_468, %mul3A_472 : vector<16xf32>
        %max3A_474 = arith.maximumf %get3A_465, %add3A_473 : vector<16xf32>
        %add3A_475 = arith.constant 32 : i32
        %add3A_476 = arith.addi %mul3A_421, %add3A_475 : i32
        %swap3A_477 = arith.index_cast %add3A_476 : i32 to index
        %swap3A_478 = tpu.vector_load %arg16[%swap3A_477] {strides = array<i32>} : memref<41088xf32, #tpu.memory_space<vmem>>, vector<16xf32>,
        tpu.vector_store %arg16[%swap3A_477], %max3A_474 {strides = array<i32>} : memref<41088xf32, #tpu.memory_space<vmem>>, vector<16xf32>,
        %add3A_479 = arith.constant 48 : i32
        %add3A_480 = arith.addi %mul3A_421, %add3A_479 : i32
        %get3A_481 = arith.index_cast %add3A_480 : i32 to index
        %get3A_482 = tpu.vector_load %arg16[%get3A_481] {strides = array<i32>} : memref<41088xf32, #tpu.memory_space<vmem>>, vector<16xf32>,
        %get3A_483 = arith.index_cast %add3A_427 : i32 to index
        %get3A_484 = arith.constant 48 : index
        %get3A_485 = tpu.vector_load %arg17[%get3A_483, %get3A_484] {strides = array<i32>} : memref<128x128xf32, #tpu.memory_space<vmem>>, vector<16xf32>,
        %get3A_486 = arith.constant 48 : index
        %get3A_487 = tpu.vector_load %arg15[%get3A_486] {strides = array<i32>} : memref<128xf32, #tpu.memory_space<vmem>>, vector<16xf32>,
        %mul3A_488 = vector.broadcast %squeeze3A_423 : f32 to vector<16xf32>
        %mul3A_489 = arith.mulf %mul3A_488, %get3A_487 : vector<16xf32>
        %add3A_490 = arith.addf %get3A_485, %mul3A_489 : vector<16xf32>
        %max3A_491 = arith.maximumf %get3A_482, %add3A_490 : vector<16xf32>
        %add3A_492 = arith.constant 48 : i32
        %add3A_493 = arith.addi %mul3A_421, %add3A_492 : i32
        %swap3A_494 = arith.index_cast %add3A_493 : i32 to index
        %swap3A_495 = tpu.vector_load %arg16[%swap3A_494] {strides = array<i32>} : memref<41088xf32, #tpu.memory_space<vmem>>, vector<16xf32>,
        tpu.vector_store %arg16[%swap3A_494], %max3A_491 {strides = array<i32>} : memref<41088xf32, #tpu.memory_space<vmem>>, vector<16xf32>,
        %add3A_496 = arith.constant 64 : i32
        %add3A_497 = arith.addi %mul3A_421, %add3A_496 : i32
        %get3A_498 = arith.index_cast %add3A_497 : i32 to index
        %get3A_499 = tpu.vector_load %arg16[%get3A_498] {strides = array<i32>} : memref<41088xf32, #tpu.memory_space<vmem>>, vector<16xf32>,
        %get3A_500 = arith.index_cast %add3A_427 : i32 to index
        %get3A_501 = arith.constant 64 : index
        %get3A_502 = tpu.vector_load %arg17[%get3A_500, %get3A_501] {strides = array<i32>} : memref<128x128xf32, #tpu.memory_space<vmem>>, vector<16xf32>,
        %get3A_503 = arith.constant 64 : index
        %get3A_504 = tpu.vector_load %arg15[%get3A_503] {strides = array<i32>} : memref<128xf32, #tpu.memory_space<vmem>>, vector<16xf32>,
        %mul3A_505 = vector.broadcast %squeeze3A_423 : f32 to vector<16xf32>
        %mul3A_506 = arith.mulf %mul3A_505, %get3A_504 : vector<16xf32>
        %add3A_507 = arith.addf %get3A_502, %mul3A_506 : vector<16xf32>
        %max3A_508 = arith.maximumf %get3A_499, %add3A_507 : vector<16xf32>
        %add3A_509 = arith.constant 64 : i32
        %add3A_510 = arith.addi %mul3A_421, %add3A_509 : i32
        %swap3A_511 = arith.index_cast %add3A_510 : i32 to index
        %swap3A_512 = tpu.vector_load %arg16[%swap3A_511] {strides = array<i32>} : memref<41088xf32, #tpu.memory_space<vmem>>, vector<16xf32>,
        tpu.vector_store %arg16[%swap3A_511], %max3A_508 {strides = array<i32>} : memref<41088xf32, #tpu.memory_space<vmem>>, vector<16xf32>,
        %add3A_513 = arith.constant 80 : i32
        %add3A_514 = arith.addi %mul3A_421, %add3A_513 : i32
        %get3A_515 = arith.index_cast %add3A_514 : i32 to index
        %get3A_516 = tpu.vector_load %arg16[%get3A_515] {strides = array<i32>} : memref<41088xf32, #tpu.memory_space<vmem>>, vector<16xf32>,
        %get3A_517 = arith.index_cast %add3A_427 : i32 to index
        %get3A_518 = arith.constant 80 : index
        %get3A_519 = tpu.vector_load %arg17[%get3A_517, %get3A_518] {strides = array<i32>} : memref<128x128xf32, #tpu.memory_space<vmem>>, vector<16xf32>,
        %get3A_520 = arith.constant 80 : index
        %get3A_521 = tpu.vector_load %arg15[%get3A_520] {strides = array<i32>} : memref<128xf32, #tpu.memory_space<vmem>>, vector<16xf32>,
        %mul3A_522 = vector.broadcast %squeeze3A_423 : f32 to vector<16xf32>
        %mul3A_523 = arith.mulf %mul3A_522, %get3A_521 : vector<16xf32>
        %add3A_524 = arith.addf %get3A_519, %mul3A_523 : vector<16xf32>
        %max3A_525 = arith.maximumf %get3A_516, %add3A_524 : vector<16xf32>
        %add3A_526 = arith.constant 80 : i32
        %add3A_527 = arith.addi %mul3A_421, %add3A_526 : i32
        %swap3A_528 = arith.index_cast %add3A_527 : i32 to index
        %swap3A_529 = tpu.vector_load %arg16[%swap3A_528] {strides = array<i32>} : memref<41088xf32, #tpu.memory_space<vmem>>, vector<16xf32>,
        tpu.vector_store %arg16[%swap3A_528], %max3A_525 {strides = array<i32>} : memref<41088xf32, #tpu.memory_space<vmem>>, vector<16xf32>,
        %add3A_530 = arith.constant 96 : i32
        %add3A_531 = arith.addi %mul3A_421, %add3A_530 : i32
        %get3A_532 = arith.index_cast %add3A_531 : i32 to index
        %get3A_533 = tpu.vector_load %arg16[%get3A_532] {strides = array<i32>} : memref<41088xf32, #tpu.memory_space<vmem>>, vector<16xf32>,
        %get3A_534 = arith.index_cast %add3A_427 : i32 to index
        %get3A_535 = arith.constant 96 : index
        %get3A_536 = tpu.vector_load %arg17[%get3A_534, %get3A_535] {strides = array<i32>} : memref<128x128xf32, #tpu.memory_space<vmem>>, vector<16xf32>,
        %get3A_537 = arith.constant 96 : index
        %get3A_538 = tpu.vector_load %arg15[%get3A_537] {strides = array<i32>} : memref<128xf32, #tpu.memory_space<vmem>>, vector<16xf32>,
        %mul3A_539 = vector.broadcast %squeeze3A_423 : f32 to vector<16xf32>
        %mul3A_540 = arith.mulf %mul3A_539, %get3A_538 : vector<16xf32>
        %add3A_541 = arith.addf %get3A_536, %mul3A_540 : vector<16xf32>
        %max3A_542 = arith.maximumf %get3A_533, %add3A_541 : vector<16xf32>
        %add3A_543 = arith.constant 96 : i32
        %add3A_544 = arith.addi %mul3A_421, %add3A_543 : i32
        %swap3A_545 = arith.index_cast %add3A_544 : i32 to index
        %swap3A_546 = tpu.vector_load %arg16[%swap3A_545] {strides = array<i32>} : memref<41088xf32, #tpu.memory_space<vmem>>, vector<16xf32>,
        tpu.vector_store %arg16[%swap3A_545], %max3A_542 {strides = array<i32>} : memref<41088xf32, #tpu.memory_space<vmem>>, vector<16xf32>,
        %add3A_547 = arith.constant 112 : i32
        %add3A_548 = arith.addi %mul3A_421, %add3A_547 : i32
        %get3A_549 = arith.index_cast %add3A_548 : i32 to index
        %get3A_550 = tpu.vector_load %arg16[%get3A_549] {strides = array<i32>} : memref<41088xf32, #tpu.memory_space<vmem>>, vector<16xf32>,
        %get3A_551 = arith.index_cast %add3A_427 : i32 to index
        %get3A_552 = arith.constant 112 : index
        %get3A_553 = tpu.vector_load %arg17[%get3A_551, %get3A_552] {strides = array<i32>} : memref<128x128xf32, #tpu.memory_space<vmem>>, vector<16xf32>,
        %get3A_554 = arith.constant 112 : index
        %get3A_555 = tpu.vector_load %arg15[%get3A_554] {strides = array<i32>} : memref<128xf32, #tpu.memory_space<vmem>>, vector<16xf32>,
        %mul3A_556 = vector.broadcast %squeeze3A_423 : f32 to vector<16xf32>
        %mul3A_557 = arith.mulf %mul3A_556, %get3A_555 : vector<16xf32>
        %add3A_558 = arith.addf %get3A_553, %mul3A_557 : vector<16xf32>
        %max3A_559 = arith.maximumf %get3A_550, %add3A_558 : vector<16xf32>
        %add3A_560 = arith.constant 112 : i32
        %add3A_561 = arith.addi %mul3A_421, %add3A_560 : i32
        %swap3A_562 = arith.index_cast %add3A_561 : i32 to index
        %swap3A_563 = tpu.vector_load %arg16[%swap3A_562] {strides = array<i32>} : memref<41088xf32, #tpu.memory_space<vmem>>, vector<16xf32>,
        tpu.vector_store %arg16[%swap3A_562], %max3A_559 {strides = array<i32>} : memref<41088xf32, #tpu.memory_space<vmem>>, vector<16xf32>,
        %slice3A_564 = vector.extract_strided_slice %get3A_123 {offsets = [3], sizes = [1], strides = [1]} : vector<16xi32> to vector<1xi32>
        %squeeze3A_565 = vector.extract %slice3A_564[0] : i32 from vector<1xi32>
        %mul3A_566 = arith.constant 128 : i32
        %mul3A_567 = arith.muli %squeeze3A_565, %mul3A_566 : i32
        %slice3A_568 = vector.extract_strided_slice %get3A_128 {offsets = [3], sizes = [1], strides = [1]} : vector<16xf32> to vector<1xf32>
        %squeeze3A_569 = vector.extract %slice3A_568[0] : f32 from vector<1xf32>
        %mul3A_570 = arith.constant 16 : i32
        %mul3A_571 = arith.muli %scan3A_118, %mul3A_570 : i32
        %add3A_572 = arith.constant 3 : i32
        %add3A_573 = arith.addi %mul3A_571, %add3A_572 : i32
        %add3A_574 = arith.constant 0 : i32
        %add3A_575 = arith.addi %mul3A_567, %add3A_574 : i32
        %get3A_576 = arith.index_cast %add3A_575 : i32 to index
        %get3A_577 = tpu.vector_load %arg16[%get3A_576] {strides = array<i32>} : memref<41088xf32, #tpu.memory_space<vmem>>, vector<16xf32>,
        %get3A_578 = arith.index_cast %add3A_573 : i32 to index
        %get3A_579 = arith.constant 0 : index
        %get3A_580 = tpu.vector_load %arg17[%get3A_578, %get3A_579] {strides = array<i32>} : memref<128x128xf32, #tpu.memory_space<vmem>>, vector<16xf32>,
        %get3A_581 = arith.constant 0 : index
        %get3A_582 = tpu.vector_load %arg15[%get3A_581] {strides = array<i32>} : memref<128xf32, #tpu.memory_space<vmem>>, vector<16xf32>,
        %mul3A_583 = vector.broadcast %squeeze3A_569 : f32 to vector<16xf32>
        %mul3A_584 = arith.mulf %mul3A_583, %get3A_582 : vector<16xf32>
        %add3A_585 = arith.addf %get3A_580, %mul3A_584 : vector<16xf32>
        %max3A_586 = arith.maximumf %get3A_577, %add3A_585 : vector<16xf32>
        %add3A_587 = arith.constant 0 : i32
        %add3A_588 = arith.addi %mul3A_567, %add3A_587 : i32
        %swap3A_589 = arith.index_cast %add3A_588 : i32 to index
        %swap3A_590 = tpu.vector_load %arg16[%swap3A_589] {strides = array<i32>} : memref<41088xf32, #tpu.memory_space<vmem>>, vector<16xf32>,
        tpu.vector_store %arg16[%swap3A_589], %max3A_586 {strides = array<i32>} : memref<41088xf32, #tpu.memory_space<vmem>>, vector<16xf32>,
        %add3A_591 = arith.constant 16 : i32
        %add3A_592 = arith.addi %mul3A_567, %add3A_591 : i32
        %get3A_593 = arith.index_cast %add3A_592 : i32 to index
        %get3A_594 = tpu.vector_load %arg16[%get3A_593] {strides = array<i32>} : memref<41088xf32, #tpu.memory_space<vmem>>, vector<16xf32>,
        %get3A_595 = arith.index_cast %add3A_573 : i32 to index
        %get3A_596 = arith.constant 16 : index
        %get3A_597 = tpu.vector_load %arg17[%get3A_595, %get3A_596] {strides = array<i32>} : memref<128x128xf32, #tpu.memory_space<vmem>>, vector<16xf32>,
        %get3A_598 = arith.constant 16 : index
        %get3A_599 = tpu.vector_load %arg15[%get3A_598] {strides = array<i32>} : memref<128xf32, #tpu.memory_space<vmem>>, vector<16xf32>,
        %mul3A_600 = vector.broadcast %squeeze3A_569 : f32 to vector<16xf32>
        %mul3A_601 = arith.mulf %mul3A_600, %get3A_599 : vector<16xf32>
        %add3A_602 = arith.addf %get3A_597, %mul3A_601 : vector<16xf32>
        %max3A_603 = arith.maximumf %get3A_594, %add3A_602 : vector<16xf32>
        %add3A_604 = arith.constant 16 : i32
        %add3A_605 = arith.addi %mul3A_567, %add3A_604 : i32
        %swap3A_606 = arith.index_cast %add3A_605 : i32 to index
        %swap3A_607 = tpu.vector_load %arg16[%swap3A_606] {strides = array<i32>} : memref<41088xf32, #tpu.memory_space<vmem>>, vector<16xf32>,
        tpu.vector_store %arg16[%swap3A_606], %max3A_603 {strides = array<i32>} : memref<41088xf32, #tpu.memory_space<vmem>>, vector<16xf32>,
        %add3A_608 = arith.constant 32 : i32
        %add3A_609 = arith.addi %mul3A_567, %add3A_608 : i32
        %get3A_610 = arith.index_cast %add3A_609 : i32 to index
        %get3A_611 = tpu.vector_load %arg16[%get3A_610] {strides = array<i32>} : memref<41088xf32, #tpu.memory_space<vmem>>, vector<16xf32>,
        %get3A_612 = arith.index_cast %add3A_573 : i32 to index
        %get3A_613 = arith.constant 32 : index
        %get3A_614 = tpu.vector_load %arg17[%get3A_612, %get3A_613] {strides = array<i32>} : memref<128x128xf32, #tpu.memory_space<vmem>>, vector<16xf32>,
        %get3A_615 = arith.constant 32 : index
        %get3A_616 = tpu.vector_load %arg15[%get3A_615] {strides = array<i32>} : memref<128xf32, #tpu.memory_space<vmem>>, vector<16xf32>,
        %mul3A_617 = vector.broadcast %squeeze3A_569 : f32 to vector<16xf32>
        %mul3A_618 = arith.mulf %mul3A_617, %get3A_616 : vector<16xf32>
        %add3A_619 = arith.addf %get3A_614, %mul3A_618 : vector<16xf32>
        %max3A_620 = arith.maximumf %get3A_611, %add3A_619 : vector<16xf32>
        %add3A_621 = arith.constant 32 : i32
        %add3A_622 = arith.addi %mul3A_567, %add3A_621 : i32
        %swap3A_623 = arith.index_cast %add3A_622 : i32 to index
        %swap3A_624 = tpu.vector_load %arg16[%swap3A_623] {strides = array<i32>} : memref<41088xf32, #tpu.memory_space<vmem>>, vector<16xf32>,
        tpu.vector_store %arg16[%swap3A_623], %max3A_620 {strides = array<i32>} : memref<41088xf32, #tpu.memory_space<vmem>>, vector<16xf32>,
        %add3A_625 = arith.constant 48 : i32
        %add3A_626 = arith.addi %mul3A_567, %add3A_625 : i32
        %get3A_627 = arith.index_cast %add3A_626 : i32 to index
        %get3A_628 = tpu.vector_load %arg16[%get3A_627] {strides = array<i32>} : memref<41088xf32, #tpu.memory_space<vmem>>, vector<16xf32>,
        %get3A_629 = arith.index_cast %add3A_573 : i32 to index
        %get3A_630 = arith.constant 48 : index
        %get3A_631 = tpu.vector_load %arg17[%get3A_629, %get3A_630] {strides = array<i32>} : memref<128x128xf32, #tpu.memory_space<vmem>>, vector<16xf32>,
        %get3A_632 = arith.constant 48 : index
        %get3A_633 = tpu.vector_load %arg15[%get3A_632] {strides = array<i32>} : memref<128xf32, #tpu.memory_space<vmem>>, vector<16xf32>,
        %mul3A_634 = vector.broadcast %squeeze3A_569 : f32 to vector<16xf32>
        %mul3A_635 = arith.mulf %mul3A_634, %get3A_633 : vector<16xf32>
        %add3A_636 = arith.addf %get3A_631, %mul3A_635 : vector<16xf32>
        %max3A_637 = arith.maximumf %get3A_628, %add3A_636 : vector<16xf32>
        %add3A_638 = arith.constant 48 : i32
        %add3A_639 = arith.addi %mul3A_567, %add3A_638 : i32
        %swap3A_640 = arith.index_cast %add3A_639 : i32 to index
        %swap3A_641 = tpu.vector_load %arg16[%swap3A_640] {strides = array<i32>} : memref<41088xf32, #tpu.memory_space<vmem>>, vector<16xf32>,
        tpu.vector_store %arg16[%swap3A_640], %max3A_637 {strides = array<i32>} : memref<41088xf32, #tpu.memory_space<vmem>>, vector<16xf32>,
        %add3A_642 = arith.constant 64 : i32
        %add3A_643 = arith.addi %mul3A_567, %add3A_642 : i32
        %get3A_644 = arith.index_cast %add3A_643 : i32 to index
        %get3A_645 = tpu.vector_load %arg16[%get3A_644] {strides = array<i32>} : memref<41088xf32, #tpu.memory_space<vmem>>, vector<16xf32>,
        %get3A_646 = arith.index_cast %add3A_573 : i32 to index
        %get3A_647 = arith.constant 64 : index
        %get3A_648 = tpu.vector_load %arg17[%get3A_646, %get3A_647] {strides = array<i32>} : memref<128x128xf32, #tpu.memory_space<vmem>>, vector<16xf32>,
        %get3A_649 = arith.constant 64 : index
        %get3A_650 = tpu.vector_load %arg15[%get3A_649] {strides = array<i32>} : memref<128xf32, #tpu.memory_space<vmem>>, vector<16xf32>,
        %mul3A_651 = vector.broadcast %squeeze3A_569 : f32 to vector<16xf32>
        %mul3A_652 = arith.mulf %mul3A_651, %get3A_650 : vector<16xf32>
        %add3A_653 = arith.addf %get3A_648, %mul3A_652 : vector<16xf32>
        %max3A_654 = arith.maximumf %get3A_645, %add3A_653 : vector<16xf32>
        %add3A_655 = arith.constant 64 : i32
        %add3A_656 = arith.addi %mul3A_567, %add3A_655 : i32
        %swap3A_657 = arith.index_cast %add3A_656 : i32 to index
        %swap3A_658 = tpu.vector_load %arg16[%swap3A_657] {strides = array<i32>} : memref<41088xf32, #tpu.memory_space<vmem>>, vector<16xf32>,
        tpu.vector_store %arg16[%swap3A_657], %max3A_654 {strides = array<i32>} : memref<41088xf32, #tpu.memory_space<vmem>>, vector<16xf32>,
        %add3A_659 = arith.constant 80 : i32
        %add3A_660 = arith.addi %mul3A_567, %add3A_659 : i32
        %get3A_661 = arith.index_cast %add3A_660 : i32 to index
        %get3A_662 = tpu.vector_load %arg16[%get3A_661] {strides = array<i32>} : memref<41088xf32, #tpu.memory_space<vmem>>, vector<16xf32>,
        %get3A_663 = arith.index_cast %add3A_573 : i32 to index
        %get3A_664 = arith.constant 80 : index
        %get3A_665 = tpu.vector_load %arg17[%get3A_663, %get3A_664] {strides = array<i32>} : memref<128x128xf32, #tpu.memory_space<vmem>>, vector<16xf32>,
        %get3A_666 = arith.constant 80 : index
        %get3A_667 = tpu.vector_load %arg15[%get3A_666] {strides = array<i32>} : memref<128xf32, #tpu.memory_space<vmem>>, vector<16xf32>,
        %mul3A_668 = vector.broadcast %squeeze3A_569 : f32 to vector<16xf32>
        %mul3A_669 = arith.mulf %mul3A_668, %get3A_667 : vector<16xf32>
        %add3A_670 = arith.addf %get3A_665, %mul3A_669 : vector<16xf32>
        %max3A_671 = arith.maximumf %get3A_662, %add3A_670 : vector<16xf32>
        %add3A_672 = arith.constant 80 : i32
        %add3A_673 = arith.addi %mul3A_567, %add3A_672 : i32
        %swap3A_674 = arith.index_cast %add3A_673 : i32 to index
        %swap3A_675 = tpu.vector_load %arg16[%swap3A_674] {strides = array<i32>} : memref<41088xf32, #tpu.memory_space<vmem>>, vector<16xf32>,
        tpu.vector_store %arg16[%swap3A_674], %max3A_671 {strides = array<i32>} : memref<41088xf32, #tpu.memory_space<vmem>>, vector<16xf32>,
        %add3A_676 = arith.constant 96 : i32
        %add3A_677 = arith.addi %mul3A_567, %add3A_676 : i32
        %get3A_678 = arith.index_cast %add3A_677 : i32 to index
        %get3A_679 = tpu.vector_load %arg16[%get3A_678] {strides = array<i32>} : memref<41088xf32, #tpu.memory_space<vmem>>, vector<16xf32>,
        %get3A_680 = arith.index_cast %add3A_573 : i32 to index
        %get3A_681 = arith.constant 96 : index
        %get3A_682 = tpu.vector_load %arg17[%get3A_680, %get3A_681] {strides = array<i32>} : memref<128x128xf32, #tpu.memory_space<vmem>>, vector<16xf32>,
        %get3A_683 = arith.constant 96 : index
        %get3A_684 = tpu.vector_load %arg15[%get3A_683] {strides = array<i32>} : memref<128xf32, #tpu.memory_space<vmem>>, vector<16xf32>,
        %mul3A_685 = vector.broadcast %squeeze3A_569 : f32 to vector<16xf32>
        %mul3A_686 = arith.mulf %mul3A_685, %get3A_684 : vector<16xf32>
        %add3A_687 = arith.addf %get3A_682, %mul3A_686 : vector<16xf32>
        %max3A_688 = arith.maximumf %get3A_679, %add3A_687 : vector<16xf32>
        %add3A_689 = arith.constant 96 : i32
        %add3A_690 = arith.addi %mul3A_567, %add3A_689 : i32
        %swap3A_691 = arith.index_cast %add3A_690 : i32 to index
        %swap3A_692 = tpu.vector_load %arg16[%swap3A_691] {strides = array<i32>} : memref<41088xf32, #tpu.memory_space<vmem>>, vector<16xf32>,
        tpu.vector_store %arg16[%swap3A_691], %max3A_688 {strides = array<i32>} : memref<41088xf32, #tpu.memory_space<vmem>>, vector<16xf32>,
        %add3A_693 = arith.constant 112 : i32
        %add3A_694 = arith.addi %mul3A_567, %add3A_693 : i32
        %get3A_695 = arith.index_cast %add3A_694 : i32 to index
        %get3A_696 = tpu.vector_load %arg16[%get3A_695] {strides = array<i32>} : memref<41088xf32, #tpu.memory_space<vmem>>, vector<16xf32>,
        %get3A_697 = arith.index_cast %add3A_573 : i32 to index
        %get3A_698 = arith.constant 112 : index
        %get3A_699 = tpu.vector_load %arg17[%get3A_697, %get3A_698] {strides = array<i32>} : memref<128x128xf32, #tpu.memory_space<vmem>>, vector<16xf32>,
        %get3A_700 = arith.constant 112 : index
        %get3A_701 = tpu.vector_load %arg15[%get3A_700] {strides = array<i32>} : memref<128xf32, #tpu.memory_space<vmem>>, vector<16xf32>,
        %mul3A_702 = vector.broadcast %squeeze3A_569 : f32 to vector<16xf32>
        %mul3A_703 = arith.mulf %mul3A_702, %get3A_701 : vector<16xf32>
        %add3A_704 = arith.addf %get3A_699, %mul3A_703 : vector<16xf32>
        %max3A_705 = arith.maximumf %get3A_696, %add3A_704 : vector<16xf32>
        %add3A_706 = arith.constant 112 : i32
        %add3A_707 = arith.addi %mul3A_567, %add3A_706 : i32
        %swap3A_708 = arith.index_cast %add3A_707 : i32 to index
        %swap3A_709 = tpu.vector_load %arg16[%swap3A_708] {strides = array<i32>} : memref<41088xf32, #tpu.memory_space<vmem>>, vector<16xf32>,
        tpu.vector_store %arg16[%swap3A_708], %max3A_705 {strides = array<i32>} : memref<41088xf32, #tpu.memory_space<vmem>>, vector<16xf32>,
        %slice3A_710 = vector.extract_strided_slice %get3A_123 {offsets = [4], sizes = [1], strides = [1]} : vector<16xi32> to vector<1xi32>
        %squeeze3A_711 = vector.extract %slice3A_710[0] : i32 from vector<1xi32>
        %mul3A_712 = arith.constant 128 : i32
        %mul3A_713 = arith.muli %squeeze3A_711, %mul3A_712 : i32
        %slice3A_714 = vector.extract_strided_slice %get3A_128 {offsets = [4], sizes = [1], strides = [1]} : vector<16xf32> to vector<1xf32>
        %squeeze3A_715 = vector.extract %slice3A_714[0] : f32 from vector<1xf32>
        %mul3A_716 = arith.constant 16 : i32
        %mul3A_717 = arith.muli %scan3A_118, %mul3A_716 : i32
        %add3A_718 = arith.constant 4 : i32
        %add3A_719 = arith.addi %mul3A_717, %add3A_718 : i32
        %add3A_720 = arith.constant 0 : i32
        %add3A_721 = arith.addi %mul3A_713, %add3A_720 : i32
        %get3A_722 = arith.index_cast %add3A_721 : i32 to index
        %get3A_723 = tpu.vector_load %arg16[%get3A_722] {strides = array<i32>} : memref<41088xf32, #tpu.memory_space<vmem>>, vector<16xf32>,
        %get3A_724 = arith.index_cast %add3A_719 : i32 to index
        %get3A_725 = arith.constant 0 : index
        %get3A_726 = tpu.vector_load %arg17[%get3A_724, %get3A_725] {strides = array<i32>} : memref<128x128xf32, #tpu.memory_space<vmem>>, vector<16xf32>,
        %get3A_727 = arith.constant 0 : index
        %get3A_728 = tpu.vector_load %arg15[%get3A_727] {strides = array<i32>} : memref<128xf32, #tpu.memory_space<vmem>>, vector<16xf32>,
        %mul3A_729 = vector.broadcast %squeeze3A_715 : f32 to vector<16xf32>
        %mul3A_730 = arith.mulf %mul3A_729, %get3A_728 : vector<16xf32>
        %add3A_731 = arith.addf %get3A_726, %mul3A_730 : vector<16xf32>
        %max3A_732 = arith.maximumf %get3A_723, %add3A_731 : vector<16xf32>
        %add3A_733 = arith.constant 0 : i32
        %add3A_734 = arith.addi %mul3A_713, %add3A_733 : i32
        %swap3A_735 = arith.index_cast %add3A_734 : i32 to index
        %swap3A_736 = tpu.vector_load %arg16[%swap3A_735] {strides = array<i32>} : memref<41088xf32, #tpu.memory_space<vmem>>, vector<16xf32>,
        tpu.vector_store %arg16[%swap3A_735], %max3A_732 {strides = array<i32>} : memref<41088xf32, #tpu.memory_space<vmem>>, vector<16xf32>,
        %add3A_737 = arith.constant 16 : i32
        %add3A_738 = arith.addi %mul3A_713, %add3A_737 : i32
        %get3A_739 = arith.index_cast %add3A_738 : i32 to index
        %get3A_740 = tpu.vector_load %arg16[%get3A_739] {strides = array<i32>} : memref<41088xf32, #tpu.memory_space<vmem>>, vector<16xf32>,
        %get3A_741 = arith.index_cast %add3A_719 : i32 to index
        %get3A_742 = arith.constant 16 : index
        %get3A_743 = tpu.vector_load %arg17[%get3A_741, %get3A_742] {strides = array<i32>} : memref<128x128xf32, #tpu.memory_space<vmem>>, vector<16xf32>,
        %get3A_744 = arith.constant 16 : index
        %get3A_745 = tpu.vector_load %arg15[%get3A_744] {strides = array<i32>} : memref<128xf32, #tpu.memory_space<vmem>>, vector<16xf32>,
        %mul3A_746 = vector.broadcast %squeeze3A_715 : f32 to vector<16xf32>
        %mul3A_747 = arith.mulf %mul3A_746, %get3A_745 : vector<16xf32>
        %add3A_748 = arith.addf %get3A_743, %mul3A_747 : vector<16xf32>
        %max3A_749 = arith.maximumf %get3A_740, %add3A_748 : vector<16xf32>
        %add3A_750 = arith.constant 16 : i32
        %add3A_751 = arith.addi %mul3A_713, %add3A_750 : i32
        %swap3A_752 = arith.index_cast %add3A_751 : i32 to index
        %swap3A_753 = tpu.vector_load %arg16[%swap3A_752] {strides = array<i32>} : memref<41088xf32, #tpu.memory_space<vmem>>, vector<16xf32>,
        tpu.vector_store %arg16[%swap3A_752], %max3A_749 {strides = array<i32>} : memref<41088xf32, #tpu.memory_space<vmem>>, vector<16xf32>,
        %add3A_754 = arith.constant 32 : i32
        %add3A_755 = arith.addi %mul3A_713, %add3A_754 : i32
        %get3A_756 = arith.index_cast %add3A_755 : i32 to index
        %get3A_757 = tpu.vector_load %arg16[%get3A_756] {strides = array<i32>} : memref<41088xf32, #tpu.memory_space<vmem>>, vector<16xf32>,
        %get3A_758 = arith.index_cast %add3A_719 : i32 to index
        %get3A_759 = arith.constant 32 : index
        %get3A_760 = tpu.vector_load %arg17[%get3A_758, %get3A_759] {strides = array<i32>} : memref<128x128xf32, #tpu.memory_space<vmem>>, vector<16xf32>,
        %get3A_761 = arith.constant 32 : index
        %get3A_762 = tpu.vector_load %arg15[%get3A_761] {strides = array<i32>} : memref<128xf32, #tpu.memory_space<vmem>>, vector<16xf32>,
        %mul3A_763 = vector.broadcast %squeeze3A_715 : f32 to vector<16xf32>
        %mul3A_764 = arith.mulf %mul3A_763, %get3A_762 : vector<16xf32>
        %add3A_765 = arith.addf %get3A_760, %mul3A_764 : vector<16xf32>
        %max3A_766 = arith.maximumf %get3A_757, %add3A_765 : vector<16xf32>
        %add3A_767 = arith.constant 32 : i32
        %add3A_768 = arith.addi %mul3A_713, %add3A_767 : i32
        %swap3A_769 = arith.index_cast %add3A_768 : i32 to index
        %swap3A_770 = tpu.vector_load %arg16[%swap3A_769] {strides = array<i32>} : memref<41088xf32, #tpu.memory_space<vmem>>, vector<16xf32>,
        tpu.vector_store %arg16[%swap3A_769], %max3A_766 {strides = array<i32>} : memref<41088xf32, #tpu.memory_space<vmem>>, vector<16xf32>,
        %add3A_771 = arith.constant 48 : i32
        %add3A_772 = arith.addi %mul3A_713, %add3A_771 : i32
        %get3A_773 = arith.index_cast %add3A_772 : i32 to index
        %get3A_774 = tpu.vector_load %arg16[%get3A_773] {strides = array<i32>} : memref<41088xf32, #tpu.memory_space<vmem>>, vector<16xf32>,
        %get3A_775 = arith.index_cast %add3A_719 : i32 to index
        %get3A_776 = arith.constant 48 : index
        %get3A_777 = tpu.vector_load %arg17[%get3A_775, %get3A_776] {strides = array<i32>} : memref<128x128xf32, #tpu.memory_space<vmem>>, vector<16xf32>,
        %get3A_778 = arith.constant 48 : index
        %get3A_779 = tpu.vector_load %arg15[%get3A_778] {strides = array<i32>} : memref<128xf32, #tpu.memory_space<vmem>>, vector<16xf32>,
        %mul3A_780 = vector.broadcast %squeeze3A_715 : f32 to vector<16xf32>
        %mul3A_781 = arith.mulf %mul3A_780, %get3A_779 : vector<16xf32>
        %add3A_782 = arith.addf %get3A_777, %mul3A_781 : vector<16xf32>
        %max3A_783 = arith.maximumf %get3A_774, %add3A_782 : vector<16xf32>
        %add3A_784 = arith.constant 48 : i32
        %add3A_785 = arith.addi %mul3A_713, %add3A_784 : i32
        %swap3A_786 = arith.index_cast %add3A_785 : i32 to index
        %swap3A_787 = tpu.vector_load %arg16[%swap3A_786] {strides = array<i32>} : memref<41088xf32, #tpu.memory_space<vmem>>, vector<16xf32>,
        tpu.vector_store %arg16[%swap3A_786], %max3A_783 {strides = array<i32>} : memref<41088xf32, #tpu.memory_space<vmem>>, vector<16xf32>,
        %add3A_788 = arith.constant 64 : i32
        %add3A_789 = arith.addi %mul3A_713, %add3A_788 : i32
        %get3A_790 = arith.index_cast %add3A_789 : i32 to index
        %get3A_791 = tpu.vector_load %arg16[%get3A_790] {strides = array<i32>} : memref<41088xf32, #tpu.memory_space<vmem>>, vector<16xf32>,
        %get3A_792 = arith.index_cast %add3A_719 : i32 to index
        %get3A_793 = arith.constant 64 : index
        %get3A_794 = tpu.vector_load %arg17[%get3A_792, %get3A_793] {strides = array<i32>} : memref<128x128xf32, #tpu.memory_space<vmem>>, vector<16xf32>,
        %get3A_795 = arith.constant 64 : index
        %get3A_796 = tpu.vector_load %arg15[%get3A_795] {strides = array<i32>} : memref<128xf32, #tpu.memory_space<vmem>>, vector<16xf32>,
        %mul3A_797 = vector.broadcast %squeeze3A_715 : f32 to vector<16xf32>
        %mul3A_798 = arith.mulf %mul3A_797, %get3A_796 : vector<16xf32>
        %add3A_799 = arith.addf %get3A_794, %mul3A_798 : vector<16xf32>
        %max3A_800 = arith.maximumf %get3A_791, %add3A_799 : vector<16xf32>
        %add3A_801 = arith.constant 64 : i32
        %add3A_802 = arith.addi %mul3A_713, %add3A_801 : i32
        %swap3A_803 = arith.index_cast %add3A_802 : i32 to index
        %swap3A_804 = tpu.vector_load %arg16[%swap3A_803] {strides = array<i32>} : memref<41088xf32, #tpu.memory_space<vmem>>, vector<16xf32>,
        tpu.vector_store %arg16[%swap3A_803], %max3A_800 {strides = array<i32>} : memref<41088xf32, #tpu.memory_space<vmem>>, vector<16xf32>,
        %add3A_805 = arith.constant 80 : i32
        %add3A_806 = arith.addi %mul3A_713, %add3A_805 : i32
        %get3A_807 = arith.index_cast %add3A_806 : i32 to index
        %get3A_808 = tpu.vector_load %arg16[%get3A_807] {strides = array<i32>} : memref<41088xf32, #tpu.memory_space<vmem>>, vector<16xf32>,
        %get3A_809 = arith.index_cast %add3A_719 : i32 to index
        %get3A_810 = arith.constant 80 : index
        %get3A_811 = tpu.vector_load %arg17[%get3A_809, %get3A_810] {strides = array<i32>} : memref<128x128xf32, #tpu.memory_space<vmem>>, vector<16xf32>,
        %get3A_812 = arith.constant 80 : index
        %get3A_813 = tpu.vector_load %arg15[%get3A_812] {strides = array<i32>} : memref<128xf32, #tpu.memory_space<vmem>>, vector<16xf32>,
        %mul3A_814 = vector.broadcast %squeeze3A_715 : f32 to vector<16xf32>
        %mul3A_815 = arith.mulf %mul3A_814, %get3A_813 : vector<16xf32>
        %add3A_816 = arith.addf %get3A_811, %mul3A_815 : vector<16xf32>
        %max3A_817 = arith.maximumf %get3A_808, %add3A_816 : vector<16xf32>
        %add3A_818 = arith.constant 80 : i32
        %add3A_819 = arith.addi %mul3A_713, %add3A_818 : i32
        %swap3A_820 = arith.index_cast %add3A_819 : i32 to index
        %swap3A_821 = tpu.vector_load %arg16[%swap3A_820] {strides = array<i32>} : memref<41088xf32, #tpu.memory_space<vmem>>, vector<16xf32>,
        tpu.vector_store %arg16[%swap3A_820], %max3A_817 {strides = array<i32>} : memref<41088xf32, #tpu.memory_space<vmem>>, vector<16xf32>,
        %add3A_822 = arith.constant 96 : i32
        %add3A_823 = arith.addi %mul3A_713, %add3A_822 : i32
        %get3A_824 = arith.index_cast %add3A_823 : i32 to index
        %get3A_825 = tpu.vector_load %arg16[%get3A_824] {strides = array<i32>} : memref<41088xf32, #tpu.memory_space<vmem>>, vector<16xf32>,
        %get3A_826 = arith.index_cast %add3A_719 : i32 to index
        %get3A_827 = arith.constant 96 : index
        %get3A_828 = tpu.vector_load %arg17[%get3A_826, %get3A_827] {strides = array<i32>} : memref<128x128xf32, #tpu.memory_space<vmem>>, vector<16xf32>,
        %get3A_829 = arith.constant 96 : index
        %get3A_830 = tpu.vector_load %arg15[%get3A_829] {strides = array<i32>} : memref<128xf32, #tpu.memory_space<vmem>>, vector<16xf32>,
        %mul3A_831 = vector.broadcast %squeeze3A_715 : f32 to vector<16xf32>
        %mul3A_832 = arith.mulf %mul3A_831, %get3A_830 : vector<16xf32>
        %add3A_833 = arith.addf %get3A_828, %mul3A_832 : vector<16xf32>
        %max3A_834 = arith.maximumf %get3A_825, %add3A_833 : vector<16xf32>
        %add3A_835 = arith.constant 96 : i32
        %add3A_836 = arith.addi %mul3A_713, %add3A_835 : i32
        %swap3A_837 = arith.index_cast %add3A_836 : i32 to index
        %swap3A_838 = tpu.vector_load %arg16[%swap3A_837] {strides = array<i32>} : memref<41088xf32, #tpu.memory_space<vmem>>, vector<16xf32>,
        tpu.vector_store %arg16[%swap3A_837], %max3A_834 {strides = array<i32>} : memref<41088xf32, #tpu.memory_space<vmem>>, vector<16xf32>,
        %add3A_839 = arith.constant 112 : i32
        %add3A_840 = arith.addi %mul3A_713, %add3A_839 : i32
        %get3A_841 = arith.index_cast %add3A_840 : i32 to index
        %get3A_842 = tpu.vector_load %arg16[%get3A_841] {strides = array<i32>} : memref<41088xf32, #tpu.memory_space<vmem>>, vector<16xf32>,
        %get3A_843 = arith.index_cast %add3A_719 : i32 to index
        %get3A_844 = arith.constant 112 : index
        %get3A_845 = tpu.vector_load %arg17[%get3A_843, %get3A_844] {strides = array<i32>} : memref<128x128xf32, #tpu.memory_space<vmem>>, vector<16xf32>,
        %get3A_846 = arith.constant 112 : index
        %get3A_847 = tpu.vector_load %arg15[%get3A_846] {strides = array<i32>} : memref<128xf32, #tpu.memory_space<vmem>>, vector<16xf32>,
        %mul3A_848 = vector.broadcast %squeeze3A_715 : f32 to vector<16xf32>
        %mul3A_849 = arith.mulf %mul3A_848, %get3A_847 : vector<16xf32>
        %add3A_850 = arith.addf %get3A_845, %mul3A_849 : vector<16xf32>
        %max3A_851 = arith.maximumf %get3A_842, %add3A_850 : vector<16xf32>
        %add3A_852 = arith.constant 112 : i32
        %add3A_853 = arith.addi %mul3A_713, %add3A_852 : i32
        %swap3A_854 = arith.index_cast %add3A_853 : i32 to index
        %swap3A_855 = tpu.vector_load %arg16[%swap3A_854] {strides = array<i32>} : memref<41088xf32, #tpu.memory_space<vmem>>, vector<16xf32>,
        tpu.vector_store %arg16[%swap3A_854], %max3A_851 {strides = array<i32>} : memref<41088xf32, #tpu.memory_space<vmem>>, vector<16xf32>,
        %slice3A_856 = vector.extract_strided_slice %get3A_123 {offsets = [5], sizes = [1], strides = [1]} : vector<16xi32> to vector<1xi32>
        %squeeze3A_857 = vector.extract %slice3A_856[0] : i32 from vector<1xi32>
        %mul3A_858 = arith.constant 128 : i32
        %mul3A_859 = arith.muli %squeeze3A_857, %mul3A_858 : i32
        %slice3A_860 = vector.extract_strided_slice %get3A_128 {offsets = [5], sizes = [1], strides = [1]} : vector<16xf32> to vector<1xf32>
        %squeeze3A_861 = vector.extract %slice3A_860[0] : f32 from vector<1xf32>
        %mul3A_862 = arith.constant 16 : i32
        %mul3A_863 = arith.muli %scan3A_118, %mul3A_862 : i32
        %add3A_864 = arith.constant 5 : i32
        %add3A_865 = arith.addi %mul3A_863, %add3A_864 : i32
        %add3A_866 = arith.constant 0 : i32
        %add3A_867 = arith.addi %mul3A_859, %add3A_866 : i32
        %get3A_868 = arith.index_cast %add3A_867 : i32 to index
        %get3A_869 = tpu.vector_load %arg16[%get3A_868] {strides = array<i32>} : memref<41088xf32, #tpu.memory_space<vmem>>, vector<16xf32>,
        %get3A_870 = arith.index_cast %add3A_865 : i32 to index
        %get3A_871 = arith.constant 0 : index
        %get3A_872 = tpu.vector_load %arg17[%get3A_870, %get3A_871] {strides = array<i32>} : memref<128x128xf32, #tpu.memory_space<vmem>>, vector<16xf32>,
        %get3A_873 = arith.constant 0 : index
        %get3A_874 = tpu.vector_load %arg15[%get3A_873] {strides = array<i32>} : memref<128xf32, #tpu.memory_space<vmem>>, vector<16xf32>,
        %mul3A_875 = vector.broadcast %squeeze3A_861 : f32 to vector<16xf32>
        %mul3A_876 = arith.mulf %mul3A_875, %get3A_874 : vector<16xf32>
        %add3A_877 = arith.addf %get3A_872, %mul3A_876 : vector<16xf32>
        %max3A_878 = arith.maximumf %get3A_869, %add3A_877 : vector<16xf32>
        %add3A_879 = arith.constant 0 : i32
        %add3A_880 = arith.addi %mul3A_859, %add3A_879 : i32
        %swap3A_881 = arith.index_cast %add3A_880 : i32 to index
        %swap3A_882 = tpu.vector_load %arg16[%swap3A_881] {strides = array<i32>} : memref<41088xf32, #tpu.memory_space<vmem>>, vector<16xf32>,
        tpu.vector_store %arg16[%swap3A_881], %max3A_878 {strides = array<i32>} : memref<41088xf32, #tpu.memory_space<vmem>>, vector<16xf32>,
        %add3A_883 = arith.constant 16 : i32
        %add3A_884 = arith.addi %mul3A_859, %add3A_883 : i32
        %get3A_885 = arith.index_cast %add3A_884 : i32 to index
        %get3A_886 = tpu.vector_load %arg16[%get3A_885] {strides = array<i32>} : memref<41088xf32, #tpu.memory_space<vmem>>, vector<16xf32>,
        %get3A_887 = arith.index_cast %add3A_865 : i32 to index
        %get3A_888 = arith.constant 16 : index
        %get3A_889 = tpu.vector_load %arg17[%get3A_887, %get3A_888] {strides = array<i32>} : memref<128x128xf32, #tpu.memory_space<vmem>>, vector<16xf32>,
        %get3A_890 = arith.constant 16 : index
        %get3A_891 = tpu.vector_load %arg15[%get3A_890] {strides = array<i32>} : memref<128xf32, #tpu.memory_space<vmem>>, vector<16xf32>,
        %mul3A_892 = vector.broadcast %squeeze3A_861 : f32 to vector<16xf32>
        %mul3A_893 = arith.mulf %mul3A_892, %get3A_891 : vector<16xf32>
        %add3A_894 = arith.addf %get3A_889, %mul3A_893 : vector<16xf32>
        %max3A_895 = arith.maximumf %get3A_886, %add3A_894 : vector<16xf32>
        %add3A_896 = arith.constant 16 : i32
        %add3A_897 = arith.addi %mul3A_859, %add3A_896 : i32
        %swap3A_898 = arith.index_cast %add3A_897 : i32 to index
        %swap3A_899 = tpu.vector_load %arg16[%swap3A_898] {strides = array<i32>} : memref<41088xf32, #tpu.memory_space<vmem>>, vector<16xf32>,
        tpu.vector_store %arg16[%swap3A_898], %max3A_895 {strides = array<i32>} : memref<41088xf32, #tpu.memory_space<vmem>>, vector<16xf32>,
        %add3A_900 = arith.constant 32 : i32
        %add3A_901 = arith.addi %mul3A_859, %add3A_900 : i32
        %get3A_902 = arith.index_cast %add3A_901 : i32 to index
        %get3A_903 = tpu.vector_load %arg16[%get3A_902] {strides = array<i32>} : memref<41088xf32, #tpu.memory_space<vmem>>, vector<16xf32>,
        %get3A_904 = arith.index_cast %add3A_865 : i32 to index
        %get3A_905 = arith.constant 32 : index
        %get3A_906 = tpu.vector_load %arg17[%get3A_904, %get3A_905] {strides = array<i32>} : memref<128x128xf32, #tpu.memory_space<vmem>>, vector<16xf32>,
        %get3A_907 = arith.constant 32 : index
        %get3A_908 = tpu.vector_load %arg15[%get3A_907] {strides = array<i32>} : memref<128xf32, #tpu.memory_space<vmem>>, vector<16xf32>,
        %mul3A_909 = vector.broadcast %squeeze3A_861 : f32 to vector<16xf32>
        %mul3A_910 = arith.mulf %mul3A_909, %get3A_908 : vector<16xf32>
        %add3A_911 = arith.addf %get3A_906, %mul3A_910 : vector<16xf32>
        %max3A_912 = arith.maximumf %get3A_903, %add3A_911 : vector<16xf32>
        %add3A_913 = arith.constant 32 : i32
        %add3A_914 = arith.addi %mul3A_859, %add3A_913 : i32
        %swap3A_915 = arith.index_cast %add3A_914 : i32 to index
        %swap3A_916 = tpu.vector_load %arg16[%swap3A_915] {strides = array<i32>} : memref<41088xf32, #tpu.memory_space<vmem>>, vector<16xf32>,
        tpu.vector_store %arg16[%swap3A_915], %max3A_912 {strides = array<i32>} : memref<41088xf32, #tpu.memory_space<vmem>>, vector<16xf32>,
        %add3A_917 = arith.constant 48 : i32
        %add3A_918 = arith.addi %mul3A_859, %add3A_917 : i32
        %get3A_919 = arith.index_cast %add3A_918 : i32 to index
        %get3A_920 = tpu.vector_load %arg16[%get3A_919] {strides = array<i32>} : memref<41088xf32, #tpu.memory_space<vmem>>, vector<16xf32>,
        %get3A_921 = arith.index_cast %add3A_865 : i32 to index
        %get3A_922 = arith.constant 48 : index
        %get3A_923 = tpu.vector_load %arg17[%get3A_921, %get3A_922] {strides = array<i32>} : memref<128x128xf32, #tpu.memory_space<vmem>>, vector<16xf32>,
        %get3A_924 = arith.constant 48 : index
        %get3A_925 = tpu.vector_load %arg15[%get3A_924] {strides = array<i32>} : memref<128xf32, #tpu.memory_space<vmem>>, vector<16xf32>,
        %mul3A_926 = vector.broadcast %squeeze3A_861 : f32 to vector<16xf32>
        %mul3A_927 = arith.mulf %mul3A_926, %get3A_925 : vector<16xf32>
        %add3A_928 = arith.addf %get3A_923, %mul3A_927 : vector<16xf32>
        %max3A_929 = arith.maximumf %get3A_920, %add3A_928 : vector<16xf32>
        %add3A_930 = arith.constant 48 : i32
        %add3A_931 = arith.addi %mul3A_859, %add3A_930 : i32
        %swap3A_932 = arith.index_cast %add3A_931 : i32 to index
        %swap3A_933 = tpu.vector_load %arg16[%swap3A_932] {strides = array<i32>} : memref<41088xf32, #tpu.memory_space<vmem>>, vector<16xf32>,
        tpu.vector_store %arg16[%swap3A_932], %max3A_929 {strides = array<i32>} : memref<41088xf32, #tpu.memory_space<vmem>>, vector<16xf32>,
        %add3A_934 = arith.constant 64 : i32
        %add3A_935 = arith.addi %mul3A_859, %add3A_934 : i32
        %get3A_936 = arith.index_cast %add3A_935 : i32 to index
        %get3A_937 = tpu.vector_load %arg16[%get3A_936] {strides = array<i32>} : memref<41088xf32, #tpu.memory_space<vmem>>, vector<16xf32>,
        %get3A_938 = arith.index_cast %add3A_865 : i32 to index
        %get3A_939 = arith.constant 64 : index
        %get3A_940 = tpu.vector_load %arg17[%get3A_938, %get3A_939] {strides = array<i32>} : memref<128x128xf32, #tpu.memory_space<vmem>>, vector<16xf32>,
        %get3A_941 = arith.constant 64 : index
        %get3A_942 = tpu.vector_load %arg15[%get3A_941] {strides = array<i32>} : memref<128xf32, #tpu.memory_space<vmem>>, vector<16xf32>,
        %mul3A_943 = vector.broadcast %squeeze3A_861 : f32 to vector<16xf32>
        %mul3A_944 = arith.mulf %mul3A_943, %get3A_942 : vector<16xf32>
        %add3A_945 = arith.addf %get3A_940, %mul3A_944 : vector<16xf32>
        %max3A_946 = arith.maximumf %get3A_937, %add3A_945 : vector<16xf32>
        %add3A_947 = arith.constant 64 : i32
        %add3A_948 = arith.addi %mul3A_859, %add3A_947 : i32
        %swap3A_949 = arith.index_cast %add3A_948 : i32 to index
        %swap3A_950 = tpu.vector_load %arg16[%swap3A_949] {strides = array<i32>} : memref<41088xf32, #tpu.memory_space<vmem>>, vector<16xf32>,
        tpu.vector_store %arg16[%swap3A_949], %max3A_946 {strides = array<i32>} : memref<41088xf32, #tpu.memory_space<vmem>>, vector<16xf32>,
        %add3A_951 = arith.constant 80 : i32
        %add3A_952 = arith.addi %mul3A_859, %add3A_951 : i32
        %get3A_953 = arith.index_cast %add3A_952 : i32 to index
        %get3A_954 = tpu.vector_load %arg16[%get3A_953] {strides = array<i32>} : memref<41088xf32, #tpu.memory_space<vmem>>, vector<16xf32>,
        %get3A_955 = arith.index_cast %add3A_865 : i32 to index
        %get3A_956 = arith.constant 80 : index
        %get3A_957 = tpu.vector_load %arg17[%get3A_955, %get3A_956] {strides = array<i32>} : memref<128x128xf32, #tpu.memory_space<vmem>>, vector<16xf32>,
        %get3A_958 = arith.constant 80 : index
        %get3A_959 = tpu.vector_load %arg15[%get3A_958] {strides = array<i32>} : memref<128xf32, #tpu.memory_space<vmem>>, vector<16xf32>,
        %mul3A_960 = vector.broadcast %squeeze3A_861 : f32 to vector<16xf32>
        %mul3A_961 = arith.mulf %mul3A_960, %get3A_959 : vector<16xf32>
        %add3A_962 = arith.addf %get3A_957, %mul3A_961 : vector<16xf32>
        %max3A_963 = arith.maximumf %get3A_954, %add3A_962 : vector<16xf32>
        %add3A_964 = arith.constant 80 : i32
        %add3A_965 = arith.addi %mul3A_859, %add3A_964 : i32
        %swap3A_966 = arith.index_cast %add3A_965 : i32 to index
        %swap3A_967 = tpu.vector_load %arg16[%swap3A_966] {strides = array<i32>} : memref<41088xf32, #tpu.memory_space<vmem>>, vector<16xf32>,
        tpu.vector_store %arg16[%swap3A_966], %max3A_963 {strides = array<i32>} : memref<41088xf32, #tpu.memory_space<vmem>>, vector<16xf32>,
        %add3A_968 = arith.constant 96 : i32
        %add3A_969 = arith.addi %mul3A_859, %add3A_968 : i32
        %get3A_970 = arith.index_cast %add3A_969 : i32 to index
        %get3A_971 = tpu.vector_load %arg16[%get3A_970] {strides = array<i32>} : memref<41088xf32, #tpu.memory_space<vmem>>, vector<16xf32>,
        %get3A_972 = arith.index_cast %add3A_865 : i32 to index
        %get3A_973 = arith.constant 96 : index
        %get3A_974 = tpu.vector_load %arg17[%get3A_972, %get3A_973] {strides = array<i32>} : memref<128x128xf32, #tpu.memory_space<vmem>>, vector<16xf32>,
        %get3A_975 = arith.constant 96 : index
        %get3A_976 = tpu.vector_load %arg15[%get3A_975] {strides = array<i32>} : memref<128xf32, #tpu.memory_space<vmem>>, vector<16xf32>,
        %mul3A_977 = vector.broadcast %squeeze3A_861 : f32 to vector<16xf32>
        %mul3A_978 = arith.mulf %mul3A_977, %get3A_976 : vector<16xf32>
        %add3A_979 = arith.addf %get3A_974, %mul3A_978 : vector<16xf32>
        %max3A_980 = arith.maximumf %get3A_971, %add3A_979 : vector<16xf32>
        %add3A_981 = arith.constant 96 : i32
        %add3A_982 = arith.addi %mul3A_859, %add3A_981 : i32
        %swap3A_983 = arith.index_cast %add3A_982 : i32 to index
        %swap3A_984 = tpu.vector_load %arg16[%swap3A_983] {strides = array<i32>} : memref<41088xf32, #tpu.memory_space<vmem>>, vector<16xf32>,
        tpu.vector_store %arg16[%swap3A_983], %max3A_980 {strides = array<i32>} : memref<41088xf32, #tpu.memory_space<vmem>>, vector<16xf32>,
        %add3A_985 = arith.constant 112 : i32
        %add3A_986 = arith.addi %mul3A_859, %add3A_985 : i32
        %get3A_987 = arith.index_cast %add3A_986 : i32 to index
        %get3A_988 = tpu.vector_load %arg16[%get3A_987] {strides = array<i32>} : memref<41088xf32, #tpu.memory_space<vmem>>, vector<16xf32>,
        %get3A_989 = arith.index_cast %add3A_865 : i32 to index
        %get3A_990 = arith.constant 112 : index
        %get3A_991 = tpu.vector_load %arg17[%get3A_989, %get3A_990] {strides = array<i32>} : memref<128x128xf32, #tpu.memory_space<vmem>>, vector<16xf32>,
        %get3A_992 = arith.constant 112 : index
        %get3A_993 = tpu.vector_load %arg15[%get3A_992] {strides = array<i32>} : memref<128xf32, #tpu.memory_space<vmem>>, vector<16xf32>,
        %mul3A_994 = vector.broadcast %squeeze3A_861 : f32 to vector<16xf32>
        %mul3A_995 = arith.mulf %mul3A_994, %get3A_993 : vector<16xf32>
        %add3A_996 = arith.addf %get3A_991, %mul3A_995 : vector<16xf32>
        %max3A_997 = arith.maximumf %get3A_988, %add3A_996 : vector<16xf32>
        %add3A_998 = arith.constant 112 : i32
        %add3A_999 = arith.addi %mul3A_859, %add3A_998 : i32
        %swap3A_1000 = arith.index_cast %add3A_999 : i32 to index
        %swap3A_1001 = tpu.vector_load %arg16[%swap3A_1000] {strides = array<i32>} : memref<41088xf32, #tpu.memory_space<vmem>>, vector<16xf32>,
        tpu.vector_store %arg16[%swap3A_1000], %max3A_997 {strides = array<i32>} : memref<41088xf32, #tpu.memory_space<vmem>>, vector<16xf32>,
        %slice3A_1002 = vector.extract_strided_slice %get3A_123 {offsets = [6], sizes = [1], strides = [1]} : vector<16xi32> to vector<1xi32>
        %squeeze3A_1003 = vector.extract %slice3A_1002[0] : i32 from vector<1xi32>
        %mul3A_1004 = arith.constant 128 : i32
        %mul3A_1005 = arith.muli %squeeze3A_1003, %mul3A_1004 : i32
        %slice3A_1006 = vector.extract_strided_slice %get3A_128 {offsets = [6], sizes = [1], strides = [1]} : vector<16xf32> to vector<1xf32>
        %squeeze3A_1007 = vector.extract %slice3A_1006[0] : f32 from vector<1xf32>
        %mul3A_1008 = arith.constant 16 : i32
        %mul3A_1009 = arith.muli %scan3A_118, %mul3A_1008 : i32
        %add3A_1010 = arith.constant 6 : i32
        %add3A_1011 = arith.addi %mul3A_1009, %add3A_1010 : i32
        %add3A_1012 = arith.constant 0 : i32
        %add3A_1013 = arith.addi %mul3A_1005, %add3A_1012 : i32
        %get3A_1014 = arith.index_cast %add3A_1013 : i32 to index
        %get3A_1015 = tpu.vector_load %arg16[%get3A_1014] {strides = array<i32>} : memref<41088xf32, #tpu.memory_space<vmem>>, vector<16xf32>,
        %get3A_1016 = arith.index_cast %add3A_1011 : i32 to index
        %get3A_1017 = arith.constant 0 : index
        %get3A_1018 = tpu.vector_load %arg17[%get3A_1016, %get3A_1017] {strides = array<i32>} : memref<128x128xf32, #tpu.memory_space<vmem>>, vector<16xf32>,
        %get3A_1019 = arith.constant 0 : index
        %get3A_1020 = tpu.vector_load %arg15[%get3A_1019] {strides = array<i32>} : memref<128xf32, #tpu.memory_space<vmem>>, vector<16xf32>,
        %mul3A_1021 = vector.broadcast %squeeze3A_1007 : f32 to vector<16xf32>
        %mul3A_1022 = arith.mulf %mul3A_1021, %get3A_1020 : vector<16xf32>
        %add3A_1023 = arith.addf %get3A_1018, %mul3A_1022 : vector<16xf32>
        %max3A_1024 = arith.maximumf %get3A_1015, %add3A_1023 : vector<16xf32>
        %add3A_1025 = arith.constant 0 : i32
        %add3A_1026 = arith.addi %mul3A_1005, %add3A_1025 : i32
        %swap3A_1027 = arith.index_cast %add3A_1026 : i32 to index
        %swap3A_1028 = tpu.vector_load %arg16[%swap3A_1027] {strides = array<i32>} : memref<41088xf32, #tpu.memory_space<vmem>>, vector<16xf32>,
        tpu.vector_store %arg16[%swap3A_1027], %max3A_1024 {strides = array<i32>} : memref<41088xf32, #tpu.memory_space<vmem>>, vector<16xf32>,
        %add3A_1029 = arith.constant 16 : i32
        %add3A_1030 = arith.addi %mul3A_1005, %add3A_1029 : i32
        %get3A_1031 = arith.index_cast %add3A_1030 : i32 to index
        %get3A_1032 = tpu.vector_load %arg16[%get3A_1031] {strides = array<i32>} : memref<41088xf32, #tpu.memory_space<vmem>>, vector<16xf32>,
        %get3A_1033 = arith.index_cast %add3A_1011 : i32 to index
        %get3A_1034 = arith.constant 16 : index
        %get3A_1035 = tpu.vector_load %arg17[%get3A_1033, %get3A_1034] {strides = array<i32>} : memref<128x128xf32, #tpu.memory_space<vmem>>, vector<16xf32>,
        %get3A_1036 = arith.constant 16 : index
        %get3A_1037 = tpu.vector_load %arg15[%get3A_1036] {strides = array<i32>} : memref<128xf32, #tpu.memory_space<vmem>>, vector<16xf32>,
        %mul3A_1038 = vector.broadcast %squeeze3A_1007 : f32 to vector<16xf32>
        %mul3A_1039 = arith.mulf %mul3A_1038, %get3A_1037 : vector<16xf32>
        %add3A_1040 = arith.addf %get3A_1035, %mul3A_1039 : vector<16xf32>
        %max3A_1041 = arith.maximumf %get3A_1032, %add3A_1040 : vector<16xf32>
        %add3A_1042 = arith.constant 16 : i32
        %add3A_1043 = arith.addi %mul3A_1005, %add3A_1042 : i32
        %swap3A_1044 = arith.index_cast %add3A_1043 : i32 to index
        %swap3A_1045 = tpu.vector_load %arg16[%swap3A_1044] {strides = array<i32>} : memref<41088xf32, #tpu.memory_space<vmem>>, vector<16xf32>,
        tpu.vector_store %arg16[%swap3A_1044], %max3A_1041 {strides = array<i32>} : memref<41088xf32, #tpu.memory_space<vmem>>, vector<16xf32>,
        %add3A_1046 = arith.constant 32 : i32
        %add3A_1047 = arith.addi %mul3A_1005, %add3A_1046 : i32
        %get3A_1048 = arith.index_cast %add3A_1047 : i32 to index
        %get3A_1049 = tpu.vector_load %arg16[%get3A_1048] {strides = array<i32>} : memref<41088xf32, #tpu.memory_space<vmem>>, vector<16xf32>,
        %get3A_1050 = arith.index_cast %add3A_1011 : i32 to index
        %get3A_1051 = arith.constant 32 : index
        %get3A_1052 = tpu.vector_load %arg17[%get3A_1050, %get3A_1051] {strides = array<i32>} : memref<128x128xf32, #tpu.memory_space<vmem>>, vector<16xf32>,
        %get3A_1053 = arith.constant 32 : index
        %get3A_1054 = tpu.vector_load %arg15[%get3A_1053] {strides = array<i32>} : memref<128xf32, #tpu.memory_space<vmem>>, vector<16xf32>,
        %mul3A_1055 = vector.broadcast %squeeze3A_1007 : f32 to vector<16xf32>
        %mul3A_1056 = arith.mulf %mul3A_1055, %get3A_1054 : vector<16xf32>
        %add3A_1057 = arith.addf %get3A_1052, %mul3A_1056 : vector<16xf32>
        %max3A_1058 = arith.maximumf %get3A_1049, %add3A_1057 : vector<16xf32>
        %add3A_1059 = arith.constant 32 : i32
        %add3A_1060 = arith.addi %mul3A_1005, %add3A_1059 : i32
        %swap3A_1061 = arith.index_cast %add3A_1060 : i32 to index
        %swap3A_1062 = tpu.vector_load %arg16[%swap3A_1061] {strides = array<i32>} : memref<41088xf32, #tpu.memory_space<vmem>>, vector<16xf32>,
        tpu.vector_store %arg16[%swap3A_1061], %max3A_1058 {strides = array<i32>} : memref<41088xf32, #tpu.memory_space<vmem>>, vector<16xf32>,
        %add3A_1063 = arith.constant 48 : i32
        %add3A_1064 = arith.addi %mul3A_1005, %add3A_1063 : i32
        %get3A_1065 = arith.index_cast %add3A_1064 : i32 to index
        %get3A_1066 = tpu.vector_load %arg16[%get3A_1065] {strides = array<i32>} : memref<41088xf32, #tpu.memory_space<vmem>>, vector<16xf32>,
        %get3A_1067 = arith.index_cast %add3A_1011 : i32 to index
        %get3A_1068 = arith.constant 48 : index
        %get3A_1069 = tpu.vector_load %arg17[%get3A_1067, %get3A_1068] {strides = array<i32>} : memref<128x128xf32, #tpu.memory_space<vmem>>, vector<16xf32>,
        %get3A_1070 = arith.constant 48 : index
        %get3A_1071 = tpu.vector_load %arg15[%get3A_1070] {strides = array<i32>} : memref<128xf32, #tpu.memory_space<vmem>>, vector<16xf32>,
        %mul3A_1072 = vector.broadcast %squeeze3A_1007 : f32 to vector<16xf32>
        %mul3A_1073 = arith.mulf %mul3A_1072, %get3A_1071 : vector<16xf32>
        %add3A_1074 = arith.addf %get3A_1069, %mul3A_1073 : vector<16xf32>
        %max3A_1075 = arith.maximumf %get3A_1066, %add3A_1074 : vector<16xf32>
        %add3A_1076 = arith.constant 48 : i32
        %add3A_1077 = arith.addi %mul3A_1005, %add3A_1076 : i32
        %swap3A_1078 = arith.index_cast %add3A_1077 : i32 to index
        %swap3A_1079 = tpu.vector_load %arg16[%swap3A_1078] {strides = array<i32>} : memref<41088xf32, #tpu.memory_space<vmem>>, vector<16xf32>,
        tpu.vector_store %arg16[%swap3A_1078], %max3A_1075 {strides = array<i32>} : memref<41088xf32, #tpu.memory_space<vmem>>, vector<16xf32>,
        %add3A_1080 = arith.constant 64 : i32
        %add3A_1081 = arith.addi %mul3A_1005, %add3A_1080 : i32
        %get3A_1082 = arith.index_cast %add3A_1081 : i32 to index
        %get3A_1083 = tpu.vector_load %arg16[%get3A_1082] {strides = array<i32>} : memref<41088xf32, #tpu.memory_space<vmem>>, vector<16xf32>,
        %get3A_1084 = arith.index_cast %add3A_1011 : i32 to index
        %get3A_1085 = arith.constant 64 : index
        %get3A_1086 = tpu.vector_load %arg17[%get3A_1084, %get3A_1085] {strides = array<i32>} : memref<128x128xf32, #tpu.memory_space<vmem>>, vector<16xf32>,
        %get3A_1087 = arith.constant 64 : index
        %get3A_1088 = tpu.vector_load %arg15[%get3A_1087] {strides = array<i32>} : memref<128xf32, #tpu.memory_space<vmem>>, vector<16xf32>,
        %mul3A_1089 = vector.broadcast %squeeze3A_1007 : f32 to vector<16xf32>
        %mul3A_1090 = arith.mulf %mul3A_1089, %get3A_1088 : vector<16xf32>
        %add3A_1091 = arith.addf %get3A_1086, %mul3A_1090 : vector<16xf32>
        %max3A_1092 = arith.maximumf %get3A_1083, %add3A_1091 : vector<16xf32>
        %add3A_1093 = arith.constant 64 : i32
        %add3A_1094 = arith.addi %mul3A_1005, %add3A_1093 : i32
        %swap3A_1095 = arith.index_cast %add3A_1094 : i32 to index
        %swap3A_1096 = tpu.vector_load %arg16[%swap3A_1095] {strides = array<i32>} : memref<41088xf32, #tpu.memory_space<vmem>>, vector<16xf32>,
        tpu.vector_store %arg16[%swap3A_1095], %max3A_1092 {strides = array<i32>} : memref<41088xf32, #tpu.memory_space<vmem>>, vector<16xf32>,
        %add3A_1097 = arith.constant 80 : i32
        %add3A_1098 = arith.addi %mul3A_1005, %add3A_1097 : i32
        %get3A_1099 = arith.index_cast %add3A_1098 : i32 to index
        %get3A_1100 = tpu.vector_load %arg16[%get3A_1099] {strides = array<i32>} : memref<41088xf32, #tpu.memory_space<vmem>>, vector<16xf32>,
        %get3A_1101 = arith.index_cast %add3A_1011 : i32 to index
        %get3A_1102 = arith.constant 80 : index
        %get3A_1103 = tpu.vector_load %arg17[%get3A_1101, %get3A_1102] {strides = array<i32>} : memref<128x128xf32, #tpu.memory_space<vmem>>, vector<16xf32>,
        %get3A_1104 = arith.constant 80 : index
        %get3A_1105 = tpu.vector_load %arg15[%get3A_1104] {strides = array<i32>} : memref<128xf32, #tpu.memory_space<vmem>>, vector<16xf32>,
        %mul3A_1106 = vector.broadcast %squeeze3A_1007 : f32 to vector<16xf32>
        %mul3A_1107 = arith.mulf %mul3A_1106, %get3A_1105 : vector<16xf32>
        %add3A_1108 = arith.addf %get3A_1103, %mul3A_1107 : vector<16xf32>
        %max3A_1109 = arith.maximumf %get3A_1100, %add3A_1108 : vector<16xf32>
        %add3A_1110 = arith.constant 80 : i32
        %add3A_1111 = arith.addi %mul3A_1005, %add3A_1110 : i32
        %swap3A_1112 = arith.index_cast %add3A_1111 : i32 to index
        %swap3A_1113 = tpu.vector_load %arg16[%swap3A_1112] {strides = array<i32>} : memref<41088xf32, #tpu.memory_space<vmem>>, vector<16xf32>,
        tpu.vector_store %arg16[%swap3A_1112], %max3A_1109 {strides = array<i32>} : memref<41088xf32, #tpu.memory_space<vmem>>, vector<16xf32>,
        %add3A_1114 = arith.constant 96 : i32
        %add3A_1115 = arith.addi %mul3A_1005, %add3A_1114 : i32
        %get3A_1116 = arith.index_cast %add3A_1115 : i32 to index
        %get3A_1117 = tpu.vector_load %arg16[%get3A_1116] {strides = array<i32>} : memref<41088xf32, #tpu.memory_space<vmem>>, vector<16xf32>,
        %get3A_1118 = arith.index_cast %add3A_1011 : i32 to index
        %get3A_1119 = arith.constant 96 : index
        %get3A_1120 = tpu.vector_load %arg17[%get3A_1118, %get3A_1119] {strides = array<i32>} : memref<128x128xf32, #tpu.memory_space<vmem>>, vector<16xf32>,
        %get3A_1121 = arith.constant 96 : index
        %get3A_1122 = tpu.vector_load %arg15[%get3A_1121] {strides = array<i32>} : memref<128xf32, #tpu.memory_space<vmem>>, vector<16xf32>,
        %mul3A_1123 = vector.broadcast %squeeze3A_1007 : f32 to vector<16xf32>
        %mul3A_1124 = arith.mulf %mul3A_1123, %get3A_1122 : vector<16xf32>
        %add3A_1125 = arith.addf %get3A_1120, %mul3A_1124 : vector<16xf32>
        %max3A_1126 = arith.maximumf %get3A_1117, %add3A_1125 : vector<16xf32>
        %add3A_1127 = arith.constant 96 : i32
        %add3A_1128 = arith.addi %mul3A_1005, %add3A_1127 : i32
        %swap3A_1129 = arith.index_cast %add3A_1128 : i32 to index
        %swap3A_1130 = tpu.vector_load %arg16[%swap3A_1129] {strides = array<i32>} : memref<41088xf32, #tpu.memory_space<vmem>>, vector<16xf32>,
        tpu.vector_store %arg16[%swap3A_1129], %max3A_1126 {strides = array<i32>} : memref<41088xf32, #tpu.memory_space<vmem>>, vector<16xf32>,
        %add3A_1131 = arith.constant 112 : i32
        %add3A_1132 = arith.addi %mul3A_1005, %add3A_1131 : i32
        %get3A_1133 = arith.index_cast %add3A_1132 : i32 to index
        %get3A_1134 = tpu.vector_load %arg16[%get3A_1133] {strides = array<i32>} : memref<41088xf32, #tpu.memory_space<vmem>>, vector<16xf32>,
        %get3A_1135 = arith.index_cast %add3A_1011 : i32 to index
        %get3A_1136 = arith.constant 112 : index
        %get3A_1137 = tpu.vector_load %arg17[%get3A_1135, %get3A_1136] {strides = array<i32>} : memref<128x128xf32, #tpu.memory_space<vmem>>, vector<16xf32>,
        %get3A_1138 = arith.constant 112 : index
        %get3A_1139 = tpu.vector_load %arg15[%get3A_1138] {strides = array<i32>} : memref<128xf32, #tpu.memory_space<vmem>>, vector<16xf32>,
        %mul3A_1140 = vector.broadcast %squeeze3A_1007 : f32 to vector<16xf32>
        %mul3A_1141 = arith.mulf %mul3A_1140, %get3A_1139 : vector<16xf32>
        %add3A_1142 = arith.addf %get3A_1137, %mul3A_1141 : vector<16xf32>
        %max3A_1143 = arith.maximumf %get3A_1134, %add3A_1142 : vector<16xf32>
        %add3A_1144 = arith.constant 112 : i32
        %add3A_1145 = arith.addi %mul3A_1005, %add3A_1144 : i32
        %swap3A_1146 = arith.index_cast %add3A_1145 : i32 to index
        %swap3A_1147 = tpu.vector_load %arg16[%swap3A_1146] {strides = array<i32>} : memref<41088xf32, #tpu.memory_space<vmem>>, vector<16xf32>,
        tpu.vector_store %arg16[%swap3A_1146], %max3A_1143 {strides = array<i32>} : memref<41088xf32, #tpu.memory_space<vmem>>, vector<16xf32>,
        %slice3A_1148 = vector.extract_strided_slice %get3A_123 {offsets = [7], sizes = [1], strides = [1]} : vector<16xi32> to vector<1xi32>
        %squeeze3A_1149 = vector.extract %slice3A_1148[0] : i32 from vector<1xi32>
        %mul3A_1150 = arith.constant 128 : i32
        %mul3A_1151 = arith.muli %squeeze3A_1149, %mul3A_1150 : i32
        %slice3A_1152 = vector.extract_strided_slice %get3A_128 {offsets = [7], sizes = [1], strides = [1]} : vector<16xf32> to vector<1xf32>
        %squeeze3A_1153 = vector.extract %slice3A_1152[0] : f32 from vector<1xf32>
        %mul3A_1154 = arith.constant 16 : i32
        %mul3A_1155 = arith.muli %scan3A_118, %mul3A_1154 : i32
        %add3A_1156 = arith.constant 7 : i32
        %add3A_1157 = arith.addi %mul3A_1155, %add3A_1156 : i32
        %add3A_1158 = arith.constant 0 : i32
        %add3A_1159 = arith.addi %mul3A_1151, %add3A_1158 : i32
        %get3A_1160 = arith.index_cast %add3A_1159 : i32 to index
        %get3A_1161 = tpu.vector_load %arg16[%get3A_1160] {strides = array<i32>} : memref<41088xf32, #tpu.memory_space<vmem>>, vector<16xf32>,
        %get3A_1162 = arith.index_cast %add3A_1157 : i32 to index
        %get3A_1163 = arith.constant 0 : index
        %get3A_1164 = tpu.vector_load %arg17[%get3A_1162, %get3A_1163] {strides = array<i32>} : memref<128x128xf32, #tpu.memory_space<vmem>>, vector<16xf32>,
        %get3A_1165 = arith.constant 0 : index
        %get3A_1166 = tpu.vector_load %arg15[%get3A_1165] {strides = array<i32>} : memref<128xf32, #tpu.memory_space<vmem>>, vector<16xf32>,
        %mul3A_1167 = vector.broadcast %squeeze3A_1153 : f32 to vector<16xf32>
        %mul3A_1168 = arith.mulf %mul3A_1167, %get3A_1166 : vector<16xf32>
        %add3A_1169 = arith.addf %get3A_1164, %mul3A_1168 : vector<16xf32>
        %max3A_1170 = arith.maximumf %get3A_1161, %add3A_1169 : vector<16xf32>
        %add3A_1171 = arith.constant 0 : i32
        %add3A_1172 = arith.addi %mul3A_1151, %add3A_1171 : i32
        %swap3A_1173 = arith.index_cast %add3A_1172 : i32 to index
        %swap3A_1174 = tpu.vector_load %arg16[%swap3A_1173] {strides = array<i32>} : memref<41088xf32, #tpu.memory_space<vmem>>, vector<16xf32>,
        tpu.vector_store %arg16[%swap3A_1173], %max3A_1170 {strides = array<i32>} : memref<41088xf32, #tpu.memory_space<vmem>>, vector<16xf32>,
        %add3A_1175 = arith.constant 16 : i32
        %add3A_1176 = arith.addi %mul3A_1151, %add3A_1175 : i32
        %get3A_1177 = arith.index_cast %add3A_1176 : i32 to index
        %get3A_1178 = tpu.vector_load %arg16[%get3A_1177] {strides = array<i32>} : memref<41088xf32, #tpu.memory_space<vmem>>, vector<16xf32>,
        %get3A_1179 = arith.index_cast %add3A_1157 : i32 to index
        %get3A_1180 = arith.constant 16 : index
        %get3A_1181 = tpu.vector_load %arg17[%get3A_1179, %get3A_1180] {strides = array<i32>} : memref<128x128xf32, #tpu.memory_space<vmem>>, vector<16xf32>,
        %get3A_1182 = arith.constant 16 : index
        %get3A_1183 = tpu.vector_load %arg15[%get3A_1182] {strides = array<i32>} : memref<128xf32, #tpu.memory_space<vmem>>, vector<16xf32>,
        %mul3A_1184 = vector.broadcast %squeeze3A_1153 : f32 to vector<16xf32>
        %mul3A_1185 = arith.mulf %mul3A_1184, %get3A_1183 : vector<16xf32>
        %add3A_1186 = arith.addf %get3A_1181, %mul3A_1185 : vector<16xf32>
        %max3A_1187 = arith.maximumf %get3A_1178, %add3A_1186 : vector<16xf32>
        %add3A_1188 = arith.constant 16 : i32
        %add3A_1189 = arith.addi %mul3A_1151, %add3A_1188 : i32
        %swap3A_1190 = arith.index_cast %add3A_1189 : i32 to index
        %swap3A_1191 = tpu.vector_load %arg16[%swap3A_1190] {strides = array<i32>} : memref<41088xf32, #tpu.memory_space<vmem>>, vector<16xf32>,
        tpu.vector_store %arg16[%swap3A_1190], %max3A_1187 {strides = array<i32>} : memref<41088xf32, #tpu.memory_space<vmem>>, vector<16xf32>,
        %add3A_1192 = arith.constant 32 : i32
        %add3A_1193 = arith.addi %mul3A_1151, %add3A_1192 : i32
        %get3A_1194 = arith.index_cast %add3A_1193 : i32 to index
        %get3A_1195 = tpu.vector_load %arg16[%get3A_1194] {strides = array<i32>} : memref<41088xf32, #tpu.memory_space<vmem>>, vector<16xf32>,
        %get3A_1196 = arith.index_cast %add3A_1157 : i32 to index
        %get3A_1197 = arith.constant 32 : index
        %get3A_1198 = tpu.vector_load %arg17[%get3A_1196, %get3A_1197] {strides = array<i32>} : memref<128x128xf32, #tpu.memory_space<vmem>>, vector<16xf32>,
        %get3A_1199 = arith.constant 32 : index
        %get3A_1200 = tpu.vector_load %arg15[%get3A_1199] {strides = array<i32>} : memref<128xf32, #tpu.memory_space<vmem>>, vector<16xf32>,
        %mul3A_1201 = vector.broadcast %squeeze3A_1153 : f32 to vector<16xf32>
        %mul3A_1202 = arith.mulf %mul3A_1201, %get3A_1200 : vector<16xf32>
        %add3A_1203 = arith.addf %get3A_1198, %mul3A_1202 : vector<16xf32>
        %max3A_1204 = arith.maximumf %get3A_1195, %add3A_1203 : vector<16xf32>
        %add3A_1205 = arith.constant 32 : i32
        %add3A_1206 = arith.addi %mul3A_1151, %add3A_1205 : i32
        %swap3A_1207 = arith.index_cast %add3A_1206 : i32 to index
        %swap3A_1208 = tpu.vector_load %arg16[%swap3A_1207] {strides = array<i32>} : memref<41088xf32, #tpu.memory_space<vmem>>, vector<16xf32>,
        tpu.vector_store %arg16[%swap3A_1207], %max3A_1204 {strides = array<i32>} : memref<41088xf32, #tpu.memory_space<vmem>>, vector<16xf32>,
        %add3A_1209 = arith.constant 48 : i32
        %add3A_1210 = arith.addi %mul3A_1151, %add3A_1209 : i32
        %get3A_1211 = arith.index_cast %add3A_1210 : i32 to index
        %get3A_1212 = tpu.vector_load %arg16[%get3A_1211] {strides = array<i32>} : memref<41088xf32, #tpu.memory_space<vmem>>, vector<16xf32>,
        %get3A_1213 = arith.index_cast %add3A_1157 : i32 to index
        %get3A_1214 = arith.constant 48 : index
        %get3A_1215 = tpu.vector_load %arg17[%get3A_1213, %get3A_1214] {strides = array<i32>} : memref<128x128xf32, #tpu.memory_space<vmem>>, vector<16xf32>,
        %get3A_1216 = arith.constant 48 : index
        %get3A_1217 = tpu.vector_load %arg15[%get3A_1216] {strides = array<i32>} : memref<128xf32, #tpu.memory_space<vmem>>, vector<16xf32>,
        %mul3A_1218 = vector.broadcast %squeeze3A_1153 : f32 to vector<16xf32>
        %mul3A_1219 = arith.mulf %mul3A_1218, %get3A_1217 : vector<16xf32>
        %add3A_1220 = arith.addf %get3A_1215, %mul3A_1219 : vector<16xf32>
        %max3A_1221 = arith.maximumf %get3A_1212, %add3A_1220 : vector<16xf32>
        %add3A_1222 = arith.constant 48 : i32
        %add3A_1223 = arith.addi %mul3A_1151, %add3A_1222 : i32
        %swap3A_1224 = arith.index_cast %add3A_1223 : i32 to index
        %swap3A_1225 = tpu.vector_load %arg16[%swap3A_1224] {strides = array<i32>} : memref<41088xf32, #tpu.memory_space<vmem>>, vector<16xf32>,
        tpu.vector_store %arg16[%swap3A_1224], %max3A_1221 {strides = array<i32>} : memref<41088xf32, #tpu.memory_space<vmem>>, vector<16xf32>,
        %add3A_1226 = arith.constant 64 : i32
        %add3A_1227 = arith.addi %mul3A_1151, %add3A_1226 : i32
        %get3A_1228 = arith.index_cast %add3A_1227 : i32 to index
        %get3A_1229 = tpu.vector_load %arg16[%get3A_1228] {strides = array<i32>} : memref<41088xf32, #tpu.memory_space<vmem>>, vector<16xf32>,
        %get3A_1230 = arith.index_cast %add3A_1157 : i32 to index
        %get3A_1231 = arith.constant 64 : index
        %get3A_1232 = tpu.vector_load %arg17[%get3A_1230, %get3A_1231] {strides = array<i32>} : memref<128x128xf32, #tpu.memory_space<vmem>>, vector<16xf32>,
        %get3A_1233 = arith.constant 64 : index
        %get3A_1234 = tpu.vector_load %arg15[%get3A_1233] {strides = array<i32>} : memref<128xf32, #tpu.memory_space<vmem>>, vector<16xf32>,
        %mul3A_1235 = vector.broadcast %squeeze3A_1153 : f32 to vector<16xf32>
        %mul3A_1236 = arith.mulf %mul3A_1235, %get3A_1234 : vector<16xf32>
        %add3A_1237 = arith.addf %get3A_1232, %mul3A_1236 : vector<16xf32>
        %max3A_1238 = arith.maximumf %get3A_1229, %add3A_1237 : vector<16xf32>
        %add3A_1239 = arith.constant 64 : i32
        %add3A_1240 = arith.addi %mul3A_1151, %add3A_1239 : i32
        %swap3A_1241 = arith.index_cast %add3A_1240 : i32 to index
        %swap3A_1242 = tpu.vector_load %arg16[%swap3A_1241] {strides = array<i32>} : memref<41088xf32, #tpu.memory_space<vmem>>, vector<16xf32>,
        tpu.vector_store %arg16[%swap3A_1241], %max3A_1238 {strides = array<i32>} : memref<41088xf32, #tpu.memory_space<vmem>>, vector<16xf32>,
        %add3A_1243 = arith.constant 80 : i32
        %add3A_1244 = arith.addi %mul3A_1151, %add3A_1243 : i32
        %get3A_1245 = arith.index_cast %add3A_1244 : i32 to index
        %get3A_1246 = tpu.vector_load %arg16[%get3A_1245] {strides = array<i32>} : memref<41088xf32, #tpu.memory_space<vmem>>, vector<16xf32>,
        %get3A_1247 = arith.index_cast %add3A_1157 : i32 to index
        %get3A_1248 = arith.constant 80 : index
        %get3A_1249 = tpu.vector_load %arg17[%get3A_1247, %get3A_1248] {strides = array<i32>} : memref<128x128xf32, #tpu.memory_space<vmem>>, vector<16xf32>,
        %get3A_1250 = arith.constant 80 : index
        %get3A_1251 = tpu.vector_load %arg15[%get3A_1250] {strides = array<i32>} : memref<128xf32, #tpu.memory_space<vmem>>, vector<16xf32>,
        %mul3A_1252 = vector.broadcast %squeeze3A_1153 : f32 to vector<16xf32>
        %mul3A_1253 = arith.mulf %mul3A_1252, %get3A_1251 : vector<16xf32>
        %add3A_1254 = arith.addf %get3A_1249, %mul3A_1253 : vector<16xf32>
        %max3A_1255 = arith.maximumf %get3A_1246, %add3A_1254 : vector<16xf32>
        %add3A_1256 = arith.constant 80 : i32
        %add3A_1257 = arith.addi %mul3A_1151, %add3A_1256 : i32
        %swap3A_1258 = arith.index_cast %add3A_1257 : i32 to index
        %swap3A_1259 = tpu.vector_load %arg16[%swap3A_1258] {strides = array<i32>} : memref<41088xf32, #tpu.memory_space<vmem>>, vector<16xf32>,
        tpu.vector_store %arg16[%swap3A_1258], %max3A_1255 {strides = array<i32>} : memref<41088xf32, #tpu.memory_space<vmem>>, vector<16xf32>,
        %add3A_1260 = arith.constant 96 : i32
        %add3A_1261 = arith.addi %mul3A_1151, %add3A_1260 : i32
        %get3A_1262 = arith.index_cast %add3A_1261 : i32 to index
        %get3A_1263 = tpu.vector_load %arg16[%get3A_1262] {strides = array<i32>} : memref<41088xf32, #tpu.memory_space<vmem>>, vector<16xf32>,
        %get3A_1264 = arith.index_cast %add3A_1157 : i32 to index
        %get3A_1265 = arith.constant 96 : index
        %get3A_1266 = tpu.vector_load %arg17[%get3A_1264, %get3A_1265] {strides = array<i32>} : memref<128x128xf32, #tpu.memory_space<vmem>>, vector<16xf32>,
        %get3A_1267 = arith.constant 96 : index
        %get3A_1268 = tpu.vector_load %arg15[%get3A_1267] {strides = array<i32>} : memref<128xf32, #tpu.memory_space<vmem>>, vector<16xf32>,
        %mul3A_1269 = vector.broadcast %squeeze3A_1153 : f32 to vector<16xf32>
        %mul3A_1270 = arith.mulf %mul3A_1269, %get3A_1268 : vector<16xf32>
        %add3A_1271 = arith.addf %get3A_1266, %mul3A_1270 : vector<16xf32>
        %max3A_1272 = arith.maximumf %get3A_1263, %add3A_1271 : vector<16xf32>
        %add3A_1273 = arith.constant 96 : i32
        %add3A_1274 = arith.addi %mul3A_1151, %add3A_1273 : i32
        %swap3A_1275 = arith.index_cast %add3A_1274 : i32 to index
        %swap3A_1276 = tpu.vector_load %arg16[%swap3A_1275] {strides = array<i32>} : memref<41088xf32, #tpu.memory_space<vmem>>, vector<16xf32>,
        tpu.vector_store %arg16[%swap3A_1275], %max3A_1272 {strides = array<i32>} : memref<41088xf32, #tpu.memory_space<vmem>>, vector<16xf32>,
        %add3A_1277 = arith.constant 112 : i32
        %add3A_1278 = arith.addi %mul3A_1151, %add3A_1277 : i32
        %get3A_1279 = arith.index_cast %add3A_1278 : i32 to index
        %get3A_1280 = tpu.vector_load %arg16[%get3A_1279] {strides = array<i32>} : memref<41088xf32, #tpu.memory_space<vmem>>, vector<16xf32>,
        %get3A_1281 = arith.index_cast %add3A_1157 : i32 to index
        %get3A_1282 = arith.constant 112 : index
        %get3A_1283 = tpu.vector_load %arg17[%get3A_1281, %get3A_1282] {strides = array<i32>} : memref<128x128xf32, #tpu.memory_space<vmem>>, vector<16xf32>,
        %get3A_1284 = arith.constant 112 : index
        %get3A_1285 = tpu.vector_load %arg15[%get3A_1284] {strides = array<i32>} : memref<128xf32, #tpu.memory_space<vmem>>, vector<16xf32>,
        %mul3A_1286 = vector.broadcast %squeeze3A_1153 : f32 to vector<16xf32>
        %mul3A_1287 = arith.mulf %mul3A_1286, %get3A_1285 : vector<16xf32>
        %add3A_1288 = arith.addf %get3A_1283, %mul3A_1287 : vector<16xf32>
        %max3A_1289 = arith.maximumf %get3A_1280, %add3A_1288 : vector<16xf32>
        %add3A_1290 = arith.constant 112 : i32
        %add3A_1291 = arith.addi %mul3A_1151, %add3A_1290 : i32
        %swap3A_1292 = arith.index_cast %add3A_1291 : i32 to index
        %swap3A_1293 = tpu.vector_load %arg16[%swap3A_1292] {strides = array<i32>} : memref<41088xf32, #tpu.memory_space<vmem>>, vector<16xf32>,
        tpu.vector_store %arg16[%swap3A_1292], %max3A_1289 {strides = array<i32>} : memref<41088xf32, #tpu.memory_space<vmem>>, vector<16xf32>,
        %slice3A_1294 = vector.extract_strided_slice %get3A_123 {offsets = [8], sizes = [1], strides = [1]} : vector<16xi32> to vector<1xi32>
        %squeeze3A_1295 = vector.extract %slice3A_1294[0] : i32 from vector<1xi32>
        %mul3A_1296 = arith.constant 128 : i32
        %mul3A_1297 = arith.muli %squeeze3A_1295, %mul3A_1296 : i32
        %slice3A_1298 = vector.extract_strided_slice %get3A_128 {offsets = [8], sizes = [1], strides = [1]} : vector<16xf32> to vector<1xf32>
        %squeeze3A_1299 = vector.extract %slice3A_1298[0] : f32 from vector<1xf32>
        %mul3A_1300 = arith.constant 16 : i32
        %mul3A_1301 = arith.muli %scan3A_118, %mul3A_1300 : i32
        %add3A_1302 = arith.constant 8 : i32
        %add3A_1303 = arith.addi %mul3A_1301, %add3A_1302 : i32
        %add3A_1304 = arith.constant 0 : i32
        %add3A_1305 = arith.addi %mul3A_1297, %add3A_1304 : i32
        %get3A_1306 = arith.index_cast %add3A_1305 : i32 to index
        %get3A_1307 = tpu.vector_load %arg16[%get3A_1306] {strides = array<i32>} : memref<41088xf32, #tpu.memory_space<vmem>>, vector<16xf32>,
        %get3A_1308 = arith.index_cast %add3A_1303 : i32 to index
        %get3A_1309 = arith.constant 0 : index
        %get3A_1310 = tpu.vector_load %arg17[%get3A_1308, %get3A_1309] {strides = array<i32>} : memref<128x128xf32, #tpu.memory_space<vmem>>, vector<16xf32>,
        %get3A_1311 = arith.constant 0 : index
        %get3A_1312 = tpu.vector_load %arg15[%get3A_1311] {strides = array<i32>} : memref<128xf32, #tpu.memory_space<vmem>>, vector<16xf32>,
        %mul3A_1313 = vector.broadcast %squeeze3A_1299 : f32 to vector<16xf32>
        %mul3A_1314 = arith.mulf %mul3A_1313, %get3A_1312 : vector<16xf32>
        %add3A_1315 = arith.addf %get3A_1310, %mul3A_1314 : vector<16xf32>
        %max3A_1316 = arith.maximumf %get3A_1307, %add3A_1315 : vector<16xf32>
        %add3A_1317 = arith.constant 0 : i32
        %add3A_1318 = arith.addi %mul3A_1297, %add3A_1317 : i32
        %swap3A_1319 = arith.index_cast %add3A_1318 : i32 to index
        %swap3A_1320 = tpu.vector_load %arg16[%swap3A_1319] {strides = array<i32>} : memref<41088xf32, #tpu.memory_space<vmem>>, vector<16xf32>,
        tpu.vector_store %arg16[%swap3A_1319], %max3A_1316 {strides = array<i32>} : memref<41088xf32, #tpu.memory_space<vmem>>, vector<16xf32>,
        %add3A_1321 = arith.constant 16 : i32
        %add3A_1322 = arith.addi %mul3A_1297, %add3A_1321 : i32
        %get3A_1323 = arith.index_cast %add3A_1322 : i32 to index
        %get3A_1324 = tpu.vector_load %arg16[%get3A_1323] {strides = array<i32>} : memref<41088xf32, #tpu.memory_space<vmem>>, vector<16xf32>,
        %get3A_1325 = arith.index_cast %add3A_1303 : i32 to index
        %get3A_1326 = arith.constant 16 : index
        %get3A_1327 = tpu.vector_load %arg17[%get3A_1325, %get3A_1326] {strides = array<i32>} : memref<128x128xf32, #tpu.memory_space<vmem>>, vector<16xf32>,
        %get3A_1328 = arith.constant 16 : index
        %get3A_1329 = tpu.vector_load %arg15[%get3A_1328] {strides = array<i32>} : memref<128xf32, #tpu.memory_space<vmem>>, vector<16xf32>,
        %mul3A_1330 = vector.broadcast %squeeze3A_1299 : f32 to vector<16xf32>
        %mul3A_1331 = arith.mulf %mul3A_1330, %get3A_1329 : vector<16xf32>
        %add3A_1332 = arith.addf %get3A_1327, %mul3A_1331 : vector<16xf32>
        %max3A_1333 = arith.maximumf %get3A_1324, %add3A_1332 : vector<16xf32>
        %add3A_1334 = arith.constant 16 : i32
        %add3A_1335 = arith.addi %mul3A_1297, %add3A_1334 : i32
        %swap3A_1336 = arith.index_cast %add3A_1335 : i32 to index
        %swap3A_1337 = tpu.vector_load %arg16[%swap3A_1336] {strides = array<i32>} : memref<41088xf32, #tpu.memory_space<vmem>>, vector<16xf32>,
        tpu.vector_store %arg16[%swap3A_1336], %max3A_1333 {strides = array<i32>} : memref<41088xf32, #tpu.memory_space<vmem>>, vector<16xf32>,
        %add3A_1338 = arith.constant 32 : i32
        %add3A_1339 = arith.addi %mul3A_1297, %add3A_1338 : i32
        %get3A_1340 = arith.index_cast %add3A_1339 : i32 to index
        %get3A_1341 = tpu.vector_load %arg16[%get3A_1340] {strides = array<i32>} : memref<41088xf32, #tpu.memory_space<vmem>>, vector<16xf32>,
        %get3A_1342 = arith.index_cast %add3A_1303 : i32 to index
        %get3A_1343 = arith.constant 32 : index
        %get3A_1344 = tpu.vector_load %arg17[%get3A_1342, %get3A_1343] {strides = array<i32>} : memref<128x128xf32, #tpu.memory_space<vmem>>, vector<16xf32>,
        %get3A_1345 = arith.constant 32 : index
        %get3A_1346 = tpu.vector_load %arg15[%get3A_1345] {strides = array<i32>} : memref<128xf32, #tpu.memory_space<vmem>>, vector<16xf32>,
        %mul3A_1347 = vector.broadcast %squeeze3A_1299 : f32 to vector<16xf32>
        %mul3A_1348 = arith.mulf %mul3A_1347, %get3A_1346 : vector<16xf32>
        %add3A_1349 = arith.addf %get3A_1344, %mul3A_1348 : vector<16xf32>
        %max3A_1350 = arith.maximumf %get3A_1341, %add3A_1349 : vector<16xf32>
        %add3A_1351 = arith.constant 32 : i32
        %add3A_1352 = arith.addi %mul3A_1297, %add3A_1351 : i32
        %swap3A_1353 = arith.index_cast %add3A_1352 : i32 to index
        %swap3A_1354 = tpu.vector_load %arg16[%swap3A_1353] {strides = array<i32>} : memref<41088xf32, #tpu.memory_space<vmem>>, vector<16xf32>,
        tpu.vector_store %arg16[%swap3A_1353], %max3A_1350 {strides = array<i32>} : memref<41088xf32, #tpu.memory_space<vmem>>, vector<16xf32>,
        %add3A_1355 = arith.constant 48 : i32
        %add3A_1356 = arith.addi %mul3A_1297, %add3A_1355 : i32
        %get3A_1357 = arith.index_cast %add3A_1356 : i32 to index
        %get3A_1358 = tpu.vector_load %arg16[%get3A_1357] {strides = array<i32>} : memref<41088xf32, #tpu.memory_space<vmem>>, vector<16xf32>,
        %get3A_1359 = arith.index_cast %add3A_1303 : i32 to index
        %get3A_1360 = arith.constant 48 : index
        %get3A_1361 = tpu.vector_load %arg17[%get3A_1359, %get3A_1360] {strides = array<i32>} : memref<128x128xf32, #tpu.memory_space<vmem>>, vector<16xf32>,
        %get3A_1362 = arith.constant 48 : index
        %get3A_1363 = tpu.vector_load %arg15[%get3A_1362] {strides = array<i32>} : memref<128xf32, #tpu.memory_space<vmem>>, vector<16xf32>,
        %mul3A_1364 = vector.broadcast %squeeze3A_1299 : f32 to vector<16xf32>
        %mul3A_1365 = arith.mulf %mul3A_1364, %get3A_1363 : vector<16xf32>
        %add3A_1366 = arith.addf %get3A_1361, %mul3A_1365 : vector<16xf32>
        %max3A_1367 = arith.maximumf %get3A_1358, %add3A_1366 : vector<16xf32>
        %add3A_1368 = arith.constant 48 : i32
        %add3A_1369 = arith.addi %mul3A_1297, %add3A_1368 : i32
        %swap3A_1370 = arith.index_cast %add3A_1369 : i32 to index
        %swap3A_1371 = tpu.vector_load %arg16[%swap3A_1370] {strides = array<i32>} : memref<41088xf32, #tpu.memory_space<vmem>>, vector<16xf32>,
        tpu.vector_store %arg16[%swap3A_1370], %max3A_1367 {strides = array<i32>} : memref<41088xf32, #tpu.memory_space<vmem>>, vector<16xf32>,
        %add3A_1372 = arith.constant 64 : i32
        %add3A_1373 = arith.addi %mul3A_1297, %add3A_1372 : i32
        %get3A_1374 = arith.index_cast %add3A_1373 : i32 to index
        %get3A_1375 = tpu.vector_load %arg16[%get3A_1374] {strides = array<i32>} : memref<41088xf32, #tpu.memory_space<vmem>>, vector<16xf32>,
        %get3A_1376 = arith.index_cast %add3A_1303 : i32 to index
        %get3A_1377 = arith.constant 64 : index
        %get3A_1378 = tpu.vector_load %arg17[%get3A_1376, %get3A_1377] {strides = array<i32>} : memref<128x128xf32, #tpu.memory_space<vmem>>, vector<16xf32>,
        %get3A_1379 = arith.constant 64 : index
        %get3A_1380 = tpu.vector_load %arg15[%get3A_1379] {strides = array<i32>} : memref<128xf32, #tpu.memory_space<vmem>>, vector<16xf32>,
        %mul3A_1381 = vector.broadcast %squeeze3A_1299 : f32 to vector<16xf32>
        %mul3A_1382 = arith.mulf %mul3A_1381, %get3A_1380 : vector<16xf32>
        %add3A_1383 = arith.addf %get3A_1378, %mul3A_1382 : vector<16xf32>
        %max3A_1384 = arith.maximumf %get3A_1375, %add3A_1383 : vector<16xf32>
        %add3A_1385 = arith.constant 64 : i32
        %add3A_1386 = arith.addi %mul3A_1297, %add3A_1385 : i32
        %swap3A_1387 = arith.index_cast %add3A_1386 : i32 to index
        %swap3A_1388 = tpu.vector_load %arg16[%swap3A_1387] {strides = array<i32>} : memref<41088xf32, #tpu.memory_space<vmem>>, vector<16xf32>,
        tpu.vector_store %arg16[%swap3A_1387], %max3A_1384 {strides = array<i32>} : memref<41088xf32, #tpu.memory_space<vmem>>, vector<16xf32>,
        %add3A_1389 = arith.constant 80 : i32
        %add3A_1390 = arith.addi %mul3A_1297, %add3A_1389 : i32
        %get3A_1391 = arith.index_cast %add3A_1390 : i32 to index
        %get3A_1392 = tpu.vector_load %arg16[%get3A_1391] {strides = array<i32>} : memref<41088xf32, #tpu.memory_space<vmem>>, vector<16xf32>,
        %get3A_1393 = arith.index_cast %add3A_1303 : i32 to index
        %get3A_1394 = arith.constant 80 : index
        %get3A_1395 = tpu.vector_load %arg17[%get3A_1393, %get3A_1394] {strides = array<i32>} : memref<128x128xf32, #tpu.memory_space<vmem>>, vector<16xf32>,
        %get3A_1396 = arith.constant 80 : index
        %get3A_1397 = tpu.vector_load %arg15[%get3A_1396] {strides = array<i32>} : memref<128xf32, #tpu.memory_space<vmem>>, vector<16xf32>,
        %mul3A_1398 = vector.broadcast %squeeze3A_1299 : f32 to vector<16xf32>
        %mul3A_1399 = arith.mulf %mul3A_1398, %get3A_1397 : vector<16xf32>
        %add3A_1400 = arith.addf %get3A_1395, %mul3A_1399 : vector<16xf32>
        %max3A_1401 = arith.maximumf %get3A_1392, %add3A_1400 : vector<16xf32>
        %add3A_1402 = arith.constant 80 : i32
        %add3A_1403 = arith.addi %mul3A_1297, %add3A_1402 : i32
        %swap3A_1404 = arith.index_cast %add3A_1403 : i32 to index
        %swap3A_1405 = tpu.vector_load %arg16[%swap3A_1404] {strides = array<i32>} : memref<41088xf32, #tpu.memory_space<vmem>>, vector<16xf32>,
        tpu.vector_store %arg16[%swap3A_1404], %max3A_1401 {strides = array<i32>} : memref<41088xf32, #tpu.memory_space<vmem>>, vector<16xf32>,
        %add3A_1406 = arith.constant 96 : i32
        %add3A_1407 = arith.addi %mul3A_1297, %add3A_1406 : i32
        %get3A_1408 = arith.index_cast %add3A_1407 : i32 to index
        %get3A_1409 = tpu.vector_load %arg16[%get3A_1408] {strides = array<i32>} : memref<41088xf32, #tpu.memory_space<vmem>>, vector<16xf32>,
        %get3A_1410 = arith.index_cast %add3A_1303 : i32 to index
        %get3A_1411 = arith.constant 96 : index
        %get3A_1412 = tpu.vector_load %arg17[%get3A_1410, %get3A_1411] {strides = array<i32>} : memref<128x128xf32, #tpu.memory_space<vmem>>, vector<16xf32>,
        %get3A_1413 = arith.constant 96 : index
        %get3A_1414 = tpu.vector_load %arg15[%get3A_1413] {strides = array<i32>} : memref<128xf32, #tpu.memory_space<vmem>>, vector<16xf32>,
        %mul3A_1415 = vector.broadcast %squeeze3A_1299 : f32 to vector<16xf32>
        %mul3A_1416 = arith.mulf %mul3A_1415, %get3A_1414 : vector<16xf32>
        %add3A_1417 = arith.addf %get3A_1412, %mul3A_1416 : vector<16xf32>
        %max3A_1418 = arith.maximumf %get3A_1409, %add3A_1417 : vector<16xf32>
        %add3A_1419 = arith.constant 96 : i32
        %add3A_1420 = arith.addi %mul3A_1297, %add3A_1419 : i32
        %swap3A_1421 = arith.index_cast %add3A_1420 : i32 to index
        %swap3A_1422 = tpu.vector_load %arg16[%swap3A_1421] {strides = array<i32>} : memref<41088xf32, #tpu.memory_space<vmem>>, vector<16xf32>,
        tpu.vector_store %arg16[%swap3A_1421], %max3A_1418 {strides = array<i32>} : memref<41088xf32, #tpu.memory_space<vmem>>, vector<16xf32>,
        %add3A_1423 = arith.constant 112 : i32
        %add3A_1424 = arith.addi %mul3A_1297, %add3A_1423 : i32
        %get3A_1425 = arith.index_cast %add3A_1424 : i32 to index
        %get3A_1426 = tpu.vector_load %arg16[%get3A_1425] {strides = array<i32>} : memref<41088xf32, #tpu.memory_space<vmem>>, vector<16xf32>,
        %get3A_1427 = arith.index_cast %add3A_1303 : i32 to index
        %get3A_1428 = arith.constant 112 : index
        %get3A_1429 = tpu.vector_load %arg17[%get3A_1427, %get3A_1428] {strides = array<i32>} : memref<128x128xf32, #tpu.memory_space<vmem>>, vector<16xf32>,
        %get3A_1430 = arith.constant 112 : index
        %get3A_1431 = tpu.vector_load %arg15[%get3A_1430] {strides = array<i32>} : memref<128xf32, #tpu.memory_space<vmem>>, vector<16xf32>,
        %mul3A_1432 = vector.broadcast %squeeze3A_1299 : f32 to vector<16xf32>
        %mul3A_1433 = arith.mulf %mul3A_1432, %get3A_1431 : vector<16xf32>
        %add3A_1434 = arith.addf %get3A_1429, %mul3A_1433 : vector<16xf32>
        %max3A_1435 = arith.maximumf %get3A_1426, %add3A_1434 : vector<16xf32>
        %add3A_1436 = arith.constant 112 : i32
        %add3A_1437 = arith.addi %mul3A_1297, %add3A_1436 : i32
        %swap3A_1438 = arith.index_cast %add3A_1437 : i32 to index
        %swap3A_1439 = tpu.vector_load %arg16[%swap3A_1438] {strides = array<i32>} : memref<41088xf32, #tpu.memory_space<vmem>>, vector<16xf32>,
        tpu.vector_store %arg16[%swap3A_1438], %max3A_1435 {strides = array<i32>} : memref<41088xf32, #tpu.memory_space<vmem>>, vector<16xf32>,
        %slice3A_1440 = vector.extract_strided_slice %get3A_123 {offsets = [9], sizes = [1], strides = [1]} : vector<16xi32> to vector<1xi32>
        %squeeze3A_1441 = vector.extract %slice3A_1440[0] : i32 from vector<1xi32>
        %mul3A_1442 = arith.constant 128 : i32
        %mul3A_1443 = arith.muli %squeeze3A_1441, %mul3A_1442 : i32
        %slice3A_1444 = vector.extract_strided_slice %get3A_128 {offsets = [9], sizes = [1], strides = [1]} : vector<16xf32> to vector<1xf32>
        %squeeze3A_1445 = vector.extract %slice3A_1444[0] : f32 from vector<1xf32>
        %mul3A_1446 = arith.constant 16 : i32
        %mul3A_1447 = arith.muli %scan3A_118, %mul3A_1446 : i32
        %add3A_1448 = arith.constant 9 : i32
        %add3A_1449 = arith.addi %mul3A_1447, %add3A_1448 : i32
        %add3A_1450 = arith.constant 0 : i32
        %add3A_1451 = arith.addi %mul3A_1443, %add3A_1450 : i32
        %get3A_1452 = arith.index_cast %add3A_1451 : i32 to index
        %get3A_1453 = tpu.vector_load %arg16[%get3A_1452] {strides = array<i32>} : memref<41088xf32, #tpu.memory_space<vmem>>, vector<16xf32>,
        %get3A_1454 = arith.index_cast %add3A_1449 : i32 to index
        %get3A_1455 = arith.constant 0 : index
        %get3A_1456 = tpu.vector_load %arg17[%get3A_1454, %get3A_1455] {strides = array<i32>} : memref<128x128xf32, #tpu.memory_space<vmem>>, vector<16xf32>,
        %get3A_1457 = arith.constant 0 : index
        %get3A_1458 = tpu.vector_load %arg15[%get3A_1457] {strides = array<i32>} : memref<128xf32, #tpu.memory_space<vmem>>, vector<16xf32>,
        %mul3A_1459 = vector.broadcast %squeeze3A_1445 : f32 to vector<16xf32>
        %mul3A_1460 = arith.mulf %mul3A_1459, %get3A_1458 : vector<16xf32>
        %add3A_1461 = arith.addf %get3A_1456, %mul3A_1460 : vector<16xf32>
        %max3A_1462 = arith.maximumf %get3A_1453, %add3A_1461 : vector<16xf32>
        %add3A_1463 = arith.constant 0 : i32
        %add3A_1464 = arith.addi %mul3A_1443, %add3A_1463 : i32
        %swap3A_1465 = arith.index_cast %add3A_1464 : i32 to index
        %swap3A_1466 = tpu.vector_load %arg16[%swap3A_1465] {strides = array<i32>} : memref<41088xf32, #tpu.memory_space<vmem>>, vector<16xf32>,
        tpu.vector_store %arg16[%swap3A_1465], %max3A_1462 {strides = array<i32>} : memref<41088xf32, #tpu.memory_space<vmem>>, vector<16xf32>,
        %add3A_1467 = arith.constant 16 : i32
        %add3A_1468 = arith.addi %mul3A_1443, %add3A_1467 : i32
        %get3A_1469 = arith.index_cast %add3A_1468 : i32 to index
        %get3A_1470 = tpu.vector_load %arg16[%get3A_1469] {strides = array<i32>} : memref<41088xf32, #tpu.memory_space<vmem>>, vector<16xf32>,
        %get3A_1471 = arith.index_cast %add3A_1449 : i32 to index
        %get3A_1472 = arith.constant 16 : index
        %get3A_1473 = tpu.vector_load %arg17[%get3A_1471, %get3A_1472] {strides = array<i32>} : memref<128x128xf32, #tpu.memory_space<vmem>>, vector<16xf32>,
        %get3A_1474 = arith.constant 16 : index
        %get3A_1475 = tpu.vector_load %arg15[%get3A_1474] {strides = array<i32>} : memref<128xf32, #tpu.memory_space<vmem>>, vector<16xf32>,
        %mul3A_1476 = vector.broadcast %squeeze3A_1445 : f32 to vector<16xf32>
        %mul3A_1477 = arith.mulf %mul3A_1476, %get3A_1475 : vector<16xf32>
        %add3A_1478 = arith.addf %get3A_1473, %mul3A_1477 : vector<16xf32>
        %max3A_1479 = arith.maximumf %get3A_1470, %add3A_1478 : vector<16xf32>
        %add3A_1480 = arith.constant 16 : i32
        %add3A_1481 = arith.addi %mul3A_1443, %add3A_1480 : i32
        %swap3A_1482 = arith.index_cast %add3A_1481 : i32 to index
        %swap3A_1483 = tpu.vector_load %arg16[%swap3A_1482] {strides = array<i32>} : memref<41088xf32, #tpu.memory_space<vmem>>, vector<16xf32>,
        tpu.vector_store %arg16[%swap3A_1482], %max3A_1479 {strides = array<i32>} : memref<41088xf32, #tpu.memory_space<vmem>>, vector<16xf32>,
        %add3A_1484 = arith.constant 32 : i32
        %add3A_1485 = arith.addi %mul3A_1443, %add3A_1484 : i32
        %get3A_1486 = arith.index_cast %add3A_1485 : i32 to index
        %get3A_1487 = tpu.vector_load %arg16[%get3A_1486] {strides = array<i32>} : memref<41088xf32, #tpu.memory_space<vmem>>, vector<16xf32>,
        %get3A_1488 = arith.index_cast %add3A_1449 : i32 to index
        %get3A_1489 = arith.constant 32 : index
        %get3A_1490 = tpu.vector_load %arg17[%get3A_1488, %get3A_1489] {strides = array<i32>} : memref<128x128xf32, #tpu.memory_space<vmem>>, vector<16xf32>,
        %get3A_1491 = arith.constant 32 : index
        %get3A_1492 = tpu.vector_load %arg15[%get3A_1491] {strides = array<i32>} : memref<128xf32, #tpu.memory_space<vmem>>, vector<16xf32>,
        %mul3A_1493 = vector.broadcast %squeeze3A_1445 : f32 to vector<16xf32>
        %mul3A_1494 = arith.mulf %mul3A_1493, %get3A_1492 : vector<16xf32>
        %add3A_1495 = arith.addf %get3A_1490, %mul3A_1494 : vector<16xf32>
        %max3A_1496 = arith.maximumf %get3A_1487, %add3A_1495 : vector<16xf32>
        %add3A_1497 = arith.constant 32 : i32
        %add3A_1498 = arith.addi %mul3A_1443, %add3A_1497 : i32
        %swap3A_1499 = arith.index_cast %add3A_1498 : i32 to index
        %swap3A_1500 = tpu.vector_load %arg16[%swap3A_1499] {strides = array<i32>} : memref<41088xf32, #tpu.memory_space<vmem>>, vector<16xf32>,
        tpu.vector_store %arg16[%swap3A_1499], %max3A_1496 {strides = array<i32>} : memref<41088xf32, #tpu.memory_space<vmem>>, vector<16xf32>,
        %add3A_1501 = arith.constant 48 : i32
        %add3A_1502 = arith.addi %mul3A_1443, %add3A_1501 : i32
        %get3A_1503 = arith.index_cast %add3A_1502 : i32 to index
        %get3A_1504 = tpu.vector_load %arg16[%get3A_1503] {strides = array<i32>} : memref<41088xf32, #tpu.memory_space<vmem>>, vector<16xf32>,
        %get3A_1505 = arith.index_cast %add3A_1449 : i32 to index
        %get3A_1506 = arith.constant 48 : index
        %get3A_1507 = tpu.vector_load %arg17[%get3A_1505, %get3A_1506] {strides = array<i32>} : memref<128x128xf32, #tpu.memory_space<vmem>>, vector<16xf32>,
        %get3A_1508 = arith.constant 48 : index
        %get3A_1509 = tpu.vector_load %arg15[%get3A_1508] {strides = array<i32>} : memref<128xf32, #tpu.memory_space<vmem>>, vector<16xf32>,
        %mul3A_1510 = vector.broadcast %squeeze3A_1445 : f32 to vector<16xf32>
        %mul3A_1511 = arith.mulf %mul3A_1510, %get3A_1509 : vector<16xf32>
        %add3A_1512 = arith.addf %get3A_1507, %mul3A_1511 : vector<16xf32>
        %max3A_1513 = arith.maximumf %get3A_1504, %add3A_1512 : vector<16xf32>
        %add3A_1514 = arith.constant 48 : i32
        %add3A_1515 = arith.addi %mul3A_1443, %add3A_1514 : i32
        %swap3A_1516 = arith.index_cast %add3A_1515 : i32 to index
        %swap3A_1517 = tpu.vector_load %arg16[%swap3A_1516] {strides = array<i32>} : memref<41088xf32, #tpu.memory_space<vmem>>, vector<16xf32>,
        tpu.vector_store %arg16[%swap3A_1516], %max3A_1513 {strides = array<i32>} : memref<41088xf32, #tpu.memory_space<vmem>>, vector<16xf32>,
        %add3A_1518 = arith.constant 64 : i32
        %add3A_1519 = arith.addi %mul3A_1443, %add3A_1518 : i32
        %get3A_1520 = arith.index_cast %add3A_1519 : i32 to index
        %get3A_1521 = tpu.vector_load %arg16[%get3A_1520] {strides = array<i32>} : memref<41088xf32, #tpu.memory_space<vmem>>, vector<16xf32>,
        %get3A_1522 = arith.index_cast %add3A_1449 : i32 to index
        %get3A_1523 = arith.constant 64 : index
        %get3A_1524 = tpu.vector_load %arg17[%get3A_1522, %get3A_1523] {strides = array<i32>} : memref<128x128xf32, #tpu.memory_space<vmem>>, vector<16xf32>,
        %get3A_1525 = arith.constant 64 : index
        %get3A_1526 = tpu.vector_load %arg15[%get3A_1525] {strides = array<i32>} : memref<128xf32, #tpu.memory_space<vmem>>, vector<16xf32>,
        %mul3A_1527 = vector.broadcast %squeeze3A_1445 : f32 to vector<16xf32>
        %mul3A_1528 = arith.mulf %mul3A_1527, %get3A_1526 : vector<16xf32>
        %add3A_1529 = arith.addf %get3A_1524, %mul3A_1528 : vector<16xf32>
        %max3A_1530 = arith.maximumf %get3A_1521, %add3A_1529 : vector<16xf32>
        %add3A_1531 = arith.constant 64 : i32
        %add3A_1532 = arith.addi %mul3A_1443, %add3A_1531 : i32
        %swap3A_1533 = arith.index_cast %add3A_1532 : i32 to index
        %swap3A_1534 = tpu.vector_load %arg16[%swap3A_1533] {strides = array<i32>} : memref<41088xf32, #tpu.memory_space<vmem>>, vector<16xf32>,
        tpu.vector_store %arg16[%swap3A_1533], %max3A_1530 {strides = array<i32>} : memref<41088xf32, #tpu.memory_space<vmem>>, vector<16xf32>,
        %add3A_1535 = arith.constant 80 : i32
        %add3A_1536 = arith.addi %mul3A_1443, %add3A_1535 : i32
        %get3A_1537 = arith.index_cast %add3A_1536 : i32 to index
        %get3A_1538 = tpu.vector_load %arg16[%get3A_1537] {strides = array<i32>} : memref<41088xf32, #tpu.memory_space<vmem>>, vector<16xf32>,
        %get3A_1539 = arith.index_cast %add3A_1449 : i32 to index
        %get3A_1540 = arith.constant 80 : index
        %get3A_1541 = tpu.vector_load %arg17[%get3A_1539, %get3A_1540] {strides = array<i32>} : memref<128x128xf32, #tpu.memory_space<vmem>>, vector<16xf32>,
        %get3A_1542 = arith.constant 80 : index
        %get3A_1543 = tpu.vector_load %arg15[%get3A_1542] {strides = array<i32>} : memref<128xf32, #tpu.memory_space<vmem>>, vector<16xf32>,
        %mul3A_1544 = vector.broadcast %squeeze3A_1445 : f32 to vector<16xf32>
        %mul3A_1545 = arith.mulf %mul3A_1544, %get3A_1543 : vector<16xf32>
        %add3A_1546 = arith.addf %get3A_1541, %mul3A_1545 : vector<16xf32>
        %max3A_1547 = arith.maximumf %get3A_1538, %add3A_1546 : vector<16xf32>
        %add3A_1548 = arith.constant 80 : i32
        %add3A_1549 = arith.addi %mul3A_1443, %add3A_1548 : i32
        %swap3A_1550 = arith.index_cast %add3A_1549 : i32 to index
        %swap3A_1551 = tpu.vector_load %arg16[%swap3A_1550] {strides = array<i32>} : memref<41088xf32, #tpu.memory_space<vmem>>, vector<16xf32>,
        tpu.vector_store %arg16[%swap3A_1550], %max3A_1547 {strides = array<i32>} : memref<41088xf32, #tpu.memory_space<vmem>>, vector<16xf32>,
        %add3A_1552 = arith.constant 96 : i32
        %add3A_1553 = arith.addi %mul3A_1443, %add3A_1552 : i32
        %get3A_1554 = arith.index_cast %add3A_1553 : i32 to index
        %get3A_1555 = tpu.vector_load %arg16[%get3A_1554] {strides = array<i32>} : memref<41088xf32, #tpu.memory_space<vmem>>, vector<16xf32>,
        %get3A_1556 = arith.index_cast %add3A_1449 : i32 to index
        %get3A_1557 = arith.constant 96 : index
        %get3A_1558 = tpu.vector_load %arg17[%get3A_1556, %get3A_1557] {strides = array<i32>} : memref<128x128xf32, #tpu.memory_space<vmem>>, vector<16xf32>,
        %get3A_1559 = arith.constant 96 : index
        %get3A_1560 = tpu.vector_load %arg15[%get3A_1559] {strides = array<i32>} : memref<128xf32, #tpu.memory_space<vmem>>, vector<16xf32>,
        %mul3A_1561 = vector.broadcast %squeeze3A_1445 : f32 to vector<16xf32>
        %mul3A_1562 = arith.mulf %mul3A_1561, %get3A_1560 : vector<16xf32>
        %add3A_1563 = arith.addf %get3A_1558, %mul3A_1562 : vector<16xf32>
        %max3A_1564 = arith.maximumf %get3A_1555, %add3A_1563 : vector<16xf32>
        %add3A_1565 = arith.constant 96 : i32
        %add3A_1566 = arith.addi %mul3A_1443, %add3A_1565 : i32
        %swap3A_1567 = arith.index_cast %add3A_1566 : i32 to index
        %swap3A_1568 = tpu.vector_load %arg16[%swap3A_1567] {strides = array<i32>} : memref<41088xf32, #tpu.memory_space<vmem>>, vector<16xf32>,
        tpu.vector_store %arg16[%swap3A_1567], %max3A_1564 {strides = array<i32>} : memref<41088xf32, #tpu.memory_space<vmem>>, vector<16xf32>,
        %add3A_1569 = arith.constant 112 : i32
        %add3A_1570 = arith.addi %mul3A_1443, %add3A_1569 : i32
        %get3A_1571 = arith.index_cast %add3A_1570 : i32 to index
        %get3A_1572 = tpu.vector_load %arg16[%get3A_1571] {strides = array<i32>} : memref<41088xf32, #tpu.memory_space<vmem>>, vector<16xf32>,
        %get3A_1573 = arith.index_cast %add3A_1449 : i32 to index
        %get3A_1574 = arith.constant 112 : index
        %get3A_1575 = tpu.vector_load %arg17[%get3A_1573, %get3A_1574] {strides = array<i32>} : memref<128x128xf32, #tpu.memory_space<vmem>>, vector<16xf32>,
        %get3A_1576 = arith.constant 112 : index
        %get3A_1577 = tpu.vector_load %arg15[%get3A_1576] {strides = array<i32>} : memref<128xf32, #tpu.memory_space<vmem>>, vector<16xf32>,
        %mul3A_1578 = vector.broadcast %squeeze3A_1445 : f32 to vector<16xf32>
        %mul3A_1579 = arith.mulf %mul3A_1578, %get3A_1577 : vector<16xf32>
        %add3A_1580 = arith.addf %get3A_1575, %mul3A_1579 : vector<16xf32>
        %max3A_1581 = arith.maximumf %get3A_1572, %add3A_1580 : vector<16xf32>
        %add3A_1582 = arith.constant 112 : i32
        %add3A_1583 = arith.addi %mul3A_1443, %add3A_1582 : i32
        %swap3A_1584 = arith.index_cast %add3A_1583 : i32 to index
        %swap3A_1585 = tpu.vector_load %arg16[%swap3A_1584] {strides = array<i32>} : memref<41088xf32, #tpu.memory_space<vmem>>, vector<16xf32>,
        tpu.vector_store %arg16[%swap3A_1584], %max3A_1581 {strides = array<i32>} : memref<41088xf32, #tpu.memory_space<vmem>>, vector<16xf32>,
        %slice3A_1586 = vector.extract_strided_slice %get3A_123 {offsets = [10], sizes = [1], strides = [1]} : vector<16xi32> to vector<1xi32>
        %squeeze3A_1587 = vector.extract %slice3A_1586[0] : i32 from vector<1xi32>
        %mul3A_1588 = arith.constant 128 : i32
        %mul3A_1589 = arith.muli %squeeze3A_1587, %mul3A_1588 : i32
        %slice3A_1590 = vector.extract_strided_slice %get3A_128 {offsets = [10], sizes = [1], strides = [1]} : vector<16xf32> to vector<1xf32>
        %squeeze3A_1591 = vector.extract %slice3A_1590[0] : f32 from vector<1xf32>
        %mul3A_1592 = arith.constant 16 : i32
        %mul3A_1593 = arith.muli %scan3A_118, %mul3A_1592 : i32
        %add3A_1594 = arith.constant 10 : i32
        %add3A_1595 = arith.addi %mul3A_1593, %add3A_1594 : i32
        %add3A_1596 = arith.constant 0 : i32
        %add3A_1597 = arith.addi %mul3A_1589, %add3A_1596 : i32
        %get3A_1598 = arith.index_cast %add3A_1597 : i32 to index
        %get3A_1599 = tpu.vector_load %arg16[%get3A_1598] {strides = array<i32>} : memref<41088xf32, #tpu.memory_space<vmem>>, vector<16xf32>,
        %get3A_1600 = arith.index_cast %add3A_1595 : i32 to index
        %get3A_1601 = arith.constant 0 : index
        %get3A_1602 = tpu.vector_load %arg17[%get3A_1600, %get3A_1601] {strides = array<i32>} : memref<128x128xf32, #tpu.memory_space<vmem>>, vector<16xf32>,
        %get3A_1603 = arith.constant 0 : index
        %get3A_1604 = tpu.vector_load %arg15[%get3A_1603] {strides = array<i32>} : memref<128xf32, #tpu.memory_space<vmem>>, vector<16xf32>,
        %mul3A_1605 = vector.broadcast %squeeze3A_1591 : f32 to vector<16xf32>
        %mul3A_1606 = arith.mulf %mul3A_1605, %get3A_1604 : vector<16xf32>
        %add3A_1607 = arith.addf %get3A_1602, %mul3A_1606 : vector<16xf32>
        %max3A_1608 = arith.maximumf %get3A_1599, %add3A_1607 : vector<16xf32>
        %add3A_1609 = arith.constant 0 : i32
        %add3A_1610 = arith.addi %mul3A_1589, %add3A_1609 : i32
        %swap3A_1611 = arith.index_cast %add3A_1610 : i32 to index
        %swap3A_1612 = tpu.vector_load %arg16[%swap3A_1611] {strides = array<i32>} : memref<41088xf32, #tpu.memory_space<vmem>>, vector<16xf32>,
        tpu.vector_store %arg16[%swap3A_1611], %max3A_1608 {strides = array<i32>} : memref<41088xf32, #tpu.memory_space<vmem>>, vector<16xf32>,
        %add3A_1613 = arith.constant 16 : i32
        %add3A_1614 = arith.addi %mul3A_1589, %add3A_1613 : i32
        %get3A_1615 = arith.index_cast %add3A_1614 : i32 to index
        %get3A_1616 = tpu.vector_load %arg16[%get3A_1615] {strides = array<i32>} : memref<41088xf32, #tpu.memory_space<vmem>>, vector<16xf32>,
        %get3A_1617 = arith.index_cast %add3A_1595 : i32 to index
        %get3A_1618 = arith.constant 16 : index
        %get3A_1619 = tpu.vector_load %arg17[%get3A_1617, %get3A_1618] {strides = array<i32>} : memref<128x128xf32, #tpu.memory_space<vmem>>, vector<16xf32>,
        %get3A_1620 = arith.constant 16 : index
        %get3A_1621 = tpu.vector_load %arg15[%get3A_1620] {strides = array<i32>} : memref<128xf32, #tpu.memory_space<vmem>>, vector<16xf32>,
        %mul3A_1622 = vector.broadcast %squeeze3A_1591 : f32 to vector<16xf32>
        %mul3A_1623 = arith.mulf %mul3A_1622, %get3A_1621 : vector<16xf32>
        %add3A_1624 = arith.addf %get3A_1619, %mul3A_1623 : vector<16xf32>
        %max3A_1625 = arith.maximumf %get3A_1616, %add3A_1624 : vector<16xf32>
        %add3A_1626 = arith.constant 16 : i32
        %add3A_1627 = arith.addi %mul3A_1589, %add3A_1626 : i32
        %swap3A_1628 = arith.index_cast %add3A_1627 : i32 to index
        %swap3A_1629 = tpu.vector_load %arg16[%swap3A_1628] {strides = array<i32>} : memref<41088xf32, #tpu.memory_space<vmem>>, vector<16xf32>,
        tpu.vector_store %arg16[%swap3A_1628], %max3A_1625 {strides = array<i32>} : memref<41088xf32, #tpu.memory_space<vmem>>, vector<16xf32>,
        %add3A_1630 = arith.constant 32 : i32
        %add3A_1631 = arith.addi %mul3A_1589, %add3A_1630 : i32
        %get3A_1632 = arith.index_cast %add3A_1631 : i32 to index
        %get3A_1633 = tpu.vector_load %arg16[%get3A_1632] {strides = array<i32>} : memref<41088xf32, #tpu.memory_space<vmem>>, vector<16xf32>,
        %get3A_1634 = arith.index_cast %add3A_1595 : i32 to index
        %get3A_1635 = arith.constant 32 : index
        %get3A_1636 = tpu.vector_load %arg17[%get3A_1634, %get3A_1635] {strides = array<i32>} : memref<128x128xf32, #tpu.memory_space<vmem>>, vector<16xf32>,
        %get3A_1637 = arith.constant 32 : index
        %get3A_1638 = tpu.vector_load %arg15[%get3A_1637] {strides = array<i32>} : memref<128xf32, #tpu.memory_space<vmem>>, vector<16xf32>,
        %mul3A_1639 = vector.broadcast %squeeze3A_1591 : f32 to vector<16xf32>
        %mul3A_1640 = arith.mulf %mul3A_1639, %get3A_1638 : vector<16xf32>
        %add3A_1641 = arith.addf %get3A_1636, %mul3A_1640 : vector<16xf32>
        %max3A_1642 = arith.maximumf %get3A_1633, %add3A_1641 : vector<16xf32>
        %add3A_1643 = arith.constant 32 : i32
        %add3A_1644 = arith.addi %mul3A_1589, %add3A_1643 : i32
        %swap3A_1645 = arith.index_cast %add3A_1644 : i32 to index
        %swap3A_1646 = tpu.vector_load %arg16[%swap3A_1645] {strides = array<i32>} : memref<41088xf32, #tpu.memory_space<vmem>>, vector<16xf32>,
        tpu.vector_store %arg16[%swap3A_1645], %max3A_1642 {strides = array<i32>} : memref<41088xf32, #tpu.memory_space<vmem>>, vector<16xf32>,
        %add3A_1647 = arith.constant 48 : i32
        %add3A_1648 = arith.addi %mul3A_1589, %add3A_1647 : i32
        %get3A_1649 = arith.index_cast %add3A_1648 : i32 to index
        %get3A_1650 = tpu.vector_load %arg16[%get3A_1649] {strides = array<i32>} : memref<41088xf32, #tpu.memory_space<vmem>>, vector<16xf32>,
        %get3A_1651 = arith.index_cast %add3A_1595 : i32 to index
        %get3A_1652 = arith.constant 48 : index
        %get3A_1653 = tpu.vector_load %arg17[%get3A_1651, %get3A_1652] {strides = array<i32>} : memref<128x128xf32, #tpu.memory_space<vmem>>, vector<16xf32>,
        %get3A_1654 = arith.constant 48 : index
        %get3A_1655 = tpu.vector_load %arg15[%get3A_1654] {strides = array<i32>} : memref<128xf32, #tpu.memory_space<vmem>>, vector<16xf32>,
        %mul3A_1656 = vector.broadcast %squeeze3A_1591 : f32 to vector<16xf32>
        %mul3A_1657 = arith.mulf %mul3A_1656, %get3A_1655 : vector<16xf32>
        %add3A_1658 = arith.addf %get3A_1653, %mul3A_1657 : vector<16xf32>
        %max3A_1659 = arith.maximumf %get3A_1650, %add3A_1658 : vector<16xf32>
        %add3A_1660 = arith.constant 48 : i32
        %add3A_1661 = arith.addi %mul3A_1589, %add3A_1660 : i32
        %swap3A_1662 = arith.index_cast %add3A_1661 : i32 to index
        %swap3A_1663 = tpu.vector_load %arg16[%swap3A_1662] {strides = array<i32>} : memref<41088xf32, #tpu.memory_space<vmem>>, vector<16xf32>,
        tpu.vector_store %arg16[%swap3A_1662], %max3A_1659 {strides = array<i32>} : memref<41088xf32, #tpu.memory_space<vmem>>, vector<16xf32>,
        %add3A_1664 = arith.constant 64 : i32
        %add3A_1665 = arith.addi %mul3A_1589, %add3A_1664 : i32
        %get3A_1666 = arith.index_cast %add3A_1665 : i32 to index
        %get3A_1667 = tpu.vector_load %arg16[%get3A_1666] {strides = array<i32>} : memref<41088xf32, #tpu.memory_space<vmem>>, vector<16xf32>,
        %get3A_1668 = arith.index_cast %add3A_1595 : i32 to index
        %get3A_1669 = arith.constant 64 : index
        %get3A_1670 = tpu.vector_load %arg17[%get3A_1668, %get3A_1669] {strides = array<i32>} : memref<128x128xf32, #tpu.memory_space<vmem>>, vector<16xf32>,
        %get3A_1671 = arith.constant 64 : index
        %get3A_1672 = tpu.vector_load %arg15[%get3A_1671] {strides = array<i32>} : memref<128xf32, #tpu.memory_space<vmem>>, vector<16xf32>,
        %mul3A_1673 = vector.broadcast %squeeze3A_1591 : f32 to vector<16xf32>
        %mul3A_1674 = arith.mulf %mul3A_1673, %get3A_1672 : vector<16xf32>
        %add3A_1675 = arith.addf %get3A_1670, %mul3A_1674 : vector<16xf32>
        %max3A_1676 = arith.maximumf %get3A_1667, %add3A_1675 : vector<16xf32>
        %add3A_1677 = arith.constant 64 : i32
        %add3A_1678 = arith.addi %mul3A_1589, %add3A_1677 : i32
        %swap3A_1679 = arith.index_cast %add3A_1678 : i32 to index
        %swap3A_1680 = tpu.vector_load %arg16[%swap3A_1679] {strides = array<i32>} : memref<41088xf32, #tpu.memory_space<vmem>>, vector<16xf32>,
        tpu.vector_store %arg16[%swap3A_1679], %max3A_1676 {strides = array<i32>} : memref<41088xf32, #tpu.memory_space<vmem>>, vector<16xf32>,
        %add3A_1681 = arith.constant 80 : i32
        %add3A_1682 = arith.addi %mul3A_1589, %add3A_1681 : i32
        %get3A_1683 = arith.index_cast %add3A_1682 : i32 to index
        %get3A_1684 = tpu.vector_load %arg16[%get3A_1683] {strides = array<i32>} : memref<41088xf32, #tpu.memory_space<vmem>>, vector<16xf32>,
        %get3A_1685 = arith.index_cast %add3A_1595 : i32 to index
        %get3A_1686 = arith.constant 80 : index
        %get3A_1687 = tpu.vector_load %arg17[%get3A_1685, %get3A_1686] {strides = array<i32>} : memref<128x128xf32, #tpu.memory_space<vmem>>, vector<16xf32>,
        %get3A_1688 = arith.constant 80 : index
        %get3A_1689 = tpu.vector_load %arg15[%get3A_1688] {strides = array<i32>} : memref<128xf32, #tpu.memory_space<vmem>>, vector<16xf32>,
        %mul3A_1690 = vector.broadcast %squeeze3A_1591 : f32 to vector<16xf32>
        %mul3A_1691 = arith.mulf %mul3A_1690, %get3A_1689 : vector<16xf32>
        %add3A_1692 = arith.addf %get3A_1687, %mul3A_1691 : vector<16xf32>
        %max3A_1693 = arith.maximumf %get3A_1684, %add3A_1692 : vector<16xf32>
        %add3A_1694 = arith.constant 80 : i32
        %add3A_1695 = arith.addi %mul3A_1589, %add3A_1694 : i32
        %swap3A_1696 = arith.index_cast %add3A_1695 : i32 to index
        %swap3A_1697 = tpu.vector_load %arg16[%swap3A_1696] {strides = array<i32>} : memref<41088xf32, #tpu.memory_space<vmem>>, vector<16xf32>,
        tpu.vector_store %arg16[%swap3A_1696], %max3A_1693 {strides = array<i32>} : memref<41088xf32, #tpu.memory_space<vmem>>, vector<16xf32>,
        %add3A_1698 = arith.constant 96 : i32
        %add3A_1699 = arith.addi %mul3A_1589, %add3A_1698 : i32
        %get3A_1700 = arith.index_cast %add3A_1699 : i32 to index
        %get3A_1701 = tpu.vector_load %arg16[%get3A_1700] {strides = array<i32>} : memref<41088xf32, #tpu.memory_space<vmem>>, vector<16xf32>,
        %get3A_1702 = arith.index_cast %add3A_1595 : i32 to index
        %get3A_1703 = arith.constant 96 : index
        %get3A_1704 = tpu.vector_load %arg17[%get3A_1702, %get3A_1703] {strides = array<i32>} : memref<128x128xf32, #tpu.memory_space<vmem>>, vector<16xf32>,
        %get3A_1705 = arith.constant 96 : index
        %get3A_1706 = tpu.vector_load %arg15[%get3A_1705] {strides = array<i32>} : memref<128xf32, #tpu.memory_space<vmem>>, vector<16xf32>,
        %mul3A_1707 = vector.broadcast %squeeze3A_1591 : f32 to vector<16xf32>
        %mul3A_1708 = arith.mulf %mul3A_1707, %get3A_1706 : vector<16xf32>
        %add3A_1709 = arith.addf %get3A_1704, %mul3A_1708 : vector<16xf32>
        %max3A_1710 = arith.maximumf %get3A_1701, %add3A_1709 : vector<16xf32>
        %add3A_1711 = arith.constant 96 : i32
        %add3A_1712 = arith.addi %mul3A_1589, %add3A_1711 : i32
        %swap3A_1713 = arith.index_cast %add3A_1712 : i32 to index
        %swap3A_1714 = tpu.vector_load %arg16[%swap3A_1713] {strides = array<i32>} : memref<41088xf32, #tpu.memory_space<vmem>>, vector<16xf32>,
        tpu.vector_store %arg16[%swap3A_1713], %max3A_1710 {strides = array<i32>} : memref<41088xf32, #tpu.memory_space<vmem>>, vector<16xf32>,
        %add3A_1715 = arith.constant 112 : i32
        %add3A_1716 = arith.addi %mul3A_1589, %add3A_1715 : i32
        %get3A_1717 = arith.index_cast %add3A_1716 : i32 to index
        %get3A_1718 = tpu.vector_load %arg16[%get3A_1717] {strides = array<i32>} : memref<41088xf32, #tpu.memory_space<vmem>>, vector<16xf32>,
        %get3A_1719 = arith.index_cast %add3A_1595 : i32 to index
        %get3A_1720 = arith.constant 112 : index
        %get3A_1721 = tpu.vector_load %arg17[%get3A_1719, %get3A_1720] {strides = array<i32>} : memref<128x128xf32, #tpu.memory_space<vmem>>, vector<16xf32>,
        %get3A_1722 = arith.constant 112 : index
        %get3A_1723 = tpu.vector_load %arg15[%get3A_1722] {strides = array<i32>} : memref<128xf32, #tpu.memory_space<vmem>>, vector<16xf32>,
        %mul3A_1724 = vector.broadcast %squeeze3A_1591 : f32 to vector<16xf32>
        %mul3A_1725 = arith.mulf %mul3A_1724, %get3A_1723 : vector<16xf32>
        %add3A_1726 = arith.addf %get3A_1721, %mul3A_1725 : vector<16xf32>
        %max3A_1727 = arith.maximumf %get3A_1718, %add3A_1726 : vector<16xf32>
        %add3A_1728 = arith.constant 112 : i32
        %add3A_1729 = arith.addi %mul3A_1589, %add3A_1728 : i32
        %swap3A_1730 = arith.index_cast %add3A_1729 : i32 to index
        %swap3A_1731 = tpu.vector_load %arg16[%swap3A_1730] {strides = array<i32>} : memref<41088xf32, #tpu.memory_space<vmem>>, vector<16xf32>,
        tpu.vector_store %arg16[%swap3A_1730], %max3A_1727 {strides = array<i32>} : memref<41088xf32, #tpu.memory_space<vmem>>, vector<16xf32>,
        %slice3A_1732 = vector.extract_strided_slice %get3A_123 {offsets = [11], sizes = [1], strides = [1]} : vector<16xi32> to vector<1xi32>
        %squeeze3A_1733 = vector.extract %slice3A_1732[0] : i32 from vector<1xi32>
        %mul3A_1734 = arith.constant 128 : i32
        %mul3A_1735 = arith.muli %squeeze3A_1733, %mul3A_1734 : i32
        %slice3A_1736 = vector.extract_strided_slice %get3A_128 {offsets = [11], sizes = [1], strides = [1]} : vector<16xf32> to vector<1xf32>
        %squeeze3A_1737 = vector.extract %slice3A_1736[0] : f32 from vector<1xf32>
        %mul3A_1738 = arith.constant 16 : i32
        %mul3A_1739 = arith.muli %scan3A_118, %mul3A_1738 : i32
        %add3A_1740 = arith.constant 11 : i32
        %add3A_1741 = arith.addi %mul3A_1739, %add3A_1740 : i32
        %add3A_1742 = arith.constant 0 : i32
        %add3A_1743 = arith.addi %mul3A_1735, %add3A_1742 : i32
        %get3A_1744 = arith.index_cast %add3A_1743 : i32 to index
        %get3A_1745 = tpu.vector_load %arg16[%get3A_1744] {strides = array<i32>} : memref<41088xf32, #tpu.memory_space<vmem>>, vector<16xf32>,
        %get3A_1746 = arith.index_cast %add3A_1741 : i32 to index
        %get3A_1747 = arith.constant 0 : index
        %get3A_1748 = tpu.vector_load %arg17[%get3A_1746, %get3A_1747] {strides = array<i32>} : memref<128x128xf32, #tpu.memory_space<vmem>>, vector<16xf32>,
        %get3A_1749 = arith.constant 0 : index
        %get3A_1750 = tpu.vector_load %arg15[%get3A_1749] {strides = array<i32>} : memref<128xf32, #tpu.memory_space<vmem>>, vector<16xf32>,
        %mul3A_1751 = vector.broadcast %squeeze3A_1737 : f32 to vector<16xf32>
        %mul3A_1752 = arith.mulf %mul3A_1751, %get3A_1750 : vector<16xf32>
        %add3A_1753 = arith.addf %get3A_1748, %mul3A_1752 : vector<16xf32>
        %max3A_1754 = arith.maximumf %get3A_1745, %add3A_1753 : vector<16xf32>
        %add3A_1755 = arith.constant 0 : i32
        %add3A_1756 = arith.addi %mul3A_1735, %add3A_1755 : i32
        %swap3A_1757 = arith.index_cast %add3A_1756 : i32 to index
        %swap3A_1758 = tpu.vector_load %arg16[%swap3A_1757] {strides = array<i32>} : memref<41088xf32, #tpu.memory_space<vmem>>, vector<16xf32>,
        tpu.vector_store %arg16[%swap3A_1757], %max3A_1754 {strides = array<i32>} : memref<41088xf32, #tpu.memory_space<vmem>>, vector<16xf32>,
        %add3A_1759 = arith.constant 16 : i32
        %add3A_1760 = arith.addi %mul3A_1735, %add3A_1759 : i32
        %get3A_1761 = arith.index_cast %add3A_1760 : i32 to index
        %get3A_1762 = tpu.vector_load %arg16[%get3A_1761] {strides = array<i32>} : memref<41088xf32, #tpu.memory_space<vmem>>, vector<16xf32>,
        %get3A_1763 = arith.index_cast %add3A_1741 : i32 to index
        %get3A_1764 = arith.constant 16 : index
        %get3A_1765 = tpu.vector_load %arg17[%get3A_1763, %get3A_1764] {strides = array<i32>} : memref<128x128xf32, #tpu.memory_space<vmem>>, vector<16xf32>,
        %get3A_1766 = arith.constant 16 : index
        %get3A_1767 = tpu.vector_load %arg15[%get3A_1766] {strides = array<i32>} : memref<128xf32, #tpu.memory_space<vmem>>, vector<16xf32>,
        %mul3A_1768 = vector.broadcast %squeeze3A_1737 : f32 to vector<16xf32>
        %mul3A_1769 = arith.mulf %mul3A_1768, %get3A_1767 : vector<16xf32>
        %add3A_1770 = arith.addf %get3A_1765, %mul3A_1769 : vector<16xf32>
        %max3A_1771 = arith.maximumf %get3A_1762, %add3A_1770 : vector<16xf32>
        %add3A_1772 = arith.constant 16 : i32
        %add3A_1773 = arith.addi %mul3A_1735, %add3A_1772 : i32
        %swap3A_1774 = arith.index_cast %add3A_1773 : i32 to index
        %swap3A_1775 = tpu.vector_load %arg16[%swap3A_1774] {strides = array<i32>} : memref<41088xf32, #tpu.memory_space<vmem>>, vector<16xf32>,
        tpu.vector_store %arg16[%swap3A_1774], %max3A_1771 {strides = array<i32>} : memref<41088xf32, #tpu.memory_space<vmem>>, vector<16xf32>,
        %add3A_1776 = arith.constant 32 : i32
        %add3A_1777 = arith.addi %mul3A_1735, %add3A_1776 : i32
        %get3A_1778 = arith.index_cast %add3A_1777 : i32 to index
        %get3A_1779 = tpu.vector_load %arg16[%get3A_1778] {strides = array<i32>} : memref<41088xf32, #tpu.memory_space<vmem>>, vector<16xf32>,
        %get3A_1780 = arith.index_cast %add3A_1741 : i32 to index
        %get3A_1781 = arith.constant 32 : index
        %get3A_1782 = tpu.vector_load %arg17[%get3A_1780, %get3A_1781] {strides = array<i32>} : memref<128x128xf32, #tpu.memory_space<vmem>>, vector<16xf32>,
        %get3A_1783 = arith.constant 32 : index
        %get3A_1784 = tpu.vector_load %arg15[%get3A_1783] {strides = array<i32>} : memref<128xf32, #tpu.memory_space<vmem>>, vector<16xf32>,
        %mul3A_1785 = vector.broadcast %squeeze3A_1737 : f32 to vector<16xf32>
        %mul3A_1786 = arith.mulf %mul3A_1785, %get3A_1784 : vector<16xf32>
        %add3A_1787 = arith.addf %get3A_1782, %mul3A_1786 : vector<16xf32>
        %max3A_1788 = arith.maximumf %get3A_1779, %add3A_1787 : vector<16xf32>
        %add3A_1789 = arith.constant 32 : i32
        %add3A_1790 = arith.addi %mul3A_1735, %add3A_1789 : i32
        %swap3A_1791 = arith.index_cast %add3A_1790 : i32 to index
        %swap3A_1792 = tpu.vector_load %arg16[%swap3A_1791] {strides = array<i32>} : memref<41088xf32, #tpu.memory_space<vmem>>, vector<16xf32>,
        tpu.vector_store %arg16[%swap3A_1791], %max3A_1788 {strides = array<i32>} : memref<41088xf32, #tpu.memory_space<vmem>>, vector<16xf32>,
        %add3A_1793 = arith.constant 48 : i32
        %add3A_1794 = arith.addi %mul3A_1735, %add3A_1793 : i32
        %get3A_1795 = arith.index_cast %add3A_1794 : i32 to index
        %get3A_1796 = tpu.vector_load %arg16[%get3A_1795] {strides = array<i32>} : memref<41088xf32, #tpu.memory_space<vmem>>, vector<16xf32>,
        %get3A_1797 = arith.index_cast %add3A_1741 : i32 to index
        %get3A_1798 = arith.constant 48 : index
        %get3A_1799 = tpu.vector_load %arg17[%get3A_1797, %get3A_1798] {strides = array<i32>} : memref<128x128xf32, #tpu.memory_space<vmem>>, vector<16xf32>,
        %get3A_1800 = arith.constant 48 : index
        %get3A_1801 = tpu.vector_load %arg15[%get3A_1800] {strides = array<i32>} : memref<128xf32, #tpu.memory_space<vmem>>, vector<16xf32>,
        %mul3A_1802 = vector.broadcast %squeeze3A_1737 : f32 to vector<16xf32>
        %mul3A_1803 = arith.mulf %mul3A_1802, %get3A_1801 : vector<16xf32>
        %add3A_1804 = arith.addf %get3A_1799, %mul3A_1803 : vector<16xf32>
        %max3A_1805 = arith.maximumf %get3A_1796, %add3A_1804 : vector<16xf32>
        %add3A_1806 = arith.constant 48 : i32
        %add3A_1807 = arith.addi %mul3A_1735, %add3A_1806 : i32
        %swap3A_1808 = arith.index_cast %add3A_1807 : i32 to index
        %swap3A_1809 = tpu.vector_load %arg16[%swap3A_1808] {strides = array<i32>} : memref<41088xf32, #tpu.memory_space<vmem>>, vector<16xf32>,
        tpu.vector_store %arg16[%swap3A_1808], %max3A_1805 {strides = array<i32>} : memref<41088xf32, #tpu.memory_space<vmem>>, vector<16xf32>,
        %add3A_1810 = arith.constant 64 : i32
        %add3A_1811 = arith.addi %mul3A_1735, %add3A_1810 : i32
        %get3A_1812 = arith.index_cast %add3A_1811 : i32 to index
        %get3A_1813 = tpu.vector_load %arg16[%get3A_1812] {strides = array<i32>} : memref<41088xf32, #tpu.memory_space<vmem>>, vector<16xf32>,
        %get3A_1814 = arith.index_cast %add3A_1741 : i32 to index
        %get3A_1815 = arith.constant 64 : index
        %get3A_1816 = tpu.vector_load %arg17[%get3A_1814, %get3A_1815] {strides = array<i32>} : memref<128x128xf32, #tpu.memory_space<vmem>>, vector<16xf32>,
        %get3A_1817 = arith.constant 64 : index
        %get3A_1818 = tpu.vector_load %arg15[%get3A_1817] {strides = array<i32>} : memref<128xf32, #tpu.memory_space<vmem>>, vector<16xf32>,
        %mul3A_1819 = vector.broadcast %squeeze3A_1737 : f32 to vector<16xf32>
        %mul3A_1820 = arith.mulf %mul3A_1819, %get3A_1818 : vector<16xf32>
        %add3A_1821 = arith.addf %get3A_1816, %mul3A_1820 : vector<16xf32>
        %max3A_1822 = arith.maximumf %get3A_1813, %add3A_1821 : vector<16xf32>
        %add3A_1823 = arith.constant 64 : i32
        %add3A_1824 = arith.addi %mul3A_1735, %add3A_1823 : i32
        %swap3A_1825 = arith.index_cast %add3A_1824 : i32 to index
        %swap3A_1826 = tpu.vector_load %arg16[%swap3A_1825] {strides = array<i32>} : memref<41088xf32, #tpu.memory_space<vmem>>, vector<16xf32>,
        tpu.vector_store %arg16[%swap3A_1825], %max3A_1822 {strides = array<i32>} : memref<41088xf32, #tpu.memory_space<vmem>>, vector<16xf32>,
        %add3A_1827 = arith.constant 80 : i32
        %add3A_1828 = arith.addi %mul3A_1735, %add3A_1827 : i32
        %get3A_1829 = arith.index_cast %add3A_1828 : i32 to index
        %get3A_1830 = tpu.vector_load %arg16[%get3A_1829] {strides = array<i32>} : memref<41088xf32, #tpu.memory_space<vmem>>, vector<16xf32>,
        %get3A_1831 = arith.index_cast %add3A_1741 : i32 to index
        %get3A_1832 = arith.constant 80 : index
        %get3A_1833 = tpu.vector_load %arg17[%get3A_1831, %get3A_1832] {strides = array<i32>} : memref<128x128xf32, #tpu.memory_space<vmem>>, vector<16xf32>,
        %get3A_1834 = arith.constant 80 : index
        %get3A_1835 = tpu.vector_load %arg15[%get3A_1834] {strides = array<i32>} : memref<128xf32, #tpu.memory_space<vmem>>, vector<16xf32>,
        %mul3A_1836 = vector.broadcast %squeeze3A_1737 : f32 to vector<16xf32>
        %mul3A_1837 = arith.mulf %mul3A_1836, %get3A_1835 : vector<16xf32>
        %add3A_1838 = arith.addf %get3A_1833, %mul3A_1837 : vector<16xf32>
        %max3A_1839 = arith.maximumf %get3A_1830, %add3A_1838 : vector<16xf32>
        %add3A_1840 = arith.constant 80 : i32
        %add3A_1841 = arith.addi %mul3A_1735, %add3A_1840 : i32
        %swap3A_1842 = arith.index_cast %add3A_1841 : i32 to index
        %swap3A_1843 = tpu.vector_load %arg16[%swap3A_1842] {strides = array<i32>} : memref<41088xf32, #tpu.memory_space<vmem>>, vector<16xf32>,
        tpu.vector_store %arg16[%swap3A_1842], %max3A_1839 {strides = array<i32>} : memref<41088xf32, #tpu.memory_space<vmem>>, vector<16xf32>,
        %add3A_1844 = arith.constant 96 : i32
        %add3A_1845 = arith.addi %mul3A_1735, %add3A_1844 : i32
        %get3A_1846 = arith.index_cast %add3A_1845 : i32 to index
        %get3A_1847 = tpu.vector_load %arg16[%get3A_1846] {strides = array<i32>} : memref<41088xf32, #tpu.memory_space<vmem>>, vector<16xf32>,
        %get3A_1848 = arith.index_cast %add3A_1741 : i32 to index
        %get3A_1849 = arith.constant 96 : index
        %get3A_1850 = tpu.vector_load %arg17[%get3A_1848, %get3A_1849] {strides = array<i32>} : memref<128x128xf32, #tpu.memory_space<vmem>>, vector<16xf32>,
        %get3A_1851 = arith.constant 96 : index
        %get3A_1852 = tpu.vector_load %arg15[%get3A_1851] {strides = array<i32>} : memref<128xf32, #tpu.memory_space<vmem>>, vector<16xf32>,
        %mul3A_1853 = vector.broadcast %squeeze3A_1737 : f32 to vector<16xf32>
        %mul3A_1854 = arith.mulf %mul3A_1853, %get3A_1852 : vector<16xf32>
        %add3A_1855 = arith.addf %get3A_1850, %mul3A_1854 : vector<16xf32>
        %max3A_1856 = arith.maximumf %get3A_1847, %add3A_1855 : vector<16xf32>
        %add3A_1857 = arith.constant 96 : i32
        %add3A_1858 = arith.addi %mul3A_1735, %add3A_1857 : i32
        %swap3A_1859 = arith.index_cast %add3A_1858 : i32 to index
        %swap3A_1860 = tpu.vector_load %arg16[%swap3A_1859] {strides = array<i32>} : memref<41088xf32, #tpu.memory_space<vmem>>, vector<16xf32>,
        tpu.vector_store %arg16[%swap3A_1859], %max3A_1856 {strides = array<i32>} : memref<41088xf32, #tpu.memory_space<vmem>>, vector<16xf32>,
        %add3A_1861 = arith.constant 112 : i32
        %add3A_1862 = arith.addi %mul3A_1735, %add3A_1861 : i32
        %get3A_1863 = arith.index_cast %add3A_1862 : i32 to index
        %get3A_1864 = tpu.vector_load %arg16[%get3A_1863] {strides = array<i32>} : memref<41088xf32, #tpu.memory_space<vmem>>, vector<16xf32>,
        %get3A_1865 = arith.index_cast %add3A_1741 : i32 to index
        %get3A_1866 = arith.constant 112 : index
        %get3A_1867 = tpu.vector_load %arg17[%get3A_1865, %get3A_1866] {strides = array<i32>} : memref<128x128xf32, #tpu.memory_space<vmem>>, vector<16xf32>,
        %get3A_1868 = arith.constant 112 : index
        %get3A_1869 = tpu.vector_load %arg15[%get3A_1868] {strides = array<i32>} : memref<128xf32, #tpu.memory_space<vmem>>, vector<16xf32>,
        %mul3A_1870 = vector.broadcast %squeeze3A_1737 : f32 to vector<16xf32>
        %mul3A_1871 = arith.mulf %mul3A_1870, %get3A_1869 : vector<16xf32>
        %add3A_1872 = arith.addf %get3A_1867, %mul3A_1871 : vector<16xf32>
        %max3A_1873 = arith.maximumf %get3A_1864, %add3A_1872 : vector<16xf32>
        %add3A_1874 = arith.constant 112 : i32
        %add3A_1875 = arith.addi %mul3A_1735, %add3A_1874 : i32
        %swap3A_1876 = arith.index_cast %add3A_1875 : i32 to index
        %swap3A_1877 = tpu.vector_load %arg16[%swap3A_1876] {strides = array<i32>} : memref<41088xf32, #tpu.memory_space<vmem>>, vector<16xf32>,
        tpu.vector_store %arg16[%swap3A_1876], %max3A_1873 {strides = array<i32>} : memref<41088xf32, #tpu.memory_space<vmem>>, vector<16xf32>,
        %slice3A_1878 = vector.extract_strided_slice %get3A_123 {offsets = [12], sizes = [1], strides = [1]} : vector<16xi32> to vector<1xi32>
        %squeeze3A_1879 = vector.extract %slice3A_1878[0] : i32 from vector<1xi32>
        %mul3A_1880 = arith.constant 128 : i32
        %mul3A_1881 = arith.muli %squeeze3A_1879, %mul3A_1880 : i32
        %slice3A_1882 = vector.extract_strided_slice %get3A_128 {offsets = [12], sizes = [1], strides = [1]} : vector<16xf32> to vector<1xf32>
        %squeeze3A_1883 = vector.extract %slice3A_1882[0] : f32 from vector<1xf32>
        %mul3A_1884 = arith.constant 16 : i32
        %mul3A_1885 = arith.muli %scan3A_118, %mul3A_1884 : i32
        %add3A_1886 = arith.constant 12 : i32
        %add3A_1887 = arith.addi %mul3A_1885, %add3A_1886 : i32
        %add3A_1888 = arith.constant 0 : i32
        %add3A_1889 = arith.addi %mul3A_1881, %add3A_1888 : i32
        %get3A_1890 = arith.index_cast %add3A_1889 : i32 to index
        %get3A_1891 = tpu.vector_load %arg16[%get3A_1890] {strides = array<i32>} : memref<41088xf32, #tpu.memory_space<vmem>>, vector<16xf32>,
        %get3A_1892 = arith.index_cast %add3A_1887 : i32 to index
        %get3A_1893 = arith.constant 0 : index
        %get3A_1894 = tpu.vector_load %arg17[%get3A_1892, %get3A_1893] {strides = array<i32>} : memref<128x128xf32, #tpu.memory_space<vmem>>, vector<16xf32>,
        %get3A_1895 = arith.constant 0 : index
        %get3A_1896 = tpu.vector_load %arg15[%get3A_1895] {strides = array<i32>} : memref<128xf32, #tpu.memory_space<vmem>>, vector<16xf32>,
        %mul3A_1897 = vector.broadcast %squeeze3A_1883 : f32 to vector<16xf32>
        %mul3A_1898 = arith.mulf %mul3A_1897, %get3A_1896 : vector<16xf32>
        %add3A_1899 = arith.addf %get3A_1894, %mul3A_1898 : vector<16xf32>
        %max3A_1900 = arith.maximumf %get3A_1891, %add3A_1899 : vector<16xf32>
        %add3A_1901 = arith.constant 0 : i32
        %add3A_1902 = arith.addi %mul3A_1881, %add3A_1901 : i32
        %swap3A_1903 = arith.index_cast %add3A_1902 : i32 to index
        %swap3A_1904 = tpu.vector_load %arg16[%swap3A_1903] {strides = array<i32>} : memref<41088xf32, #tpu.memory_space<vmem>>, vector<16xf32>,
        tpu.vector_store %arg16[%swap3A_1903], %max3A_1900 {strides = array<i32>} : memref<41088xf32, #tpu.memory_space<vmem>>, vector<16xf32>,
        %add3A_1905 = arith.constant 16 : i32
        %add3A_1906 = arith.addi %mul3A_1881, %add3A_1905 : i32
        %get3A_1907 = arith.index_cast %add3A_1906 : i32 to index
        %get3A_1908 = tpu.vector_load %arg16[%get3A_1907] {strides = array<i32>} : memref<41088xf32, #tpu.memory_space<vmem>>, vector<16xf32>,
        %get3A_1909 = arith.index_cast %add3A_1887 : i32 to index
        %get3A_1910 = arith.constant 16 : index
        %get3A_1911 = tpu.vector_load %arg17[%get3A_1909, %get3A_1910] {strides = array<i32>} : memref<128x128xf32, #tpu.memory_space<vmem>>, vector<16xf32>,
        %get3A_1912 = arith.constant 16 : index
        %get3A_1913 = tpu.vector_load %arg15[%get3A_1912] {strides = array<i32>} : memref<128xf32, #tpu.memory_space<vmem>>, vector<16xf32>,
        %mul3A_1914 = vector.broadcast %squeeze3A_1883 : f32 to vector<16xf32>
        %mul3A_1915 = arith.mulf %mul3A_1914, %get3A_1913 : vector<16xf32>
        %add3A_1916 = arith.addf %get3A_1911, %mul3A_1915 : vector<16xf32>
        %max3A_1917 = arith.maximumf %get3A_1908, %add3A_1916 : vector<16xf32>
        %add3A_1918 = arith.constant 16 : i32
        %add3A_1919 = arith.addi %mul3A_1881, %add3A_1918 : i32
        %swap3A_1920 = arith.index_cast %add3A_1919 : i32 to index
        %swap3A_1921 = tpu.vector_load %arg16[%swap3A_1920] {strides = array<i32>} : memref<41088xf32, #tpu.memory_space<vmem>>, vector<16xf32>,
        tpu.vector_store %arg16[%swap3A_1920], %max3A_1917 {strides = array<i32>} : memref<41088xf32, #tpu.memory_space<vmem>>, vector<16xf32>,
        %add3A_1922 = arith.constant 32 : i32
        %add3A_1923 = arith.addi %mul3A_1881, %add3A_1922 : i32
        %get3A_1924 = arith.index_cast %add3A_1923 : i32 to index
        %get3A_1925 = tpu.vector_load %arg16[%get3A_1924] {strides = array<i32>} : memref<41088xf32, #tpu.memory_space<vmem>>, vector<16xf32>,
        %get3A_1926 = arith.index_cast %add3A_1887 : i32 to index
        %get3A_1927 = arith.constant 32 : index
        %get3A_1928 = tpu.vector_load %arg17[%get3A_1926, %get3A_1927] {strides = array<i32>} : memref<128x128xf32, #tpu.memory_space<vmem>>, vector<16xf32>,
        %get3A_1929 = arith.constant 32 : index
        %get3A_1930 = tpu.vector_load %arg15[%get3A_1929] {strides = array<i32>} : memref<128xf32, #tpu.memory_space<vmem>>, vector<16xf32>,
        %mul3A_1931 = vector.broadcast %squeeze3A_1883 : f32 to vector<16xf32>
        %mul3A_1932 = arith.mulf %mul3A_1931, %get3A_1930 : vector<16xf32>
        %add3A_1933 = arith.addf %get3A_1928, %mul3A_1932 : vector<16xf32>
        %max3A_1934 = arith.maximumf %get3A_1925, %add3A_1933 : vector<16xf32>
        %add3A_1935 = arith.constant 32 : i32
        %add3A_1936 = arith.addi %mul3A_1881, %add3A_1935 : i32
        %swap3A_1937 = arith.index_cast %add3A_1936 : i32 to index
        %swap3A_1938 = tpu.vector_load %arg16[%swap3A_1937] {strides = array<i32>} : memref<41088xf32, #tpu.memory_space<vmem>>, vector<16xf32>,
        tpu.vector_store %arg16[%swap3A_1937], %max3A_1934 {strides = array<i32>} : memref<41088xf32, #tpu.memory_space<vmem>>, vector<16xf32>,
        %add3A_1939 = arith.constant 48 : i32
        %add3A_1940 = arith.addi %mul3A_1881, %add3A_1939 : i32
        %get3A_1941 = arith.index_cast %add3A_1940 : i32 to index
        %get3A_1942 = tpu.vector_load %arg16[%get3A_1941] {strides = array<i32>} : memref<41088xf32, #tpu.memory_space<vmem>>, vector<16xf32>,
        %get3A_1943 = arith.index_cast %add3A_1887 : i32 to index
        %get3A_1944 = arith.constant 48 : index
        %get3A_1945 = tpu.vector_load %arg17[%get3A_1943, %get3A_1944] {strides = array<i32>} : memref<128x128xf32, #tpu.memory_space<vmem>>, vector<16xf32>,
        %get3A_1946 = arith.constant 48 : index
        %get3A_1947 = tpu.vector_load %arg15[%get3A_1946] {strides = array<i32>} : memref<128xf32, #tpu.memory_space<vmem>>, vector<16xf32>,
        %mul3A_1948 = vector.broadcast %squeeze3A_1883 : f32 to vector<16xf32>
        %mul3A_1949 = arith.mulf %mul3A_1948, %get3A_1947 : vector<16xf32>
        %add3A_1950 = arith.addf %get3A_1945, %mul3A_1949 : vector<16xf32>
        %max3A_1951 = arith.maximumf %get3A_1942, %add3A_1950 : vector<16xf32>
        %add3A_1952 = arith.constant 48 : i32
        %add3A_1953 = arith.addi %mul3A_1881, %add3A_1952 : i32
        %swap3A_1954 = arith.index_cast %add3A_1953 : i32 to index
        %swap3A_1955 = tpu.vector_load %arg16[%swap3A_1954] {strides = array<i32>} : memref<41088xf32, #tpu.memory_space<vmem>>, vector<16xf32>,
        tpu.vector_store %arg16[%swap3A_1954], %max3A_1951 {strides = array<i32>} : memref<41088xf32, #tpu.memory_space<vmem>>, vector<16xf32>,
        %add3A_1956 = arith.constant 64 : i32
        %add3A_1957 = arith.addi %mul3A_1881, %add3A_1956 : i32
        %get3A_1958 = arith.index_cast %add3A_1957 : i32 to index
        %get3A_1959 = tpu.vector_load %arg16[%get3A_1958] {strides = array<i32>} : memref<41088xf32, #tpu.memory_space<vmem>>, vector<16xf32>,
        %get3A_1960 = arith.index_cast %add3A_1887 : i32 to index
        %get3A_1961 = arith.constant 64 : index
        %get3A_1962 = tpu.vector_load %arg17[%get3A_1960, %get3A_1961] {strides = array<i32>} : memref<128x128xf32, #tpu.memory_space<vmem>>, vector<16xf32>,
        %get3A_1963 = arith.constant 64 : index
        %get3A_1964 = tpu.vector_load %arg15[%get3A_1963] {strides = array<i32>} : memref<128xf32, #tpu.memory_space<vmem>>, vector<16xf32>,
        %mul3A_1965 = vector.broadcast %squeeze3A_1883 : f32 to vector<16xf32>
        %mul3A_1966 = arith.mulf %mul3A_1965, %get3A_1964 : vector<16xf32>
        %add3A_1967 = arith.addf %get3A_1962, %mul3A_1966 : vector<16xf32>
        %max3A_1968 = arith.maximumf %get3A_1959, %add3A_1967 : vector<16xf32>
        %add3A_1969 = arith.constant 64 : i32
        %add3A_1970 = arith.addi %mul3A_1881, %add3A_1969 : i32
        %swap3A_1971 = arith.index_cast %add3A_1970 : i32 to index
        %swap3A_1972 = tpu.vector_load %arg16[%swap3A_1971] {strides = array<i32>} : memref<41088xf32, #tpu.memory_space<vmem>>, vector<16xf32>,
        tpu.vector_store %arg16[%swap3A_1971], %max3A_1968 {strides = array<i32>} : memref<41088xf32, #tpu.memory_space<vmem>>, vector<16xf32>,
        %add3A_1973 = arith.constant 80 : i32
        %add3A_1974 = arith.addi %mul3A_1881, %add3A_1973 : i32
        %get3A_1975 = arith.index_cast %add3A_1974 : i32 to index
        %get3A_1976 = tpu.vector_load %arg16[%get3A_1975] {strides = array<i32>} : memref<41088xf32, #tpu.memory_space<vmem>>, vector<16xf32>,
        %get3A_1977 = arith.index_cast %add3A_1887 : i32 to index
        %get3A_1978 = arith.constant 80 : index
        %get3A_1979 = tpu.vector_load %arg17[%get3A_1977, %get3A_1978] {strides = array<i32>} : memref<128x128xf32, #tpu.memory_space<vmem>>, vector<16xf32>,
        %get3A_1980 = arith.constant 80 : index
        %get3A_1981 = tpu.vector_load %arg15[%get3A_1980] {strides = array<i32>} : memref<128xf32, #tpu.memory_space<vmem>>, vector<16xf32>,
        %mul3A_1982 = vector.broadcast %squeeze3A_1883 : f32 to vector<16xf32>
        %mul3A_1983 = arith.mulf %mul3A_1982, %get3A_1981 : vector<16xf32>
        %add3A_1984 = arith.addf %get3A_1979, %mul3A_1983 : vector<16xf32>
        %max3A_1985 = arith.maximumf %get3A_1976, %add3A_1984 : vector<16xf32>
        %add3A_1986 = arith.constant 80 : i32
        %add3A_1987 = arith.addi %mul3A_1881, %add3A_1986 : i32
        %swap3A_1988 = arith.index_cast %add3A_1987 : i32 to index
        %swap3A_1989 = tpu.vector_load %arg16[%swap3A_1988] {strides = array<i32>} : memref<41088xf32, #tpu.memory_space<vmem>>, vector<16xf32>,
        tpu.vector_store %arg16[%swap3A_1988], %max3A_1985 {strides = array<i32>} : memref<41088xf32, #tpu.memory_space<vmem>>, vector<16xf32>,
        %add3A_1990 = arith.constant 96 : i32
        %add3A_1991 = arith.addi %mul3A_1881, %add3A_1990 : i32
        %get3A_1992 = arith.index_cast %add3A_1991 : i32 to index
        %get3A_1993 = tpu.vector_load %arg16[%get3A_1992] {strides = array<i32>} : memref<41088xf32, #tpu.memory_space<vmem>>, vector<16xf32>,
        %get3A_1994 = arith.index_cast %add3A_1887 : i32 to index
        %get3A_1995 = arith.constant 96 : index
        %get3A_1996 = tpu.vector_load %arg17[%get3A_1994, %get3A_1995] {strides = array<i32>} : memref<128x128xf32, #tpu.memory_space<vmem>>, vector<16xf32>,
        %get3A_1997 = arith.constant 96 : index
        %get3A_1998 = tpu.vector_load %arg15[%get3A_1997] {strides = array<i32>} : memref<128xf32, #tpu.memory_space<vmem>>, vector<16xf32>,
        %mul3A_1999 = vector.broadcast %squeeze3A_1883 : f32 to vector<16xf32>
        %mul3A_2000 = arith.mulf %mul3A_1999, %get3A_1998 : vector<16xf32>
        %add3A_2001 = arith.addf %get3A_1996, %mul3A_2000 : vector<16xf32>
        %max3A_2002 = arith.maximumf %get3A_1993, %add3A_2001 : vector<16xf32>
        %add3A_2003 = arith.constant 96 : i32
        %add3A_2004 = arith.addi %mul3A_1881, %add3A_2003 : i32
        %swap3A_2005 = arith.index_cast %add3A_2004 : i32 to index
        %swap3A_2006 = tpu.vector_load %arg16[%swap3A_2005] {strides = array<i32>} : memref<41088xf32, #tpu.memory_space<vmem>>, vector<16xf32>,
        tpu.vector_store %arg16[%swap3A_2005], %max3A_2002 {strides = array<i32>} : memref<41088xf32, #tpu.memory_space<vmem>>, vector<16xf32>,
        %add3A_2007 = arith.constant 112 : i32
        %add3A_2008 = arith.addi %mul3A_1881, %add3A_2007 : i32
        %get3A_2009 = arith.index_cast %add3A_2008 : i32 to index
        %get3A_2010 = tpu.vector_load %arg16[%get3A_2009] {strides = array<i32>} : memref<41088xf32, #tpu.memory_space<vmem>>, vector<16xf32>,
        %get3A_2011 = arith.index_cast %add3A_1887 : i32 to index
        %get3A_2012 = arith.constant 112 : index
        %get3A_2013 = tpu.vector_load %arg17[%get3A_2011, %get3A_2012] {strides = array<i32>} : memref<128x128xf32, #tpu.memory_space<vmem>>, vector<16xf32>,
        %get3A_2014 = arith.constant 112 : index
        %get3A_2015 = tpu.vector_load %arg15[%get3A_2014] {strides = array<i32>} : memref<128xf32, #tpu.memory_space<vmem>>, vector<16xf32>,
        %mul3A_2016 = vector.broadcast %squeeze3A_1883 : f32 to vector<16xf32>
        %mul3A_2017 = arith.mulf %mul3A_2016, %get3A_2015 : vector<16xf32>
        %add3A_2018 = arith.addf %get3A_2013, %mul3A_2017 : vector<16xf32>
        %max3A_2019 = arith.maximumf %get3A_2010, %add3A_2018 : vector<16xf32>
        %add3A_2020 = arith.constant 112 : i32
        %add3A_2021 = arith.addi %mul3A_1881, %add3A_2020 : i32
        %swap3A_2022 = arith.index_cast %add3A_2021 : i32 to index
        %swap3A_2023 = tpu.vector_load %arg16[%swap3A_2022] {strides = array<i32>} : memref<41088xf32, #tpu.memory_space<vmem>>, vector<16xf32>,
        tpu.vector_store %arg16[%swap3A_2022], %max3A_2019 {strides = array<i32>} : memref<41088xf32, #tpu.memory_space<vmem>>, vector<16xf32>,
        %slice3A_2024 = vector.extract_strided_slice %get3A_123 {offsets = [13], sizes = [1], strides = [1]} : vector<16xi32> to vector<1xi32>
        %squeeze3A_2025 = vector.extract %slice3A_2024[0] : i32 from vector<1xi32>
        %mul3A_2026 = arith.constant 128 : i32
        %mul3A_2027 = arith.muli %squeeze3A_2025, %mul3A_2026 : i32
        %slice3A_2028 = vector.extract_strided_slice %get3A_128 {offsets = [13], sizes = [1], strides = [1]} : vector<16xf32> to vector<1xf32>
        %squeeze3A_2029 = vector.extract %slice3A_2028[0] : f32 from vector<1xf32>
        %mul3A_2030 = arith.constant 16 : i32
        %mul3A_2031 = arith.muli %scan3A_118, %mul3A_2030 : i32
        %add3A_2032 = arith.constant 13 : i32
        %add3A_2033 = arith.addi %mul3A_2031, %add3A_2032 : i32
        %add3A_2034 = arith.constant 0 : i32
        %add3A_2035 = arith.addi %mul3A_2027, %add3A_2034 : i32
        %get3A_2036 = arith.index_cast %add3A_2035 : i32 to index
        %get3A_2037 = tpu.vector_load %arg16[%get3A_2036] {strides = array<i32>} : memref<41088xf32, #tpu.memory_space<vmem>>, vector<16xf32>,
        %get3A_2038 = arith.index_cast %add3A_2033 : i32 to index
        %get3A_2039 = arith.constant 0 : index
        %get3A_2040 = tpu.vector_load %arg17[%get3A_2038, %get3A_2039] {strides = array<i32>} : memref<128x128xf32, #tpu.memory_space<vmem>>, vector<16xf32>,
        %get3A_2041 = arith.constant 0 : index
        %get3A_2042 = tpu.vector_load %arg15[%get3A_2041] {strides = array<i32>} : memref<128xf32, #tpu.memory_space<vmem>>, vector<16xf32>,
        %mul3A_2043 = vector.broadcast %squeeze3A_2029 : f32 to vector<16xf32>
        %mul3A_2044 = arith.mulf %mul3A_2043, %get3A_2042 : vector<16xf32>
        %add3A_2045 = arith.addf %get3A_2040, %mul3A_2044 : vector<16xf32>
        %max3A_2046 = arith.maximumf %get3A_2037, %add3A_2045 : vector<16xf32>
        %add3A_2047 = arith.constant 0 : i32
        %add3A_2048 = arith.addi %mul3A_2027, %add3A_2047 : i32
        %swap3A_2049 = arith.index_cast %add3A_2048 : i32 to index
        %swap3A_2050 = tpu.vector_load %arg16[%swap3A_2049] {strides = array<i32>} : memref<41088xf32, #tpu.memory_space<vmem>>, vector<16xf32>,
        tpu.vector_store %arg16[%swap3A_2049], %max3A_2046 {strides = array<i32>} : memref<41088xf32, #tpu.memory_space<vmem>>, vector<16xf32>,
        %add3A_2051 = arith.constant 16 : i32
        %add3A_2052 = arith.addi %mul3A_2027, %add3A_2051 : i32
        %get3A_2053 = arith.index_cast %add3A_2052 : i32 to index
        %get3A_2054 = tpu.vector_load %arg16[%get3A_2053] {strides = array<i32>} : memref<41088xf32, #tpu.memory_space<vmem>>, vector<16xf32>,
        %get3A_2055 = arith.index_cast %add3A_2033 : i32 to index
        %get3A_2056 = arith.constant 16 : index
        %get3A_2057 = tpu.vector_load %arg17[%get3A_2055, %get3A_2056] {strides = array<i32>} : memref<128x128xf32, #tpu.memory_space<vmem>>, vector<16xf32>,
        %get3A_2058 = arith.constant 16 : index
        %get3A_2059 = tpu.vector_load %arg15[%get3A_2058] {strides = array<i32>} : memref<128xf32, #tpu.memory_space<vmem>>, vector<16xf32>,
        %mul3A_2060 = vector.broadcast %squeeze3A_2029 : f32 to vector<16xf32>
        %mul3A_2061 = arith.mulf %mul3A_2060, %get3A_2059 : vector<16xf32>
        %add3A_2062 = arith.addf %get3A_2057, %mul3A_2061 : vector<16xf32>
        %max3A_2063 = arith.maximumf %get3A_2054, %add3A_2062 : vector<16xf32>
        %add3A_2064 = arith.constant 16 : i32
        %add3A_2065 = arith.addi %mul3A_2027, %add3A_2064 : i32
        %swap3A_2066 = arith.index_cast %add3A_2065 : i32 to index
        %swap3A_2067 = tpu.vector_load %arg16[%swap3A_2066] {strides = array<i32>} : memref<41088xf32, #tpu.memory_space<vmem>>, vector<16xf32>,
        tpu.vector_store %arg16[%swap3A_2066], %max3A_2063 {strides = array<i32>} : memref<41088xf32, #tpu.memory_space<vmem>>, vector<16xf32>,
        %add3A_2068 = arith.constant 32 : i32
        %add3A_2069 = arith.addi %mul3A_2027, %add3A_2068 : i32
        %get3A_2070 = arith.index_cast %add3A_2069 : i32 to index
        %get3A_2071 = tpu.vector_load %arg16[%get3A_2070] {strides = array<i32>} : memref<41088xf32, #tpu.memory_space<vmem>>, vector<16xf32>,
        %get3A_2072 = arith.index_cast %add3A_2033 : i32 to index
        %get3A_2073 = arith.constant 32 : index
        %get3A_2074 = tpu.vector_load %arg17[%get3A_2072, %get3A_2073] {strides = array<i32>} : memref<128x128xf32, #tpu.memory_space<vmem>>, vector<16xf32>,
        %get3A_2075 = arith.constant 32 : index
        %get3A_2076 = tpu.vector_load %arg15[%get3A_2075] {strides = array<i32>} : memref<128xf32, #tpu.memory_space<vmem>>, vector<16xf32>,
        %mul3A_2077 = vector.broadcast %squeeze3A_2029 : f32 to vector<16xf32>
        %mul3A_2078 = arith.mulf %mul3A_2077, %get3A_2076 : vector<16xf32>
        %add3A_2079 = arith.addf %get3A_2074, %mul3A_2078 : vector<16xf32>
        %max3A_2080 = arith.maximumf %get3A_2071, %add3A_2079 : vector<16xf32>
        %add3A_2081 = arith.constant 32 : i32
        %add3A_2082 = arith.addi %mul3A_2027, %add3A_2081 : i32
        %swap3A_2083 = arith.index_cast %add3A_2082 : i32 to index
        %swap3A_2084 = tpu.vector_load %arg16[%swap3A_2083] {strides = array<i32>} : memref<41088xf32, #tpu.memory_space<vmem>>, vector<16xf32>,
        tpu.vector_store %arg16[%swap3A_2083], %max3A_2080 {strides = array<i32>} : memref<41088xf32, #tpu.memory_space<vmem>>, vector<16xf32>,
        %add3A_2085 = arith.constant 48 : i32
        %add3A_2086 = arith.addi %mul3A_2027, %add3A_2085 : i32
        %get3A_2087 = arith.index_cast %add3A_2086 : i32 to index
        %get3A_2088 = tpu.vector_load %arg16[%get3A_2087] {strides = array<i32>} : memref<41088xf32, #tpu.memory_space<vmem>>, vector<16xf32>,
        %get3A_2089 = arith.index_cast %add3A_2033 : i32 to index
        %get3A_2090 = arith.constant 48 : index
        %get3A_2091 = tpu.vector_load %arg17[%get3A_2089, %get3A_2090] {strides = array<i32>} : memref<128x128xf32, #tpu.memory_space<vmem>>, vector<16xf32>,
        %get3A_2092 = arith.constant 48 : index
        %get3A_2093 = tpu.vector_load %arg15[%get3A_2092] {strides = array<i32>} : memref<128xf32, #tpu.memory_space<vmem>>, vector<16xf32>,
        %mul3A_2094 = vector.broadcast %squeeze3A_2029 : f32 to vector<16xf32>
        %mul3A_2095 = arith.mulf %mul3A_2094, %get3A_2093 : vector<16xf32>
        %add3A_2096 = arith.addf %get3A_2091, %mul3A_2095 : vector<16xf32>
        %max3A_2097 = arith.maximumf %get3A_2088, %add3A_2096 : vector<16xf32>
        %add3A_2098 = arith.constant 48 : i32
        %add3A_2099 = arith.addi %mul3A_2027, %add3A_2098 : i32
        %swap3A_2100 = arith.index_cast %add3A_2099 : i32 to index
        %swap3A_2101 = tpu.vector_load %arg16[%swap3A_2100] {strides = array<i32>} : memref<41088xf32, #tpu.memory_space<vmem>>, vector<16xf32>,
        tpu.vector_store %arg16[%swap3A_2100], %max3A_2097 {strides = array<i32>} : memref<41088xf32, #tpu.memory_space<vmem>>, vector<16xf32>,
        %add3A_2102 = arith.constant 64 : i32
        %add3A_2103 = arith.addi %mul3A_2027, %add3A_2102 : i32
        %get3A_2104 = arith.index_cast %add3A_2103 : i32 to index
        %get3A_2105 = tpu.vector_load %arg16[%get3A_2104] {strides = array<i32>} : memref<41088xf32, #tpu.memory_space<vmem>>, vector<16xf32>,
        %get3A_2106 = arith.index_cast %add3A_2033 : i32 to index
        %get3A_2107 = arith.constant 64 : index
        %get3A_2108 = tpu.vector_load %arg17[%get3A_2106, %get3A_2107] {strides = array<i32>} : memref<128x128xf32, #tpu.memory_space<vmem>>, vector<16xf32>,
        %get3A_2109 = arith.constant 64 : index
        %get3A_2110 = tpu.vector_load %arg15[%get3A_2109] {strides = array<i32>} : memref<128xf32, #tpu.memory_space<vmem>>, vector<16xf32>,
        %mul3A_2111 = vector.broadcast %squeeze3A_2029 : f32 to vector<16xf32>
        %mul3A_2112 = arith.mulf %mul3A_2111, %get3A_2110 : vector<16xf32>
        %add3A_2113 = arith.addf %get3A_2108, %mul3A_2112 : vector<16xf32>
        %max3A_2114 = arith.maximumf %get3A_2105, %add3A_2113 : vector<16xf32>
        %add3A_2115 = arith.constant 64 : i32
        %add3A_2116 = arith.addi %mul3A_2027, %add3A_2115 : i32
        %swap3A_2117 = arith.index_cast %add3A_2116 : i32 to index
        %swap3A_2118 = tpu.vector_load %arg16[%swap3A_2117] {strides = array<i32>} : memref<41088xf32, #tpu.memory_space<vmem>>, vector<16xf32>,
        tpu.vector_store %arg16[%swap3A_2117], %max3A_2114 {strides = array<i32>} : memref<41088xf32, #tpu.memory_space<vmem>>, vector<16xf32>,
        %add3A_2119 = arith.constant 80 : i32
        %add3A_2120 = arith.addi %mul3A_2027, %add3A_2119 : i32
        %get3A_2121 = arith.index_cast %add3A_2120 : i32 to index
        %get3A_2122 = tpu.vector_load %arg16[%get3A_2121] {strides = array<i32>} : memref<41088xf32, #tpu.memory_space<vmem>>, vector<16xf32>,
        %get3A_2123 = arith.index_cast %add3A_2033 : i32 to index
        %get3A_2124 = arith.constant 80 : index
        %get3A_2125 = tpu.vector_load %arg17[%get3A_2123, %get3A_2124] {strides = array<i32>} : memref<128x128xf32, #tpu.memory_space<vmem>>, vector<16xf32>,
        %get3A_2126 = arith.constant 80 : index
        %get3A_2127 = tpu.vector_load %arg15[%get3A_2126] {strides = array<i32>} : memref<128xf32, #tpu.memory_space<vmem>>, vector<16xf32>,
        %mul3A_2128 = vector.broadcast %squeeze3A_2029 : f32 to vector<16xf32>
        %mul3A_2129 = arith.mulf %mul3A_2128, %get3A_2127 : vector<16xf32>
        %add3A_2130 = arith.addf %get3A_2125, %mul3A_2129 : vector<16xf32>
        %max3A_2131 = arith.maximumf %get3A_2122, %add3A_2130 : vector<16xf32>
        %add3A_2132 = arith.constant 80 : i32
        %add3A_2133 = arith.addi %mul3A_2027, %add3A_2132 : i32
        %swap3A_2134 = arith.index_cast %add3A_2133 : i32 to index
        %swap3A_2135 = tpu.vector_load %arg16[%swap3A_2134] {strides = array<i32>} : memref<41088xf32, #tpu.memory_space<vmem>>, vector<16xf32>,
        tpu.vector_store %arg16[%swap3A_2134], %max3A_2131 {strides = array<i32>} : memref<41088xf32, #tpu.memory_space<vmem>>, vector<16xf32>,
        %add3A_2136 = arith.constant 96 : i32
        %add3A_2137 = arith.addi %mul3A_2027, %add3A_2136 : i32
        %get3A_2138 = arith.index_cast %add3A_2137 : i32 to index
        %get3A_2139 = tpu.vector_load %arg16[%get3A_2138] {strides = array<i32>} : memref<41088xf32, #tpu.memory_space<vmem>>, vector<16xf32>,
        %get3A_2140 = arith.index_cast %add3A_2033 : i32 to index
        %get3A_2141 = arith.constant 96 : index
        %get3A_2142 = tpu.vector_load %arg17[%get3A_2140, %get3A_2141] {strides = array<i32>} : memref<128x128xf32, #tpu.memory_space<vmem>>, vector<16xf32>,
        %get3A_2143 = arith.constant 96 : index
        %get3A_2144 = tpu.vector_load %arg15[%get3A_2143] {strides = array<i32>} : memref<128xf32, #tpu.memory_space<vmem>>, vector<16xf32>,
        %mul3A_2145 = vector.broadcast %squeeze3A_2029 : f32 to vector<16xf32>
        %mul3A_2146 = arith.mulf %mul3A_2145, %get3A_2144 : vector<16xf32>
        %add3A_2147 = arith.addf %get3A_2142, %mul3A_2146 : vector<16xf32>
        %max3A_2148 = arith.maximumf %get3A_2139, %add3A_2147 : vector<16xf32>
        %add3A_2149 = arith.constant 96 : i32
        %add3A_2150 = arith.addi %mul3A_2027, %add3A_2149 : i32
        %swap3A_2151 = arith.index_cast %add3A_2150 : i32 to index
        %swap3A_2152 = tpu.vector_load %arg16[%swap3A_2151] {strides = array<i32>} : memref<41088xf32, #tpu.memory_space<vmem>>, vector<16xf32>,
        tpu.vector_store %arg16[%swap3A_2151], %max3A_2148 {strides = array<i32>} : memref<41088xf32, #tpu.memory_space<vmem>>, vector<16xf32>,
        %add3A_2153 = arith.constant 112 : i32
        %add3A_2154 = arith.addi %mul3A_2027, %add3A_2153 : i32
        %get3A_2155 = arith.index_cast %add3A_2154 : i32 to index
        %get3A_2156 = tpu.vector_load %arg16[%get3A_2155] {strides = array<i32>} : memref<41088xf32, #tpu.memory_space<vmem>>, vector<16xf32>,
        %get3A_2157 = arith.index_cast %add3A_2033 : i32 to index
        %get3A_2158 = arith.constant 112 : index
        %get3A_2159 = tpu.vector_load %arg17[%get3A_2157, %get3A_2158] {strides = array<i32>} : memref<128x128xf32, #tpu.memory_space<vmem>>, vector<16xf32>,
        %get3A_2160 = arith.constant 112 : index
        %get3A_2161 = tpu.vector_load %arg15[%get3A_2160] {strides = array<i32>} : memref<128xf32, #tpu.memory_space<vmem>>, vector<16xf32>,
        %mul3A_2162 = vector.broadcast %squeeze3A_2029 : f32 to vector<16xf32>
        %mul3A_2163 = arith.mulf %mul3A_2162, %get3A_2161 : vector<16xf32>
        %add3A_2164 = arith.addf %get3A_2159, %mul3A_2163 : vector<16xf32>
        %max3A_2165 = arith.maximumf %get3A_2156, %add3A_2164 : vector<16xf32>
        %add3A_2166 = arith.constant 112 : i32
        %add3A_2167 = arith.addi %mul3A_2027, %add3A_2166 : i32
        %swap3A_2168 = arith.index_cast %add3A_2167 : i32 to index
        %swap3A_2169 = tpu.vector_load %arg16[%swap3A_2168] {strides = array<i32>} : memref<41088xf32, #tpu.memory_space<vmem>>, vector<16xf32>,
        tpu.vector_store %arg16[%swap3A_2168], %max3A_2165 {strides = array<i32>} : memref<41088xf32, #tpu.memory_space<vmem>>, vector<16xf32>,
        %slice3A_2170 = vector.extract_strided_slice %get3A_123 {offsets = [14], sizes = [1], strides = [1]} : vector<16xi32> to vector<1xi32>
        %squeeze3A_2171 = vector.extract %slice3A_2170[0] : i32 from vector<1xi32>
        %mul3A_2172 = arith.constant 128 : i32
        %mul3A_2173 = arith.muli %squeeze3A_2171, %mul3A_2172 : i32
        %slice3A_2174 = vector.extract_strided_slice %get3A_128 {offsets = [14], sizes = [1], strides = [1]} : vector<16xf32> to vector<1xf32>
        %squeeze3A_2175 = vector.extract %slice3A_2174[0] : f32 from vector<1xf32>
        %mul3A_2176 = arith.constant 16 : i32
        %mul3A_2177 = arith.muli %scan3A_118, %mul3A_2176 : i32
        %add3A_2178 = arith.constant 14 : i32
        %add3A_2179 = arith.addi %mul3A_2177, %add3A_2178 : i32
        %add3A_2180 = arith.constant 0 : i32
        %add3A_2181 = arith.addi %mul3A_2173, %add3A_2180 : i32
        %get3A_2182 = arith.index_cast %add3A_2181 : i32 to index
        %get3A_2183 = tpu.vector_load %arg16[%get3A_2182] {strides = array<i32>} : memref<41088xf32, #tpu.memory_space<vmem>>, vector<16xf32>,
        %get3A_2184 = arith.index_cast %add3A_2179 : i32 to index
        %get3A_2185 = arith.constant 0 : index
        %get3A_2186 = tpu.vector_load %arg17[%get3A_2184, %get3A_2185] {strides = array<i32>} : memref<128x128xf32, #tpu.memory_space<vmem>>, vector<16xf32>,
        %get3A_2187 = arith.constant 0 : index
        %get3A_2188 = tpu.vector_load %arg15[%get3A_2187] {strides = array<i32>} : memref<128xf32, #tpu.memory_space<vmem>>, vector<16xf32>,
        %mul3A_2189 = vector.broadcast %squeeze3A_2175 : f32 to vector<16xf32>
        %mul3A_2190 = arith.mulf %mul3A_2189, %get3A_2188 : vector<16xf32>
        %add3A_2191 = arith.addf %get3A_2186, %mul3A_2190 : vector<16xf32>
        %max3A_2192 = arith.maximumf %get3A_2183, %add3A_2191 : vector<16xf32>
        %add3A_2193 = arith.constant 0 : i32
        %add3A_2194 = arith.addi %mul3A_2173, %add3A_2193 : i32
        %swap3A_2195 = arith.index_cast %add3A_2194 : i32 to index
        %swap3A_2196 = tpu.vector_load %arg16[%swap3A_2195] {strides = array<i32>} : memref<41088xf32, #tpu.memory_space<vmem>>, vector<16xf32>,
        tpu.vector_store %arg16[%swap3A_2195], %max3A_2192 {strides = array<i32>} : memref<41088xf32, #tpu.memory_space<vmem>>, vector<16xf32>,
        %add3A_2197 = arith.constant 16 : i32
        %add3A_2198 = arith.addi %mul3A_2173, %add3A_2197 : i32
        %get3A_2199 = arith.index_cast %add3A_2198 : i32 to index
        %get3A_2200 = tpu.vector_load %arg16[%get3A_2199] {strides = array<i32>} : memref<41088xf32, #tpu.memory_space<vmem>>, vector<16xf32>,
        %get3A_2201 = arith.index_cast %add3A_2179 : i32 to index
        %get3A_2202 = arith.constant 16 : index
        %get3A_2203 = tpu.vector_load %arg17[%get3A_2201, %get3A_2202] {strides = array<i32>} : memref<128x128xf32, #tpu.memory_space<vmem>>, vector<16xf32>,
        %get3A_2204 = arith.constant 16 : index
        %get3A_2205 = tpu.vector_load %arg15[%get3A_2204] {strides = array<i32>} : memref<128xf32, #tpu.memory_space<vmem>>, vector<16xf32>,
        %mul3A_2206 = vector.broadcast %squeeze3A_2175 : f32 to vector<16xf32>
        %mul3A_2207 = arith.mulf %mul3A_2206, %get3A_2205 : vector<16xf32>
        %add3A_2208 = arith.addf %get3A_2203, %mul3A_2207 : vector<16xf32>
        %max3A_2209 = arith.maximumf %get3A_2200, %add3A_2208 : vector<16xf32>
        %add3A_2210 = arith.constant 16 : i32
        %add3A_2211 = arith.addi %mul3A_2173, %add3A_2210 : i32
        %swap3A_2212 = arith.index_cast %add3A_2211 : i32 to index
        %swap3A_2213 = tpu.vector_load %arg16[%swap3A_2212] {strides = array<i32>} : memref<41088xf32, #tpu.memory_space<vmem>>, vector<16xf32>,
        tpu.vector_store %arg16[%swap3A_2212], %max3A_2209 {strides = array<i32>} : memref<41088xf32, #tpu.memory_space<vmem>>, vector<16xf32>,
        %add3A_2214 = arith.constant 32 : i32
        %add3A_2215 = arith.addi %mul3A_2173, %add3A_2214 : i32
        %get3A_2216 = arith.index_cast %add3A_2215 : i32 to index
        %get3A_2217 = tpu.vector_load %arg16[%get3A_2216] {strides = array<i32>} : memref<41088xf32, #tpu.memory_space<vmem>>, vector<16xf32>,
        %get3A_2218 = arith.index_cast %add3A_2179 : i32 to index
        %get3A_2219 = arith.constant 32 : index
        %get3A_2220 = tpu.vector_load %arg17[%get3A_2218, %get3A_2219] {strides = array<i32>} : memref<128x128xf32, #tpu.memory_space<vmem>>, vector<16xf32>,
        %get3A_2221 = arith.constant 32 : index
        %get3A_2222 = tpu.vector_load %arg15[%get3A_2221] {strides = array<i32>} : memref<128xf32, #tpu.memory_space<vmem>>, vector<16xf32>,
        %mul3A_2223 = vector.broadcast %squeeze3A_2175 : f32 to vector<16xf32>
        %mul3A_2224 = arith.mulf %mul3A_2223, %get3A_2222 : vector<16xf32>
        %add3A_2225 = arith.addf %get3A_2220, %mul3A_2224 : vector<16xf32>
        %max3A_2226 = arith.maximumf %get3A_2217, %add3A_2225 : vector<16xf32>
        %add3A_2227 = arith.constant 32 : i32
        %add3A_2228 = arith.addi %mul3A_2173, %add3A_2227 : i32
        %swap3A_2229 = arith.index_cast %add3A_2228 : i32 to index
        %swap3A_2230 = tpu.vector_load %arg16[%swap3A_2229] {strides = array<i32>} : memref<41088xf32, #tpu.memory_space<vmem>>, vector<16xf32>,
        tpu.vector_store %arg16[%swap3A_2229], %max3A_2226 {strides = array<i32>} : memref<41088xf32, #tpu.memory_space<vmem>>, vector<16xf32>,
        %add3A_2231 = arith.constant 48 : i32
        %add3A_2232 = arith.addi %mul3A_2173, %add3A_2231 : i32
        %get3A_2233 = arith.index_cast %add3A_2232 : i32 to index
        %get3A_2234 = tpu.vector_load %arg16[%get3A_2233] {strides = array<i32>} : memref<41088xf32, #tpu.memory_space<vmem>>, vector<16xf32>,
        %get3A_2235 = arith.index_cast %add3A_2179 : i32 to index
        %get3A_2236 = arith.constant 48 : index
        %get3A_2237 = tpu.vector_load %arg17[%get3A_2235, %get3A_2236] {strides = array<i32>} : memref<128x128xf32, #tpu.memory_space<vmem>>, vector<16xf32>,
        %get3A_2238 = arith.constant 48 : index
        %get3A_2239 = tpu.vector_load %arg15[%get3A_2238] {strides = array<i32>} : memref<128xf32, #tpu.memory_space<vmem>>, vector<16xf32>,
        %mul3A_2240 = vector.broadcast %squeeze3A_2175 : f32 to vector<16xf32>
        %mul3A_2241 = arith.mulf %mul3A_2240, %get3A_2239 : vector<16xf32>
        %add3A_2242 = arith.addf %get3A_2237, %mul3A_2241 : vector<16xf32>
        %max3A_2243 = arith.maximumf %get3A_2234, %add3A_2242 : vector<16xf32>
        %add3A_2244 = arith.constant 48 : i32
        %add3A_2245 = arith.addi %mul3A_2173, %add3A_2244 : i32
        %swap3A_2246 = arith.index_cast %add3A_2245 : i32 to index
        %swap3A_2247 = tpu.vector_load %arg16[%swap3A_2246] {strides = array<i32>} : memref<41088xf32, #tpu.memory_space<vmem>>, vector<16xf32>,
        tpu.vector_store %arg16[%swap3A_2246], %max3A_2243 {strides = array<i32>} : memref<41088xf32, #tpu.memory_space<vmem>>, vector<16xf32>,
        %add3A_2248 = arith.constant 64 : i32
        %add3A_2249 = arith.addi %mul3A_2173, %add3A_2248 : i32
        %get3A_2250 = arith.index_cast %add3A_2249 : i32 to index
        %get3A_2251 = tpu.vector_load %arg16[%get3A_2250] {strides = array<i32>} : memref<41088xf32, #tpu.memory_space<vmem>>, vector<16xf32>,
        %get3A_2252 = arith.index_cast %add3A_2179 : i32 to index
        %get3A_2253 = arith.constant 64 : index
        %get3A_2254 = tpu.vector_load %arg17[%get3A_2252, %get3A_2253] {strides = array<i32>} : memref<128x128xf32, #tpu.memory_space<vmem>>, vector<16xf32>,
        %get3A_2255 = arith.constant 64 : index
        %get3A_2256 = tpu.vector_load %arg15[%get3A_2255] {strides = array<i32>} : memref<128xf32, #tpu.memory_space<vmem>>, vector<16xf32>,
        %mul3A_2257 = vector.broadcast %squeeze3A_2175 : f32 to vector<16xf32>
        %mul3A_2258 = arith.mulf %mul3A_2257, %get3A_2256 : vector<16xf32>
        %add3A_2259 = arith.addf %get3A_2254, %mul3A_2258 : vector<16xf32>
        %max3A_2260 = arith.maximumf %get3A_2251, %add3A_2259 : vector<16xf32>
        %add3A_2261 = arith.constant 64 : i32
        %add3A_2262 = arith.addi %mul3A_2173, %add3A_2261 : i32
        %swap3A_2263 = arith.index_cast %add3A_2262 : i32 to index
        %swap3A_2264 = tpu.vector_load %arg16[%swap3A_2263] {strides = array<i32>} : memref<41088xf32, #tpu.memory_space<vmem>>, vector<16xf32>,
        tpu.vector_store %arg16[%swap3A_2263], %max3A_2260 {strides = array<i32>} : memref<41088xf32, #tpu.memory_space<vmem>>, vector<16xf32>,
        %add3A_2265 = arith.constant 80 : i32
        %add3A_2266 = arith.addi %mul3A_2173, %add3A_2265 : i32
        %get3A_2267 = arith.index_cast %add3A_2266 : i32 to index
        %get3A_2268 = tpu.vector_load %arg16[%get3A_2267] {strides = array<i32>} : memref<41088xf32, #tpu.memory_space<vmem>>, vector<16xf32>,
        %get3A_2269 = arith.index_cast %add3A_2179 : i32 to index
        %get3A_2270 = arith.constant 80 : index
        %get3A_2271 = tpu.vector_load %arg17[%get3A_2269, %get3A_2270] {strides = array<i32>} : memref<128x128xf32, #tpu.memory_space<vmem>>, vector<16xf32>,
        %get3A_2272 = arith.constant 80 : index
        %get3A_2273 = tpu.vector_load %arg15[%get3A_2272] {strides = array<i32>} : memref<128xf32, #tpu.memory_space<vmem>>, vector<16xf32>,
        %mul3A_2274 = vector.broadcast %squeeze3A_2175 : f32 to vector<16xf32>
        %mul3A_2275 = arith.mulf %mul3A_2274, %get3A_2273 : vector<16xf32>
        %add3A_2276 = arith.addf %get3A_2271, %mul3A_2275 : vector<16xf32>
        %max3A_2277 = arith.maximumf %get3A_2268, %add3A_2276 : vector<16xf32>
        %add3A_2278 = arith.constant 80 : i32
        %add3A_2279 = arith.addi %mul3A_2173, %add3A_2278 : i32
        %swap3A_2280 = arith.index_cast %add3A_2279 : i32 to index
        %swap3A_2281 = tpu.vector_load %arg16[%swap3A_2280] {strides = array<i32>} : memref<41088xf32, #tpu.memory_space<vmem>>, vector<16xf32>,
        tpu.vector_store %arg16[%swap3A_2280], %max3A_2277 {strides = array<i32>} : memref<41088xf32, #tpu.memory_space<vmem>>, vector<16xf32>,
        %add3A_2282 = arith.constant 96 : i32
        %add3A_2283 = arith.addi %mul3A_2173, %add3A_2282 : i32
        %get3A_2284 = arith.index_cast %add3A_2283 : i32 to index
        %get3A_2285 = tpu.vector_load %arg16[%get3A_2284] {strides = array<i32>} : memref<41088xf32, #tpu.memory_space<vmem>>, vector<16xf32>,
        %get3A_2286 = arith.index_cast %add3A_2179 : i32 to index
        %get3A_2287 = arith.constant 96 : index
        %get3A_2288 = tpu.vector_load %arg17[%get3A_2286, %get3A_2287] {strides = array<i32>} : memref<128x128xf32, #tpu.memory_space<vmem>>, vector<16xf32>,
        %get3A_2289 = arith.constant 96 : index
        %get3A_2290 = tpu.vector_load %arg15[%get3A_2289] {strides = array<i32>} : memref<128xf32, #tpu.memory_space<vmem>>, vector<16xf32>,
        %mul3A_2291 = vector.broadcast %squeeze3A_2175 : f32 to vector<16xf32>
        %mul3A_2292 = arith.mulf %mul3A_2291, %get3A_2290 : vector<16xf32>
        %add3A_2293 = arith.addf %get3A_2288, %mul3A_2292 : vector<16xf32>
        %max3A_2294 = arith.maximumf %get3A_2285, %add3A_2293 : vector<16xf32>
        %add3A_2295 = arith.constant 96 : i32
        %add3A_2296 = arith.addi %mul3A_2173, %add3A_2295 : i32
        %swap3A_2297 = arith.index_cast %add3A_2296 : i32 to index
        %swap3A_2298 = tpu.vector_load %arg16[%swap3A_2297] {strides = array<i32>} : memref<41088xf32, #tpu.memory_space<vmem>>, vector<16xf32>,
        tpu.vector_store %arg16[%swap3A_2297], %max3A_2294 {strides = array<i32>} : memref<41088xf32, #tpu.memory_space<vmem>>, vector<16xf32>,
        %add3A_2299 = arith.constant 112 : i32
        %add3A_2300 = arith.addi %mul3A_2173, %add3A_2299 : i32
        %get3A_2301 = arith.index_cast %add3A_2300 : i32 to index
        %get3A_2302 = tpu.vector_load %arg16[%get3A_2301] {strides = array<i32>} : memref<41088xf32, #tpu.memory_space<vmem>>, vector<16xf32>,
        %get3A_2303 = arith.index_cast %add3A_2179 : i32 to index
        %get3A_2304 = arith.constant 112 : index
        %get3A_2305 = tpu.vector_load %arg17[%get3A_2303, %get3A_2304] {strides = array<i32>} : memref<128x128xf32, #tpu.memory_space<vmem>>, vector<16xf32>,
        %get3A_2306 = arith.constant 112 : index
        %get3A_2307 = tpu.vector_load %arg15[%get3A_2306] {strides = array<i32>} : memref<128xf32, #tpu.memory_space<vmem>>, vector<16xf32>,
        %mul3A_2308 = vector.broadcast %squeeze3A_2175 : f32 to vector<16xf32>
        %mul3A_2309 = arith.mulf %mul3A_2308, %get3A_2307 : vector<16xf32>
        %add3A_2310 = arith.addf %get3A_2305, %mul3A_2309 : vector<16xf32>
        %max3A_2311 = arith.maximumf %get3A_2302, %add3A_2310 : vector<16xf32>
        %add3A_2312 = arith.constant 112 : i32
        %add3A_2313 = arith.addi %mul3A_2173, %add3A_2312 : i32
        %swap3A_2314 = arith.index_cast %add3A_2313 : i32 to index
        %swap3A_2315 = tpu.vector_load %arg16[%swap3A_2314] {strides = array<i32>} : memref<41088xf32, #tpu.memory_space<vmem>>, vector<16xf32>,
        tpu.vector_store %arg16[%swap3A_2314], %max3A_2311 {strides = array<i32>} : memref<41088xf32, #tpu.memory_space<vmem>>, vector<16xf32>,
        %slice3A_2316 = vector.extract_strided_slice %get3A_123 {offsets = [15], sizes = [1], strides = [1]} : vector<16xi32> to vector<1xi32>
        %squeeze3A_2317 = vector.extract %slice3A_2316[0] : i32 from vector<1xi32>
        %mul3A_2318 = arith.constant 128 : i32
        %mul3A_2319 = arith.muli %squeeze3A_2317, %mul3A_2318 : i32
        %slice3A_2320 = vector.extract_strided_slice %get3A_128 {offsets = [15], sizes = [1], strides = [1]} : vector<16xf32> to vector<1xf32>
        %squeeze3A_2321 = vector.extract %slice3A_2320[0] : f32 from vector<1xf32>
        %mul3A_2322 = arith.constant 16 : i32
        %mul3A_2323 = arith.muli %scan3A_118, %mul3A_2322 : i32
        %add3A_2324 = arith.constant 15 : i32
        %add3A_2325 = arith.addi %mul3A_2323, %add3A_2324 : i32
        %add3A_2326 = arith.constant 0 : i32
        %add3A_2327 = arith.addi %mul3A_2319, %add3A_2326 : i32
        %get3A_2328 = arith.index_cast %add3A_2327 : i32 to index
        %get3A_2329 = tpu.vector_load %arg16[%get3A_2328] {strides = array<i32>} : memref<41088xf32, #tpu.memory_space<vmem>>, vector<16xf32>,
        %get3A_2330 = arith.index_cast %add3A_2325 : i32 to index
        %get3A_2331 = arith.constant 0 : index
        %get3A_2332 = tpu.vector_load %arg17[%get3A_2330, %get3A_2331] {strides = array<i32>} : memref<128x128xf32, #tpu.memory_space<vmem>>, vector<16xf32>,
        %get3A_2333 = arith.constant 0 : index
        %get3A_2334 = tpu.vector_load %arg15[%get3A_2333] {strides = array<i32>} : memref<128xf32, #tpu.memory_space<vmem>>, vector<16xf32>,
        %mul3A_2335 = vector.broadcast %squeeze3A_2321 : f32 to vector<16xf32>
        %mul3A_2336 = arith.mulf %mul3A_2335, %get3A_2334 : vector<16xf32>
        %add3A_2337 = arith.addf %get3A_2332, %mul3A_2336 : vector<16xf32>
        %max3A_2338 = arith.maximumf %get3A_2329, %add3A_2337 : vector<16xf32>
        %add3A_2339 = arith.constant 0 : i32
        %add3A_2340 = arith.addi %mul3A_2319, %add3A_2339 : i32
        %swap3A_2341 = arith.index_cast %add3A_2340 : i32 to index
        %swap3A_2342 = tpu.vector_load %arg16[%swap3A_2341] {strides = array<i32>} : memref<41088xf32, #tpu.memory_space<vmem>>, vector<16xf32>,
        tpu.vector_store %arg16[%swap3A_2341], %max3A_2338 {strides = array<i32>} : memref<41088xf32, #tpu.memory_space<vmem>>, vector<16xf32>,
        %add3A_2343 = arith.constant 16 : i32
        %add3A_2344 = arith.addi %mul3A_2319, %add3A_2343 : i32
        %get3A_2345 = arith.index_cast %add3A_2344 : i32 to index
        %get3A_2346 = tpu.vector_load %arg16[%get3A_2345] {strides = array<i32>} : memref<41088xf32, #tpu.memory_space<vmem>>, vector<16xf32>,
        %get3A_2347 = arith.index_cast %add3A_2325 : i32 to index
        %get3A_2348 = arith.constant 16 : index
        %get3A_2349 = tpu.vector_load %arg17[%get3A_2347, %get3A_2348] {strides = array<i32>} : memref<128x128xf32, #tpu.memory_space<vmem>>, vector<16xf32>,
        %get3A_2350 = arith.constant 16 : index
        %get3A_2351 = tpu.vector_load %arg15[%get3A_2350] {strides = array<i32>} : memref<128xf32, #tpu.memory_space<vmem>>, vector<16xf32>,
        %mul3A_2352 = vector.broadcast %squeeze3A_2321 : f32 to vector<16xf32>
        %mul3A_2353 = arith.mulf %mul3A_2352, %get3A_2351 : vector<16xf32>
        %add3A_2354 = arith.addf %get3A_2349, %mul3A_2353 : vector<16xf32>
        %max3A_2355 = arith.maximumf %get3A_2346, %add3A_2354 : vector<16xf32>
        %add3A_2356 = arith.constant 16 : i32
        %add3A_2357 = arith.addi %mul3A_2319, %add3A_2356 : i32
        %swap3A_2358 = arith.index_cast %add3A_2357 : i32 to index
        %swap3A_2359 = tpu.vector_load %arg16[%swap3A_2358] {strides = array<i32>} : memref<41088xf32, #tpu.memory_space<vmem>>, vector<16xf32>,
        tpu.vector_store %arg16[%swap3A_2358], %max3A_2355 {strides = array<i32>} : memref<41088xf32, #tpu.memory_space<vmem>>, vector<16xf32>,
        %add3A_2360 = arith.constant 32 : i32
        %add3A_2361 = arith.addi %mul3A_2319, %add3A_2360 : i32
        %get3A_2362 = arith.index_cast %add3A_2361 : i32 to index
        %get3A_2363 = tpu.vector_load %arg16[%get3A_2362] {strides = array<i32>} : memref<41088xf32, #tpu.memory_space<vmem>>, vector<16xf32>,
        %get3A_2364 = arith.index_cast %add3A_2325 : i32 to index
        %get3A_2365 = arith.constant 32 : index
        %get3A_2366 = tpu.vector_load %arg17[%get3A_2364, %get3A_2365] {strides = array<i32>} : memref<128x128xf32, #tpu.memory_space<vmem>>, vector<16xf32>,
        %get3A_2367 = arith.constant 32 : index
        %get3A_2368 = tpu.vector_load %arg15[%get3A_2367] {strides = array<i32>} : memref<128xf32, #tpu.memory_space<vmem>>, vector<16xf32>,
        %mul3A_2369 = vector.broadcast %squeeze3A_2321 : f32 to vector<16xf32>
        %mul3A_2370 = arith.mulf %mul3A_2369, %get3A_2368 : vector<16xf32>
        %add3A_2371 = arith.addf %get3A_2366, %mul3A_2370 : vector<16xf32>
        %max3A_2372 = arith.maximumf %get3A_2363, %add3A_2371 : vector<16xf32>
        %add3A_2373 = arith.constant 32 : i32
        %add3A_2374 = arith.addi %mul3A_2319, %add3A_2373 : i32
        %swap3A_2375 = arith.index_cast %add3A_2374 : i32 to index
        %swap3A_2376 = tpu.vector_load %arg16[%swap3A_2375] {strides = array<i32>} : memref<41088xf32, #tpu.memory_space<vmem>>, vector<16xf32>,
        tpu.vector_store %arg16[%swap3A_2375], %max3A_2372 {strides = array<i32>} : memref<41088xf32, #tpu.memory_space<vmem>>, vector<16xf32>,
        %add3A_2377 = arith.constant 48 : i32
        %add3A_2378 = arith.addi %mul3A_2319, %add3A_2377 : i32
        %get3A_2379 = arith.index_cast %add3A_2378 : i32 to index
        %get3A_2380 = tpu.vector_load %arg16[%get3A_2379] {strides = array<i32>} : memref<41088xf32, #tpu.memory_space<vmem>>, vector<16xf32>,
        %get3A_2381 = arith.index_cast %add3A_2325 : i32 to index
        %get3A_2382 = arith.constant 48 : index
        %get3A_2383 = tpu.vector_load %arg17[%get3A_2381, %get3A_2382] {strides = array<i32>} : memref<128x128xf32, #tpu.memory_space<vmem>>, vector<16xf32>,
        %get3A_2384 = arith.constant 48 : index
        %get3A_2385 = tpu.vector_load %arg15[%get3A_2384] {strides = array<i32>} : memref<128xf32, #tpu.memory_space<vmem>>, vector<16xf32>,
        %mul3A_2386 = vector.broadcast %squeeze3A_2321 : f32 to vector<16xf32>
        %mul3A_2387 = arith.mulf %mul3A_2386, %get3A_2385 : vector<16xf32>
        %add3A_2388 = arith.addf %get3A_2383, %mul3A_2387 : vector<16xf32>
        %max3A_2389 = arith.maximumf %get3A_2380, %add3A_2388 : vector<16xf32>
        %add3A_2390 = arith.constant 48 : i32
        %add3A_2391 = arith.addi %mul3A_2319, %add3A_2390 : i32
        %swap3A_2392 = arith.index_cast %add3A_2391 : i32 to index
        %swap3A_2393 = tpu.vector_load %arg16[%swap3A_2392] {strides = array<i32>} : memref<41088xf32, #tpu.memory_space<vmem>>, vector<16xf32>,
        tpu.vector_store %arg16[%swap3A_2392], %max3A_2389 {strides = array<i32>} : memref<41088xf32, #tpu.memory_space<vmem>>, vector<16xf32>,
        %add3A_2394 = arith.constant 64 : i32
        %add3A_2395 = arith.addi %mul3A_2319, %add3A_2394 : i32
        %get3A_2396 = arith.index_cast %add3A_2395 : i32 to index
        %get3A_2397 = tpu.vector_load %arg16[%get3A_2396] {strides = array<i32>} : memref<41088xf32, #tpu.memory_space<vmem>>, vector<16xf32>,
        %get3A_2398 = arith.index_cast %add3A_2325 : i32 to index
        %get3A_2399 = arith.constant 64 : index
        %get3A_2400 = tpu.vector_load %arg17[%get3A_2398, %get3A_2399] {strides = array<i32>} : memref<128x128xf32, #tpu.memory_space<vmem>>, vector<16xf32>,
        %get3A_2401 = arith.constant 64 : index
        %get3A_2402 = tpu.vector_load %arg15[%get3A_2401] {strides = array<i32>} : memref<128xf32, #tpu.memory_space<vmem>>, vector<16xf32>,
        %mul3A_2403 = vector.broadcast %squeeze3A_2321 : f32 to vector<16xf32>
        %mul3A_2404 = arith.mulf %mul3A_2403, %get3A_2402 : vector<16xf32>
        %add3A_2405 = arith.addf %get3A_2400, %mul3A_2404 : vector<16xf32>
        %max3A_2406 = arith.maximumf %get3A_2397, %add3A_2405 : vector<16xf32>
        %add3A_2407 = arith.constant 64 : i32
        %add3A_2408 = arith.addi %mul3A_2319, %add3A_2407 : i32
        %swap3A_2409 = arith.index_cast %add3A_2408 : i32 to index
        %swap3A_2410 = tpu.vector_load %arg16[%swap3A_2409] {strides = array<i32>} : memref<41088xf32, #tpu.memory_space<vmem>>, vector<16xf32>,
        tpu.vector_store %arg16[%swap3A_2409], %max3A_2406 {strides = array<i32>} : memref<41088xf32, #tpu.memory_space<vmem>>, vector<16xf32>,
        %add3A_2411 = arith.constant 80 : i32
        %add3A_2412 = arith.addi %mul3A_2319, %add3A_2411 : i32
        %get3A_2413 = arith.index_cast %add3A_2412 : i32 to index
        %get3A_2414 = tpu.vector_load %arg16[%get3A_2413] {strides = array<i32>} : memref<41088xf32, #tpu.memory_space<vmem>>, vector<16xf32>,
        %get3A_2415 = arith.index_cast %add3A_2325 : i32 to index
        %get3A_2416 = arith.constant 80 : index
        %get3A_2417 = tpu.vector_load %arg17[%get3A_2415, %get3A_2416] {strides = array<i32>} : memref<128x128xf32, #tpu.memory_space<vmem>>, vector<16xf32>,
        %get3A_2418 = arith.constant 80 : index
        %get3A_2419 = tpu.vector_load %arg15[%get3A_2418] {strides = array<i32>} : memref<128xf32, #tpu.memory_space<vmem>>, vector<16xf32>,
        %mul3A_2420 = vector.broadcast %squeeze3A_2321 : f32 to vector<16xf32>
        %mul3A_2421 = arith.mulf %mul3A_2420, %get3A_2419 : vector<16xf32>
        %add3A_2422 = arith.addf %get3A_2417, %mul3A_2421 : vector<16xf32>
        %max3A_2423 = arith.maximumf %get3A_2414, %add3A_2422 : vector<16xf32>
        %add3A_2424 = arith.constant 80 : i32
        %add3A_2425 = arith.addi %mul3A_2319, %add3A_2424 : i32
        %swap3A_2426 = arith.index_cast %add3A_2425 : i32 to index
        %swap3A_2427 = tpu.vector_load %arg16[%swap3A_2426] {strides = array<i32>} : memref<41088xf32, #tpu.memory_space<vmem>>, vector<16xf32>,
        tpu.vector_store %arg16[%swap3A_2426], %max3A_2423 {strides = array<i32>} : memref<41088xf32, #tpu.memory_space<vmem>>, vector<16xf32>,
        %add3A_2428 = arith.constant 96 : i32
        %add3A_2429 = arith.addi %mul3A_2319, %add3A_2428 : i32
        %get3A_2430 = arith.index_cast %add3A_2429 : i32 to index
        %get3A_2431 = tpu.vector_load %arg16[%get3A_2430] {strides = array<i32>} : memref<41088xf32, #tpu.memory_space<vmem>>, vector<16xf32>,
        %get3A_2432 = arith.index_cast %add3A_2325 : i32 to index
        %get3A_2433 = arith.constant 96 : index
        %get3A_2434 = tpu.vector_load %arg17[%get3A_2432, %get3A_2433] {strides = array<i32>} : memref<128x128xf32, #tpu.memory_space<vmem>>, vector<16xf32>,
        %get3A_2435 = arith.constant 96 : index
        %get3A_2436 = tpu.vector_load %arg15[%get3A_2435] {strides = array<i32>} : memref<128xf32, #tpu.memory_space<vmem>>, vector<16xf32>,
        %mul3A_2437 = vector.broadcast %squeeze3A_2321 : f32 to vector<16xf32>
        %mul3A_2438 = arith.mulf %mul3A_2437, %get3A_2436 : vector<16xf32>
        %add3A_2439 = arith.addf %get3A_2434, %mul3A_2438 : vector<16xf32>
        %max3A_2440 = arith.maximumf %get3A_2431, %add3A_2439 : vector<16xf32>
        %add3A_2441 = arith.constant 96 : i32
        %add3A_2442 = arith.addi %mul3A_2319, %add3A_2441 : i32
        %swap3A_2443 = arith.index_cast %add3A_2442 : i32 to index
        %swap3A_2444 = tpu.vector_load %arg16[%swap3A_2443] {strides = array<i32>} : memref<41088xf32, #tpu.memory_space<vmem>>, vector<16xf32>,
        tpu.vector_store %arg16[%swap3A_2443], %max3A_2440 {strides = array<i32>} : memref<41088xf32, #tpu.memory_space<vmem>>, vector<16xf32>,
        %add3A_2445 = arith.constant 112 : i32
        %add3A_2446 = arith.addi %mul3A_2319, %add3A_2445 : i32
        %get3A_2447 = arith.index_cast %add3A_2446 : i32 to index
        %get3A_2448 = tpu.vector_load %arg16[%get3A_2447] {strides = array<i32>} : memref<41088xf32, #tpu.memory_space<vmem>>, vector<16xf32>,
        %get3A_2449 = arith.index_cast %add3A_2325 : i32 to index
        %get3A_2450 = arith.constant 112 : index
        %get3A_2451 = tpu.vector_load %arg17[%get3A_2449, %get3A_2450] {strides = array<i32>} : memref<128x128xf32, #tpu.memory_space<vmem>>, vector<16xf32>,
        %get3A_2452 = arith.constant 112 : index
        %get3A_2453 = tpu.vector_load %arg15[%get3A_2452] {strides = array<i32>} : memref<128xf32, #tpu.memory_space<vmem>>, vector<16xf32>,
        %mul3A_2454 = vector.broadcast %squeeze3A_2321 : f32 to vector<16xf32>
        %mul3A_2455 = arith.mulf %mul3A_2454, %get3A_2453 : vector<16xf32>
        %add3A_2456 = arith.addf %get3A_2451, %mul3A_2455 : vector<16xf32>
        %max3A_2457 = arith.maximumf %get3A_2448, %add3A_2456 : vector<16xf32>
        %add3A_2458 = arith.constant 112 : i32
        %add3A_2459 = arith.addi %mul3A_2319, %add3A_2458 : i32
        %swap3A_2460 = arith.index_cast %add3A_2459 : i32 to index
        %swap3A_2461 = tpu.vector_load %arg16[%swap3A_2460] {strides = array<i32>} : memref<41088xf32, #tpu.memory_space<vmem>>, vector<16xf32>,
        tpu.vector_store %arg16[%swap3A_2460], %max3A_2457 {strides = array<i32>} : memref<41088xf32, #tpu.memory_space<vmem>>, vector<16xf32>,
      }
      %scan3A_117 = arith.constant 8 : i32
    }
    %mul3A_57 = arith.constant 128 : i32
    %mul3A_58 = arith.muli %mul3A_2, %mul3A_57 : i32
    "tpu.region"() ({
      %run_scoped3A = tpu.sem_alloc : memref<!tpu.dma_semaphore, #tpu.memory_space<semaphore_mem>>
      %dma_start3A = arith.constant 0 : i32
      %dma_start3A_59 = tpu.memref_slice %arg16[%dma_start3A] : memref<41088xf32, #tpu.memory_space<vmem>> -> memref<40960xf32, #tpu.memory_space<vmem>>
      %dma_start3A_60 = tpu.memref_slice %arg7[%mul3A_58] : memref<1310720xf32, #tpu.memory_space<hbm>> -> memref<40960xf32, #tpu.memory_space<hbm>>
      %dma_start3A_61 = tpu.memref_slice %arg7[%mul3A_58] : memref<1310720xf32, #tpu.memory_space<hbm>> -> memref<40960xf32, #tpu.memory_space<hbm>>
      %dma_start3A_62 = arith.constant 0 : i32
      %dma_start3A_63 = tpu.memref_slice %arg16[%dma_start3A_62] : memref<41088xf32, #tpu.memory_space<vmem>> -> memref<40960xf32, #tpu.memory_space<vmem>>
      tpu.enqueue_dma source(%dma_start3A_63 : memref<40960xf32, #tpu.memory_space<vmem>>) target(%dma_start3A_61 : memref<40960xf32, #tpu.memory_space<hbm>>) target_semaphore(%run_scoped3A : memref<!tpu.dma_semaphore, #tpu.memory_space<semaphore_mem>>)
      %dma_wait3A = arith.constant 0 : i32
      %dma_wait3A_64 = tpu.memref_slice %arg16[%dma_wait3A] : memref<41088xf32, #tpu.memory_space<vmem>> -> memref<40960xf32, #tpu.memory_space<vmem>>
      %dma_wait3A_65 = tpu.memref_slice %arg7[%mul3A_58] : memref<1310720xf32, #tpu.memory_space<hbm>> -> memref<40960xf32, #tpu.memory_space<hbm>>
      %dma_wait3A_66 = tpu.memref_slice %arg7[%mul3A_58] : memref<1310720xf32, #tpu.memory_space<hbm>> -> memref<40960xf32, #tpu.memory_space<hbm>>
      %dma_wait3A_67 = arith.constant 0 : i32
      %dma_wait3A_68 = tpu.memref_slice %arg16[%dma_wait3A_67] : memref<41088xf32, #tpu.memory_space<vmem>> -> memref<40960xf32, #tpu.memory_space<vmem>>
      tpu.wait_dma2 semaphore(%run_scoped3A : memref<!tpu.dma_semaphore, #tpu.memory_space<semaphore_mem>>) src(%dma_wait3A_68 : memref<40960xf32, #tpu.memory_space<vmem>>) dst(%dma_wait3A_66 : memref<40960xf32, #tpu.memory_space<hbm>>)
      tpu.yield
    }) : () -> ()
    return
  }
}

module attributes {stable_mosaic.version = 14 : i64} {
  func.func @_tc_pre_body(%arg0: i32, %arg1: memref<1000x128xf32, #tpu.memory_space<vmem>>, %arg2: memref<128x128xf32, #tpu.memory_space<vmem>>, %arg3: memref<128x128xf32, #tpu.memory_space<vmem>>, %arg4: memref<1x128xf32, #tpu.memory_space<vmem>>, %arg5: memref<1000x128xf32, #tpu.memory_space<vmem>>, %arg6: memref<1000x128xf32, #tpu.memory_space<vmem>>) attributes {dimension_semantics = [#tpu.dimension_semantics<arbitrary>], iteration_bounds = array<i64: 10>, scalar_prefetch = 0 : i64, scratch_operands = 0 : i64, tpu.core_type = #tpu.core_type<tc>, window_params = [{transform_indices = @transform_0, window_bounds = array<i64: 1000, 128>}, {pipeline_mode = #tpu.pipeline_mode<synchronous>, transform_indices = @transform_1, window_bounds = array<i64: 128, 128>}, {pipeline_mode = #tpu.pipeline_mode<synchronous>, transform_indices = @transform_2, window_bounds = array<i64: 128, 128>}, {pipeline_mode = #tpu.pipeline_mode<synchronous>, transform_indices = @transform_3, window_bounds = array<i64: 1, 128>}, {transform_indices = @transform_4, window_bounds = array<i64: 1000, 128>}, {transform_indices = @transform_5, window_bounds = array<i64: 1000, 128>}]} {
    %get3A = arith.constant 0 : index
    %get3A_0 = arith.constant 0 : index
    %get3A_1 = vector.load %arg1[%get3A, %get3A_0] : memref<1000x128xf32, #tpu.memory_space<vmem>>, vector<1000x128xf32>
    %get3A_2 = arith.constant 0 : index
    %get3A_3 = arith.constant 0 : index
    %get3A_4 = vector.load %arg2[%get3A_2, %get3A_3] : memref<128x128xf32, #tpu.memory_space<vmem>>, vector<128x128xf32>
    %dot_general3A = arith.constant dense<0.000000e+00> : vector<1000x128xf32>
    %dot_general3A_5 = tpu.matmul %get3A_1, %get3A_4, %dot_general3A {dimension_numbers = #tpu.dot_dimension_numbers<[1], [0], [0], [1], [0, 0, 1, 1], [], []>, transpose_lhs_hint = false} : vector<1000x128xf32>, vector<128x128xf32>, vector<1000x128xf32> -> vector<1000x128xf32>
    %get3A_6 = arith.constant 0 : index
    %get3A_7 = arith.constant 0 : index
    %get3A_8 = vector.load %arg4[%get3A_6, %get3A_7] : memref<1x128xf32, #tpu.memory_space<vmem>>, vector<1x128xf32>
    %add3A = vector.broadcast %get3A_8 : vector<1x128xf32> to vector<1000x128xf32>
    %add3A_9 = arith.addf %dot_general3A_5, %add3A : vector<1000x128xf32>
    %swap3A = arith.constant 0 : index
    %swap3A_10 = arith.constant 0 : index
    %swap3A_11 = vector.load %arg5[%swap3A, %swap3A_10] : memref<1000x128xf32, #tpu.memory_space<vmem>>, vector<1000x128xf32>
    tpu.vector_store %arg5[%swap3A, %swap3A_10], %add3A_9 {strides = array<i32>} : memref<1000x128xf32, #tpu.memory_space<vmem>>, vector<1000x128xf32>,
    %get3A_12 = arith.constant 0 : index
    %get3A_13 = arith.constant 0 : index
    %get3A_14 = vector.load %arg3[%get3A_12, %get3A_13] : memref<128x128xf32, #tpu.memory_space<vmem>>, vector<128x128xf32>
    %dot_general3A_15 = arith.constant dense<0.000000e+00> : vector<1000x128xf32>
    %dot_general3A_16 = tpu.matmul %get3A_1, %get3A_14, %dot_general3A_15 {dimension_numbers = #tpu.dot_dimension_numbers<[1], [0], [0], [1], [0, 0, 1, 1], [], []>, transpose_lhs_hint = false} : vector<1000x128xf32>, vector<128x128xf32>, vector<1000x128xf32> -> vector<1000x128xf32>
    %swap3A_17 = arith.constant 0 : index
    %swap3A_18 = arith.constant 0 : index
    %swap3A_19 = vector.load %arg6[%swap3A_17, %swap3A_18] : memref<1000x128xf32, #tpu.memory_space<vmem>>, vector<1000x128xf32>
    tpu.vector_store %arg6[%swap3A_17, %swap3A_18], %dot_general3A_16 {strides = array<i32>} : memref<1000x128xf32, #tpu.memory_space<vmem>>, vector<1000x128xf32>,
    return
  }
  func.func @transform_0(%arg0: i32) -> (i32, i32) {
    %c0_i32 = arith.constant 0 : i32
    %c0_i32_0 = arith.constant 0 : i32
    return %arg0, %c0_i32 : i32, i32
  }
  func.func @transform_1(%arg0: i32) -> (i32, i32) {
    %c0_i32 = arith.constant 0 : i32
    %c0_i32_0 = arith.constant 0 : i32
    %c0_i32_1 = arith.constant 0 : i32
    return %c0_i32, %c0_i32_0 : i32, i32
  }
  func.func @transform_2(%arg0: i32) -> (i32, i32) {
    %c0_i32 = arith.constant 0 : i32
    %c0_i32_0 = arith.constant 0 : i32
    %c0_i32_1 = arith.constant 0 : i32
    return %c0_i32, %c0_i32_0 : i32, i32
  }
  func.func @transform_3(%arg0: i32) -> (i32, i32) {
    %c0_i32 = arith.constant 0 : i32
    %c0_i32_0 = arith.constant 0 : i32
    %c0_i32_1 = arith.constant 0 : i32
    return %c0_i32, %c0_i32_0 : i32, i32
  }
  func.func @transform_4(%arg0: i32) -> (i32, i32) {
    %c0_i32 = arith.constant 0 : i32
    %c0_i32_0 = arith.constant 0 : i32
    return %arg0, %c0_i32 : i32, i32
  }
  func.func @transform_5(%arg0: i32) -> (i32, i32) {
    %c0_i32 = arith.constant 0 : i32
    %c0_i32_0 = arith.constant 0 : i32
    return %arg0, %c0_i32 : i32, i32
  }
}

module attributes {stable_mosaic.version = 14 : i64} {
  func.func @_tc_post_body(%arg0: i32, %arg1: memref<1000x128xf32, #tpu.memory_space<vmem>>, %arg2: memref<1000x128xf32, #tpu.memory_space<vmem>>, %arg3: memref<1000x128xf32, #tpu.memory_space<vmem>>, %arg4: memref<128x128xf32, #tpu.memory_space<vmem>>, %arg5: memref<128x128xf32, #tpu.memory_space<vmem>>, %arg6: memref<1x128xf32, #tpu.memory_space<vmem>>, %arg7: memref<128x128xf32, #tpu.memory_space<vmem>>, %arg8: memref<1x128xf32, #tpu.memory_space<vmem>>, %arg9: memref<1000x128xf32, #tpu.memory_space<vmem>>) attributes {dimension_semantics = [#tpu.dimension_semantics<arbitrary>], iteration_bounds = array<i64: 10>, scalar_prefetch = 0 : i64, scratch_operands = 0 : i64, tpu.core_type = #tpu.core_type<tc>, window_params = [{transform_indices = @transform_0, window_bounds = array<i64: 1000, 128>}, {transform_indices = @transform_1, window_bounds = array<i64: 1000, 128>}, {transform_indices = @transform_2, window_bounds = array<i64: 1000, 128>}, {pipeline_mode = #tpu.pipeline_mode<synchronous>, transform_indices = @transform_3, window_bounds = array<i64: 128, 128>}, {pipeline_mode = #tpu.pipeline_mode<synchronous>, transform_indices = @transform_4, window_bounds = array<i64: 128, 128>}, {pipeline_mode = #tpu.pipeline_mode<synchronous>, transform_indices = @transform_5, window_bounds = array<i64: 1, 128>}, {pipeline_mode = #tpu.pipeline_mode<synchronous>, transform_indices = @transform_6, window_bounds = array<i64: 128, 128>}, {pipeline_mode = #tpu.pipeline_mode<synchronous>, transform_indices = @transform_7, window_bounds = array<i64: 1, 128>}, {transform_indices = @transform_8, window_bounds = array<i64: 1000, 128>}]} {
    %get3A = arith.constant 0 : index
    %get3A_0 = arith.constant 0 : index
    %get3A_1 = vector.load %arg3[%get3A, %get3A_0] : memref<1000x128xf32, #tpu.memory_space<vmem>>, vector<1000x128xf32>
    %gt3A = arith.constant -1.000000e+30 : f32
    %gt3A_2 = vector.broadcast %gt3A : f32 to vector<1000x128xf32>
    %gt3A_3 = arith.cmpf ogt, %get3A_1, %gt3A_2 : vector<1000x128xf32>
    %get3A_4 = arith.constant 0 : index
    %get3A_5 = arith.constant 0 : index
    %get3A_6 = vector.load %arg2[%get3A_4, %get3A_5] : memref<1000x128xf32, #tpu.memory_space<vmem>>, vector<1000x128xf32>
    %add3A = arith.addf %get3A_6, %get3A_1 : vector<1000x128xf32>
    %jit3A = arith.constant 0.000000e+00 : f32
    %broadcast_in_dim3A = vector.broadcast %jit3A : f32 to vector<1000x128xf32>
    %select_n3A = arith.select %gt3A_3, %add3A, %broadcast_in_dim3A : vector<1000x128xi1>, vector<1000x128xf32>
    %get3A_7 = arith.constant 0 : index
    %get3A_8 = arith.constant 0 : index
    %get3A_9 = vector.load %arg1[%get3A_7, %get3A_8] : memref<1000x128xf32, #tpu.memory_space<vmem>>, vector<1000x128xf32>
    %get3A_10 = arith.constant 0 : index
    %get3A_11 = arith.constant 0 : index
    %get3A_12 = vector.load %arg4[%get3A_10, %get3A_11] : memref<128x128xf32, #tpu.memory_space<vmem>>, vector<128x128xf32>
    %dot_general3A = arith.constant dense<0.000000e+00> : vector<1000x128xf32>
    %dot_general3A_13 = tpu.matmul %get3A_9, %get3A_12, %dot_general3A {dimension_numbers = #tpu.dot_dimension_numbers<[1], [0], [0], [1], [0, 0, 1, 1], [], []>, transpose_lhs_hint = false} : vector<1000x128xf32>, vector<128x128xf32>, vector<1000x128xf32> -> vector<1000x128xf32>
    %get3A_14 = arith.constant 0 : index
    %get3A_15 = arith.constant 0 : index
    %get3A_16 = vector.load %arg5[%get3A_14, %get3A_15] : memref<128x128xf32, #tpu.memory_space<vmem>>, vector<128x128xf32>
    %dot_general3A_17 = arith.constant dense<0.000000e+00> : vector<1000x128xf32>
    %dot_general3A_18 = tpu.matmul %select_n3A, %get3A_16, %dot_general3A_17 {dimension_numbers = #tpu.dot_dimension_numbers<[1], [0], [0], [1], [0, 0, 1, 1], [], []>, transpose_lhs_hint = false} : vector<1000x128xf32>, vector<128x128xf32>, vector<1000x128xf32> -> vector<1000x128xf32>
    %add3A_19 = arith.addf %dot_general3A_13, %dot_general3A_18 : vector<1000x128xf32>
    %get3A_20 = arith.constant 0 : index
    %get3A_21 = arith.constant 0 : index
    %get3A_22 = vector.load %arg6[%get3A_20, %get3A_21] : memref<1x128xf32, #tpu.memory_space<vmem>>, vector<1x128xf32>
    %add3A_23 = vector.broadcast %get3A_22 : vector<1x128xf32> to vector<1000x128xf32>
    %add3A_24 = arith.addf %add3A_19, %add3A_23 : vector<1000x128xf32>
    %max3A = arith.constant 0.000000e+00 : f32
    %max3A_25 = vector.broadcast %max3A : f32 to vector<1000x128xf32>
    %max3A_26 = arith.maximumf %add3A_24, %max3A_25 : vector<1000x128xf32>
    %get3A_27 = arith.constant 0 : index
    %get3A_28 = arith.constant 0 : index
    %get3A_29 = vector.load %arg7[%get3A_27, %get3A_28] : memref<128x128xf32, #tpu.memory_space<vmem>>, vector<128x128xf32>
    %dot_general3A_30 = arith.constant dense<0.000000e+00> : vector<1000x128xf32>
    %dot_general3A_31 = tpu.matmul %max3A_26, %get3A_29, %dot_general3A_30 {dimension_numbers = #tpu.dot_dimension_numbers<[1], [0], [0], [1], [0, 0, 1, 1], [], []>, transpose_lhs_hint = false} : vector<1000x128xf32>, vector<128x128xf32>, vector<1000x128xf32> -> vector<1000x128xf32>
    %get3A_32 = arith.constant 0 : index
    %get3A_33 = arith.constant 0 : index
    %get3A_34 = vector.load %arg8[%get3A_32, %get3A_33] : memref<1x128xf32, #tpu.memory_space<vmem>>, vector<1x128xf32>
    %add3A_35 = vector.broadcast %get3A_34 : vector<1x128xf32> to vector<1000x128xf32>
    %add3A_36 = arith.addf %dot_general3A_31, %add3A_35 : vector<1000x128xf32>
    %swap3A = arith.constant 0 : index
    %swap3A_37 = arith.constant 0 : index
    %swap3A_38 = vector.load %arg9[%swap3A, %swap3A_37] : memref<1000x128xf32, #tpu.memory_space<vmem>>, vector<1000x128xf32>
    tpu.vector_store %arg9[%swap3A, %swap3A_37], %add3A_36 {strides = array<i32>} : memref<1000x128xf32, #tpu.memory_space<vmem>>, vector<1000x128xf32>,
    return
  }
  func.func @transform_0(%arg0: i32) -> (i32, i32) {
    %c0_i32 = arith.constant 0 : i32
    %c0_i32_0 = arith.constant 0 : i32
    return %arg0, %c0_i32 : i32, i32
  }
  func.func @transform_1(%arg0: i32) -> (i32, i32) {
    %c0_i32 = arith.constant 0 : i32
    %c0_i32_0 = arith.constant 0 : i32
    return %arg0, %c0_i32 : i32, i32
  }
  func.func @transform_2(%arg0: i32) -> (i32, i32) {
    %c0_i32 = arith.constant 0 : i32
    %c0_i32_0 = arith.constant 0 : i32
    return %arg0, %c0_i32 : i32, i32
  }
  func.func @transform_3(%arg0: i32) -> (i32, i32) {
    %c0_i32 = arith.constant 0 : i32
    %c0_i32_0 = arith.constant 0 : i32
    %c0_i32_1 = arith.constant 0 : i32
    return %c0_i32, %c0_i32_0 : i32, i32
  }
  func.func @transform_4(%arg0: i32) -> (i32, i32) {
    %c0_i32 = arith.constant 0 : i32
    %c0_i32_0 = arith.constant 0 : i32
    %c0_i32_1 = arith.constant 0 : i32
    return %c0_i32, %c0_i32_0 : i32, i32
  }
  func.func @transform_5(%arg0: i32) -> (i32, i32) {
    %c0_i32 = arith.constant 0 : i32
    %c0_i32_0 = arith.constant 0 : i32
    %c0_i32_1 = arith.constant 0 : i32
    return %c0_i32, %c0_i32_0 : i32, i32
  }
  func.func @transform_6(%arg0: i32) -> (i32, i32) {
    %c0_i32 = arith.constant 0 : i32
    %c0_i32_0 = arith.constant 0 : i32
    %c0_i32_1 = arith.constant 0 : i32
    return %c0_i32, %c0_i32_0 : i32, i32
  }
  func.func @transform_7(%arg0: i32) -> (i32, i32) {
    %c0_i32 = arith.constant 0 : i32
    %c0_i32_0 = arith.constant 0 : i32
    %c0_i32_1 = arith.constant 0 : i32
    return %c0_i32, %c0_i32_0 : i32, i32
  }
  func.func @transform_8(%arg0: i32) -> (i32, i32) {
    %c0_i32 = arith.constant 0 : i32
    %c0_i32_0 = arith.constant 0 : i32
    return %arg0, %c0_i32 : i32, i32
  }
}

</mosaic_0001>

<sc_bundles>
// kernel: kernel.5.cloned.1.call-start
scs
__scs_entry_jumppad:
0x0: {  	(pc) =	sbr.rel $0x88, $3  }
0x1: {  	(tag) =	ssettag $0x0;
	lr =	simm.s32 $0x1  }
0x2: {  	[smem:$0x3F98] =	sst lr;
	_ =	strace $0xD0000000  }
0x3: {  	_ = 	snop  }
0x4: {  	_ = 	snop  }
0x5: {  	_ = 	snop  }
0x6: {  	_ = 	snop  }
0x7: {  	_ = 	snop  }
__scs_overlays_trampoline_lowered:
0x8: {  	[smem:$0x3FA7] =	sst s0  }
0x9: {  	[smem:$0x3FA8] =	sst s1  }
0xa: {  	[smem:$0x3FA9] =	sst s2  }
0xb: {  	[smem:$0x3FAA] =	sst s3  }
0xc: {  	[smem:$0x3FAB] =	sst s4  }
0xd: {  	[smem:$0x3FAC] =	sst s5  }
0xe: {  	[smem:$0x3FAD] =	sst s6  }
0xf: {  	[smem:$0x3FAE] =	sst s7  }
0x10: {  	[smem:$0x3FAF] =	sst s8  }
0x11: {  	[smem:$0x3FB0] =	sst s9;
	s0 =	simm.s32 @!p0 $0x0  }
0x12: {  	s1 =	sld [smem:$0x3F96];
	s0 =	simm.s32 @p0 $0x1  }
0x13: {  	[smem:$0x3FB1] =	sst s0;
	s0 =	simm.s32 @!p1 $0x0  }
0x14: {  	s2 =	sld [smem:$0x3F95];
	s0 =	simm.s32 @p1 $0x1  }
0x15: {  	[smem:$0x3FB2] =	sst s0;
	s0 =	simm.s32 @!p2 $0x0  }
0x16: {  	s3 =	sld [smem:$0x3FDB];
	s0 =	simm.s32 @p2 $0x1  }
0x17: {  	s4 =	simm.s32 $0x1BF5;
	[smem:$0x3FB4] =	sst s0  }
0x18: {  	s0 =	sld [smem:$0x3F97];
	_ =	swait.ge [sflag:s4], $0x0  }
0x19: {  	s7 =	sld [smem:$0x3F98]  }
0x1a: {  	s8 =	sadd.s32 $0xFFFFE003, lr  }
0x1b: {  	s9 =	sadd.s32 $0xFFFFFEF7, lr;
	s5 =	simm.s32 $0xFFFFFFFF;
	p2 =	slt.u32 s8, $0xFFFFF086  }
0x1c: {  	p1 =	slt.u32 s9, $0xF7A;
	s5 =	simm.s32 @!p2 $0x0  }
0x1d: {  	s5 =	simm.s32 @p1 $0x1;
	p0 =	seq.s32 s7, s2  }
0x1e: {  	s7 =	smul.u32 @!p0 $0xF7A, s2;
	p2 =	seq.s32 @!p0 s5, $0x0  }
0x1f: {  	s9 =	smul.u32 $0xF7A, s1;
	s8 =	simm.s32 @!p0 $0x1BF5;
	p2 =	por !p2, p0  }
0x20: {  	[sflag:s8] =	ssyncset.s32 @!p0 $0xFFFFF086;
	s6 =	sadd.s32 @!p0 s3, s7;
	s7 =	simm.s32 @!p0 $0x108  }
0x21: {  	s3 =	sadd.s32 s3, s9;
	s6 =	sadd.s32 @!p0 $0x88, s6;
	s7 =	simm.s32 @p2 $0x1082  }
0x22: {  	[simem:s7], [sflag:s8] =	dma.local @!p0 [hbm:s6], $0xF7A  }
0x23: {  	s9 =	sor.u32 $0xD0000000, s2;
	s6 =	simm.s32 $0x108;
	_ =	swait.ge @!p0 [sflag:s8], $0x0  }
0x24: {  	s3 =	sadd.s32 $0x88, s3;
	s6 =	simm.s32 @!p1 $0x1082;
	[sflag:s4] =	ssyncset.s32 $0xFFFFF086  }
0x25: {  	[simem:s6], [sflag:s4] =	dma.local [hbm:s3], $0xF7A  }
0x26: {  	[smem:$0x3F98] =	sst s1;
	(tag) =	ssettag s2;
	_ =	strace s9  }
0x27: {  	s1 =	sld [smem:$0x3FA8]  }
0x28: {  	s2 =	sld [smem:$0x3FA9]  }
0x29: {  	s4 =	sld [smem:$0x3FAB]  }
0x2a: {  	p0 =	seq.s32 s5, $0x0;
	s5 =	sld [smem:$0x3FAC]  }
0x2b: {  	s6 =	sld [smem:$0x3FAD]  }
0x2c: {  	s7 =	sld [smem:$0x3FAE]  }
0x2d: {  	s3 =	simm.s32 $0x108;
	s8 =	sld [smem:$0x3FAF]  }
0x2e: {  	s3 =	simm.s32 @!p0 $0x1082;
	s9 =	sld [smem:$0x3FB0]  }
0x2f: {  	lr =	sadd.s32 s0, s3;
	s0 =	sld [smem:$0x3FA7]  }
0x30: {  	s3 =	sld [smem:$0x3FAA]  }
0x31: {  	[smem:$0x3FB3] =	sst s10  }
0x32: {  	s10 =	sld [smem:$0x3FB1];
	_ =	sdelay $0x3  }
0x33: {  	p0 =	seq.s32 s10, $0x1;
	s10 =	sld [smem:$0x3FB3];
	_ =	sdelay $0x3  }
0x34: {  	[smem:$0x3FB3] =	sst s10  }
0x35: {  	s10 =	sld [smem:$0x3FB2];
	_ =	sdelay $0x3  }
0x36: {  	p1 =	seq.s32 s10, $0x1;
	s10 =	sld [smem:$0x3FB3];
	_ =	sdelay $0x3  }
0x37: {  	[smem:$0x3FB3] =	sst s10  }
0x38: {  	s10 =	sld [smem:$0x3FB4]  }
0x39: {  	_ = 	snop;
	(pc) =	sbr.ind lr, $3  }
0x3a: {  	_ = 	snop  }
0x3b: {  	_ = 	snop  }
0x3c: {  	p2 =	seq.s32 s10, $0x1;
	s10 =	sld [smem:$0x3FB3]  }
0x3d: {  	_ =	shalt  }
0x3e: {  	_ =	shalt  }
0x3f: {  	_ =	shalt  }
0x40: {  	_ =	shalt  }
0x41: {  	_ =	shalt  }
0x42: {  	_ =	shalt  }
0x43: {  	_ =	shalt  }
0x44: {  	_ =	shalt  }
0x45: {  	_ =	shalt  }
0x46: {  	_ =	shalt  }
0x47: {  	_ =	shalt  }
0x48: {  	_ =	shalt  }
0x49: {  	_ =	shalt  }
0x4a: {  	_ =	shalt  }
0x4b: {  	_ =	shalt  }
0x4c: {  	_ =	shalt  }
0x4d: {  	_ =	shalt  }
0x4e: {  	_ =	shalt  }
0x4f: {  	_ =	shalt  }
0x50: {  	_ =	shalt  }
0x51: {  	_ =	shalt  }
0x52: {  	_ =	shalt  }
0x53: {  	_ =	shalt  }
0x54: {  	_ =	shalt  }
0x55: {  	_ =	shalt  }
0x56: {  	_ =	shalt  }
0x57: {  	_ =	shalt  }
0x58: {  	_ =	shalt  }
0x59: {  	_ =	shalt  }
0x5a: {  	_ =	shalt  }
0x5b: {  	_ =	shalt  }
0x5c: {  	_ =	shalt  }
0x5d: {  	_ =	shalt  }
0x5e: {  	_ =	shalt  }
0x5f: {  	_ =	shalt  }
0x60: {  	_ =	shalt  }
0x61: {  	_ =	shalt  }
0x62: {  	_ =	shalt  }
0x63: {  	_ =	shalt  }
0x64: {  	_ =	shalt  }
0x65: {  	_ =	shalt  }
0x66: {  	_ =	shalt  }
0x67: {  	_ =	shalt  }
0x68: {  	_ =	shalt  }
0x69: {  	_ =	shalt  }
0x6a: {  	_ =	shalt  }
0x6b: {  	_ =	shalt  }
0x6c: {  	_ =	shalt  }
0x6d: {  	_ =	shalt  }
0x6e: {  	_ =	shalt  }
0x6f: {  	_ =	shalt  }
0x70: {  	_ =	shalt  }
0x71: {  	_ =	shalt  }
0x72: {  	_ =	shalt  }
0x73: {  	_ =	shalt  }
0x74: {  	_ =	shalt  }
0x75: {  	_ =	shalt  }
0x76: {  	_ =	shalt  }
0x77: {  	_ =	shalt  }
0x78: {  	_ =	shalt  }
0x79: {  	_ =	shalt  }
0x7a: {  	_ =	shalt  }
0x7b: {  	_ =	shalt  }
0x7c: {  	_ =	shalt  }
0x7d: {  	_ =	shalt  }
0x7e: {  	_ =	shalt  }
0x7f: {  	_ =	shalt  }
0x80: {  	_ =	shalt  }
0x81: {  	_ =	shalt  }
0x82: {  	_ =	shalt  }
0x83: {  	_ =	shalt  }
0x84: {  	_ =	shalt  }
0x85: {  	_ =	shalt  }
0x86: {  	_ =	shalt  }
0x87: {  	_ =	shalt  }
.Lfunc_end0:
.L_simem_size_0:
called_computation_lowered:
.L_overlay_start_0:
0x88: {  	s2 =	sld [smem:$0x3FD9]  }
0x89: {  	s3 =	sld [smem:$0x3FFE];
	_ =	sdelay $0x1  }
0x8a: {  	s1 =	srdreg.scid  }
0x8b: {  	s0 =	sand.u32 $0x1, s1  }
0x8c: {  	s17 =	sshll.u32 s0, $0xA;
	s2 =	sadd.s32 s3, s2  }
0x8d: {  	s2 =	sadd.s32 s2, s17  }
0x8e: {  	[smem:$0x3FBF] =	sst s2  }
0x8f: {  	_ = 	snop  }
0x90: {  	s2 =	sld [smem:$0x3FC7]  }
0x91: {  	s18 =	sld [smem:$0x3FD0];
	(tm) =	ssettm $0x1  }
0x92: {  	s4 =	sld [smem:$0x3FFB];
	_ =	sdelay $0x3  }
0x93: {  	_ =	strace s4  }
0x94: {  	s4 =	sld [smem:$0x3FFC];
	_ =	sdelay $0x3  }
0x95: {  	_ =	strace s4  }
0x96: {  	s4 =	sld [smem:$0x3FFD];
	_ =	sdelay $0x3  }
0x97: {  	_ =	strace s4  }
0x98: {  	_ =	strace $0x8FFFFFFF  }
0x99: {  	s19 =	sld [smem:$0x3FDB];
	_ =	sdelay $0x1  }
0x9a: {  	s5 =	simm.s32 $_scs_section_size  }
0x9b: {  	s6 =	simm.s32 $_size__tile_overlayer_lowered;
	s7 =	simm.s32 $_tile_overlayer_lowered  }
0x9c: {  	s22 =	simm.s32 $0x1BFF;
	s21 =	sshll.u32 s7, $0x1;
	s4 =	sadd.s32 s5, s19  }
0x9d: {  	s8 =	simm.s32 $0x0;
	s20 =	sshll.u32 s6, $0x1;
	s6 =	sadd.s32 s21, s4  }
0x9e: {  	[timem:s8], [sflag:s22] =	dma.local [hbm:s6], s20  }
0x9f: {  	_ =	swait.ge [sflag:s22], s20  }
0xa0: {  	s5 =	ssub.s32 $0x0, s20;
	[sflag:s22] =	ssyncset.done $0x0  }
0xa1: {  	[sflag:s22] =	ssyncadd.s32 s5;
	_ =	sdelay $0x1  }
0xa2: {  	s23 =	simm.s32 $0x1B8B  }
0xa3: {  	_ =	swait.ge [sflag:s23], $0x1  }
0xa4: {  	[sflag:s23] =	ssyncset.done $0x0  }
0xa5: {  	s25 =	simm.s32 $0x1B8E;
	s24 =	sld [smem:$0x3FFE];
	[sflag:s23] =	ssyncadd.s32 $0xFFFFFFFF  }
0xa6: {  	s26 =	simm.s32 $execute0_lowered;
	[smem:$0x3FD2] =	sst s25  }
0xa7: {  	s6 =	sshll.u32 s26, $0x1;
	_ =	strace $0x80000046;
	[dreg:$0x1] =	wrdreg $0xFFFFFFFF  }
0xa8: {  	s28 =	simm.s32 $_size_execute0_lowered;
	s4 =	sadd.s32 s4, s6;
	[dreg:$0x0] =	wrdreg $0x0  }
0xa9: {  	s6 =	sshll.u32 s28, $0x1;
	[dreg:$0x2] =	wrdreg s4  }
0xaa: {  	[dreg:$0x3] =	wrdreg s6  }
0xab: {  	[dreg:$0x4] =	wrdreg $0xC0  }
0xac: {  	_ =	task [dreg:s8], $0x5FFFF  }
0xad: {  	[dreg:$0x1] =	wrdreg $0xFFFFFFFF  }
0xae: {  	[dreg:$0x0] =	wrdreg $0x60  }
0xaf: {  	[dreg:$0x2] =	wrdreg s18  }
0xb0: {  	[dreg:$0x3] =	wrdreg s24  }
0xb1: {  	[dreg:$0x4] =	wrdreg s2  }
0xb2: {  	[dreg:$0x5] =	wrdreg $0x9  }
0xb3: {  	_ =	task.clear_ibuf [dreg:s8], $0x6FFFF;
	_ =	strace $0x90000046  }
0xb4: {  	s29 =	simm.s32 $0x9;
	_ =	strace $0x80000048  }
0xb5: {  	_ =	swait.ge [sflag:s29], $0x1  }
0xb6: {  	[sflag:s29] =	ssyncadd.s32 $0xFFFFFFFF  }
0xb7: {  	_ =	strace $0x90000048  }
0xb8: {  	_ =	sfence  }
0xb9: {  	s30 =	sld [smem:$0x0];
	_ =	sdelay $0x2  }
0xba: {  	s31 =	sshll.u32 s1, $0xD;
	s1 =	sshrl.u32 s1, $0x2  }
0xbb: {  	s3 =	sand.u32 $0x4000, s31;
	s1 =	sadd.s32 s1, s30  }
0xbc: {  	s0 =	sor.u32 s3, s0;
	s1 =	sshll.u32 s1, $0x11  }
0xbd: {  	s0 =	sor.u32 s1, s0  }
0xbe: {  	s0 =	sadd.s32 $0x8F2B, s0  }
0xbf: {  	[sflag:s0] =	ssyncadd.remote.s32 $0x1  }
0xc0: {  	_ =	sfence.sel $0xFFFF  }
0xc1: {  	[dreg:$0x0] =	wrdreg $0xFFFFFFFF;
	(pc) =	sbr.abs _section_cstart, $3  }
0xc2: {  	[dreg:$0x1] =	wrdreg $0xFFFFFFFF  }
0xc3: {  	_ =	task.clear_ibuf [dreg:s8], $0x2FFFF;
	_ =	strace $0x9FFFFFFF  }
0xc4: {  	(tm) =	ssettm $0x7FFFFFFF  }
0xc5: {  	_ =	shalt  }
tec
execute0_lowered:
.L_overlay_start_1:
0x0: {  	(tag) =	ssettag $0x1  }
0x1: {  	s1 =	rddreg [dreg:$0x0]  }
0x2: {  	s8 =	rddreg [dreg:$0x1]  }
0x3: {  	s2 =	rddreg [dreg:$0x2]  }
0x4: {  	s3 =	srdreg.scid;
	s0 =	rddreg [dreg:$0x3]  }
0x5: {  	s4 =	simm.s32 $0x0;
	s12 =	simm.s32 $0xF000;
	s13 =	simm.s32 $0xF800  }
0x6: {  	s14 =	simm.s32 $0x10000;
	s16 =	simm.s32 $0x80;
	s7 =	sand.u32 $0x1, s3  }
0x7: {  	s17 =	simm.s32 $0x10800;
	s3 =	stileid.u32;
	s5 =	sshll.u32 s7, $0x4  }
0x8: {  	s18 =	simm.s32 $0x1A980;
	s19 =	simm.s32 $0x10900;
	s9 =	sor.u32 s3, s5  }
0x9: {  	s20 =	simm.s32 $0x0;
	[smem:$0x7FF] =	sst s4;
	s10 =	smul.u32 $0x1400, s9  }
.Ltmp0:
0xa: {  	s6 =	sadd.s32 $0x1200, s8;
	_ =	strace $0x80000047;
	(pc) =	sbr.rel .LBB2_1-.Ltmp0, $4  }
0xb: {  	s11 =	ssub.s32 $0x2, s7;
	s7 =	sadd.s32 $0x1000, s8;
	s15 =	smul.u32 $0xFFFFFEC0, s9  }
0xc: {  	s5 =	sadd.s32 $0xB000, s8;
	s31 =	sshrl.u32 s11, $0x1;
	s8 =	sadd.s32 s10, s8  }
0xd: {  	v1 =	vimm.f32 $-3.000000010e+38;
	s10 =	ssub.s32 s11, s31;
	s11 =	simm.s32 $0x2;
	v0 =	vmov s15;
	s15 =	simm.s32 $0x1  }
0xe: {  	v2 =	vimm.s32 $0x140;
	v3 =	vimm.s32 $0x0;
	v4 =	vimm.f32 $0.0e+00;
	s8 =	sadd.s32 $0x14E00, s8;
	s9 =	smax.u32 s10, $0x1;
	s10 =	simm.s32 $0x10880  }
.LBB2_13:
0xf: {  	s20 =	sadd.s32 $0x1, s20  }
0x10: {  	p0 =	sne.s32 s20, s9  }
.Ltmp1:
0x11: {  	_ = 	snop;
	(pc) =	sbr.rel @!p0 .LBB2_14-.Ltmp1, $4  }
0x12: {  	[hbm4b:s8+s4] =	stream.linear.scatter [tilespmem:s19], [sflag:$0x2], $0xA000, $0x38;
	[tilespmem:$0x1E980] =	vst v63  }
0x13: {  	_ =	swait.ge [sflag:s11], $0xA000  }
0x14: {  	[sflag:s11] =	ssyncset.done $0x0  }
0x15: {  	[sflag:s11] =	ssyncadd.s32 $0xFFFF6000  }
.LBB2_1:
0x16: {  	[tilespmem:s10], [sflag:$0x2] =	stream.linear.gather [hbm4b:s7+s4], $0x80, $0x38;
	[tilespmem:$0x1E980] =	vst v63  }
0x17: {  	_ =	swait.ge [sflag:s11], $0x80  }
0x18: {  	[sflag:s11] =	ssyncset.done $0x0  }
0x19: {  	s21 =	simm.s32 $0x40;
	s22 =	simm.s32 $0x0;
	[sflag:s11] =	ssyncadd.s32 $0xFFFFFF80  }
.LBB2_2:
0x1a: {  	p0 =	sne.s32 s21, $0x281C0;
	[tilespmem:s22+$0x10900] =	vst v1;
	s22 =	smov.u32 s21;
	s21 =	sadd.s32 $0x40, s21  }
.Ltmp2:
0x1b: {  	(pc) =	sbr.rel @p0 .LBB2_2-.Ltmp2, $2  }
0x1c: {  	_ =	sdelay $0x2  }
0x1d: {  	s22 =	sshra.s32 s22, $0x2  }
0x1e: {  	[tilespmem:s22+$0x10900] =	vst v1;
	s21 =	simm.s32 $0x0;
	s22 =	simm.s32 $0x40;
	s23 =	simm.s32 $0x0  }
.LBB2_4:
0x1f: {  	p0 =	sne.s32 s22, $0x13FC0;
	[tilespmem:s23+$0xA000] =	vst v4;
	s24 =	smov.u32 s22;
	s22 =	sadd.s32 $0x40, s22  }
.Ltmp3:
0x20: {  	[tilespmem:s23+$0x0] =	vst v2;
	(pc) =	sbr.rel @p0 .LBB2_4-.Ltmp3, $2  }
0x21: {  	[tilespmem:s23+$0x5000] =	vst v3;
	_ =	sdelay $0x2  }
0x22: {  	s23 =	sshra.s32 s24, $0x2  }
0x23: {  	[tilespmem:s23+$0xA000] =	vst v4  }
0x24: {  	[tilespmem:s23+$0x0] =	vst v2  }
0x25: {  	[tilespmem:s23+$0x5000] =	vst v3;
	s22 =	simm.s32 $0x0  }
.LBB2_6:
0x26: {  	s23 =	smul.u32 $0xFA, s22;
	_ =	sdelay $0x1  }
0x27: {  	s25 =	simm.s32 $0x0;
	s24 =	sadd.s32 s5, s23  }
0x28: {  	[tilespmem:s12], [sflag:$0x2] =	stream.linear.gather [hbm4b:s24+s25], $0x7D0, $0x38;
	[tilespmem:$0x1E980] =	vst v63  }
0x29: {  	_ =	swait.ge [sflag:s11], $0x7D0  }
0x2a: {  	[sflag:s11] =	ssyncset.done $0x0  }
0x2b: {  	s30 =	sadd.s32 s6, s23;
	[sflag:s11] =	ssyncadd.s32 $0xFFFFF830  }
0x2c: {  	[tilespmem:s13], [sflag:$0x2] =	stream.linear.gather [hbm4b:s30+s25], $0x7D0, $0x38;
	[tilespmem:$0x1E980] =	vst v63  }
0x2d: {  	_ =	swait.ge [sflag:s11], $0x7D0  }
0x2e: {  	[sflag:s11] =	ssyncset.done $0x0  }
0x2f: {  	s23 =	sadd.s32 s2, s23;
	[sflag:s11] =	ssyncadd.s32 $0xFFFFF830  }
0x30: {  	[tilespmem:s14], [sflag:$0x2] =	stream.linear.gather [hbm4b:s23+s25], $0x7D0, $0x38;
	[tilespmem:$0x1E980] =	vst v63  }
0x31: {  	_ =	swait.ge [sflag:s11], $0x7D0  }
0x32: {  	[sflag:s11] =	ssyncset.done $0x0  }
0x33: {  	s31 =	simm.s32 $0x0;
	[sflag:s11] =	ssyncadd.s32 $0xFFFFF830  }
0x34: {  	v5 =	vld [tilespmem:s31+$0xF000];
	_ =	sdelay $0x4  }
0x35: {  	v5 =	vadd.s32 v0, v5  }
0x36: {  	vm0 =	vlt.u32 v5, $0x140  }
0x37: {  	[tilespmem:s21+$0x0] =	vst.msk vm0, v5;
	v6 =	vmpcnt.ones.xlane vm0  }
0x38: {  	v5 =	vld [tilespmem:s31+$0xF800]  }
0x39: {  	(v2sf) =	vpush v6, $0x0;
	_ =	sdelay $0x3  }
0x3a: {  	[tilespmem:s21+$0x5000] =	vst.msk vm0, v5  }
0x3b: {  	v5 =	vld [tilespmem:s31+$0x10000];
	_ =	sdelay $0x4  }
0x3c: {  	s24 =	simm.s32 $0x80;
	s23 =	simm.s32 $0x10;
	[tilespmem:s21+$0xA000] =	vst.msk vm0, v5  }
.LBB2_7:
0x3d: {  	p0 =	sne.s32 s24, $0x1F00;
	v5 =	vld [tilespmem:s23+$0xF000];
	_ =	sdelay $0x3  }
0x3e: {  	s25 =	spop (v2sf)  }
0x3f: {  	v5 =	vadd.s32 v0, v5;
	s21 =	sadd.s32 s21, s25  }
0x40: {  	vm0 =	vlt.u32 v5, $0x140  }
0x41: {  	v6 =	vmpcnt.ones.xlane vm0;
	[tilespmem:s21+$0x0] =	vst.msk vm0, v5  }
0x42: {  	v5 =	vld [tilespmem:s23+$0xF800]  }
0x43: {  	(v2sf) =	vpush v6, $0x0;
	_ =	sdelay $0x3  }
0x44: {  	[tilespmem:s21+$0x5000] =	vst.msk vm0, v5  }
0x45: {  	v5 =	vld [tilespmem:s23+$0x10000]  }
.Ltmp4:
0x46: {  	(pc) =	sbr.rel @p0 .LBB2_7-.Ltmp4, $2  }
0x47: {  	_ =	sdelay $0x2  }
0x48: {  	s23 =	sshra.s32 s24, $0x2;
	s24 =	sadd.s32 $0x40, s24;
	[tilespmem:s21+$0xA000] =	vst.msk vm0, v5  }
0x49: {  	v5 =	vld [tilespmem:s23+$0xF000];
	_ =	sdelay $0x4  }
0x4a: {  	v5 =	vadd.s32 v0, v5  }
0x4b: {  	vm0 =	vlt.u32 v5, $0x140  }
0x4c: {  	v6 =	vmpcnt.ones.xlane vm0;
	_ =	sdelay $0x1  }
0x4d: {  	(v2sf) =	vpush v6, $0x0;
	_ =	sdelay $0x1  }
0x4e: {  	s24 =	spop (v2sf)  }
0x4f: {  	s21 =	sadd.s32 s21, s24  }
0x50: {  	[tilespmem:s21+$0x0] =	vst.msk vm0, v5  }
0x51: {  	v5 =	vld [tilespmem:s23+$0xF800];
	_ =	sdelay $0x4  }
0x52: {  	s22 =	sadd.s32 $0x1, s22;
	[tilespmem:s21+$0x5000] =	vst.msk vm0, v5  }
0x53: {  	p0 =	sne.s32 s22, $0xA0;
	v5 =	vld [tilespmem:s23+$0x10000]  }
.Ltmp5:
0x54: {  	_ = 	snop;
	(pc) =	sbr.rel @p0 .LBB2_6-.Ltmp5, $3  }
0x55: {  	_ =	sdelay $0x1  }
0x56: {  	s31 =	spop (v2sf)  }
0x57: {  	[tilespmem:s21+$0xA000] =	vst.msk vm0, v5;
	s21 =	sadd.s32 s21, s31  }
0x58: {  	s21 =	sadd.s32 $0x7F, s21  }
0x59: {  	s22 =	sand.u32 $0x7F, s21  }
0x5a: {  	s23 =	sshra.s32 s21, $0x1F;
	p0 =	slt.s32 s21, $0x1;
	p1 =	sne.s32 s22, $0x0  }
0x5b: {  	s31 =	sshrl.u32 s23, $0x19;
	p0 =	por !p0, !p1  }
0x5c: {  	s22 =	simm.s32 $0x1;
	s21 =	sadd.s32 s31, s21;
	p0 =	por !p0, !p0  }
0x5d: {  	s21 =	sshra.s32 s21, $0x7;
	s22 =	simm.s32 @!p0 $0x0  }
0x5e: {  	s21 =	ssub.s32 s21, s22  }
0x5f: {  	p0 =	slt.s32 s21, $0x1  }
.Ltmp6:
0x60: {  	_ = 	snop;
	(pc) =	sbr.rel @p0 .LBB2_13-.Ltmp6, $2  }
0x61: {  	_ =	sdelay $0x2  }
0x62: {  	s24 =	simm.s32 $0x0;
	s23 =	simm.s32 $0xA000;
	s22 =	simm.s32 $0x0  }
.LBB2_10:
0x63: {  	s25 =	sshll.u32 s24, $0x9  }
0x64: {  	s25 =	sshra.s32 s25, $0x2  }
0x65: {  	v5 =	vld [tilespmem:s25+$0x5000];
	_ =	sdelay $0x4  }
0x66: {  	[tilespmem:$0x10800] =	vst v5  }
0x67: {  	v5 =	vld [tilespmem:s25+$0x5010];
	_ =	sdelay $0x4  }
0x68: {  	[tilespmem:$0x10810] =	vst v5  }
0x69: {  	v5 =	vld [tilespmem:s25+$0x5020];
	_ =	sdelay $0x4  }
0x6a: {  	[tilespmem:$0x10820] =	vst v5  }
0x6b: {  	v5 =	vld [tilespmem:s25+$0x5030];
	_ =	sdelay $0x4  }
0x6c: {  	[tilespmem:$0x10830] =	vst v5  }
0x6d: {  	v5 =	vld [tilespmem:s25+$0x5040];
	_ =	sdelay $0x4  }
0x6e: {  	[tilespmem:$0x10840] =	vst v5  }
0x6f: {  	v5 =	vld [tilespmem:s25+$0x5050];
	_ =	sdelay $0x4  }
0x70: {  	[tilespmem:$0x10850] =	vst v5  }
0x71: {  	v5 =	vld [tilespmem:s25+$0x5060];
	_ =	sdelay $0x4  }
0x72: {  	[tilespmem:$0x10860] =	vst v5  }
0x73: {  	v5 =	vld [tilespmem:s25+$0x5070];
	_ =	sdelay $0x4  }
0x74: {  	[tilespmem:$0x10870] =	vst v5  }
0x75: {  	v5 =	vmov s22;
	[tilespmem:s18], [sflag:$0x1] =	stream.indirect.gather [hbm4b:s1+s16], $0x80, s17, s16, $0xb8;
	[tilespmem:$0x1E980] =	vst v63  }
0x76: {  	_ =	swait.ge [sflag:s15], $0x4000  }
0x77: {  	[sflag:s15] =	ssyncset.done $0x0  }
0x78: {  	v6 =	vmov s23;
	s26 =	simm.s32 $0x0;
	s25 =	simm.s32 $0x1AD80;
	[sflag:s15] =	ssyncadd.s32 $0xFFFFC000  }
.LBB2_11:
0x79: {  	s28 =	sshra.s32 s26, $0x2  }
0x7a: {  	v7 =	vld.idx.msk [tilespmem:v5+s28+$0x0 ss:$0x1], $0xffff;
	_ =	sdelay $0x4  }
0x7b: {  	v7 =	vshll.u32 v7, $0x9  }
0x7c: {  	v8 =	vshra.s32 v7, $0x2  }
0x7d: {  	(v2sf) =	vpush v8, $0x0;
	_ =	sdelay $0x9  }
0x7e: {  	v7 =	vld.idx.msk [tilespmem:v6+s28+$0x0 ss:$0x1], $0xffff;
	_ =	sdelay $0x1  }
0x7f: {  	v9 =	vld [tilespmem:$0x10880];
	_ =	sdelay $0x1  }
0x80: {  	v10 =	vld [tilespmem:s25+$0xFFFFFC00]  }
0x81: {  	v11 =	vbroadcast v7, $0x0;
	s31 =	spop (v2sf)  }
0x82: {  	v12 =	vld [tilespmem:s31+$0x10900]  }
0x83: {  	v9 =	vmul.f32 v9, v11;
	_ =	sdelay $0x1  }
0x84: {  	v9 =	vadd.f32 v9, v10;
	_ =	sdelay $0x1  }
0x85: {  	v9 =	vmax.f32 v12, v9  }
0x86: {  	[tilespmem:s31+$0x10900] =	vst v9  }
0x87: {  	v9 =	vld [tilespmem:$0x10890];
	_ =	sdelay $0x1  }
0x88: {  	v37 =	vld [tilespmem:s25+$0xFFFFFC10];
	_ =	sdelay $0x1  }
0x89: {  	v38 =	vld [tilespmem:s31+$0x10910]  }
0x8a: {  	v9 =	vmul.f32 v9, v11;
	_ =	sdelay $0x1  }
0x8b: {  	v9 =	vadd.f32 v9, v37;
	_ =	sdelay $0x1  }
0x8c: {  	v9 =	vmax.f32 v38, v9  }
0x8d: {  	[tilespmem:s31+$0x10910] =	vst v9  }
0x8e: {  	v9 =	vld [tilespmem:$0x108A0];
	_ =	sdelay $0x1  }
0x8f: {  	v39 =	vld [tilespmem:s25+$0xFFFFFC20];
	_ =	sdelay $0x1  }
0x90: {  	v40 =	vld [tilespmem:s31+$0x10920]  }
0x91: {  	v9 =	vmul.f32 v9, v11;
	_ =	sdelay $0x1  }
0x92: {  	v9 =	vadd.f32 v9, v39;
	_ =	sdelay $0x1  }
0x93: {  	v9 =	vmax.f32 v40, v9  }
0x94: {  	[tilespmem:s31+$0x10920] =	vst v9  }
0x95: {  	v9 =	vld [tilespmem:$0x108B0];
	_ =	sdelay $0x1  }
0x96: {  	v41 =	vld [tilespmem:s25+$0xFFFFFC30];
	_ =	sdelay $0x1  }
0x97: {  	v42 =	vld [tilespmem:s31+$0x10930]  }
0x98: {  	v9 =	vmul.f32 v9, v11;
	_ =	sdelay $0x1  }
0x99: {  	v9 =	vadd.f32 v9, v41;
	_ =	sdelay $0x1  }
0x9a: {  	v9 =	vmax.f32 v42, v9  }
0x9b: {  	[tilespmem:s31+$0x10930] =	vst v9  }
0x9c: {  	v9 =	vld [tilespmem:$0x108C0];
	_ =	sdelay $0x1  }
0x9d: {  	v43 =	vld [tilespmem:s25+$0xFFFFFC40];
	_ =	sdelay $0x1  }
0x9e: {  	v44 =	vld [tilespmem:s31+$0x10940]  }
0x9f: {  	v9 =	vmul.f32 v9, v11;
	_ =	sdelay $0x1  }
0xa0: {  	v9 =	vadd.f32 v9, v43;
	_ =	sdelay $0x1  }
0xa1: {  	v9 =	vmax.f32 v44, v9  }
0xa2: {  	[tilespmem:s31+$0x10940] =	vst v9  }
0xa3: {  	v9 =	vld [tilespmem:$0x108D0];
	_ =	sdelay $0x1  }
0xa4: {  	v45 =	vld [tilespmem:s25+$0xFFFFFC50];
	_ =	sdelay $0x1  }
0xa5: {  	v46 =	vld [tilespmem:s31+$0x10950]  }
0xa6: {  	v9 =	vmul.f32 v9, v11;
	_ =	sdelay $0x1  }
0xa7: {  	v9 =	vadd.f32 v9, v45;
	_ =	sdelay $0x1  }
0xa8: {  	v9 =	vmax.f32 v46, v9  }
0xa9: {  	[tilespmem:s31+$0x10950] =	vst v9  }
0xaa: {  	v9 =	vld [tilespmem:$0x108E0];
	_ =	sdelay $0x1  }
0xab: {  	v47 =	vld [tilespmem:s25+$0xFFFFFC60];
	_ =	sdelay $0x1  }
0xac: {  	v48 =	vld [tilespmem:s31+$0x10960]  }
0xad: {  	v9 =	vmul.f32 v9, v11;
	_ =	sdelay $0x1  }
0xae: {  	v9 =	vadd.f32 v9, v47;
	_ =	sdelay $0x1  }
0xaf: {  	v9 =	vmax.f32 v48, v9  }
0xb0: {  	(v2sf) =	vpush v8, $0x1;
	[tilespmem:s31+$0x10960] =	vst v9  }
0xb1: {  	v9 =	vld [tilespmem:$0x108F0];
	_ =	sdelay $0x1  }
0xb2: {  	v49 =	vld [tilespmem:s25+$0xFFFFFC70];
	_ =	sdelay $0x1  }
0xb3: {  	v50 =	vld [tilespmem:s31+$0x10970]  }
0xb4: {  	v9 =	vmul.f32 v9, v11;
	_ =	sdelay $0x1  }
0xb5: {  	v9 =	vadd.f32 v9, v49;
	_ =	sdelay $0x1  }
0xb6: {  	v9 =	vmax.f32 v50, v9  }
0xb7: {  	[tilespmem:s31+$0x10970] =	vst v9  }
0xb8: {  	v9 =	vld [tilespmem:$0x10880];
	_ =	sdelay $0x1  }
0xb9: {  	v51 =	vld [tilespmem:s25+$0xFFFFFC80]  }
0xba: {  	v52 =	vbroadcast v7, $0x1;
	s29 =	spop (v2sf)  }
0xbb: {  	v53 =	vld [tilespmem:s29+$0x10900]  }
0xbc: {  	v9 =	vmul.f32 v9, v52;
	_ =	sdelay $0x1  }
0xbd: {  	v9 =	vadd.f32 v9, v51;
	_ =	sdelay $0x1  }
0xbe: {  	v9 =	vmax.f32 v53, v9  }
0xbf: {  	[tilespmem:s29+$0x10900] =	vst v9  }
0xc0: {  	v9 =	vld [tilespmem:$0x10890];
	_ =	sdelay $0x1  }
0xc1: {  	v54 =	vld [tilespmem:s25+$0xFFFFFC90];
	_ =	sdelay $0x1  }
0xc2: {  	v55 =	vld [tilespmem:s29+$0x10910]  }
0xc3: {  	v9 =	vmul.f32 v9, v52;
	_ =	sdelay $0x1  }
0xc4: {  	v9 =	vadd.f32 v9, v54;
	_ =	sdelay $0x1  }
0xc5: {  	v9 =	vmax.f32 v55, v9  }
0xc6: {  	[tilespmem:s29+$0x10910] =	vst v9  }
0xc7: {  	v9 =	vld [tilespmem:s29+$0x10920]  }
0xc8: {  	v56 =	vld [tilespmem:$0x108A0];
	_ =	sdelay $0x1  }
0xc9: {  	v57 =	vld [tilespmem:s25+$0xFFFFFCA0];
	_ =	sdelay $0x2  }
0xca: {  	v10 =	vmul.f32 v56, v52;
	_ =	sdelay $0x1  }
0xcb: {  	v10 =	vadd.f32 v10, v57;
	_ =	sdelay $0x1  }
0xcc: {  	v9 =	vmax.f32 v9, v10  }
0xcd: {  	[tilespmem:s29+$0x10920] =	vst v9  }
0xce: {  	v9 =	vld [tilespmem:$0x108B0];
	_ =	sdelay $0x1  }
0xcf: {  	v58 =	vld [tilespmem:s25+$0xFFFFFCB0];
	_ =	sdelay $0x1  }
0xd0: {  	v59 =	vld [tilespmem:s29+$0x10930]  }
0xd1: {  	v9 =	vmul.f32 v9, v52;
	_ =	sdelay $0x1  }
0xd2: {  	v9 =	vadd.f32 v9, v58;
	_ =	sdelay $0x1  }
0xd3: {  	v9 =	vmax.f32 v59, v9  }
0xd4: {  	[tilespmem:s29+$0x10930] =	vst v9  }
0xd5: {  	v9 =	vld [tilespmem:$0x108C0];
	_ =	sdelay $0x1  }
0xd6: {  	v60 =	vld [tilespmem:s25+$0xFFFFFCC0];
	_ =	sdelay $0x1  }
0xd7: {  	v61 =	vld [tilespmem:s29+$0x10940]  }
0xd8: {  	v9 =	vmul.f32 v9, v52;
	_ =	sdelay $0x1  }
0xd9: {  	v9 =	vadd.f32 v9, v60;
	_ =	sdelay $0x1  }
0xda: {  	v9 =	vmax.f32 v61, v9  }
0xdb: {  	[tilespmem:s29+$0x10940] =	vst v9  }
0xdc: {  	v9 =	vld [tilespmem:$0x108D0];
	_ =	sdelay $0x1  }
0xdd: {  	v62 =	vld [tilespmem:s25+$0xFFFFFCD0];
	_ =	sdelay $0x1  }
0xde: {  	v63 =	vld [tilespmem:s29+$0x10950]  }
0xdf: {  	v9 =	vmul.f32 v9, v52;
	_ =	sdelay $0x1  }
0xe0: {  	v9 =	vadd.f32 v9, v62;
	_ =	sdelay $0x1  }
0xe1: {  	v9 =	vmax.f32 v63, v9  }
0xe2: {  	[tilespmem:s29+$0x10950] =	vst v9  }
0xe3: {  	v9 =	vld [tilespmem:$0x108E0];
	_ =	sdelay $0x1  }
0xe4: {  	v16 =	vld [tilespmem:s25+$0xFFFFFCE0];
	_ =	sdelay $0x1  }
0xe5: {  	v17 =	vld [tilespmem:s29+$0x10960]  }
0xe6: {  	v9 =	vmul.f32 v9, v52;
	_ =	sdelay $0x1  }
0xe7: {  	v9 =	vadd.f32 v9, v16;
	_ =	sdelay $0x1  }
0xe8: {  	v9 =	vmax.f32 v17, v9  }
0xe9: {  	(v2sf) =	vpush v8, $0x2;
	[tilespmem:s29+$0x10960] =	vst v9  }
0xea: {  	v9 =	vld [tilespmem:$0x108F0];
	_ =	sdelay $0x1  }
0xeb: {  	v18 =	vld [tilespmem:s25+$0xFFFFFCF0];
	_ =	sdelay $0x1  }
0xec: {  	v19 =	vld [tilespmem:s29+$0x10970]  }
0xed: {  	v9 =	vmul.f32 v9, v52;
	_ =	sdelay $0x1  }
0xee: {  	v9 =	vadd.f32 v9, v18;
	_ =	sdelay $0x1  }
0xef: {  	v9 =	vmax.f32 v19, v9  }
0xf0: {  	[tilespmem:s29+$0x10970] =	vst v9  }
0xf1: {  	v9 =	vld [tilespmem:$0x10880];
	_ =	sdelay $0x1  }
0xf2: {  	v20 =	vld [tilespmem:s25+$0xFFFFFD00]  }
0xf3: {  	v21 =	vbroadcast v7, $0x2;
	s30 =	spop (v2sf)  }
0xf4: {  	v22 =	vld [tilespmem:s30+$0x10900]  }
0xf5: {  	v9 =	vmul.f32 v9, v21;
	_ =	sdelay $0x1  }
0xf6: {  	v9 =	vadd.f32 v9, v20;
	_ =	sdelay $0x1  }
0xf7: {  	v9 =	vmax.f32 v22, v9  }
0xf8: {  	[tilespmem:s30+$0x10900] =	vst v9  }
0xf9: {  	v9 =	vld [tilespmem:$0x10890];
	_ =	sdelay $0x1  }
0xfa: {  	v23 =	vld [tilespmem:s25+$0xFFFFFD10];
	_ =	sdelay $0x1  }
0xfb: {  	v24 =	vld [tilespmem:s30+$0x10910]  }
0xfc: {  	v9 =	vmul.f32 v9, v21;
	_ =	sdelay $0x1  }
0xfd: {  	v9 =	vadd.f32 v9, v23;
	_ =	sdelay $0x1  }
0xfe: {  	v9 =	vmax.f32 v24, v9  }
0xff: {  	[tilespmem:s30+$0x10910] =	vst v9  }
0x100: {  	v9 =	vld [tilespmem:$0x108A0];
	_ =	sdelay $0x1  }
0x101: {  	v25 =	vld [tilespmem:s25+$0xFFFFFD20];
	_ =	sdelay $0x1  }
0x102: {  	v26 =	vld [tilespmem:s30+$0x10920]  }
0x103: {  	v9 =	vmul.f32 v9, v21;
	_ =	sdelay $0x1  }
0x104: {  	v9 =	vadd.f32 v9, v25;
	_ =	sdelay $0x1  }
0x105: {  	v9 =	vmax.f32 v26, v9  }
0x106: {  	[tilespmem:s30+$0x10920] =	vst v9  }
0x107: {  	v9 =	vld [tilespmem:$0x108B0];
	_ =	sdelay $0x1  }
0x108: {  	v27 =	vld [tilespmem:s25+$0xFFFFFD30];
	_ =	sdelay $0x1  }
0x109: {  	v28 =	vld [tilespmem:s30+$0x10930]  }
0x10a: {  	v9 =	vmul.f32 v9, v21;
	_ =	sdelay $0x1  }
0x10b: {  	v9 =	vadd.f32 v9, v27;
	_ =	sdelay $0x1  }
0x10c: {  	v9 =	vmax.f32 v28, v9  }
0x10d: {  	[tilespmem:s30+$0x10930] =	vst v9  }
0x10e: {  	v9 =	vld [tilespmem:$0x108C0];
	_ =	sdelay $0x1  }
0x10f: {  	v29 =	vld [tilespmem:s25+$0xFFFFFD40];
	_ =	sdelay $0x1  }
0x110: {  	v30 =	vld [tilespmem:s30+$0x10940]  }
0x111: {  	v9 =	vmul.f32 v9, v21;
	_ =	sdelay $0x1  }
0x112: {  	v9 =	vadd.f32 v9, v29;
	_ =	sdelay $0x1  }
0x113: {  	v9 =	vmax.f32 v30, v9  }
0x114: {  	[tilespmem:s30+$0x10940] =	vst v9  }
0x115: {  	v9 =	vld [tilespmem:$0x108D0];
	_ =	sdelay $0x1  }
0x116: {  	v31 =	vld [tilespmem:s25+$0xFFFFFD50];
	_ =	sdelay $0x1  }
0x117: {  	v32 =	vld [tilespmem:s30+$0x10950]  }
0x118: {  	v9 =	vmul.f32 v9, v21;
	_ =	sdelay $0x1  }
0x119: {  	v9 =	vadd.f32 v9, v31;
	_ =	sdelay $0x1  }
0x11a: {  	v9 =	vmax.f32 v32, v9  }
0x11b: {  	[tilespmem:s30+$0x10950] =	vst v9  }
0x11c: {  	v9 =	vld [tilespmem:$0x108E0];
	_ =	sdelay $0x1  }
0x11d: {  	v33 =	vld [tilespmem:s25+$0xFFFFFD60];
	_ =	sdelay $0x1  }
0x11e: {  	v34 =	vld [tilespmem:s30+$0x10960]  }
0x11f: {  	v9 =	vmul.f32 v9, v21;
	_ =	sdelay $0x1  }
0x120: {  	v9 =	vadd.f32 v9, v33;
	_ =	sdelay $0x1  }
0x121: {  	v9 =	vmax.f32 v34, v9  }
0x122: {  	(v2sf) =	vpush v8, $0x3;
	[tilespmem:s30+$0x10960] =	vst v9  }
0x123: {  	v9 =	vld [tilespmem:$0x108F0];
	_ =	sdelay $0x1  }
0x124: {  	v35 =	vld [tilespmem:s25+$0xFFFFFD70];
	_ =	sdelay $0x1  }
0x125: {  	v36 =	vld [tilespmem:s30+$0x10970]  }
0x126: {  	v9 =	vmul.f32 v9, v21;
	_ =	sdelay $0x1  }
0x127: {  	v9 =	vadd.f32 v9, v35;
	_ =	sdelay $0x1  }
0x128: {  	v9 =	vmax.f32 v36, v9  }
0x129: {  	[tilespmem:s30+$0x10970] =	vst v9  }
0x12a: {  	v9 =	vld [tilespmem:$0x10880];
	_ =	sdelay $0x1  }
0x12b: {  	v37 =	vld [tilespmem:s25+$0xFFFFFD80]  }
0x12c: {  	v38 =	vbroadcast v7, $0x3;
	s31 =	spop (v2sf)  }
0x12d: {  	v39 =	vld [tilespmem:s31+$0x10900]  }
0x12e: {  	v9 =	vmul.f32 v9, v38;
	_ =	sdelay $0x1  }
0x12f: {  	v9 =	vadd.f32 v9, v37;
	_ =	sdelay $0x1  }
0x130: {  	v9 =	vmax.f32 v39, v9  }
0x131: {  	[tilespmem:s31+$0x10900] =	vst v9  }
0x132: {  	v9 =	vld [tilespmem:$0x10890];
	_ =	sdelay $0x1  }
0x133: {  	v40 =	vld [tilespmem:s25+$0xFFFFFD90];
	_ =	sdelay $0x1  }
0x134: {  	v41 =	vld [tilespmem:s31+$0x10910]  }
0x135: {  	v9 =	vmul.f32 v9, v38;
	_ =	sdelay $0x1  }
0x136: {  	v9 =	vadd.f32 v9, v40;
	_ =	sdelay $0x1  }
0x137: {  	v9 =	vmax.f32 v41, v9  }
0x138: {  	[tilespmem:s31+$0x10910] =	vst v9  }
0x139: {  	v9 =	vld [tilespmem:$0x108A0];
	_ =	sdelay $0x1  }
0x13a: {  	v42 =	vld [tilespmem:s25+$0xFFFFFDA0];
	_ =	sdelay $0x1  }
0x13b: {  	v43 =	vld [tilespmem:s31+$0x10920]  }
0x13c: {  	v9 =	vmul.f32 v9, v38;
	_ =	sdelay $0x1  }
0x13d: {  	v9 =	vadd.f32 v9, v42;
	_ =	sdelay $0x1  }
0x13e: {  	v9 =	vmax.f32 v43, v9  }
0x13f: {  	[tilespmem:s31+$0x10920] =	vst v9  }
0x140: {  	v9 =	vld [tilespmem:$0x108B0];
	_ =	sdelay $0x1  }
0x141: {  	v44 =	vld [tilespmem:s25+$0xFFFFFDB0];
	_ =	sdelay $0x1  }
0x142: {  	v45 =	vld [tilespmem:s31+$0x10930]  }
0x143: {  	v9 =	vmul.f32 v9, v38;
	_ =	sdelay $0x1  }
0x144: {  	v9 =	vadd.f32 v9, v44;
	_ =	sdelay $0x1  }
0x145: {  	v9 =	vmax.f32 v45, v9  }
0x146: {  	[tilespmem:s31+$0x10930] =	vst v9  }
0x147: {  	v9 =	vld [tilespmem:$0x108C0];
	_ =	sdelay $0x1  }
0x148: {  	v46 =	vld [tilespmem:s25+$0xFFFFFDC0];
	_ =	sdelay $0x1  }
0x149: {  	v47 =	vld [tilespmem:s31+$0x10940]  }
0x14a: {  	v9 =	vmul.f32 v9, v38;
	_ =	sdelay $0x1  }
0x14b: {  	v9 =	vadd.f32 v9, v46;
	_ =	sdelay $0x1  }
0x14c: {  	v9 =	vmax.f32 v47, v9  }
0x14d: {  	[tilespmem:s31+$0x10940] =	vst v9  }
0x14e: {  	v9 =	vld [tilespmem:$0x108D0];
	_ =	sdelay $0x1  }
0x14f: {  	v48 =	vld [tilespmem:s25+$0xFFFFFDD0];
	_ =	sdelay $0x1  }
0x150: {  	v49 =	vld [tilespmem:s31+$0x10950]  }
0x151: {  	v9 =	vmul.f32 v9, v38;
	_ =	sdelay $0x1  }
0x152: {  	v9 =	vadd.f32 v9, v48;
	_ =	sdelay $0x1  }
0x153: {  	v9 =	vmax.f32 v49, v9  }
0x154: {  	[tilespmem:s31+$0x10950] =	vst v9  }
0x155: {  	v9 =	vld [tilespmem:$0x108E0];
	_ =	sdelay $0x1  }
0x156: {  	v50 =	vld [tilespmem:s25+$0xFFFFFDE0];
	_ =	sdelay $0x1  }
0x157: {  	v51 =	vld [tilespmem:s31+$0x10960]  }
0x158: {  	v9 =	vmul.f32 v9, v38;
	_ =	sdelay $0x1  }
0x159: {  	v9 =	vadd.f32 v9, v50;
	_ =	sdelay $0x1  }
0x15a: {  	v9 =	vmax.f32 v51, v9  }
0x15b: {  	(v2sf) =	vpush v8, $0x4;
	[tilespmem:s31+$0x10960] =	vst v9  }
0x15c: {  	v9 =	vld [tilespmem:$0x108F0];
	_ =	sdelay $0x1  }
0x15d: {  	v52 =	vld [tilespmem:s25+$0xFFFFFDF0];
	_ =	sdelay $0x1  }
0x15e: {  	v53 =	vld [tilespmem:s31+$0x10970]  }
0x15f: {  	v9 =	vmul.f32 v9, v38;
	_ =	sdelay $0x1  }
0x160: {  	v9 =	vadd.f32 v9, v52;
	_ =	sdelay $0x1  }
0x161: {  	v9 =	vmax.f32 v53, v9  }
0x162: {  	[tilespmem:s31+$0x10970] =	vst v9  }
0x163: {  	v9 =	vld [tilespmem:$0x10880];
	_ =	sdelay $0x1  }
0x164: {  	v54 =	vld [tilespmem:s25+$0xFFFFFE00]  }
0x165: {  	v55 =	vbroadcast v7, $0x4;
	s29 =	spop (v2sf)  }
0x166: {  	v56 =	vld [tilespmem:s29+$0x10900]  }
0x167: {  	v9 =	vmul.f32 v9, v55;
	_ =	sdelay $0x1  }
0x168: {  	v9 =	vadd.f32 v9, v54;
	_ =	sdelay $0x1  }
0x169: {  	v9 =	vmax.f32 v56, v9  }
0x16a: {  	[tilespmem:s29+$0x10900] =	vst v9  }
0x16b: {  	v9 =	vld [tilespmem:$0x10890];
	_ =	sdelay $0x1  }
0x16c: {  	v57 =	vld [tilespmem:s25+$0xFFFFFE10];
	_ =	sdelay $0x1  }
0x16d: {  	v58 =	vld [tilespmem:s29+$0x10910]  }
0x16e: {  	v9 =	vmul.f32 v9, v55;
	_ =	sdelay $0x1  }
0x16f: {  	v9 =	vadd.f32 v9, v57;
	_ =	sdelay $0x1  }
0x170: {  	v9 =	vmax.f32 v58, v9  }
0x171: {  	[tilespmem:s29+$0x10910] =	vst v9  }
0x172: {  	v9 =	vld [tilespmem:$0x108A0];
	_ =	sdelay $0x1  }
0x173: {  	v59 =	vld [tilespmem:s25+$0xFFFFFE20];
	_ =	sdelay $0x1  }
0x174: {  	v60 =	vld [tilespmem:s29+$0x10920]  }
0x175: {  	v9 =	vmul.f32 v9, v55;
	_ =	sdelay $0x1  }
0x176: {  	v9 =	vadd.f32 v9, v59;
	_ =	sdelay $0x1  }
0x177: {  	v9 =	vmax.f32 v60, v9  }
0x178: {  	[tilespmem:s29+$0x10920] =	vst v9  }
0x179: {  	v9 =	vld [tilespmem:$0x108B0];
	_ =	sdelay $0x1  }
0x17a: {  	v61 =	vld [tilespmem:s25+$0xFFFFFE30];
	_ =	sdelay $0x1  }
0x17b: {  	v62 =	vld [tilespmem:s29+$0x10930]  }
0x17c: {  	v9 =	vmul.f32 v9, v55;
	_ =	sdelay $0x1  }
0x17d: {  	v9 =	vadd.f32 v9, v61;
	_ =	sdelay $0x1  }
0x17e: {  	v9 =	vmax.f32 v62, v9  }
0x17f: {  	[tilespmem:s29+$0x10930] =	vst v9  }
0x180: {  	v9 =	vld [tilespmem:$0x108C0];
	_ =	sdelay $0x1  }
0x181: {  	v63 =	vld [tilespmem:s25+$0xFFFFFE40];
	_ =	sdelay $0x1  }
0x182: {  	v16 =	vld [tilespmem:s29+$0x10940]  }
0x183: {  	v9 =	vmul.f32 v9, v55;
	_ =	sdelay $0x1  }
0x184: {  	v9 =	vadd.f32 v9, v63;
	_ =	sdelay $0x1  }
0x185: {  	v9 =	vmax.f32 v16, v9  }
0x186: {  	[tilespmem:s29+$0x10940] =	vst v9  }
0x187: {  	v9 =	vld [tilespmem:$0x108D0];
	_ =	sdelay $0x1  }
0x188: {  	v17 =	vld [tilespmem:s25+$0xFFFFFE50];
	_ =	sdelay $0x1  }
0x189: {  	v18 =	vld [tilespmem:s29+$0x10950]  }
0x18a: {  	v9 =	vmul.f32 v9, v55;
	_ =	sdelay $0x1  }
0x18b: {  	v9 =	vadd.f32 v9, v17;
	_ =	sdelay $0x1  }
0x18c: {  	v9 =	vmax.f32 v18, v9  }
0x18d: {  	[tilespmem:s29+$0x10950] =	vst v9  }
0x18e: {  	v9 =	vld [tilespmem:$0x108E0];
	_ =	sdelay $0x1  }
0x18f: {  	v19 =	vld [tilespmem:s25+$0xFFFFFE60];
	_ =	sdelay $0x1  }
0x190: {  	v20 =	vld [tilespmem:s29+$0x10960]  }
0x191: {  	v9 =	vmul.f32 v9, v55;
	_ =	sdelay $0x1  }
0x192: {  	v9 =	vadd.f32 v9, v19;
	_ =	sdelay $0x1  }
0x193: {  	v9 =	vmax.f32 v20, v9  }
0x194: {  	(v2sf) =	vpush v8, $0x5;
	[tilespmem:s29+$0x10960] =	vst v9  }
0x195: {  	v9 =	vld [tilespmem:$0x108F0];
	_ =	sdelay $0x1  }
0x196: {  	v21 =	vld [tilespmem:s25+$0xFFFFFE70];
	_ =	sdelay $0x1  }
0x197: {  	v22 =	vld [tilespmem:s29+$0x10970]  }
0x198: {  	v9 =	vmul.f32 v9, v55;
	_ =	sdelay $0x1  }
0x199: {  	v9 =	vadd.f32 v9, v21;
	_ =	sdelay $0x1  }
0x19a: {  	v9 =	vmax.f32 v22, v9  }
0x19b: {  	[tilespmem:s29+$0x10970] =	vst v9  }
0x19c: {  	v9 =	vld [tilespmem:$0x10880];
	_ =	sdelay $0x1  }
0x19d: {  	v23 =	vld [tilespmem:s25+$0xFFFFFE80]  }
0x19e: {  	v24 =	vbroadcast v7, $0x5;
	s30 =	spop (v2sf)  }
0x19f: {  	v25 =	vld [tilespmem:s30+$0x10900]  }
0x1a0: {  	v9 =	vmul.f32 v9, v24;
	_ =	sdelay $0x1  }
0x1a1: {  	v9 =	vadd.f32 v9, v23;
	_ =	sdelay $0x1  }
0x1a2: {  	v9 =	vmax.f32 v25, v9  }
0x1a3: {  	[tilespmem:s30+$0x10900] =	vst v9  }
0x1a4: {  	v9 =	vld [tilespmem:$0x10890];
	_ =	sdelay $0x1  }
0x1a5: {  	v26 =	vld [tilespmem:s25+$0xFFFFFE90];
	_ =	sdelay $0x1  }
0x1a6: {  	v27 =	vld [tilespmem:s30+$0x10910]  }
0x1a7: {  	v9 =	vmul.f32 v9, v24;
	_ =	sdelay $0x1  }
0x1a8: {  	v9 =	vadd.f32 v9, v26;
	_ =	sdelay $0x1  }
0x1a9: {  	v9 =	vmax.f32 v27, v9  }
0x1aa: {  	[tilespmem:s30+$0x10910] =	vst v9  }
0x1ab: {  	v9 =	vld [tilespmem:$0x108A0];
	_ =	sdelay $0x1  }
0x1ac: {  	v28 =	vld [tilespmem:s25+$0xFFFFFEA0];
	_ =	sdelay $0x1  }
0x1ad: {  	v29 =	vld [tilespmem:s30+$0x10920]  }
0x1ae: {  	v9 =	vmul.f32 v9, v24;
	_ =	sdelay $0x1  }
0x1af: {  	v9 =	vadd.f32 v9, v28;
	_ =	sdelay $0x1  }
0x1b0: {  	v9 =	vmax.f32 v29, v9  }
0x1b1: {  	[tilespmem:s30+$0x10920] =	vst v9  }
0x1b2: {  	v9 =	vld [tilespmem:$0x108B0];
	_ =	sdelay $0x1  }
0x1b3: {  	v30 =	vld [tilespmem:s25+$0xFFFFFEB0];
	_ =	sdelay $0x1  }
0x1b4: {  	v31 =	vld [tilespmem:s30+$0x10930]  }
0x1b5: {  	v9 =	vmul.f32 v9, v24;
	_ =	sdelay $0x1  }
0x1b6: {  	v9 =	vadd.f32 v9, v30;
	_ =	sdelay $0x1  }
0x1b7: {  	v9 =	vmax.f32 v31, v9  }
0x1b8: {  	[tilespmem:s30+$0x10930] =	vst v9  }
0x1b9: {  	v9 =	vld [tilespmem:$0x108C0];
	_ =	sdelay $0x1  }
0x1ba: {  	v32 =	vld [tilespmem:s25+$0xFFFFFEC0];
	_ =	sdelay $0x1  }
0x1bb: {  	v33 =	vld [tilespmem:s30+$0x10940]  }
0x1bc: {  	v9 =	vmul.f32 v9, v24;
	_ =	sdelay $0x1  }
0x1bd: {  	v9 =	vadd.f32 v9, v32;
	_ =	sdelay $0x1  }
0x1be: {  	v9 =	vmax.f32 v33, v9  }
0x1bf: {  	[tilespmem:s30+$0x10940] =	vst v9  }
0x1c0: {  	v9 =	vld [tilespmem:$0x108D0];
	_ =	sdelay $0x1  }
0x1c1: {  	v34 =	vld [tilespmem:s25+$0xFFFFFED0];
	_ =	sdelay $0x1  }
0x1c2: {  	v35 =	vld [tilespmem:s30+$0x10950]  }
0x1c3: {  	v9 =	vmul.f32 v9, v24;
	_ =	sdelay $0x1  }
0x1c4: {  	v9 =	vadd.f32 v9, v34;
	_ =	sdelay $0x1  }
0x1c5: {  	v9 =	vmax.f32 v35, v9  }
0x1c6: {  	[tilespmem:s30+$0x10950] =	vst v9  }
0x1c7: {  	v9 =	vld [tilespmem:$0x108E0];
	_ =	sdelay $0x1  }
0x1c8: {  	v36 =	vld [tilespmem:s25+$0xFFFFFEE0];
	_ =	sdelay $0x1  }
0x1c9: {  	v37 =	vld [tilespmem:s30+$0x10960]  }
0x1ca: {  	v9 =	vmul.f32 v9, v24;
	_ =	sdelay $0x1  }
0x1cb: {  	v9 =	vadd.f32 v9, v36;
	_ =	sdelay $0x1  }
0x1cc: {  	v9 =	vmax.f32 v37, v9  }
0x1cd: {  	(v2sf) =	vpush v8, $0x6;
	[tilespmem:s30+$0x10960] =	vst v9  }
0x1ce: {  	v9 =	vld [tilespmem:$0x108F0];
	_ =	sdelay $0x1  }
0x1cf: {  	v38 =	vld [tilespmem:s25+$0xFFFFFEF0];
	_ =	sdelay $0x1  }
0x1d0: {  	v39 =	vld [tilespmem:s30+$0x10970]  }
0x1d1: {  	v9 =	vmul.f32 v9, v24;
	_ =	sdelay $0x1  }
0x1d2: {  	v9 =	vadd.f32 v9, v38;
	_ =	sdelay $0x1  }
0x1d3: {  	v9 =	vmax.f32 v39, v9  }
0x1d4: {  	[tilespmem:s30+$0x10970] =	vst v9  }
0x1d5: {  	v9 =	vld [tilespmem:$0x10880];
	_ =	sdelay $0x1  }
0x1d6: {  	v40 =	vld [tilespmem:s25+$0xFFFFFF00]  }
0x1d7: {  	v41 =	vbroadcast v7, $0x6;
	s31 =	spop (v2sf)  }
0x1d8: {  	v42 =	vld [tilespmem:s31+$0x10900]  }
0x1d9: {  	v9 =	vmul.f32 v9, v41;
	_ =	sdelay $0x1  }
0x1da: {  	v9 =	vadd.f32 v9, v40;
	_ =	sdelay $0x1  }
0x1db: {  	v9 =	vmax.f32 v42, v9  }
0x1dc: {  	[tilespmem:s31+$0x10900] =	vst v9  }
0x1dd: {  	v9 =	vld [tilespmem:$0x10890];
	_ =	sdelay $0x1  }
0x1de: {  	v43 =	vld [tilespmem:s25+$0xFFFFFF10];
	_ =	sdelay $0x1  }
0x1df: {  	v44 =	vld [tilespmem:s31+$0x10910]  }
0x1e0: {  	v9 =	vmul.f32 v9, v41;
	_ =	sdelay $0x1  }
0x1e1: {  	v9 =	vadd.f32 v9, v43;
	_ =	sdelay $0x1  }
0x1e2: {  	v9 =	vmax.f32 v44, v9  }
0x1e3: {  	[tilespmem:s31+$0x10910] =	vst v9  }
0x1e4: {  	v9 =	vld [tilespmem:$0x108A0];
	_ =	sdelay $0x1  }
0x1e5: {  	v45 =	vld [tilespmem:s25+$0xFFFFFF20];
	_ =	sdelay $0x1  }
0x1e6: {  	v46 =	vld [tilespmem:s31+$0x10920]  }
0x1e7: {  	v9 =	vmul.f32 v9, v41;
	_ =	sdelay $0x1  }
0x1e8: {  	v9 =	vadd.f32 v9, v45;
	_ =	sdelay $0x1  }
0x1e9: {  	v9 =	vmax.f32 v46, v9  }
0x1ea: {  	[tilespmem:s31+$0x10920] =	vst v9  }
0x1eb: {  	v9 =	vld [tilespmem:$0x108B0];
	_ =	sdelay $0x1  }
0x1ec: {  	v47 =	vld [tilespmem:s25+$0xFFFFFF30];
	_ =	sdelay $0x1  }
0x1ed: {  	v48 =	vld [tilespmem:s31+$0x10930]  }
0x1ee: {  	v9 =	vmul.f32 v9, v41;
	_ =	sdelay $0x1  }
0x1ef: {  	v9 =	vadd.f32 v9, v47;
	_ =	sdelay $0x1  }
0x1f0: {  	v9 =	vmax.f32 v48, v9  }
0x1f1: {  	[tilespmem:s31+$0x10930] =	vst v9  }
0x1f2: {  	v9 =	vld [tilespmem:$0x108C0];
	_ =	sdelay $0x1  }
0x1f3: {  	v49 =	vld [tilespmem:s25+$0xFFFFFF40];
	_ =	sdelay $0x1  }
0x1f4: {  	v50 =	vld [tilespmem:s31+$0x10940]  }
0x1f5: {  	v9 =	vmul.f32 v9, v41;
	_ =	sdelay $0x1  }
0x1f6: {  	v9 =	vadd.f32 v9, v49;
	_ =	sdelay $0x1  }
0x1f7: {  	v9 =	vmax.f32 v50, v9  }
0x1f8: {  	[tilespmem:s31+$0x10940] =	vst v9  }
0x1f9: {  	v9 =	vld [tilespmem:$0x108D0];
	_ =	sdelay $0x1  }
0x1fa: {  	v51 =	vld [tilespmem:s25+$0xFFFFFF50];
	_ =	sdelay $0x1  }
0x1fb: {  	v52 =	vld [tilespmem:s31+$0x10950]  }
0x1fc: {  	v9 =	vmul.f32 v9, v41;
	_ =	sdelay $0x1  }
0x1fd: {  	v9 =	vadd.f32 v9, v51;
	_ =	sdelay $0x1  }
0x1fe: {  	v9 =	vmax.f32 v52, v9  }
0x1ff: {  	[tilespmem:s31+$0x10950] =	vst v9  }
0x200: {  	v9 =	vld [tilespmem:$0x108E0];
	_ =	sdelay $0x1  }
0x201: {  	v53 =	vld [tilespmem:s25+$0xFFFFFF60];
	_ =	sdelay $0x1  }
0x202: {  	v54 =	vld [tilespmem:s31+$0x10960]  }
0x203: {  	v9 =	vmul.f32 v9, v41;
	_ =	sdelay $0x1  }
0x204: {  	v9 =	vadd.f32 v9, v53;
	_ =	sdelay $0x1  }
0x205: {  	v9 =	vmax.f32 v54, v9  }
0x206: {  	(v2sf) =	vpush v8, $0x7;
	[tilespmem:s31+$0x10960] =	vst v9  }
0x207: {  	v9 =	vld [tilespmem:$0x108F0];
	_ =	sdelay $0x1  }
0x208: {  	v55 =	vld [tilespmem:s25+$0xFFFFFF70];
	_ =	sdelay $0x1  }
0x209: {  	v56 =	vld [tilespmem:s31+$0x10970]  }
0x20a: {  	v9 =	vmul.f32 v9, v41;
	_ =	sdelay $0x1  }
0x20b: {  	v9 =	vadd.f32 v9, v55;
	_ =	sdelay $0x1  }
0x20c: {  	v9 =	vmax.f32 v56, v9  }
0x20d: {  	[tilespmem:s31+$0x10970] =	vst v9  }
0x20e: {  	v9 =	vld [tilespmem:$0x10880];
	_ =	sdelay $0x1  }
0x20f: {  	v57 =	vld [tilespmem:s25+$0xFFFFFF80]  }
0x210: {  	v58 =	vbroadcast v7, $0x7;
	s29 =	spop (v2sf)  }
0x211: {  	v59 =	vld [tilespmem:s29+$0x10900]  }
0x212: {  	v9 =	vmul.f32 v9, v58;
	_ =	sdelay $0x1  }
0x213: {  	v9 =	vadd.f32 v9, v57;
	_ =	sdelay $0x1  }
0x214: {  	v9 =	vmax.f32 v59, v9  }
0x215: {  	[tilespmem:s29+$0x10900] =	vst v9  }
0x216: {  	v9 =	vld [tilespmem:$0x10890];
	_ =	sdelay $0x1  }
0x217: {  	v60 =	vld [tilespmem:s25+$0xFFFFFF90];
	_ =	sdelay $0x1  }
0x218: {  	v61 =	vld [tilespmem:s29+$0x10910]  }
0x219: {  	v9 =	vmul.f32 v9, v58;
	_ =	sdelay $0x1  }
0x21a: {  	v9 =	vadd.f32 v9, v60;
	_ =	sdelay $0x1  }
0x21b: {  	v9 =	vmax.f32 v61, v9  }
0x21c: {  	[tilespmem:s29+$0x10910] =	vst v9  }
0x21d: {  	v9 =	vld [tilespmem:$0x108A0];
	_ =	sdelay $0x1  }
0x21e: {  	v62 =	vld [tilespmem:s25+$0xFFFFFFA0];
	_ =	sdelay $0x1  }
0x21f: {  	v63 =	vld [tilespmem:s29+$0x10920]  }
0x220: {  	v9 =	vmul.f32 v9, v58;
	_ =	sdelay $0x1  }
0x221: {  	v9 =	vadd.f32 v9, v62;
	_ =	sdelay $0x1  }
0x222: {  	v9 =	vmax.f32 v63, v9  }
0x223: {  	[tilespmem:s29+$0x10920] =	vst v9  }
0x224: {  	v9 =	vld [tilespmem:$0x108B0];
	_ =	sdelay $0x1  }
0x225: {  	v16 =	vld [tilespmem:s25+$0xFFFFFFB0];
	_ =	sdelay $0x1  }
0x226: {  	v17 =	vld [tilespmem:s29+$0x10930]  }
0x227: {  	v9 =	vmul.f32 v9, v58;
	_ =	sdelay $0x1  }
0x228: {  	v9 =	vadd.f32 v9, v16;
	_ =	sdelay $0x1  }
0x229: {  	v9 =	vmax.f32 v17, v9  }
0x22a: {  	[tilespmem:s29+$0x10930] =	vst v9  }
0x22b: {  	v9 =	vld [tilespmem:$0x108C0];
	_ =	sdelay $0x1  }
0x22c: {  	v18 =	vld [tilespmem:s25+$0xFFFFFFC0];
	_ =	sdelay $0x1  }
0x22d: {  	v19 =	vld [tilespmem:s29+$0x10940]  }
0x22e: {  	v9 =	vmul.f32 v9, v58;
	_ =	sdelay $0x1  }
0x22f: {  	v9 =	vadd.f32 v9, v18;
	_ =	sdelay $0x1  }
0x230: {  	v9 =	vmax.f32 v19, v9  }
0x231: {  	[tilespmem:s29+$0x10940] =	vst v9  }
0x232: {  	v9 =	vld [tilespmem:$0x108D0];
	_ =	sdelay $0x1  }
0x233: {  	v20 =	vld [tilespmem:s25+$0xFFFFFFD0];
	_ =	sdelay $0x1  }
0x234: {  	v21 =	vld [tilespmem:s29+$0x10950]  }
0x235: {  	v9 =	vmul.f32 v9, v58;
	_ =	sdelay $0x1  }
0x236: {  	v9 =	vadd.f32 v9, v20;
	_ =	sdelay $0x1  }
0x237: {  	v9 =	vmax.f32 v21, v9  }
0x238: {  	[tilespmem:s29+$0x10950] =	vst v9  }
0x239: {  	v9 =	vld [tilespmem:$0x108E0];
	_ =	sdelay $0x1  }
0x23a: {  	v22 =	vld [tilespmem:s25+$0xFFFFFFE0];
	_ =	sdelay $0x1  }
0x23b: {  	v23 =	vld [tilespmem:s29+$0x10960]  }
0x23c: {  	v9 =	vmul.f32 v9, v58;
	_ =	sdelay $0x1  }
0x23d: {  	v9 =	vadd.f32 v9, v22;
	_ =	sdelay $0x1  }
0x23e: {  	v9 =	vmax.f32 v23, v9  }
0x23f: {  	(v2sf) =	vpush v8, $0x8;
	[tilespmem:s29+$0x10960] =	vst v9  }
0x240: {  	v9 =	vld [tilespmem:$0x108F0];
	_ =	sdelay $0x1  }
0x241: {  	v24 =	vld [tilespmem:s25+$0xFFFFFFF0];
	_ =	sdelay $0x1  }
0x242: {  	v25 =	vld [tilespmem:s29+$0x10970]  }
0x243: {  	v9 =	vmul.f32 v9, v58;
	_ =	sdelay $0x1  }
0x244: {  	v9 =	vadd.f32 v9, v24;
	_ =	sdelay $0x1  }
0x245: {  	v9 =	vmax.f32 v25, v9  }
0x246: {  	[tilespmem:s29+$0x10970] =	vst v9  }
0x247: {  	v9 =	vld [tilespmem:$0x10880];
	_ =	sdelay $0x1  }
0x248: {  	v26 =	vld [tilespmem:s25+$0x0]  }
0x249: {  	v27 =	vbroadcast v7, $0x8;
	s30 =	spop (v2sf)  }
0x24a: {  	v28 =	vld [tilespmem:s30+$0x10900]  }
0x24b: {  	v9 =	vmul.f32 v9, v27;
	_ =	sdelay $0x1  }
0x24c: {  	v9 =	vadd.f32 v9, v26;
	_ =	sdelay $0x1  }
0x24d: {  	v9 =	vmax.f32 v28, v9  }
0x24e: {  	[tilespmem:s30+$0x10900] =	vst v9  }
0x24f: {  	v9 =	vld [tilespmem:$0x10890];
	_ =	sdelay $0x1  }
0x250: {  	v29 =	vld [tilespmem:s25+$0x10];
	_ =	sdelay $0x1  }
0x251: {  	v30 =	vld [tilespmem:s30+$0x10910]  }
0x252: {  	v9 =	vmul.f32 v9, v27;
	_ =	sdelay $0x1  }
0x253: {  	v9 =	vadd.f32 v9, v29;
	_ =	sdelay $0x1  }
0x254: {  	v9 =	vmax.f32 v30, v9  }
0x255: {  	[tilespmem:s30+$0x10910] =	vst v9  }
0x256: {  	v9 =	vld [tilespmem:$0x108A0];
	_ =	sdelay $0x1  }
0x257: {  	v31 =	vld [tilespmem:s25+$0x20];
	_ =	sdelay $0x1  }
0x258: {  	v32 =	vld [tilespmem:s30+$0x10920]  }
0x259: {  	v9 =	vmul.f32 v9, v27;
	_ =	sdelay $0x1  }
0x25a: {  	v9 =	vadd.f32 v9, v31;
	_ =	sdelay $0x1  }
0x25b: {  	v9 =	vmax.f32 v32, v9  }
0x25c: {  	[tilespmem:s30+$0x10920] =	vst v9  }
0x25d: {  	v9 =	vld [tilespmem:$0x108B0];
	_ =	sdelay $0x1  }
0x25e: {  	v33 =	vld [tilespmem:s25+$0x30];
	_ =	sdelay $0x1  }
0x25f: {  	v34 =	vld [tilespmem:s30+$0x10930]  }
0x260: {  	v9 =	vmul.f32 v9, v27;
	_ =	sdelay $0x1  }
0x261: {  	v9 =	vadd.f32 v9, v33;
	_ =	sdelay $0x1  }
0x262: {  	v9 =	vmax.f32 v34, v9  }
0x263: {  	[tilespmem:s30+$0x10930] =	vst v9  }
0x264: {  	v9 =	vld [tilespmem:$0x108C0];
	_ =	sdelay $0x1  }
0x265: {  	v35 =	vld [tilespmem:s25+$0x40];
	_ =	sdelay $0x1  }
0x266: {  	v36 =	vld [tilespmem:s30+$0x10940]  }
0x267: {  	v9 =	vmul.f32 v9, v27;
	_ =	sdelay $0x1  }
0x268: {  	v9 =	vadd.f32 v9, v35;
	_ =	sdelay $0x1  }
0x269: {  	v9 =	vmax.f32 v36, v9  }
0x26a: {  	[tilespmem:s30+$0x10940] =	vst v9  }
0x26b: {  	v9 =	vld [tilespmem:$0x108D0];
	_ =	sdelay $0x1  }
0x26c: {  	v37 =	vld [tilespmem:s25+$0x50];
	_ =	sdelay $0x1  }
0x26d: {  	v38 =	vld [tilespmem:s30+$0x10950]  }
0x26e: {  	v9 =	vmul.f32 v9, v27;
	_ =	sdelay $0x1  }
0x26f: {  	v9 =	vadd.f32 v9, v37;
	_ =	sdelay $0x1  }
0x270: {  	v9 =	vmax.f32 v38, v9  }
0x271: {  	[tilespmem:s30+$0x10950] =	vst v9  }
0x272: {  	v9 =	vld [tilespmem:$0x108E0];
	_ =	sdelay $0x1  }
0x273: {  	v39 =	vld [tilespmem:s25+$0x60];
	_ =	sdelay $0x1  }
0x274: {  	v40 =	vld [tilespmem:s30+$0x10960]  }
0x275: {  	v9 =	vmul.f32 v9, v27;
	_ =	sdelay $0x1  }
0x276: {  	v9 =	vadd.f32 v9, v39;
	_ =	sdelay $0x1  }
0x277: {  	v9 =	vmax.f32 v40, v9  }
0x278: {  	(v2sf) =	vpush v8, $0x9;
	[tilespmem:s30+$0x10960] =	vst v9  }
0x279: {  	v9 =	vld [tilespmem:$0x108F0];
	_ =	sdelay $0x1  }
0x27a: {  	v41 =	vld [tilespmem:s25+$0x70];
	_ =	sdelay $0x1  }
0x27b: {  	v42 =	vld [tilespmem:s30+$0x10970]  }
0x27c: {  	v9 =	vmul.f32 v9, v27;
	_ =	sdelay $0x1  }
0x27d: {  	v9 =	vadd.f32 v9, v41;
	_ =	sdelay $0x1  }
0x27e: {  	v9 =	vmax.f32 v42, v9  }
0x27f: {  	[tilespmem:s30+$0x10970] =	vst v9  }
0x280: {  	v9 =	vld [tilespmem:$0x10880];
	_ =	sdelay $0x1  }
0x281: {  	v43 =	vld [tilespmem:s25+$0x80]  }
0x282: {  	v44 =	vbroadcast v7, $0x9;
	s31 =	spop (v2sf)  }
0x283: {  	v45 =	vld [tilespmem:s31+$0x10900]  }
0x284: {  	v9 =	vmul.f32 v9, v44;
	_ =	sdelay $0x1  }
0x285: {  	v9 =	vadd.f32 v9, v43;
	_ =	sdelay $0x1  }
0x286: {  	v9 =	vmax.f32 v45, v9  }
0x287: {  	[tilespmem:s31+$0x10900] =	vst v9  }
0x288: {  	v9 =	vld [tilespmem:$0x10890];
	_ =	sdelay $0x1  }
0x289: {  	v46 =	vld [tilespmem:s25+$0x90];
	_ =	sdelay $0x1  }
0x28a: {  	v47 =	vld [tilespmem:s31+$0x10910]  }
0x28b: {  	v9 =	vmul.f32 v9, v44;
	_ =	sdelay $0x1  }
0x28c: {  	v9 =	vadd.f32 v9, v46;
	_ =	sdelay $0x1  }
0x28d: {  	v9 =	vmax.f32 v47, v9  }
0x28e: {  	[tilespmem:s31+$0x10910] =	vst v9  }
0x28f: {  	v9 =	vld [tilespmem:$0x108A0];
	_ =	sdelay $0x1  }
0x290: {  	v48 =	vld [tilespmem:s25+$0xA0];
	_ =	sdelay $0x1  }
0x291: {  	v49 =	vld [tilespmem:s31+$0x10920]  }
0x292: {  	v9 =	vmul.f32 v9, v44;
	_ =	sdelay $0x1  }
0x293: {  	v9 =	vadd.f32 v9, v48;
	_ =	sdelay $0x1  }
0x294: {  	v9 =	vmax.f32 v49, v9  }
0x295: {  	[tilespmem:s31+$0x10920] =	vst v9  }
0x296: {  	v9 =	vld [tilespmem:$0x108B0];
	_ =	sdelay $0x1  }
0x297: {  	v50 =	vld [tilespmem:s25+$0xB0];
	_ =	sdelay $0x1  }
0x298: {  	v51 =	vld [tilespmem:s31+$0x10930]  }
0x299: {  	v9 =	vmul.f32 v9, v44;
	_ =	sdelay $0x1  }
0x29a: {  	v9 =	vadd.f32 v9, v50;
	_ =	sdelay $0x1  }
0x29b: {  	v9 =	vmax.f32 v51, v9  }
0x29c: {  	[tilespmem:s31+$0x10930] =	vst v9  }
0x29d: {  	v9 =	vld [tilespmem:$0x108C0];
	_ =	sdelay $0x1  }
0x29e: {  	v52 =	vld [tilespmem:s25+$0xC0];
	_ =	sdelay $0x1  }
0x29f: {  	v53 =	vld [tilespmem:s31+$0x10940]  }
0x2a0: {  	v9 =	vmul.f32 v9, v44;
	_ =	sdelay $0x1  }
0x2a1: {  	v9 =	vadd.f32 v9, v52;
	_ =	sdelay $0x1  }
0x2a2: {  	v9 =	vmax.f32 v53, v9  }
0x2a3: {  	[tilespmem:s31+$0x10940] =	vst v9  }
0x2a4: {  	v9 =	vld [tilespmem:$0x108D0];
	_ =	sdelay $0x1  }
0x2a5: {  	v54 =	vld [tilespmem:s25+$0xD0];
	_ =	sdelay $0x1  }
0x2a6: {  	v55 =	vld [tilespmem:s31+$0x10950]  }
0x2a7: {  	v9 =	vmul.f32 v9, v44;
	_ =	sdelay $0x1  }
0x2a8: {  	v9 =	vadd.f32 v9, v54;
	_ =	sdelay $0x1  }
0x2a9: {  	v9 =	vmax.f32 v55, v9  }
0x2aa: {  	[tilespmem:s31+$0x10950] =	vst v9  }
0x2ab: {  	v9 =	vld [tilespmem:$0x108E0];
	_ =	sdelay $0x1  }
0x2ac: {  	v56 =	vld [tilespmem:s25+$0xE0];
	_ =	sdelay $0x1  }
0x2ad: {  	v57 =	vld [tilespmem:s31+$0x10960]  }
0x2ae: {  	v9 =	vmul.f32 v9, v44;
	_ =	sdelay $0x1  }
0x2af: {  	v9 =	vadd.f32 v9, v56;
	_ =	sdelay $0x1  }
0x2b0: {  	v9 =	vmax.f32 v57, v9  }
0x2b1: {  	(v2sf) =	vpush v8, $0xA;
	[tilespmem:s31+$0x10960] =	vst v9  }
0x2b2: {  	v9 =	vld [tilespmem:$0x108F0];
	_ =	sdelay $0x1  }
0x2b3: {  	v58 =	vld [tilespmem:s25+$0xF0];
	_ =	sdelay $0x1  }
0x2b4: {  	v59 =	vld [tilespmem:s31+$0x10970]  }
0x2b5: {  	v9 =	vmul.f32 v9, v44;
	_ =	sdelay $0x1  }
0x2b6: {  	v9 =	vadd.f32 v9, v58;
	_ =	sdelay $0x1  }
0x2b7: {  	v9 =	vmax.f32 v59, v9  }
0x2b8: {  	[tilespmem:s31+$0x10970] =	vst v9  }
0x2b9: {  	v9 =	vld [tilespmem:$0x10880];
	_ =	sdelay $0x1  }
0x2ba: {  	v60 =	vld [tilespmem:s25+$0x100]  }
0x2bb: {  	v61 =	vbroadcast v7, $0xA;
	s29 =	spop (v2sf)  }
0x2bc: {  	v62 =	vld [tilespmem:s29+$0x10900]  }
0x2bd: {  	v9 =	vmul.f32 v9, v61;
	_ =	sdelay $0x1  }
0x2be: {  	v9 =	vadd.f32 v9, v60;
	_ =	sdelay $0x1  }
0x2bf: {  	v9 =	vmax.f32 v62, v9  }
0x2c0: {  	[tilespmem:s29+$0x10900] =	vst v9  }
0x2c1: {  	v9 =	vld [tilespmem:$0x10890];
	_ =	sdelay $0x1  }
0x2c2: {  	v63 =	vld [tilespmem:s25+$0x110];
	_ =	sdelay $0x1  }
0x2c3: {  	v16 =	vld [tilespmem:s29+$0x10910]  }
0x2c4: {  	v9 =	vmul.f32 v9, v61;
	_ =	sdelay $0x1  }
0x2c5: {  	v9 =	vadd.f32 v9, v63;
	_ =	sdelay $0x1  }
0x2c6: {  	v9 =	vmax.f32 v16, v9  }
0x2c7: {  	[tilespmem:s29+$0x10910] =	vst v9  }
0x2c8: {  	v9 =	vld [tilespmem:$0x108A0];
	_ =	sdelay $0x1  }
0x2c9: {  	v17 =	vld [tilespmem:s25+$0x120];
	_ =	sdelay $0x1  }
0x2ca: {  	v18 =	vld [tilespmem:s29+$0x10920]  }
0x2cb: {  	v9 =	vmul.f32 v9, v61;
	_ =	sdelay $0x1  }
0x2cc: {  	v9 =	vadd.f32 v9, v17;
	_ =	sdelay $0x1  }
0x2cd: {  	v9 =	vmax.f32 v18, v9  }
0x2ce: {  	[tilespmem:s29+$0x10920] =	vst v9  }
0x2cf: {  	v9 =	vld [tilespmem:$0x108B0];
	_ =	sdelay $0x1  }
0x2d0: {  	v19 =	vld [tilespmem:s25+$0x130];
	_ =	sdelay $0x1  }
0x2d1: {  	v20 =	vld [tilespmem:s29+$0x10930]  }
0x2d2: {  	v9 =	vmul.f32 v9, v61;
	_ =	sdelay $0x1  }
0x2d3: {  	v9 =	vadd.f32 v9, v19;
	_ =	sdelay $0x1  }
0x2d4: {  	v9 =	vmax.f32 v20, v9  }
0x2d5: {  	[tilespmem:s29+$0x10930] =	vst v9  }
0x2d6: {  	v9 =	vld [tilespmem:$0x108C0];
	_ =	sdelay $0x1  }
0x2d7: {  	v21 =	vld [tilespmem:s25+$0x140];
	_ =	sdelay $0x1  }
0x2d8: {  	v22 =	vld [tilespmem:s29+$0x10940]  }
0x2d9: {  	v9 =	vmul.f32 v9, v61;
	_ =	sdelay $0x1  }
0x2da: {  	v9 =	vadd.f32 v9, v21;
	_ =	sdelay $0x1  }
0x2db: {  	v9 =	vmax.f32 v22, v9  }
0x2dc: {  	[tilespmem:s29+$0x10940] =	vst v9  }
0x2dd: {  	v9 =	vld [tilespmem:$0x108D0];
	_ =	sdelay $0x1  }
0x2de: {  	v23 =	vld [tilespmem:s25+$0x150];
	_ =	sdelay $0x1  }
0x2df: {  	v24 =	vld [tilespmem:s29+$0x10950]  }
0x2e0: {  	v9 =	vmul.f32 v9, v61;
	_ =	sdelay $0x1  }
0x2e1: {  	v9 =	vadd.f32 v9, v23;
	_ =	sdelay $0x1  }
0x2e2: {  	v9 =	vmax.f32 v24, v9  }
0x2e3: {  	[tilespmem:s29+$0x10950] =	vst v9  }
0x2e4: {  	v9 =	vld [tilespmem:$0x108E0];
	_ =	sdelay $0x1  }
0x2e5: {  	v25 =	vld [tilespmem:s25+$0x160];
	_ =	sdelay $0x1  }
0x2e6: {  	v26 =	vld [tilespmem:s29+$0x10960]  }
0x2e7: {  	v9 =	vmul.f32 v9, v61;
	_ =	sdelay $0x1  }
0x2e8: {  	v9 =	vadd.f32 v9, v25;
	_ =	sdelay $0x1  }
0x2e9: {  	v9 =	vmax.f32 v26, v9  }
0x2ea: {  	(v2sf) =	vpush v8, $0xB;
	[tilespmem:s29+$0x10960] =	vst v9  }
0x2eb: {  	v9 =	vld [tilespmem:$0x108F0];
	_ =	sdelay $0x1  }
0x2ec: {  	v27 =	vld [tilespmem:s25+$0x170];
	_ =	sdelay $0x1  }
0x2ed: {  	v28 =	vld [tilespmem:s29+$0x10970]  }
0x2ee: {  	v9 =	vmul.f32 v9, v61;
	_ =	sdelay $0x1  }
0x2ef: {  	v9 =	vadd.f32 v9, v27;
	_ =	sdelay $0x1  }
0x2f0: {  	v9 =	vmax.f32 v28, v9  }
0x2f1: {  	[tilespmem:s29+$0x10970] =	vst v9  }
0x2f2: {  	v9 =	vld [tilespmem:$0x10880];
	_ =	sdelay $0x1  }
0x2f3: {  	v29 =	vld [tilespmem:s25+$0x180]  }
0x2f4: {  	v30 =	vbroadcast v7, $0xB;
	s30 =	spop (v2sf)  }
0x2f5: {  	v31 =	vld [tilespmem:s30+$0x10900]  }
0x2f6: {  	v9 =	vmul.f32 v9, v30;
	_ =	sdelay $0x1  }
0x2f7: {  	v9 =	vadd.f32 v9, v29;
	_ =	sdelay $0x1  }
0x2f8: {  	v9 =	vmax.f32 v31, v9  }
0x2f9: {  	[tilespmem:s30+$0x10900] =	vst v9  }
0x2fa: {  	v9 =	vld [tilespmem:$0x10890];
	_ =	sdelay $0x1  }
0x2fb: {  	v32 =	vld [tilespmem:s25+$0x190];
	_ =	sdelay $0x1  }
0x2fc: {  	v33 =	vld [tilespmem:s30+$0x10910]  }
0x2fd: {  	v9 =	vmul.f32 v9, v30;
	_ =	sdelay $0x1  }
0x2fe: {  	v9 =	vadd.f32 v9, v32;
	_ =	sdelay $0x1  }
0x2ff: {  	v9 =	vmax.f32 v33, v9  }
0x300: {  	[tilespmem:s30+$0x10910] =	vst v9  }
0x301: {  	v9 =	vld [tilespmem:$0x108A0];
	_ =	sdelay $0x1  }
0x302: {  	v34 =	vld [tilespmem:s25+$0x1A0];
	_ =	sdelay $0x1  }
0x303: {  	v35 =	vld [tilespmem:s30+$0x10920]  }
0x304: {  	v9 =	vmul.f32 v9, v30;
	_ =	sdelay $0x1  }
0x305: {  	v9 =	vadd.f32 v9, v34;
	_ =	sdelay $0x1  }
0x306: {  	v9 =	vmax.f32 v35, v9  }
0x307: {  	[tilespmem:s30+$0x10920] =	vst v9  }
0x308: {  	v9 =	vld [tilespmem:$0x108B0];
	_ =	sdelay $0x1  }
0x309: {  	v36 =	vld [tilespmem:s25+$0x1B0];
	_ =	sdelay $0x1  }
0x30a: {  	v37 =	vld [tilespmem:s30+$0x10930]  }
0x30b: {  	v9 =	vmul.f32 v9, v30;
	_ =	sdelay $0x1  }
0x30c: {  	v9 =	vadd.f32 v9, v36;
	_ =	sdelay $0x1  }
0x30d: {  	v9 =	vmax.f32 v37, v9  }
0x30e: {  	[tilespmem:s30+$0x10930] =	vst v9  }
0x30f: {  	v9 =	vld [tilespmem:$0x108C0];
	_ =	sdelay $0x1  }
0x310: {  	v38 =	vld [tilespmem:s25+$0x1C0];
	_ =	sdelay $0x1  }
0x311: {  	v39 =	vld [tilespmem:s30+$0x10940]  }
0x312: {  	v9 =	vmul.f32 v9, v30;
	_ =	sdelay $0x1  }
0x313: {  	v9 =	vadd.f32 v9, v38;
	_ =	sdelay $0x1  }
0x314: {  	v9 =	vmax.f32 v39, v9  }
0x315: {  	[tilespmem:s30+$0x10940] =	vst v9  }
0x316: {  	v9 =	vld [tilespmem:$0x108D0];
	_ =	sdelay $0x1  }
0x317: {  	v40 =	vld [tilespmem:s25+$0x1D0];
	_ =	sdelay $0x1  }
0x318: {  	v41 =	vld [tilespmem:s30+$0x10950]  }
0x319: {  	v9 =	vmul.f32 v9, v30;
	_ =	sdelay $0x1  }
0x31a: {  	v9 =	vadd.f32 v9, v40;
	_ =	sdelay $0x1  }
0x31b: {  	v9 =	vmax.f32 v41, v9  }
0x31c: {  	[tilespmem:s30+$0x10950] =	vst v9  }
0x31d: {  	v9 =	vld [tilespmem:$0x108E0];
	_ =	sdelay $0x1  }
0x31e: {  	v42 =	vld [tilespmem:s25+$0x1E0];
	_ =	sdelay $0x1  }
0x31f: {  	v43 =	vld [tilespmem:s30+$0x10960]  }
0x320: {  	v9 =	vmul.f32 v9, v30;
	_ =	sdelay $0x1  }
0x321: {  	v9 =	vadd.f32 v9, v42;
	_ =	sdelay $0x1  }
0x322: {  	v9 =	vmax.f32 v43, v9  }
0x323: {  	(v2sf) =	vpush v8, $0xC;
	[tilespmem:s30+$0x10960] =	vst v9  }
0x324: {  	v9 =	vld [tilespmem:$0x108F0];
	_ =	sdelay $0x1  }
0x325: {  	v44 =	vld [tilespmem:s25+$0x1F0];
	_ =	sdelay $0x1  }
0x326: {  	v45 =	vld [tilespmem:s30+$0x10970]  }
0x327: {  	v9 =	vmul.f32 v9, v30;
	_ =	sdelay $0x1  }
0x328: {  	v9 =	vadd.f32 v9, v44;
	_ =	sdelay $0x1  }
0x329: {  	v9 =	vmax.f32 v45, v9  }
0x32a: {  	[tilespmem:s30+$0x10970] =	vst v9  }
0x32b: {  	v9 =	vld [tilespmem:$0x10880];
	_ =	sdelay $0x1  }
0x32c: {  	v46 =	vld [tilespmem:s25+$0x200]  }
0x32d: {  	v47 =	vbroadcast v7, $0xC;
	s31 =	spop (v2sf)  }
0x32e: {  	v48 =	vld [tilespmem:s31+$0x10900]  }
0x32f: {  	v9 =	vmul.f32 v9, v47;
	_ =	sdelay $0x1  }
0x330: {  	v9 =	vadd.f32 v9, v46;
	_ =	sdelay $0x1  }
0x331: {  	v9 =	vmax.f32 v48, v9  }
0x332: {  	[tilespmem:s31+$0x10900] =	vst v9  }
0x333: {  	v9 =	vld [tilespmem:$0x10890];
	_ =	sdelay $0x1  }
0x334: {  	v49 =	vld [tilespmem:s25+$0x210];
	_ =	sdelay $0x1  }
0x335: {  	v50 =	vld [tilespmem:s31+$0x10910]  }
0x336: {  	v9 =	vmul.f32 v9, v47;
	_ =	sdelay $0x1  }
0x337: {  	v9 =	vadd.f32 v9, v49;
	_ =	sdelay $0x1  }
0x338: {  	v9 =	vmax.f32 v50, v9  }
0x339: {  	[tilespmem:s31+$0x10910] =	vst v9  }
0x33a: {  	v9 =	vld [tilespmem:$0x108A0];
	_ =	sdelay $0x1  }
0x33b: {  	v51 =	vld [tilespmem:s25+$0x220];
	_ =	sdelay $0x1  }
0x33c: {  	v52 =	vld [tilespmem:s31+$0x10920]  }
0x33d: {  	v9 =	vmul.f32 v9, v47;
	_ =	sdelay $0x1  }
0x33e: {  	v9 =	vadd.f32 v9, v51;
	_ =	sdelay $0x1  }
0x33f: {  	v9 =	vmax.f32 v52, v9  }
0x340: {  	[tilespmem:s31+$0x10920] =	vst v9  }
0x341: {  	v9 =	vld [tilespmem:$0x108B0];
	_ =	sdelay $0x1  }
0x342: {  	v53 =	vld [tilespmem:s25+$0x230];
	_ =	sdelay $0x1  }
0x343: {  	v54 =	vld [tilespmem:s31+$0x10930]  }
0x344: {  	v9 =	vmul.f32 v9, v47;
	_ =	sdelay $0x1  }
0x345: {  	v9 =	vadd.f32 v9, v53;
	_ =	sdelay $0x1  }
0x346: {  	v9 =	vmax.f32 v54, v9  }
0x347: {  	[tilespmem:s31+$0x10930] =	vst v9  }
0x348: {  	v9 =	vld [tilespmem:$0x108C0];
	_ =	sdelay $0x1  }
0x349: {  	v55 =	vld [tilespmem:s25+$0x240];
	_ =	sdelay $0x1  }
0x34a: {  	v56 =	vld [tilespmem:s31+$0x10940]  }
0x34b: {  	v9 =	vmul.f32 v9, v47;
	_ =	sdelay $0x1  }
0x34c: {  	v9 =	vadd.f32 v9, v55;
	_ =	sdelay $0x1  }
0x34d: {  	v9 =	vmax.f32 v56, v9  }
0x34e: {  	[tilespmem:s31+$0x10940] =	vst v9  }
0x34f: {  	v9 =	vld [tilespmem:$0x108D0];
	_ =	sdelay $0x1  }
0x350: {  	v57 =	vld [tilespmem:s25+$0x250];
	_ =	sdelay $0x1  }
0x351: {  	v58 =	vld [tilespmem:s31+$0x10950]  }
0x352: {  	v9 =	vmul.f32 v9, v47;
	_ =	sdelay $0x1  }
0x353: {  	v9 =	vadd.f32 v9, v57;
	_ =	sdelay $0x1  }
0x354: {  	v9 =	vmax.f32 v58, v9  }
0x355: {  	[tilespmem:s31+$0x10950] =	vst v9  }
0x356: {  	v9 =	vld [tilespmem:$0x108E0];
	_ =	sdelay $0x1  }
0x357: {  	v59 =	vld [tilespmem:s25+$0x260];
	_ =	sdelay $0x1  }
0x358: {  	v60 =	vld [tilespmem:s31+$0x10960]  }
0x359: {  	v9 =	vmul.f32 v9, v47;
	_ =	sdelay $0x1  }
0x35a: {  	v9 =	vadd.f32 v9, v59;
	_ =	sdelay $0x1  }
0x35b: {  	v9 =	vmax.f32 v60, v9  }
0x35c: {  	(v2sf) =	vpush v8, $0xD;
	[tilespmem:s31+$0x10960] =	vst v9  }
0x35d: {  	v9 =	vld [tilespmem:$0x108F0];
	_ =	sdelay $0x1  }
0x35e: {  	v61 =	vld [tilespmem:s25+$0x270];
	_ =	sdelay $0x1  }
0x35f: {  	v62 =	vld [tilespmem:s31+$0x10970]  }
0x360: {  	v9 =	vmul.f32 v9, v47;
	_ =	sdelay $0x1  }
0x361: {  	v9 =	vadd.f32 v9, v61;
	_ =	sdelay $0x1  }
0x362: {  	v9 =	vmax.f32 v62, v9  }
0x363: {  	[tilespmem:s31+$0x10970] =	vst v9  }
0x364: {  	v9 =	vld [tilespmem:$0x10880];
	_ =	sdelay $0x1  }
0x365: {  	v63 =	vld [tilespmem:s25+$0x280]  }
0x366: {  	v16 =	vbroadcast v7, $0xD;
	s29 =	spop (v2sf)  }
0x367: {  	v17 =	vld [tilespmem:s29+$0x10900]  }
0x368: {  	v9 =	vmul.f32 v9, v16;
	_ =	sdelay $0x1  }
0x369: {  	v9 =	vadd.f32 v9, v63;
	_ =	sdelay $0x1  }
0x36a: {  	v9 =	vmax.f32 v17, v9  }
0x36b: {  	[tilespmem:s29+$0x10900] =	vst v9  }
0x36c: {  	v9 =	vld [tilespmem:$0x10890];
	_ =	sdelay $0x1  }
0x36d: {  	v18 =	vld [tilespmem:s25+$0x290];
	_ =	sdelay $0x1  }
0x36e: {  	v19 =	vld [tilespmem:s29+$0x10910]  }
0x36f: {  	v9 =	vmul.f32 v9, v16;
	_ =	sdelay $0x1  }
0x370: {  	v9 =	vadd.f32 v9, v18;
	_ =	sdelay $0x1  }
0x371: {  	v9 =	vmax.f32 v19, v9  }
0x372: {  	[tilespmem:s29+$0x10910] =	vst v9  }
0x373: {  	v9 =	vld [tilespmem:$0x108A0];
	_ =	sdelay $0x1  }
0x374: {  	v20 =	vld [tilespmem:s25+$0x2A0];
	_ =	sdelay $0x1  }
0x375: {  	v21 =	vld [tilespmem:s29+$0x10920]  }
0x376: {  	v9 =	vmul.f32 v9, v16;
	_ =	sdelay $0x1  }
0x377: {  	v9 =	vadd.f32 v9, v20;
	_ =	sdelay $0x1  }
0x378: {  	v9 =	vmax.f32 v21, v9  }
0x379: {  	[tilespmem:s29+$0x10920] =	vst v9  }
0x37a: {  	v9 =	vld [tilespmem:$0x108B0];
	_ =	sdelay $0x1  }
0x37b: {  	v22 =	vld [tilespmem:s25+$0x2B0];
	_ =	sdelay $0x1  }
0x37c: {  	v23 =	vld [tilespmem:s29+$0x10930]  }
0x37d: {  	v9 =	vmul.f32 v9, v16;
	_ =	sdelay $0x1  }
0x37e: {  	v9 =	vadd.f32 v9, v22;
	_ =	sdelay $0x1  }
0x37f: {  	v9 =	vmax.f32 v23, v9  }
0x380: {  	[tilespmem:s29+$0x10930] =	vst v9  }
0x381: {  	v9 =	vld [tilespmem:$0x108C0];
	_ =	sdelay $0x1  }
0x382: {  	v24 =	vld [tilespmem:s25+$0x2C0];
	_ =	sdelay $0x1  }
0x383: {  	v25 =	vld [tilespmem:s29+$0x10940]  }
0x384: {  	v9 =	vmul.f32 v9, v16;
	_ =	sdelay $0x1  }
0x385: {  	v9 =	vadd.f32 v9, v24;
	_ =	sdelay $0x1  }
0x386: {  	v9 =	vmax.f32 v25, v9  }
0x387: {  	[tilespmem:s29+$0x10940] =	vst v9  }
0x388: {  	v9 =	vld [tilespmem:$0x108D0];
	_ =	sdelay $0x1  }
0x389: {  	v26 =	vld [tilespmem:s25+$0x2D0];
	_ =	sdelay $0x1  }
0x38a: {  	v27 =	vld [tilespmem:s29+$0x10950]  }
0x38b: {  	v9 =	vmul.f32 v9, v16;
	_ =	sdelay $0x1  }
0x38c: {  	v9 =	vadd.f32 v9, v26;
	_ =	sdelay $0x1  }
0x38d: {  	v9 =	vmax.f32 v27, v9  }
0x38e: {  	[tilespmem:s29+$0x10950] =	vst v9  }
0x38f: {  	v9 =	vld [tilespmem:$0x108E0];
	_ =	sdelay $0x1  }
0x390: {  	v28 =	vld [tilespmem:s25+$0x2E0];
	_ =	sdelay $0x1  }
0x391: {  	v29 =	vld [tilespmem:s29+$0x10960]  }
0x392: {  	v9 =	vmul.f32 v9, v16;
	_ =	sdelay $0x1  }
0x393: {  	v9 =	vadd.f32 v9, v28;
	_ =	sdelay $0x1  }
0x394: {  	v9 =	vmax.f32 v29, v9  }
0x395: {  	(v2sf) =	vpush v8, $0xE;
	[tilespmem:s29+$0x10960] =	vst v9  }
0x396: {  	v9 =	vld [tilespmem:$0x108F0];
	_ =	sdelay $0x1  }
0x397: {  	v30 =	vld [tilespmem:s25+$0x2F0];
	_ =	sdelay $0x1  }
0x398: {  	v31 =	vld [tilespmem:s29+$0x10970]  }
0x399: {  	v9 =	vmul.f32 v9, v16;
	_ =	sdelay $0x1  }
0x39a: {  	v9 =	vadd.f32 v9, v30;
	_ =	sdelay $0x1  }
0x39b: {  	v9 =	vmax.f32 v31, v9  }
0x39c: {  	[tilespmem:s29+$0x10970] =	vst v9  }
0x39d: {  	v9 =	vld [tilespmem:$0x10880];
	_ =	sdelay $0x1  }
0x39e: {  	v32 =	vld [tilespmem:s25+$0x300]  }
0x39f: {  	v33 =	vbroadcast v7, $0xE;
	s30 =	spop (v2sf)  }
0x3a0: {  	v34 =	vld [tilespmem:s30+$0x10900]  }
0x3a1: {  	v9 =	vmul.f32 v9, v33;
	_ =	sdelay $0x1  }
0x3a2: {  	v9 =	vadd.f32 v9, v32;
	_ =	sdelay $0x1  }
0x3a3: {  	v9 =	vmax.f32 v34, v9  }
0x3a4: {  	[tilespmem:s30+$0x10900] =	vst v9  }
0x3a5: {  	v9 =	vld [tilespmem:$0x10890];
	_ =	sdelay $0x1  }
0x3a6: {  	v35 =	vld [tilespmem:s25+$0x310];
	_ =	sdelay $0x1  }
0x3a7: {  	v36 =	vld [tilespmem:s30+$0x10910]  }
0x3a8: {  	v9 =	vmul.f32 v9, v33;
	_ =	sdelay $0x1  }
0x3a9: {  	v9 =	vadd.f32 v9, v35;
	_ =	sdelay $0x1  }
0x3aa: {  	v9 =	vmax.f32 v36, v9  }
0x3ab: {  	[tilespmem:s30+$0x10910] =	vst v9  }
0x3ac: {  	v9 =	vld [tilespmem:$0x108A0];
	_ =	sdelay $0x1  }
0x3ad: {  	v37 =	vld [tilespmem:s25+$0x320];
	_ =	sdelay $0x1  }
0x3ae: {  	v38 =	vld [tilespmem:s30+$0x10920]  }
0x3af: {  	v9 =	vmul.f32 v9, v33;
	_ =	sdelay $0x1  }
0x3b0: {  	v9 =	vadd.f32 v9, v37;
	_ =	sdelay $0x1  }
0x3b1: {  	v9 =	vmax.f32 v38, v9  }
0x3b2: {  	[tilespmem:s30+$0x10920] =	vst v9  }
0x3b3: {  	v9 =	vld [tilespmem:$0x108B0];
	_ =	sdelay $0x1  }
0x3b4: {  	v39 =	vld [tilespmem:s25+$0x330];
	_ =	sdelay $0x1  }
0x3b5: {  	v40 =	vld [tilespmem:s30+$0x10930]  }
0x3b6: {  	v9 =	vmul.f32 v9, v33;
	_ =	sdelay $0x1  }
0x3b7: {  	v9 =	vadd.f32 v9, v39;
	_ =	sdelay $0x1  }
0x3b8: {  	v9 =	vmax.f32 v40, v9  }
0x3b9: {  	[tilespmem:s30+$0x10930] =	vst v9  }
0x3ba: {  	v9 =	vld [tilespmem:$0x108C0];
	_ =	sdelay $0x1  }
0x3bb: {  	v41 =	vld [tilespmem:s25+$0x340];
	_ =	sdelay $0x1  }
0x3bc: {  	v42 =	vld [tilespmem:s30+$0x10940]  }
0x3bd: {  	v9 =	vmul.f32 v9, v33;
	_ =	sdelay $0x1  }
0x3be: {  	v9 =	vadd.f32 v9, v41;
	_ =	sdelay $0x1  }
0x3bf: {  	v9 =	vmax.f32 v42, v9  }
0x3c0: {  	[tilespmem:s30+$0x10940] =	vst v9  }
0x3c1: {  	v9 =	vld [tilespmem:$0x108D0];
	_ =	sdelay $0x1  }
0x3c2: {  	v43 =	vld [tilespmem:s25+$0x350];
	_ =	sdelay $0x1  }
0x3c3: {  	v44 =	vld [tilespmem:s30+$0x10950]  }
0x3c4: {  	v9 =	vmul.f32 v9, v33;
	_ =	sdelay $0x1  }
0x3c5: {  	v9 =	vadd.f32 v9, v43;
	_ =	sdelay $0x1  }
0x3c6: {  	v9 =	vmax.f32 v44, v9  }
0x3c7: {  	[tilespmem:s30+$0x10950] =	vst v9  }
0x3c8: {  	v9 =	vld [tilespmem:$0x108E0];
	_ =	sdelay $0x1  }
0x3c9: {  	v45 =	vld [tilespmem:s25+$0x360];
	_ =	sdelay $0x1  }
0x3ca: {  	v46 =	vld [tilespmem:s30+$0x10960]  }
0x3cb: {  	v9 =	vmul.f32 v9, v33;
	_ =	sdelay $0x1  }
0x3cc: {  	v9 =	vadd.f32 v9, v45;
	_ =	sdelay $0x1  }
0x3cd: {  	v9 =	vmax.f32 v46, v9  }
0x3ce: {  	(v2sf) =	vpush v8, $0xF;
	[tilespmem:s30+$0x10960] =	vst v9  }
0x3cf: {  	v8 =	vld [tilespmem:$0x108F0];
	_ =	sdelay $0x1  }
0x3d0: {  	v9 =	vld [tilespmem:s25+$0x370];
	_ =	sdelay $0x1  }
0x3d1: {  	v47 =	vld [tilespmem:s30+$0x10970]  }
0x3d2: {  	v8 =	vmul.f32 v8, v33;
	_ =	sdelay $0x1  }
0x3d3: {  	v8 =	vadd.f32 v8, v9;
	_ =	sdelay $0x1  }
0x3d4: {  	v8 =	vmax.f32 v47, v8  }
0x3d5: {  	[tilespmem:s30+$0x10970] =	vst v8  }
0x3d6: {  	v8 =	vld [tilespmem:$0x10880];
	_ =	sdelay $0x1  }
0x3d7: {  	v48 =	vld [tilespmem:s25+$0x380]  }
0x3d8: {  	v7 =	vbroadcast v7, $0xF;
	s31 =	spop (v2sf)  }
0x3d9: {  	v49 =	vld [tilespmem:s31+$0x10900]  }
0x3da: {  	v8 =	vmul.f32 v8, v7;
	_ =	sdelay $0x1  }
0x3db: {  	v8 =	vadd.f32 v8, v48;
	_ =	sdelay $0x1  }
0x3dc: {  	v8 =	vmax.f32 v49, v8  }
0x3dd: {  	[tilespmem:s31+$0x10900] =	vst v8  }
0x3de: {  	v8 =	vld [tilespmem:$0x10890];
	_ =	sdelay $0x1  }
0x3df: {  	v50 =	vld [tilespmem:s25+$0x390];
	_ =	sdelay $0x1  }
0x3e0: {  	v51 =	vld [tilespmem:s31+$0x10910]  }
0x3e1: {  	v8 =	vmul.f32 v8, v7;
	_ =	sdelay $0x1  }
0x3e2: {  	v8 =	vadd.f32 v8, v50;
	_ =	sdelay $0x1  }
0x3e3: {  	v8 =	vmax.f32 v51, v8  }
0x3e4: {  	[tilespmem:s31+$0x10910] =	vst v8  }
0x3e5: {  	v8 =	vld [tilespmem:$0x108A0];
	_ =	sdelay $0x1  }
0x3e6: {  	v52 =	vld [tilespmem:s25+$0x3A0];
	_ =	sdelay $0x1  }
0x3e7: {  	v53 =	vld [tilespmem:s31+$0x10920]  }
0x3e8: {  	v8 =	vmul.f32 v8, v7;
	_ =	sdelay $0x1  }
0x3e9: {  	v8 =	vadd.f32 v8, v52;
	_ =	sdelay $0x1  }
0x3ea: {  	v8 =	vmax.f32 v53, v8  }
0x3eb: {  	[tilespmem:s31+$0x10920] =	vst v8  }
0x3ec: {  	v8 =	vld [tilespmem:$0x108B0];
	_ =	sdelay $0x1  }
0x3ed: {  	v54 =	vld [tilespmem:s25+$0x3B0];
	_ =	sdelay $0x1  }
0x3ee: {  	v55 =	vld [tilespmem:s31+$0x10930]  }
0x3ef: {  	v8 =	vmul.f32 v8, v7;
	_ =	sdelay $0x1  }
0x3f0: {  	v8 =	vadd.f32 v8, v54;
	_ =	sdelay $0x1  }
0x3f1: {  	v8 =	vmax.f32 v55, v8  }
0x3f2: {  	[tilespmem:s31+$0x10930] =	vst v8  }
0x3f3: {  	v8 =	vld [tilespmem:$0x108C0];
	_ =	sdelay $0x1  }
0x3f4: {  	v56 =	vld [tilespmem:s25+$0x3C0];
	_ =	sdelay $0x1  }
0x3f5: {  	v57 =	vld [tilespmem:s31+$0x10940]  }
0x3f6: {  	v8 =	vmul.f32 v8, v7;
	_ =	sdelay $0x1  }
0x3f7: {  	v8 =	vadd.f32 v8, v56;
	_ =	sdelay $0x1  }
0x3f8: {  	v8 =	vmax.f32 v57, v8  }
0x3f9: {  	[tilespmem:s31+$0x10940] =	vst v8  }
0x3fa: {  	v8 =	vld [tilespmem:$0x108D0];
	_ =	sdelay $0x1  }
0x3fb: {  	v58 =	vld [tilespmem:s25+$0x3D0];
	_ =	sdelay $0x1  }
0x3fc: {  	v59 =	vld [tilespmem:s31+$0x10950]  }
0x3fd: {  	v8 =	vmul.f32 v8, v7;
	_ =	sdelay $0x1  }
0x3fe: {  	v8 =	vadd.f32 v8, v58;
	_ =	sdelay $0x1  }
0x3ff: {  	v8 =	vmax.f32 v59, v8  }
0x400: {  	[tilespmem:s31+$0x10950] =	vst v8  }
0x401: {  	v8 =	vld [tilespmem:$0x108E0];
	_ =	sdelay $0x1  }
0x402: {  	v60 =	vld [tilespmem:s25+$0x3E0];
	_ =	sdelay $0x1  }
0x403: {  	v61 =	vld [tilespmem:s31+$0x10960]  }
0x404: {  	v8 =	vmul.f32 v8, v7;
	_ =	sdelay $0x1  }
0x405: {  	v8 =	vadd.f32 v8, v60;
	_ =	sdelay $0x1  }
0x406: {  	v8 =	vmax.f32 v61, v8  }
0x407: {  	[tilespmem:s31+$0x10960] =	vst v8  }
0x408: {  	v8 =	vld [tilespmem:$0x108F0];
	_ =	sdelay $0x1  }
0x409: {  	v62 =	vld [tilespmem:s25+$0x3F0];
	_ =	sdelay $0x1  }
0x40a: {  	v63 =	vld [tilespmem:s31+$0x10970]  }
0x40b: {  	p0 =	sne.s32 s26, $0x1C0;
	v7 =	vmul.f32 v8, v7  }
.Ltmp7:
0x40c: {  	_ = 	snop;
	(pc) =	sbr.rel @p0 .LBB2_11-.Ltmp7, $3  }
0x40d: {  	v7 =	vadd.f32 v7, v62;
	_ =	sdelay $0x1  }
0x40e: {  	v7 =	vmax.f32 v63, v7  }
0x40f: {  	s26 =	sadd.s32 $0x40, s26;
	s25 =	sadd.s32 $0x800, s25;
	[tilespmem:s31+$0x10970] =	vst v7  }
0x410: {  	s24 =	sadd.s32 $0x1, s24  }
0x411: {  	p0 =	sne.s32 s24, s21  }
.Ltmp8:
0x412: {  	_ = 	snop;
	(pc) =	sbr.rel @p0 .LBB2_10-.Ltmp8, $4  }
.Ltmp9:
0x413: {  	_ = 	snop;
	(pc) =	sbr.rel @!p0 .LBB2_13-.Ltmp9, $4  }
0x414: {  	_ = 	snop  }
0x415: {  	_ = 	snop  }
0x416: {  	s23 =	sadd.s32 $0x80, s23;
	s22 =	sadd.s32 $0x80, s22  }
0x417: {  	_ = 	snop  }
.LBB2_14:
0x418: {  	_ =	sfence.sel $0x180000  }
0x419: {  	[bflag:$0x0] =	sbarrier.arrive $0xFFFF  }
0x41a: {  	p0 =	sne.s32 s3, $0x0;
	_ =	strace $0x90000047  }
0x41b: {  	s0 =	sadd.s32 @!p0 $0x100000, s0;
	[bflag:$0x2] =	sbarrier.arrive $0xFFFF  }
0x41c: {  	[sflag:s0] =	ssyncadd.tile.s32 @!p0 $0x1;
	_ =	shalt  }
.Lfunc_end2:
_tile_overlayer_lowered:
.L_overlay_start_2:
0x41d: {  	(tag) =	ssettag $0x2  }
0x41e: {  	s0 =	rddreg [dreg:$0x0];
	s2 =	stileid.u32  }
0x41f: {  	s1 =	rddreg [dreg:$0x1];
	p0 =	sne.s32 s2, $0x0  }
0x420: {  	s3 =	rddreg [dreg:$0x2];
	[bflag:$0x3] =	sbarrier.arrive $0xFFFF;
	s2 =	simm.s32 @!p0 $0x1C02  }
0x421: {  	[timem:s3], [sflag:s2] =	dma.local @!p0 [hbm:s0], s1  }
0x422: {  	s0 =	simm.s32 @!p0 $0x2  }
0x423: {  	_ =	swait.ge @!p0 [sflag:s0], s1  }
0x424: {  	s1 =	ssub.s32 @!p0 $0x0, s1;
	[sflag:s0] =	ssyncset.done @!p0 $0x0  }
0x425: {  	[sflag:s0] =	ssyncadd.s32 @!p0 s1  }
0x426: {  	[bflag:$0x3] =	sbarrier.arrive $0xFFFF  }
0x427: {  	_ =	shalt  }

</sc_bundles>
